<compile_context>
chip_gen: v7x
topology: tpu7x:2x2x1
jax: 0.10.2.dev20260603
libtpu: 0.0.44.dev20260713+nightly
codegen_flags: <defaults>
</compile_context>

<pallas_src>
import functools

import jax
import jax.numpy as jnp
from jax import lax
from jax.experimental import pallas as pl
from jax.experimental.pallas import tpu as pltpu
from jax.experimental.pallas import tpu_sc as plsc

N_NODES = 10000
N_EDGES = 320000
NH = N_NODES // 2
NDMY = 64
ACC_ROWS = NH + NDMY
D = 128
NC = 2
NS = 16
CHUNK = 32
FAT = 128
SUBS = FAT // CHUNK
IBF = 4
EPB = IBF * FAT
NBLK = 40
E_PER_T = NBLK * EPB
NFCH = IBF * SUBS
NCH = NBLK * NFCH
NPAIRS = NCH // 2
ROWS_PER_TILE = 624
ROWS_TAIL = N_NODES - NS * ROWS_PER_TILE
AROWS_PER_TILE = 312
AROWS_TAIL = ACC_ROWS - NS * AROWS_PER_TILE

_DNUMS = lax.GatherDimensionNumbers(
    offset_dims=(), collapsed_slice_dims=(0,), start_index_map=(0,))


def _sc_segment_sum(x, cbr):
    mesh = plsc.VectorSubcoreMesh(core_axis_name="c", subcore_axis_name="s",
                                  num_cores=NC, num_subcores=NS)

    @functools.partial(
        pl.kernel,
        out_type=jax.ShapeDtypeStruct((NC, ACC_ROWS, D), jnp.float32),
        mesh=mesh,
        scratch_types=[
            pltpu.VMEM((2 * IBF, FAT), jnp.int32),
            pltpu.VMEM((CHUNK,), jnp.int32),
            pltpu.VMEM((CHUNK,), jnp.int32),
            pltpu.VMEM((CHUNK,), jnp.int32),
            pltpu.VMEM((CHUNK,), jnp.int32),
            pltpu.VMEM((CHUNK,), jnp.float32),
            pltpu.VMEM((CHUNK,), jnp.float32),
            pltpu.VMEM((CHUNK, D), jnp.float32),
            pltpu.VMEM((CHUNK, D), jnp.float32),
            pltpu.VMEM_SHARED((N_NODES, D), jnp.float32),
            pltpu.VMEM_SHARED((ACC_ROWS, D), jnp.float32),
            pltpu.SemaphoreType.DMA,
        ],
    )
    def k(x_hbm, cb_hbm, out_hbm,
          cb_v, src0, src1, dst0, dst1, w0, w1, rows0, rows1,
          xsp_sh, acc_sh, sem):
        cid = lax.axis_index("c")
        sid = lax.axis_index("s")
        lo = cid * NH

        zvec = jnp.zeros((16,), jnp.float32)

        def zrow(i, carry):
            for j in range(D // 16):
                rows0[i, pl.ds(j * 16, 16)] = zvec
            return carry
        lax.fori_loop(0, CHUNK, zrow, 0)
        a0 = sid * AROWS_PER_TILE
        for b in range(AROWS_PER_TILE // CHUNK):
            pltpu.sync_copy(rows0, acc_sh.at[pl.ds(a0 + b * CHUNK, CHUNK)])
        arem = AROWS_PER_TILE % CHUNK
        if arem:
            pltpu.sync_copy(rows0.at[pl.ds(0, arem)],
                            acc_sh.at[pl.ds(a0 + AROWS_PER_TILE - arem, arem)])

        @pl.when(sid == NS - 1)
        def _zero_tail():
            pltpu.sync_copy(rows0.at[pl.ds(0, AROWS_TAIL)],
                            acc_sh.at[pl.ds(NS * AROWS_PER_TILE, AROWS_TAIL)])

        r0 = sid * ROWS_PER_TILE
        pltpu.sync_copy(x_hbm.at[pl.ds(r0, ROWS_PER_TILE)],
                        xsp_sh.at[pl.ds(r0, ROWS_PER_TILE)])

        @pl.when(sid == NS - 1)
        def _stage_tail():
            pltpu.sync_copy(x_hbm.at[pl.ds(NS * ROWS_PER_TILE, ROWS_TAIL)],
                            xsp_sh.at[pl.ds(NS * ROWS_PER_TILE, ROWS_TAIL)])
        plsc.subcore_barrier()

        def reload(bi):
            boff = pl.multiple_of(bi * 2 * IBF, 8)
            pltpu.sync_copy(cb_hbm.at[sid, pl.ds(boff, 2 * IBF)], cb_v)

        def extract(j, src_b, dst_b, w_b):
            jl = j % NFCH
            jf = jl // SUBS
            s = jl % SUBS
            for h in range(CHUNK // 16):
                off = s * CHUNK + h * 16
                v = cb_v[jf, pl.ds(off, 16)]
                srcv = jnp.bitwise_and(v, 0xFFFF)
                dstv = jnp.right_shift(v, 16)
                local = dstv - lo
                ok = (local >= 0) & (local < NH)
                dmy = NH + jnp.bitwise_and(dstv, NDMY - 1)
                src_b[pl.ds(h * 16, 16)] = srcv
                dst_b[pl.ds(h * 16, 16)] = jnp.where(ok, local, dmy)
                wi = cb_v[IBF + jf, pl.ds(off, 16)]
                w_b[pl.ds(h * 16, 16)] = lax.bitcast_convert_type(
                    wi, jnp.float32)

        def start_g(src_b, buf):
            pltpu.async_copy(xsp_sh.at[src_b], buf, sem)

        def wait_g(buf):
            pltpu.make_async_copy(xsp_sh.at[src0], buf, sem).wait()

        def scale(buf, w_b):
            def group(g, carry):
                wv = w_b[pl.ds(g * 16, 16)]
                for l in range(16):
                    wl = lax.gather(
                        wv, jnp.full((16, 1), l, jnp.int32), _DNUMS,
                        slice_sizes=(1,),
                        mode=lax.GatherScatterMode.PROMISE_IN_BOUNDS)
                    e = g * 16 + l
                    for f in range(D // 16):
                        buf[e, pl.ds(f * 16, 16)] = buf[e, pl.ds(f * 16, 16)] * wl
                return carry
            lax.fori_loop(0, CHUNK // 16, group, 0)

        def scatter(buf, dst_b):
            pltpu.sync_copy(buf, acc_sh.at[dst_b], add=True)

        reload(0)
        extract(0, src0, dst0, w0)
        start_g(src0, rows0)

        def pair(g, carry):
            j0 = g * 2
            extract(j0 + 1, src1, dst1, w1)
            start_g(src1, rows1)
            wait_g(rows0)
            scale(rows0, w0)
            scatter(rows0, dst0)

            @pl.when(g < NPAIRS - 1)
            def _prefetch_next():
                nxt = j0 + 2

                @pl.when(nxt % NFCH == 0)
                def _reload_next():
                    reload(nxt // NFCH)
                extract(nxt, src0, dst0, w0)
                start_g(src0, rows0)
            wait_g(rows1)
            scale(rows1, w1)
            scatter(rows1, dst1)
            return carry
        lax.fori_loop(0, NPAIRS, pair, 0)
        plsc.subcore_barrier()

        pltpu.sync_copy(acc_sh.at[pl.ds(a0, AROWS_PER_TILE)],
                        out_hbm.at[cid, pl.ds(a0, AROWS_PER_TILE)])

        @pl.when(sid == NS - 1)
        def _copy_tail():
            pltpu.sync_copy(acc_sh.at[pl.ds(NS * AROWS_PER_TILE, AROWS_TAIL)],
                            out_hbm.at[cid, pl.ds(NS * AROWS_PER_TILE, AROWS_TAIL)])

    return k(x, cbr)


def _tc_body(p0_ref, p1_ref, wct_ref, bc_ref, pa_ref, w1_ref, w2_ref, bk_ref,
             y_ref):
    s0 = p0_ref[0]
    s1 = p1_ref[0]
    a = jnp.dot(s0, wct_ref[...], preferred_element_type=jnp.float32) + bc_ref[...]
    b = jnp.dot(s1, wct_ref[...], preferred_element_type=jnp.float32) + bc_ref[...]
    pa = pa_ref[...]
    a = jnp.where(a >= 0, a, a * pa)
    b = jnp.where(b >= 0, b, b * pa)
    y = (jnp.dot(a, w1_ref[...], preferred_element_type=jnp.float32)
         + jnp.dot(b, w2_ref[...], preferred_element_type=jnp.float32)
         + bk_ref[...])
    y_ref[...] = jnp.maximum(y, 0.0)


def kernel(x, edge_index, edge_weight, W_conv, b_conv, prelu_a, W_cat, b_cat):
    src = edge_index[0].astype(jnp.int32)
    dst = edge_index[1].astype(jnp.int32)
    ew = edge_weight.astype(jnp.float32)
    sd = jnp.bitwise_or(src, jnp.left_shift(dst, 16))

    e_per_t_real = N_EDGES // NS
    padw = E_PER_T - e_per_t_real
    sdr = jnp.pad(sd.reshape(NS, e_per_t_real), ((0, 0), (0, padw))
                  ).reshape(NS, NBLK, IBF, FAT)
    ewr = jnp.pad(ew.reshape(NS, e_per_t_real), ((0, 0), (0, padw))
                  ).reshape(NS, NBLK, IBF, FAT)
    ewi = jax.lax.bitcast_convert_type(ewr, jnp.int32)
    cbr = jnp.concatenate([sdr, ewi], axis=2).reshape(NS, NBLK * 2 * IBF, FAT)

    partials = _sc_segment_sum(x, cbr)

    wct = W_conv.T
    w1 = W_cat[:, :D].T
    w2 = W_cat[:, D:].T
    bc = b_conv.reshape(1, D)
    pa = prelu_a.reshape(1, D)
    bk = b_cat.reshape(1, D)

    BS = 1000
    grid = (NH // BS,)
    y = pl.pallas_call(
        _tc_body,
        grid=grid,
        in_specs=[
            pl.BlockSpec((1, BS, D), lambda i: (0, i, 0)),
            pl.BlockSpec((1, BS, D), lambda i: (1, i, 0)),
            pl.BlockSpec((D, D), lambda i: (0, 0)),
            pl.BlockSpec((1, D), lambda i: (0, 0)),
            pl.BlockSpec((1, D), lambda i: (0, 0)),
            pl.BlockSpec((D, D), lambda i: (0, 0)),
            pl.BlockSpec((D, D), lambda i: (0, 0)),
            pl.BlockSpec((1, D), lambda i: (0, 0)),
        ],
        out_specs=pl.BlockSpec((BS, D), lambda i: (i, 0)),
        out_shape=jax.ShapeDtypeStruct((NH, D), jnp.float32),
    )(partials, partials, wct, bc, pa, w1, w2, bk)
    return y

# --- scband reference (transcript-rebuilt; emitter-appended) ---
"""Pipeline reference for scband-double-layered-graph-encoder-cat-58334245814643 (READ-ONLY COPY).

The authoritative reference and input builder live on the scoring server;
editing this copy changes nothing except your own understanding.
"""

import jax, jax.numpy as jnp
import numpy as np

N_NODES = 10000
N_EDGES = 320000
D_IN = 128
D_H = 128


def setup_inputs(seed: int = 0) -> dict:
    key = jax.random.key(seed)
    ks = jax.random.split(key, 8)
    x = jax.random.normal(ks[0], (N_NODES, D_IN), dtype=jnp.float32)
    edge_index = jax.random.randint(ks[1], (2, N_EDGES), 0, N_NODES, dtype=jnp.int64)
    edge_weight = jax.random.uniform(ks[2], (N_EDGES,), dtype=jnp.float32)
    # GCNConv linear weight (PyG stores [out, in], no bias in lin; separate bias param)
    W_conv = jax.random.normal(ks[3], (D_H, D_IN), dtype=jnp.float32) * (1.0 / np.sqrt(D_IN))
    b_conv = jnp.zeros((D_H,), dtype=jnp.float32)
    # PReLU per-channel weight, torch default init 0.25
    prelu_a = jnp.full((D_H,), 0.25, dtype=jnp.float32)
    # CAT2 dense: Linear(2*D_H, D_H)
    W_cat = jax.random.normal(ks[4], (D_H, 2 * D_H), dtype=jnp.float32) * (1.0 / np.sqrt(2 * D_H))
    b_cat = jax.random.normal(ks[5], (D_H,), dtype=jnp.float32) * 0.01
    return {"x": x, "edge_index": edge_index, "edge_weight": edge_weight,
            "W_conv": W_conv, "b_conv": b_conv, "prelu_a": prelu_a,
            "W_cat": W_cat, "b_cat": b_cat}


def reference(x, edge_index, edge_weight, W_conv, b_conv, prelu_a, W_cat, b_cat):
    # GCNConv with cached=True, normalize=False:
    #   h = x @ W^T ; out[dst] += edge_weight * h[src] ; out += bias
    h = x @ W_conv.T
    src = edge_index[0]
    dst = edge_index[1]
    msg = jnp.take(h, src, axis=0) * edge_weight[:, None]
    out = jax.ops.segment_sum(msg, dst, num_segments=x.shape[0])
    out = out + b_conv
    # PReLU (per-channel)
    out = jnp.where(out >= 0, out, prelu_a * out)
    # split into two halves along node dim, concat on feature dim
    n = out.shape[0] // 2
    n1 = out[:n]
    n2 = out[n:]
    cat = jnp.concatenate([n1, n2], axis=1)
    y = jax.nn.relu(cat @ W_cat.T + b_cat)
    return y

if __name__ == "__main__":
    import jax
    _d = setup_inputs()
    print(jax.jit(kernel)(*tuple(_d.values())))

</pallas_src>

<mosaic_0001>
#map = affine_map<(d0, d1) -> (0, 0)>
#map1 = affine_map<(d0, d1) -> (0, 0, 0)>
module attributes {stable_mosaic.version = 14 : i64} {
  func.func @k(%arg0: i32, %arg1: i32, %arg2: memref<10000x128xf32, #tpu.memory_space<hbm>>, %arg3: memref<16x320x128xi32, #tpu.memory_space<hbm>>, %arg4: memref<2x5064x128xf32, #tpu.memory_space<hbm>>, %arg5: memref<8x128xi32, #tpu.memory_space<vmem>>, %arg6: memref<32xi32, #tpu.memory_space<vmem>>, %arg7: memref<32xi32, #tpu.memory_space<vmem>>, %arg8: memref<32xi32, #tpu.memory_space<vmem>>, %arg9: memref<32xi32, #tpu.memory_space<vmem>>, %arg10: memref<32xf32, #tpu.memory_space<vmem>>, %arg11: memref<32xf32, #tpu.memory_space<vmem>>, %arg12: memref<32x128xf32, #tpu.memory_space<vmem>>, %arg13: memref<32x128xf32, #tpu.memory_space<vmem>>, %arg14: memref<10000x128xf32, #tpu.memory_space<vmem_shared>>, %arg15: memref<5064x128xf32, #tpu.memory_space<vmem_shared>>, %arg16: memref<!tpu.dma_semaphore, #tpu.memory_space<semaphore_mem>>) attributes {dimension_semantics = [#tpu.dimension_semantics<core_parallel>, #tpu.dimension_semantics<subcore_parallel>], iteration_bounds = array<i64: 2, 16>, scalar_prefetch = 0 : i64, scratch_operands = 12 : i64, tpu.core_type = #tpu.core_type<sc_vector_subcore>, window_params = [{transform_indices = #map}, {transform_indices = #map1}, {transform_indices = #map1}]} {
    %mul3A = arith.constant 5000 : i32
    %mul3A_0 = arith.muli %arg0, %mul3A : i32
    %broadcast_in_dim3A = arith.constant 0.000000e+00 : f32
    %broadcast_in_dim3A_1 = vector.broadcast %broadcast_in_dim3A : f32 to vector<16xf32>
    %scan3A = arith.constant 0 : i32
    %scan3A_2 = arith.constant 0 : i32
    %scan3A_3 = arith.constant 32 : i32
    %scan3A_4 = arith.addi %scan3A_2, %scan3A_3 : i32
    %scan3A_5 = arith.constant 1 : i32
    scf.for %scan3A_135 = %scan3A_2 to %scan3A_4 step %scan3A_5  : i32 {
      %swap3A_136 = arith.index_cast %scan3A_135 : i32 to index
      %swap3A_137 = arith.constant 0 : index
      %swap3A_138 = tpu.vector_load %arg12[%swap3A_136, %swap3A_137] {strides = array<i32>} : memref<32x128xf32, #tpu.memory_space<vmem>>, vector<1x16xf32>,
      %swap3A_139 = vector.shape_cast %swap3A_138 : vector<1x16xf32> to vector<16xf32>
      %swap3A_140 = vector.shape_cast %broadcast_in_dim3A_1 : vector<16xf32> to vector<1x16xf32>
      tpu.vector_store %arg12[%swap3A_136, %swap3A_137], %swap3A_140 {strides = array<i32>} : memref<32x128xf32, #tpu.memory_space<vmem>>, vector<1x16xf32>,
      %swap3A_141 = arith.index_cast %scan3A_135 : i32 to index
      %swap3A_142 = arith.constant 16 : index
      %swap3A_143 = tpu.vector_load %arg12[%swap3A_141, %swap3A_142] {strides = array<i32>} : memref<32x128xf32, #tpu.memory_space<vmem>>, vector<1x16xf32>,
      %swap3A_144 = vector.shape_cast %swap3A_143 : vector<1x16xf32> to vector<16xf32>
      %swap3A_145 = vector.shape_cast %broadcast_in_dim3A_1 : vector<16xf32> to vector<1x16xf32>
      tpu.vector_store %arg12[%swap3A_141, %swap3A_142], %swap3A_145 {strides = array<i32>} : memref<32x128xf32, #tpu.memory_space<vmem>>, vector<1x16xf32>,
      %swap3A_146 = arith.index_cast %scan3A_135 : i32 to index
      %swap3A_147 = arith.constant 32 : index
      %swap3A_148 = tpu.vector_load %arg12[%swap3A_146, %swap3A_147] {strides = array<i32>} : memref<32x128xf32, #tpu.memory_space<vmem>>, vector<1x16xf32>,
      %swap3A_149 = vector.shape_cast %swap3A_148 : vector<1x16xf32> to vector<16xf32>
      %swap3A_150 = vector.shape_cast %broadcast_in_dim3A_1 : vector<16xf32> to vector<1x16xf32>
      tpu.vector_store %arg12[%swap3A_146, %swap3A_147], %swap3A_150 {strides = array<i32>} : memref<32x128xf32, #tpu.memory_space<vmem>>, vector<1x16xf32>,
      %swap3A_151 = arith.index_cast %scan3A_135 : i32 to index
      %swap3A_152 = arith.constant 48 : index
      %swap3A_153 = tpu.vector_load %arg12[%swap3A_151, %swap3A_152] {strides = array<i32>} : memref<32x128xf32, #tpu.memory_space<vmem>>, vector<1x16xf32>,
      %swap3A_154 = vector.shape_cast %swap3A_153 : vector<1x16xf32> to vector<16xf32>
      %swap3A_155 = vector.shape_cast %broadcast_in_dim3A_1 : vector<16xf32> to vector<1x16xf32>
      tpu.vector_store %arg12[%swap3A_151, %swap3A_152], %swap3A_155 {strides = array<i32>} : memref<32x128xf32, #tpu.memory_space<vmem>>, vector<1x16xf32>,
      %swap3A_156 = arith.index_cast %scan3A_135 : i32 to index
      %swap3A_157 = arith.constant 64 : index
      %swap3A_158 = tpu.vector_load %arg12[%swap3A_156, %swap3A_157] {strides = array<i32>} : memref<32x128xf32, #tpu.memory_space<vmem>>, vector<1x16xf32>,
      %swap3A_159 = vector.shape_cast %swap3A_158 : vector<1x16xf32> to vector<16xf32>
      %swap3A_160 = vector.shape_cast %broadcast_in_dim3A_1 : vector<16xf32> to vector<1x16xf32>
      tpu.vector_store %arg12[%swap3A_156, %swap3A_157], %swap3A_160 {strides = array<i32>} : memref<32x128xf32, #tpu.memory_space<vmem>>, vector<1x16xf32>,
      %swap3A_161 = arith.index_cast %scan3A_135 : i32 to index
      %swap3A_162 = arith.constant 80 : index
      %swap3A_163 = tpu.vector_load %arg12[%swap3A_161, %swap3A_162] {strides = array<i32>} : memref<32x128xf32, #tpu.memory_space<vmem>>, vector<1x16xf32>,
      %swap3A_164 = vector.shape_cast %swap3A_163 : vector<1x16xf32> to vector<16xf32>
      %swap3A_165 = vector.shape_cast %broadcast_in_dim3A_1 : vector<16xf32> to vector<1x16xf32>
      tpu.vector_store %arg12[%swap3A_161, %swap3A_162], %swap3A_165 {strides = array<i32>} : memref<32x128xf32, #tpu.memory_space<vmem>>, vector<1x16xf32>,
      %swap3A_166 = arith.index_cast %scan3A_135 : i32 to index
      %swap3A_167 = arith.constant 96 : index
      %swap3A_168 = tpu.vector_load %arg12[%swap3A_166, %swap3A_167] {strides = array<i32>} : memref<32x128xf32, #tpu.memory_space<vmem>>, vector<1x16xf32>,
      %swap3A_169 = vector.shape_cast %swap3A_168 : vector<1x16xf32> to vector<16xf32>
      %swap3A_170 = vector.shape_cast %broadcast_in_dim3A_1 : vector<16xf32> to vector<1x16xf32>
      tpu.vector_store %arg12[%swap3A_166, %swap3A_167], %swap3A_170 {strides = array<i32>} : memref<32x128xf32, #tpu.memory_space<vmem>>, vector<1x16xf32>,
      %swap3A_171 = arith.index_cast %scan3A_135 : i32 to index
      %swap3A_172 = arith.constant 112 : index
      %swap3A_173 = tpu.vector_load %arg12[%swap3A_171, %swap3A_172] {strides = array<i32>} : memref<32x128xf32, #tpu.memory_space<vmem>>, vector<1x16xf32>,
      %swap3A_174 = vector.shape_cast %swap3A_173 : vector<1x16xf32> to vector<16xf32>
      %swap3A_175 = vector.shape_cast %broadcast_in_dim3A_1 : vector<16xf32> to vector<1x16xf32>
      tpu.vector_store %arg12[%swap3A_171, %swap3A_172], %swap3A_175 {strides = array<i32>} : memref<32x128xf32, #tpu.memory_space<vmem>>, vector<1x16xf32>,
    }
    %scan3A_6 = arith.constant 32 : i32
    %mul3A_7 = arith.constant 312 : i32
    %mul3A_8 = arith.muli %arg1, %mul3A_7 : i32
    %add3A = arith.constant 0 : i32
    %add3A_9 = arith.addi %mul3A_8, %add3A : i32
    "tpu.region"() ({
      %run_scoped3A = tpu.sem_alloc : memref<!tpu.dma_semaphore, #tpu.memory_space<semaphore_mem>>
      %dma_start3A_135 = arith.constant 0 : i32
      %dma_start3A_136 = tpu.memref_slice %arg15[%add3A_9, %dma_start3A_135] : memref<5064x128xf32, #tpu.memory_space<vmem_shared>> -> memref<32x128xf32, #tpu.memory_space<vmem_shared>>
      %dma_start3A_137 = arith.constant 0 : i32
      %dma_start3A_138 = tpu.memref_slice %arg15[%add3A_9, %dma_start3A_137] : memref<5064x128xf32, #tpu.memory_space<vmem_shared>> -> memref<32x128xf32, #tpu.memory_space<vmem_shared>>
      tpu.enqueue_dma source(%arg12 : memref<32x128xf32, #tpu.memory_space<vmem>>) target(%dma_start3A_138 : memref<32x128xf32, #tpu.memory_space<vmem_shared>>) target_semaphore(%run_scoped3A : memref<!tpu.dma_semaphore, #tpu.memory_space<semaphore_mem>>)
      %dma_wait3A = arith.constant 0 : i32
      %dma_wait3A_139 = tpu.memref_slice %arg15[%add3A_9, %dma_wait3A] : memref<5064x128xf32, #tpu.memory_space<vmem_shared>> -> memref<32x128xf32, #tpu.memory_space<vmem_shared>>
      %dma_wait3A_140 = arith.constant 0 : i32
      %dma_wait3A_141 = tpu.memref_slice %arg15[%add3A_9, %dma_wait3A_140] : memref<5064x128xf32, #tpu.memory_space<vmem_shared>> -> memref<32x128xf32, #tpu.memory_space<vmem_shared>>
      tpu.wait_dma2 semaphore(%run_scoped3A : memref<!tpu.dma_semaphore, #tpu.memory_space<semaphore_mem>>) src(%arg12 : memref<32x128xf32, #tpu.memory_space<vmem>>) dst(%dma_wait3A_141 : memref<32x128xf32, #tpu.memory_space<vmem_shared>>)
      tpu.yield
    }) : () -> ()
    %add3A_10 = arith.constant 32 : i32
    %add3A_11 = arith.addi %mul3A_8, %add3A_10 : i32
    "tpu.region"() ({
      %run_scoped3A = tpu.sem_alloc : memref<!tpu.dma_semaphore, #tpu.memory_space<semaphore_mem>>
      %dma_start3A_135 = arith.constant 0 : i32
      %dma_start3A_136 = tpu.memref_slice %arg15[%add3A_11, %dma_start3A_135] : memref<5064x128xf32, #tpu.memory_space<vmem_shared>> -> memref<32x128xf32, #tpu.memory_space<vmem_shared>>
      %dma_start3A_137 = arith.constant 0 : i32
      %dma_start3A_138 = tpu.memref_slice %arg15[%add3A_11, %dma_start3A_137] : memref<5064x128xf32, #tpu.memory_space<vmem_shared>> -> memref<32x128xf32, #tpu.memory_space<vmem_shared>>
      tpu.enqueue_dma source(%arg12 : memref<32x128xf32, #tpu.memory_space<vmem>>) target(%dma_start3A_138 : memref<32x128xf32, #tpu.memory_space<vmem_shared>>) target_semaphore(%run_scoped3A : memref<!tpu.dma_semaphore, #tpu.memory_space<semaphore_mem>>)
      %dma_wait3A = arith.constant 0 : i32
      %dma_wait3A_139 = tpu.memref_slice %arg15[%add3A_11, %dma_wait3A] : memref<5064x128xf32, #tpu.memory_space<vmem_shared>> -> memref<32x128xf32, #tpu.memory_space<vmem_shared>>
      %dma_wait3A_140 = arith.constant 0 : i32
      %dma_wait3A_141 = tpu.memref_slice %arg15[%add3A_11, %dma_wait3A_140] : memref<5064x128xf32, #tpu.memory_space<vmem_shared>> -> memref<32x128xf32, #tpu.memory_space<vmem_shared>>
      tpu.wait_dma2 semaphore(%run_scoped3A : memref<!tpu.dma_semaphore, #tpu.memory_space<semaphore_mem>>) src(%arg12 : memref<32x128xf32, #tpu.memory_space<vmem>>) dst(%dma_wait3A_141 : memref<32x128xf32, #tpu.memory_space<vmem_shared>>)
      tpu.yield
    }) : () -> ()
    %add3A_12 = arith.constant 64 : i32
    %add3A_13 = arith.addi %mul3A_8, %add3A_12 : i32
    "tpu.region"() ({
      %run_scoped3A = tpu.sem_alloc : memref<!tpu.dma_semaphore, #tpu.memory_space<semaphore_mem>>
      %dma_start3A_135 = arith.constant 0 : i32
      %dma_start3A_136 = tpu.memref_slice %arg15[%add3A_13, %dma_start3A_135] : memref<5064x128xf32, #tpu.memory_space<vmem_shared>> -> memref<32x128xf32, #tpu.memory_space<vmem_shared>>
      %dma_start3A_137 = arith.constant 0 : i32
      %dma_start3A_138 = tpu.memref_slice %arg15[%add3A_13, %dma_start3A_137] : memref<5064x128xf32, #tpu.memory_space<vmem_shared>> -> memref<32x128xf32, #tpu.memory_space<vmem_shared>>
      tpu.enqueue_dma source(%arg12 : memref<32x128xf32, #tpu.memory_space<vmem>>) target(%dma_start3A_138 : memref<32x128xf32, #tpu.memory_space<vmem_shared>>) target_semaphore(%run_scoped3A : memref<!tpu.dma_semaphore, #tpu.memory_space<semaphore_mem>>)
      %dma_wait3A = arith.constant 0 : i32
      %dma_wait3A_139 = tpu.memref_slice %arg15[%add3A_13, %dma_wait3A] : memref<5064x128xf32, #tpu.memory_space<vmem_shared>> -> memref<32x128xf32, #tpu.memory_space<vmem_shared>>
      %dma_wait3A_140 = arith.constant 0 : i32
      %dma_wait3A_141 = tpu.memref_slice %arg15[%add3A_13, %dma_wait3A_140] : memref<5064x128xf32, #tpu.memory_space<vmem_shared>> -> memref<32x128xf32, #tpu.memory_space<vmem_shared>>
      tpu.wait_dma2 semaphore(%run_scoped3A : memref<!tpu.dma_semaphore, #tpu.memory_space<semaphore_mem>>) src(%arg12 : memref<32x128xf32, #tpu.memory_space<vmem>>) dst(%dma_wait3A_141 : memref<32x128xf32, #tpu.memory_space<vmem_shared>>)
      tpu.yield
    }) : () -> ()
    %add3A_14 = arith.constant 96 : i32
    %add3A_15 = arith.addi %mul3A_8, %add3A_14 : i32
    "tpu.region"() ({
      %run_scoped3A = tpu.sem_alloc : memref<!tpu.dma_semaphore, #tpu.memory_space<semaphore_mem>>
      %dma_start3A_135 = arith.constant 0 : i32
      %dma_start3A_136 = tpu.memref_slice %arg15[%add3A_15, %dma_start3A_135] : memref<5064x128xf32, #tpu.memory_space<vmem_shared>> -> memref<32x128xf32, #tpu.memory_space<vmem_shared>>
      %dma_start3A_137 = arith.constant 0 : i32
      %dma_start3A_138 = tpu.memref_slice %arg15[%add3A_15, %dma_start3A_137] : memref<5064x128xf32, #tpu.memory_space<vmem_shared>> -> memref<32x128xf32, #tpu.memory_space<vmem_shared>>
      tpu.enqueue_dma source(%arg12 : memref<32x128xf32, #tpu.memory_space<vmem>>) target(%dma_start3A_138 : memref<32x128xf32, #tpu.memory_space<vmem_shared>>) target_semaphore(%run_scoped3A : memref<!tpu.dma_semaphore, #tpu.memory_space<semaphore_mem>>)
      %dma_wait3A = arith.constant 0 : i32
      %dma_wait3A_139 = tpu.memref_slice %arg15[%add3A_15, %dma_wait3A] : memref<5064x128xf32, #tpu.memory_space<vmem_shared>> -> memref<32x128xf32, #tpu.memory_space<vmem_shared>>
      %dma_wait3A_140 = arith.constant 0 : i32
      %dma_wait3A_141 = tpu.memref_slice %arg15[%add3A_15, %dma_wait3A_140] : memref<5064x128xf32, #tpu.memory_space<vmem_shared>> -> memref<32x128xf32, #tpu.memory_space<vmem_shared>>
      tpu.wait_dma2 semaphore(%run_scoped3A : memref<!tpu.dma_semaphore, #tpu.memory_space<semaphore_mem>>) src(%arg12 : memref<32x128xf32, #tpu.memory_space<vmem>>) dst(%dma_wait3A_141 : memref<32x128xf32, #tpu.memory_space<vmem_shared>>)
      tpu.yield
    }) : () -> ()
    %add3A_16 = arith.constant 128 : i32
    %add3A_17 = arith.addi %mul3A_8, %add3A_16 : i32
    "tpu.region"() ({
      %run_scoped3A = tpu.sem_alloc : memref<!tpu.dma_semaphore, #tpu.memory_space<semaphore_mem>>
      %dma_start3A_135 = arith.constant 0 : i32
      %dma_start3A_136 = tpu.memref_slice %arg15[%add3A_17, %dma_start3A_135] : memref<5064x128xf32, #tpu.memory_space<vmem_shared>> -> memref<32x128xf32, #tpu.memory_space<vmem_shared>>
      %dma_start3A_137 = arith.constant 0 : i32
      %dma_start3A_138 = tpu.memref_slice %arg15[%add3A_17, %dma_start3A_137] : memref<5064x128xf32, #tpu.memory_space<vmem_shared>> -> memref<32x128xf32, #tpu.memory_space<vmem_shared>>
      tpu.enqueue_dma source(%arg12 : memref<32x128xf32, #tpu.memory_space<vmem>>) target(%dma_start3A_138 : memref<32x128xf32, #tpu.memory_space<vmem_shared>>) target_semaphore(%run_scoped3A : memref<!tpu.dma_semaphore, #tpu.memory_space<semaphore_mem>>)
      %dma_wait3A = arith.constant 0 : i32
      %dma_wait3A_139 = tpu.memref_slice %arg15[%add3A_17, %dma_wait3A] : memref<5064x128xf32, #tpu.memory_space<vmem_shared>> -> memref<32x128xf32, #tpu.memory_space<vmem_shared>>
      %dma_wait3A_140 = arith.constant 0 : i32
      %dma_wait3A_141 = tpu.memref_slice %arg15[%add3A_17, %dma_wait3A_140] : memref<5064x128xf32, #tpu.memory_space<vmem_shared>> -> memref<32x128xf32, #tpu.memory_space<vmem_shared>>
      tpu.wait_dma2 semaphore(%run_scoped3A : memref<!tpu.dma_semaphore, #tpu.memory_space<semaphore_mem>>) src(%arg12 : memref<32x128xf32, #tpu.memory_space<vmem>>) dst(%dma_wait3A_141 : memref<32x128xf32, #tpu.memory_space<vmem_shared>>)
      tpu.yield
    }) : () -> ()
    %add3A_18 = arith.constant 160 : i32
    %add3A_19 = arith.addi %mul3A_8, %add3A_18 : i32
    "tpu.region"() ({
      %run_scoped3A = tpu.sem_alloc : memref<!tpu.dma_semaphore, #tpu.memory_space<semaphore_mem>>
      %dma_start3A_135 = arith.constant 0 : i32
      %dma_start3A_136 = tpu.memref_slice %arg15[%add3A_19, %dma_start3A_135] : memref<5064x128xf32, #tpu.memory_space<vmem_shared>> -> memref<32x128xf32, #tpu.memory_space<vmem_shared>>
      %dma_start3A_137 = arith.constant 0 : i32
      %dma_start3A_138 = tpu.memref_slice %arg15[%add3A_19, %dma_start3A_137] : memref<5064x128xf32, #tpu.memory_space<vmem_shared>> -> memref<32x128xf32, #tpu.memory_space<vmem_shared>>
      tpu.enqueue_dma source(%arg12 : memref<32x128xf32, #tpu.memory_space<vmem>>) target(%dma_start3A_138 : memref<32x128xf32, #tpu.memory_space<vmem_shared>>) target_semaphore(%run_scoped3A : memref<!tpu.dma_semaphore, #tpu.memory_space<semaphore_mem>>)
      %dma_wait3A = arith.constant 0 : i32
      %dma_wait3A_139 = tpu.memref_slice %arg15[%add3A_19, %dma_wait3A] : memref<5064x128xf32, #tpu.memory_space<vmem_shared>> -> memref<32x128xf32, #tpu.memory_space<vmem_shared>>
      %dma_wait3A_140 = arith.constant 0 : i32
      %dma_wait3A_141 = tpu.memref_slice %arg15[%add3A_19, %dma_wait3A_140] : memref<5064x128xf32, #tpu.memory_space<vmem_shared>> -> memref<32x128xf32, #tpu.memory_space<vmem_shared>>
      tpu.wait_dma2 semaphore(%run_scoped3A : memref<!tpu.dma_semaphore, #tpu.memory_space<semaphore_mem>>) src(%arg12 : memref<32x128xf32, #tpu.memory_space<vmem>>) dst(%dma_wait3A_141 : memref<32x128xf32, #tpu.memory_space<vmem_shared>>)
      tpu.yield
    }) : () -> ()
    %add3A_20 = arith.constant 192 : i32
    %add3A_21 = arith.addi %mul3A_8, %add3A_20 : i32
    "tpu.region"() ({
      %run_scoped3A = tpu.sem_alloc : memref<!tpu.dma_semaphore, #tpu.memory_space<semaphore_mem>>
      %dma_start3A_135 = arith.constant 0 : i32
      %dma_start3A_136 = tpu.memref_slice %arg15[%add3A_21, %dma_start3A_135] : memref<5064x128xf32, #tpu.memory_space<vmem_shared>> -> memref<32x128xf32, #tpu.memory_space<vmem_shared>>
      %dma_start3A_137 = arith.constant 0 : i32
      %dma_start3A_138 = tpu.memref_slice %arg15[%add3A_21, %dma_start3A_137] : memref<5064x128xf32, #tpu.memory_space<vmem_shared>> -> memref<32x128xf32, #tpu.memory_space<vmem_shared>>
      tpu.enqueue_dma source(%arg12 : memref<32x128xf32, #tpu.memory_space<vmem>>) target(%dma_start3A_138 : memref<32x128xf32, #tpu.memory_space<vmem_shared>>) target_semaphore(%run_scoped3A : memref<!tpu.dma_semaphore, #tpu.memory_space<semaphore_mem>>)
      %dma_wait3A = arith.constant 0 : i32
      %dma_wait3A_139 = tpu.memref_slice %arg15[%add3A_21, %dma_wait3A] : memref<5064x128xf32, #tpu.memory_space<vmem_shared>> -> memref<32x128xf32, #tpu.memory_space<vmem_shared>>
      %dma_wait3A_140 = arith.constant 0 : i32
      %dma_wait3A_141 = tpu.memref_slice %arg15[%add3A_21, %dma_wait3A_140] : memref<5064x128xf32, #tpu.memory_space<vmem_shared>> -> memref<32x128xf32, #tpu.memory_space<vmem_shared>>
      tpu.wait_dma2 semaphore(%run_scoped3A : memref<!tpu.dma_semaphore, #tpu.memory_space<semaphore_mem>>) src(%arg12 : memref<32x128xf32, #tpu.memory_space<vmem>>) dst(%dma_wait3A_141 : memref<32x128xf32, #tpu.memory_space<vmem_shared>>)
      tpu.yield
    }) : () -> ()
    %add3A_22 = arith.constant 224 : i32
    %add3A_23 = arith.addi %mul3A_8, %add3A_22 : i32
    "tpu.region"() ({
      %run_scoped3A = tpu.sem_alloc : memref<!tpu.dma_semaphore, #tpu.memory_space<semaphore_mem>>
      %dma_start3A_135 = arith.constant 0 : i32
      %dma_start3A_136 = tpu.memref_slice %arg15[%add3A_23, %dma_start3A_135] : memref<5064x128xf32, #tpu.memory_space<vmem_shared>> -> memref<32x128xf32, #tpu.memory_space<vmem_shared>>
      %dma_start3A_137 = arith.constant 0 : i32
      %dma_start3A_138 = tpu.memref_slice %arg15[%add3A_23, %dma_start3A_137] : memref<5064x128xf32, #tpu.memory_space<vmem_shared>> -> memref<32x128xf32, #tpu.memory_space<vmem_shared>>
      tpu.enqueue_dma source(%arg12 : memref<32x128xf32, #tpu.memory_space<vmem>>) target(%dma_start3A_138 : memref<32x128xf32, #tpu.memory_space<vmem_shared>>) target_semaphore(%run_scoped3A : memref<!tpu.dma_semaphore, #tpu.memory_space<semaphore_mem>>)
      %dma_wait3A = arith.constant 0 : i32
      %dma_wait3A_139 = tpu.memref_slice %arg15[%add3A_23, %dma_wait3A] : memref<5064x128xf32, #tpu.memory_space<vmem_shared>> -> memref<32x128xf32, #tpu.memory_space<vmem_shared>>
      %dma_wait3A_140 = arith.constant 0 : i32
      %dma_wait3A_141 = tpu.memref_slice %arg15[%add3A_23, %dma_wait3A_140] : memref<5064x128xf32, #tpu.memory_space<vmem_shared>> -> memref<32x128xf32, #tpu.memory_space<vmem_shared>>
      tpu.wait_dma2 semaphore(%run_scoped3A : memref<!tpu.dma_semaphore, #tpu.memory_space<semaphore_mem>>) src(%arg12 : memref<32x128xf32, #tpu.memory_space<vmem>>) dst(%dma_wait3A_141 : memref<32x128xf32, #tpu.memory_space<vmem_shared>>)
      tpu.yield
    }) : () -> ()
    %add3A_24 = arith.constant 256 : i32
    %add3A_25 = arith.addi %mul3A_8, %add3A_24 : i32
    "tpu.region"() ({
      %run_scoped3A = tpu.sem_alloc : memref<!tpu.dma_semaphore, #tpu.memory_space<semaphore_mem>>
      %dma_start3A_135 = arith.constant 0 : i32
      %dma_start3A_136 = tpu.memref_slice %arg15[%add3A_25, %dma_start3A_135] : memref<5064x128xf32, #tpu.memory_space<vmem_shared>> -> memref<32x128xf32, #tpu.memory_space<vmem_shared>>
      %dma_start3A_137 = arith.constant 0 : i32
      %dma_start3A_138 = tpu.memref_slice %arg15[%add3A_25, %dma_start3A_137] : memref<5064x128xf32, #tpu.memory_space<vmem_shared>> -> memref<32x128xf32, #tpu.memory_space<vmem_shared>>
      tpu.enqueue_dma source(%arg12 : memref<32x128xf32, #tpu.memory_space<vmem>>) target(%dma_start3A_138 : memref<32x128xf32, #tpu.memory_space<vmem_shared>>) target_semaphore(%run_scoped3A : memref<!tpu.dma_semaphore, #tpu.memory_space<semaphore_mem>>)
      %dma_wait3A = arith.constant 0 : i32
      %dma_wait3A_139 = tpu.memref_slice %arg15[%add3A_25, %dma_wait3A] : memref<5064x128xf32, #tpu.memory_space<vmem_shared>> -> memref<32x128xf32, #tpu.memory_space<vmem_shared>>
      %dma_wait3A_140 = arith.constant 0 : i32
      %dma_wait3A_141 = tpu.memref_slice %arg15[%add3A_25, %dma_wait3A_140] : memref<5064x128xf32, #tpu.memory_space<vmem_shared>> -> memref<32x128xf32, #tpu.memory_space<vmem_shared>>
      tpu.wait_dma2 semaphore(%run_scoped3A : memref<!tpu.dma_semaphore, #tpu.memory_space<semaphore_mem>>) src(%arg12 : memref<32x128xf32, #tpu.memory_space<vmem>>) dst(%dma_wait3A_141 : memref<32x128xf32, #tpu.memory_space<vmem_shared>>)
      tpu.yield
    }) : () -> ()
    %add3A_26 = arith.constant 312 : i32
    %add3A_27 = arith.addi %mul3A_8, %add3A_26 : i32
    %sub3A = arith.constant 24 : i32
    %sub3A_28 = arith.subi %add3A_27, %sub3A : i32
    "tpu.region"() ({
      %run_scoped3A = tpu.sem_alloc : memref<!tpu.dma_semaphore, #tpu.memory_space<semaphore_mem>>
      %dma_start3A_135 = arith.constant 0 : i32
      %dma_start3A_136 = arith.constant 0 : i32
      %dma_start3A_137 = tpu.memref_slice %arg12[%dma_start3A_135, %dma_start3A_136] : memref<32x128xf32, #tpu.memory_space<vmem>> -> memref<24x128xf32, #tpu.memory_space<vmem>>
      %dma_start3A_138 = arith.constant 0 : i32
      %dma_start3A_139 = tpu.memref_slice %arg15[%sub3A_28, %dma_start3A_138] : memref<5064x128xf32, #tpu.memory_space<vmem_shared>> -> memref<24x128xf32, #tpu.memory_space<vmem_shared>>
      %dma_start3A_140 = arith.constant 0 : i32
      %dma_start3A_141 = tpu.memref_slice %arg15[%sub3A_28, %dma_start3A_140] : memref<5064x128xf32, #tpu.memory_space<vmem_shared>> -> memref<24x128xf32, #tpu.memory_space<vmem_shared>>
      %dma_start3A_142 = arith.constant 0 : i32
      %dma_start3A_143 = arith.constant 0 : i32
      %dma_start3A_144 = tpu.memref_slice %arg12[%dma_start3A_142, %dma_start3A_143] : memref<32x128xf32, #tpu.memory_space<vmem>> -> memref<24x128xf32, #tpu.memory_space<vmem>>
      tpu.enqueue_dma source(%dma_start3A_144 : memref<24x128xf32, #tpu.memory_space<vmem>>) target(%dma_start3A_141 : memref<24x128xf32, #tpu.memory_space<vmem_shared>>) target_semaphore(%run_scoped3A : memref<!tpu.dma_semaphore, #tpu.memory_space<semaphore_mem>>)
      %dma_wait3A = arith.constant 0 : i32
      %dma_wait3A_145 = arith.constant 0 : i32
      %dma_wait3A_146 = tpu.memref_slice %arg12[%dma_wait3A, %dma_wait3A_145] : memref<32x128xf32, #tpu.memory_space<vmem>> -> memref<24x128xf32, #tpu.memory_space<vmem>>
      %dma_wait3A_147 = arith.constant 0 : i32
      %dma_wait3A_148 = tpu.memref_slice %arg15[%sub3A_28, %dma_wait3A_147] : memref<5064x128xf32, #tpu.memory_space<vmem_shared>> -> memref<24x128xf32, #tpu.memory_space<vmem_shared>>
      %dma_wait3A_149 = arith.constant 0 : i32
      %dma_wait3A_150 = tpu.memref_slice %arg15[%sub3A_28, %dma_wait3A_149] : memref<5064x128xf32, #tpu.memory_space<vmem_shared>> -> memref<24x128xf32, #tpu.memory_space<vmem_shared>>
      %dma_wait3A_151 = arith.constant 0 : i32
      %dma_wait3A_152 = arith.constant 0 : i32
      %dma_wait3A_153 = tpu.memref_slice %arg12[%dma_wait3A_151, %dma_wait3A_152] : memref<32x128xf32, #tpu.memory_space<vmem>> -> memref<24x128xf32, #tpu.memory_space<vmem>>
      tpu.wait_dma2 semaphore(%run_scoped3A : memref<!tpu.dma_semaphore, #tpu.memory_space<semaphore_mem>>) src(%dma_wait3A_153 : memref<24x128xf32, #tpu.memory_space<vmem>>) dst(%dma_wait3A_150 : memref<24x128xf32, #tpu.memory_space<vmem_shared>>)
      tpu.yield
    }) : () -> ()
    %eq3A = arith.constant 15 : i32
    %eq3A_29 = arith.cmpi eq, %arg1, %eq3A : i32
    %convert_element_type3A = arith.extui %eq3A_29 : i1 to i32
    %cond3A = arith.constant 0 : i32
    %cond3A_30 = arith.cmpi ne, %convert_element_type3A, %cond3A : i32
    scf.if %cond3A_30 {
      "tpu.region"() ({
        %run_scoped3A = tpu.sem_alloc : memref<!tpu.dma_semaphore, #tpu.memory_space<semaphore_mem>>
        %dma_start3A_135 = arith.constant 0 : i32
        %dma_start3A_136 = arith.constant 0 : i32
        %dma_start3A_137 = tpu.memref_slice %arg12[%dma_start3A_135, %dma_start3A_136] : memref<32x128xf32, #tpu.memory_space<vmem>> -> memref<72x128xf32, #tpu.memory_space<vmem>>
        %dma_start3A_138 = arith.constant 4992 : i32
        %dma_start3A_139 = arith.constant 0 : i32
        %dma_start3A_140 = tpu.memref_slice %arg15[%dma_start3A_138, %dma_start3A_139] : memref<5064x128xf32, #tpu.memory_space<vmem_shared>> -> memref<72x128xf32, #tpu.memory_space<vmem_shared>>
        %dma_start3A_141 = arith.constant 4992 : i32
        %dma_start3A_142 = arith.constant 0 : i32
        %dma_start3A_143 = tpu.memref_slice %arg15[%dma_start3A_141, %dma_start3A_142] : memref<5064x128xf32, #tpu.memory_space<vmem_shared>> -> memref<72x128xf32, #tpu.memory_space<vmem_shared>>
        %dma_start3A_144 = arith.constant 0 : i32
        %dma_start3A_145 = arith.constant 0 : i32
        %dma_start3A_146 = tpu.memref_slice %arg12[%dma_start3A_144, %dma_start3A_145] : memref<32x128xf32, #tpu.memory_space<vmem>> -> memref<72x128xf32, #tpu.memory_space<vmem>>
        tpu.enqueue_dma source(%dma_start3A_146 : memref<72x128xf32, #tpu.memory_space<vmem>>) target(%dma_start3A_143 : memref<72x128xf32, #tpu.memory_space<vmem_shared>>) target_semaphore(%run_scoped3A : memref<!tpu.dma_semaphore, #tpu.memory_space<semaphore_mem>>)
        %dma_wait3A = arith.constant 0 : i32
        %dma_wait3A_147 = arith.constant 0 : i32
        %dma_wait3A_148 = tpu.memref_slice %arg12[%dma_wait3A, %dma_wait3A_147] : memref<32x128xf32, #tpu.memory_space<vmem>> -> memref<72x128xf32, #tpu.memory_space<vmem>>
        %dma_wait3A_149 = arith.constant 4992 : i32
        %dma_wait3A_150 = arith.constant 0 : i32
        %dma_wait3A_151 = tpu.memref_slice %arg15[%dma_wait3A_149, %dma_wait3A_150] : memref<5064x128xf32, #tpu.memory_space<vmem_shared>> -> memref<72x128xf32, #tpu.memory_space<vmem_shared>>
        %dma_wait3A_152 = arith.constant 4992 : i32
        %dma_wait3A_153 = arith.constant 0 : i32
        %dma_wait3A_154 = tpu.memref_slice %arg15[%dma_wait3A_152, %dma_wait3A_153] : memref<5064x128xf32, #tpu.memory_space<vmem_shared>> -> memref<72x128xf32, #tpu.memory_space<vmem_shared>>
        %dma_wait3A_155 = arith.constant 0 : i32
        %dma_wait3A_156 = arith.constant 0 : i32
        %dma_wait3A_157 = tpu.memref_slice %arg12[%dma_wait3A_155, %dma_wait3A_156] : memref<32x128xf32, #tpu.memory_space<vmem>> -> memref<72x128xf32, #tpu.memory_space<vmem>>
        tpu.wait_dma2 semaphore(%run_scoped3A : memref<!tpu.dma_semaphore, #tpu.memory_space<semaphore_mem>>) src(%dma_wait3A_157 : memref<72x128xf32, #tpu.memory_space<vmem>>) dst(%dma_wait3A_154 : memref<72x128xf32, #tpu.memory_space<vmem_shared>>)
        tpu.yield
      }) : () -> ()
    } else {
    }
    %mul3A_31 = arith.constant 624 : i32
    %mul3A_32 = arith.muli %arg1, %mul3A_31 : i32
    "tpu.region"() ({
      %run_scoped3A = tpu.sem_alloc : memref<!tpu.dma_semaphore, #tpu.memory_space<semaphore_mem>>
      %dma_start3A_135 = arith.constant 0 : i32
      %dma_start3A_136 = tpu.memref_slice %arg14[%mul3A_32, %dma_start3A_135] : memref<10000x128xf32, #tpu.memory_space<vmem_shared>> -> memref<624x128xf32, #tpu.memory_space<vmem_shared>>
      %dma_start3A_137 = arith.constant 0 : i32
      %dma_start3A_138 = tpu.memref_slice %arg2[%mul3A_32, %dma_start3A_137] : memref<10000x128xf32, #tpu.memory_space<hbm>> -> memref<624x128xf32, #tpu.memory_space<hbm>>
      tpu.enqueue_dma source(%dma_start3A_138 : memref<624x128xf32, #tpu.memory_space<hbm>>) target(%dma_start3A_136 : memref<624x128xf32, #tpu.memory_space<vmem_shared>>) target_semaphore(%run_scoped3A : memref<!tpu.dma_semaphore, #tpu.memory_space<semaphore_mem>>)
      %dma_wait3A = arith.constant 0 : i32
      %dma_wait3A_139 = tpu.memref_slice %arg14[%mul3A_32, %dma_wait3A] : memref<10000x128xf32, #tpu.memory_space<vmem_shared>> -> memref<624x128xf32, #tpu.memory_space<vmem_shared>>
      %dma_wait3A_140 = arith.constant 0 : i32
      %dma_wait3A_141 = tpu.memref_slice %arg2[%mul3A_32, %dma_wait3A_140] : memref<10000x128xf32, #tpu.memory_space<hbm>> -> memref<624x128xf32, #tpu.memory_space<hbm>>
      tpu.wait_dma2 semaphore(%run_scoped3A : memref<!tpu.dma_semaphore, #tpu.memory_space<semaphore_mem>>) src(%dma_wait3A_141 : memref<624x128xf32, #tpu.memory_space<hbm>>) dst(%dma_wait3A_139 : memref<624x128xf32, #tpu.memory_space<vmem_shared>>)
      tpu.yield
    }) : () -> ()
    %eq3A_33 = arith.constant 15 : i32
    %eq3A_34 = arith.cmpi eq, %arg1, %eq3A_33 : i32
    %convert_element_type3A_35 = arith.extui %eq3A_34 : i1 to i32
    %cond3A_36 = arith.constant 0 : i32
    %cond3A_37 = arith.cmpi ne, %convert_element_type3A_35, %cond3A_36 : i32
    scf.if %cond3A_37 {
      "tpu.region"() ({
        %run_scoped3A = tpu.sem_alloc : memref<!tpu.dma_semaphore, #tpu.memory_space<semaphore_mem>>
        %dma_start3A_135 = arith.constant 9984 : i32
        %dma_start3A_136 = arith.constant 0 : i32
        %dma_start3A_137 = tpu.memref_slice %arg14[%dma_start3A_135, %dma_start3A_136] : memref<10000x128xf32, #tpu.memory_space<vmem_shared>> -> memref<16x128xf32, #tpu.memory_space<vmem_shared>>
        %dma_start3A_138 = arith.constant 9984 : i32
        %dma_start3A_139 = arith.constant 0 : i32
        %dma_start3A_140 = tpu.memref_slice %arg2[%dma_start3A_138, %dma_start3A_139] : memref<10000x128xf32, #tpu.memory_space<hbm>> -> memref<16x128xf32, #tpu.memory_space<hbm>>
        tpu.enqueue_dma source(%dma_start3A_140 : memref<16x128xf32, #tpu.memory_space<hbm>>) target(%dma_start3A_137 : memref<16x128xf32, #tpu.memory_space<vmem_shared>>) target_semaphore(%run_scoped3A : memref<!tpu.dma_semaphore, #tpu.memory_space<semaphore_mem>>)
        %dma_wait3A = arith.constant 9984 : i32
        %dma_wait3A_141 = arith.constant 0 : i32
        %dma_wait3A_142 = tpu.memref_slice %arg14[%dma_wait3A, %dma_wait3A_141] : memref<10000x128xf32, #tpu.memory_space<vmem_shared>> -> memref<16x128xf32, #tpu.memory_space<vmem_shared>>
        %dma_wait3A_143 = arith.constant 9984 : i32
        %dma_wait3A_144 = arith.constant 0 : i32
        %dma_wait3A_145 = tpu.memref_slice %arg2[%dma_wait3A_143, %dma_wait3A_144] : memref<10000x128xf32, #tpu.memory_space<hbm>> -> memref<16x128xf32, #tpu.memory_space<hbm>>
        tpu.wait_dma2 semaphore(%run_scoped3A : memref<!tpu.dma_semaphore, #tpu.memory_space<semaphore_mem>>) src(%dma_wait3A_145 : memref<16x128xf32, #tpu.memory_space<hbm>>) dst(%dma_wait3A_142 : memref<16x128xf32, #tpu.memory_space<vmem_shared>>)
        tpu.yield
      }) : () -> ()
    } else {
    }
    %barrier3A = arith.constant 0 : index
    tpu.barrier barrier_id(%barrier3A)
    %multiple_of3A = arith.constant 0 : i32
    %multiple_of3A_38 = tpu.assume_multiple %multiple_of3A, 8 : i32
    "tpu.region"() ({
      %run_scoped3A = tpu.sem_alloc : memref<!tpu.dma_semaphore, #tpu.memory_space<semaphore_mem>>
      %dma_start3A_135 = arith.constant 0 : i32
      %dma_start3A_136 = tpu.memref_slice %arg3[%arg1, %multiple_of3A_38, %dma_start3A_135] : memref<16x320x128xi32, #tpu.memory_space<hbm>> -> memref<1x8x128xi32, #tpu.memory_space<hbm>>
      %dma_start3A_137 = tpu.memref_squeeze %dma_start3A_136 : memref<1x8x128xi32, #tpu.memory_space<hbm>> -> memref<8x128xi32, #tpu.memory_space<hbm>>
      %dma_start3A_138 = arith.constant 0 : i32
      %dma_start3A_139 = tpu.memref_slice %arg3[%arg1, %multiple_of3A_38, %dma_start3A_138] : memref<16x320x128xi32, #tpu.memory_space<hbm>> -> memref<1x8x128xi32, #tpu.memory_space<hbm>>
      %dma_start3A_140 = tpu.memref_squeeze %dma_start3A_139 : memref<1x8x128xi32, #tpu.memory_space<hbm>> -> memref<8x128xi32, #tpu.memory_space<hbm>>
      tpu.enqueue_dma source(%dma_start3A_140 : memref<8x128xi32, #tpu.memory_space<hbm>>) target(%arg5 : memref<8x128xi32, #tpu.memory_space<vmem>>) target_semaphore(%run_scoped3A : memref<!tpu.dma_semaphore, #tpu.memory_space<semaphore_mem>>)
      %dma_wait3A = arith.constant 0 : i32
      %dma_wait3A_141 = tpu.memref_slice %arg3[%arg1, %multiple_of3A_38, %dma_wait3A] : memref<16x320x128xi32, #tpu.memory_space<hbm>> -> memref<1x8x128xi32, #tpu.memory_space<hbm>>
      %dma_wait3A_142 = tpu.memref_squeeze %dma_wait3A_141 : memref<1x8x128xi32, #tpu.memory_space<hbm>> -> memref<8x128xi32, #tpu.memory_space<hbm>>
      %dma_wait3A_143 = arith.constant 0 : i32
      %dma_wait3A_144 = tpu.memref_slice %arg3[%arg1, %multiple_of3A_38, %dma_wait3A_143] : memref<16x320x128xi32, #tpu.memory_space<hbm>> -> memref<1x8x128xi32, #tpu.memory_space<hbm>>
      %dma_wait3A_145 = tpu.memref_squeeze %dma_wait3A_144 : memref<1x8x128xi32, #tpu.memory_space<hbm>> -> memref<8x128xi32, #tpu.memory_space<hbm>>
      tpu.wait_dma2 semaphore(%run_scoped3A : memref<!tpu.dma_semaphore, #tpu.memory_space<semaphore_mem>>) src(%dma_wait3A_145 : memref<8x128xi32, #tpu.memory_space<hbm>>) dst(%arg5 : memref<8x128xi32, #tpu.memory_space<vmem>>)
      tpu.yield
    }) : () -> ()
    %get3A = arith.constant 0 : i32
    %get3A_39 = arith.index_cast %get3A : i32 to index
    %get3A_40 = arith.constant 0 : index
    %get3A_41 = tpu.vector_load %arg5[%get3A_39, %get3A_40] {strides = array<i32>} : memref<8x128xi32, #tpu.memory_space<vmem>>, vector<1x16xi32>,
    %get3A_42 = vector.shape_cast %get3A_41 : vector<1x16xi32> to vector<16xi32>
    %and3A = arith.constant 65535 : i32
    %and3A_43 = vector.broadcast %and3A : i32 to vector<16xi32>
    %and3A_44 = arith.andi %get3A_42, %and3A_43 : vector<16xi32>
    %shift_right_arithmetic3A = arith.constant 16 : i32
    %shift_right_arithmetic3A_45 = vector.broadcast %shift_right_arithmetic3A : i32 to vector<16xi32>
    %shift_right_arithmetic3A_46 = arith.shrsi %get3A_42, %shift_right_arithmetic3A_45 : vector<16xi32>
    %sub3A_47 = vector.broadcast %mul3A_0 : i32 to vector<16xi32>
    %sub3A_48 = arith.subi %shift_right_arithmetic3A_46, %sub3A_47 : vector<16xi32>
    %ge3A = arith.constant 0 : i32
    %ge3A_49 = vector.broadcast %ge3A : i32 to vector<16xi32>
    %ge3A_50 = arith.cmpi sge, %sub3A_48, %ge3A_49 : vector<16xi32>
    %lt3A = arith.constant 5000 : i32
    %lt3A_51 = vector.broadcast %lt3A : i32 to vector<16xi32>
    %lt3A_52 = arith.cmpi slt, %sub3A_48, %lt3A_51 : vector<16xi32>
    %and3A_53 = arith.andi %ge3A_50, %lt3A_52 : vector<16xi1>
    %and3A_54 = arith.constant 63 : i32
    %and3A_55 = vector.broadcast %and3A_54 : i32 to vector<16xi32>
    %and3A_56 = arith.andi %shift_right_arithmetic3A_46, %and3A_55 : vector<16xi32>
    %add3A_57 = arith.constant 5000 : i32
    %add3A_58 = vector.broadcast %add3A_57 : i32 to vector<16xi32>
    %add3A_59 = arith.addi %add3A_58, %and3A_56 : vector<16xi32>
    %swap3A = arith.constant 0 : index
    %swap3A_60 = tpu.vector_load %arg6[%swap3A] {strides = array<i32>} : memref<32xi32, #tpu.memory_space<vmem>>, vector<16xi32>,
    %swap3A_61 = vector.shape_cast %swap3A_60 : vector<16xi32> to vector<16xi32>
    %swap3A_62 = vector.shape_cast %and3A_44 : vector<16xi32> to vector<16xi32>
    tpu.vector_store %arg6[%swap3A], %swap3A_62 {strides = array<i32>} : memref<32xi32, #tpu.memory_space<vmem>>, vector<16xi32>,
    %select_n3A = arith.select %and3A_53, %sub3A_48, %add3A_59 : vector<16xi1>, vector<16xi32>
    %swap3A_63 = arith.constant 0 : index
    %swap3A_64 = tpu.vector_load %arg8[%swap3A_63] {strides = array<i32>} : memref<32xi32, #tpu.memory_space<vmem>>, vector<16xi32>,
    %swap3A_65 = vector.shape_cast %swap3A_64 : vector<16xi32> to vector<16xi32>
    %swap3A_66 = vector.shape_cast %select_n3A : vector<16xi32> to vector<16xi32>
    tpu.vector_store %arg8[%swap3A_63], %swap3A_66 {strides = array<i32>} : memref<32xi32, #tpu.memory_space<vmem>>, vector<16xi32>,
    %get3A_67 = arith.constant 4 : i32
    %get3A_68 = arith.index_cast %get3A_67 : i32 to index
    %get3A_69 = arith.constant 0 : index
    %get3A_70 = tpu.vector_load %arg5[%get3A_68, %get3A_69] {strides = array<i32>} : memref<8x128xi32, #tpu.memory_space<vmem>>, vector<1x16xi32>,
    %get3A_71 = vector.shape_cast %get3A_70 : vector<1x16xi32> to vector<16xi32>
    %bitcast_convert_type3A = tpu.bitcast %get3A_71 : vector<16xi32> -> vector<16xf32>
    %swap3A_72 = arith.constant 0 : index
    %swap3A_73 = tpu.vector_load %arg10[%swap3A_72] {strides = array<i32>} : memref<32xf32, #tpu.memory_space<vmem>>, vector<16xf32>,
    %swap3A_74 = vector.shape_cast %swap3A_73 : vector<16xf32> to vector<16xf32>
    %swap3A_75 = vector.shape_cast %bitcast_convert_type3A : vector<16xf32> to vector<16xf32>
    tpu.vector_store %arg10[%swap3A_72], %swap3A_75 {strides = array<i32>} : memref<32xf32, #tpu.memory_space<vmem>>, vector<16xf32>,
    %get3A_76 = arith.constant 0 : i32
    %get3A_77 = arith.index_cast %get3A_76 : i32 to index
    %get3A_78 = arith.constant 16 : index
    %get3A_79 = tpu.vector_load %arg5[%get3A_77, %get3A_78] {strides = array<i32>} : memref<8x128xi32, #tpu.memory_space<vmem>>, vector<1x16xi32>,
    %get3A_80 = vector.shape_cast %get3A_79 : vector<1x16xi32> to vector<16xi32>
    %and3A_81 = arith.constant 65535 : i32
    %and3A_82 = vector.broadcast %and3A_81 : i32 to vector<16xi32>
    %and3A_83 = arith.andi %get3A_80, %and3A_82 : vector<16xi32>
    %shift_right_arithmetic3A_84 = arith.constant 16 : i32
    %shift_right_arithmetic3A_85 = vector.broadcast %shift_right_arithmetic3A_84 : i32 to vector<16xi32>
    %shift_right_arithmetic3A_86 = arith.shrsi %get3A_80, %shift_right_arithmetic3A_85 : vector<16xi32>
    %sub3A_87 = vector.broadcast %mul3A_0 : i32 to vector<16xi32>
    %sub3A_88 = arith.subi %shift_right_arithmetic3A_86, %sub3A_87 : vector<16xi32>
    %ge3A_89 = arith.constant 0 : i32
    %ge3A_90 = vector.broadcast %ge3A_89 : i32 to vector<16xi32>
    %ge3A_91 = arith.cmpi sge, %sub3A_88, %ge3A_90 : vector<16xi32>
    %lt3A_92 = arith.constant 5000 : i32
    %lt3A_93 = vector.broadcast %lt3A_92 : i32 to vector<16xi32>
    %lt3A_94 = arith.cmpi slt, %sub3A_88, %lt3A_93 : vector<16xi32>
    %and3A_95 = arith.andi %ge3A_91, %lt3A_94 : vector<16xi1>
    %and3A_96 = arith.constant 63 : i32
    %and3A_97 = vector.broadcast %and3A_96 : i32 to vector<16xi32>
    %and3A_98 = arith.andi %shift_right_arithmetic3A_86, %and3A_97 : vector<16xi32>
    %add3A_99 = arith.constant 5000 : i32
    %add3A_100 = vector.broadcast %add3A_99 : i32 to vector<16xi32>
    %add3A_101 = arith.addi %add3A_100, %and3A_98 : vector<16xi32>
    %swap3A_102 = arith.constant 16 : index
    %swap3A_103 = tpu.vector_load %arg6[%swap3A_102] {strides = array<i32>} : memref<32xi32, #tpu.memory_space<vmem>>, vector<16xi32>,
    %swap3A_104 = vector.shape_cast %swap3A_103 : vector<16xi32> to vector<16xi32>
    %swap3A_105 = vector.shape_cast %and3A_83 : vector<16xi32> to vector<16xi32>
    tpu.vector_store %arg6[%swap3A_102], %swap3A_105 {strides = array<i32>} : memref<32xi32, #tpu.memory_space<vmem>>, vector<16xi32>,
    %select_n3A_106 = arith.select %and3A_95, %sub3A_88, %add3A_101 : vector<16xi1>, vector<16xi32>
    %swap3A_107 = arith.constant 16 : index
    %swap3A_108 = tpu.vector_load %arg8[%swap3A_107] {strides = array<i32>} : memref<32xi32, #tpu.memory_space<vmem>>, vector<16xi32>,
    %swap3A_109 = vector.shape_cast %swap3A_108 : vector<16xi32> to vector<16xi32>
    %swap3A_110 = vector.shape_cast %select_n3A_106 : vector<16xi32> to vector<16xi32>
    tpu.vector_store %arg8[%swap3A_107], %swap3A_110 {strides = array<i32>} : memref<32xi32, #tpu.memory_space<vmem>>, vector<16xi32>,
    %get3A_111 = arith.constant 4 : i32
    %get3A_112 = arith.index_cast %get3A_111 : i32 to index
    %get3A_113 = arith.constant 16 : index
    %get3A_114 = tpu.vector_load %arg5[%get3A_112, %get3A_113] {strides = array<i32>} : memref<8x128xi32, #tpu.memory_space<vmem>>, vector<1x16xi32>,
    %get3A_115 = vector.shape_cast %get3A_114 : vector<1x16xi32> to vector<16xi32>
    %bitcast_convert_type3A_116 = tpu.bitcast %get3A_115 : vector<16xi32> -> vector<16xf32>
    %swap3A_117 = arith.constant 16 : index
    %swap3A_118 = tpu.vector_load %arg10[%swap3A_117] {strides = array<i32>} : memref<32xf32, #tpu.memory_space<vmem>>, vector<16xf32>,
    %swap3A_119 = vector.shape_cast %swap3A_118 : vector<16xf32> to vector<16xf32>
    %swap3A_120 = vector.shape_cast %bitcast_convert_type3A_116 : vector<16xf32> to vector<16xf32>
    tpu.vector_store %arg10[%swap3A_117], %swap3A_120 {strides = array<i32>} : memref<32xf32, #tpu.memory_space<vmem>>, vector<16xf32>,
    %dma_start3A = arith.constant 0 : i32
    %dma_start3A_121 = arith.constant 0 : i32
    %dma_start3A_122 = tpu.memref_slice %arg14[%dma_start3A, %dma_start3A_121] : memref<10000x128xf32, #tpu.memory_space<vmem_shared>> -> memref<10000x128xf32, #tpu.memory_space<vmem_shared>>
    tpu.enqueue_indirect_dma source(%dma_start3A_122 : memref<10000x128xf32, #tpu.memory_space<vmem_shared>>) target(%arg12 : memref<32x128xf32, #tpu.memory_space<vmem>>) offsets(%arg6 : memref<32xi32, #tpu.memory_space<vmem>>) semaphore(%arg16 : memref<!tpu.dma_semaphore, #tpu.memory_space<semaphore_mem>>)
    %scan3A_123 = arith.constant 0 : i32
    %scan3A_124 = arith.constant 0 : i32
    %scan3A_125 = arith.constant 320 : i32
    %scan3A_126 = arith.addi %scan3A_124, %scan3A_125 : i32
    %scan3A_127 = arith.constant 1 : i32
    scf.for %scan3A_135 = %scan3A_124 to %scan3A_126 step %scan3A_127  : i32 {
      %mul3A_136 = arith.constant 2 : i32
      %mul3A_137 = arith.muli %scan3A_135, %mul3A_136 : i32
      %add3A_138 = arith.constant 1 : i32
      %add3A_139 = arith.addi %mul3A_137, %add3A_138 : i32
      %jit3A = arith.constant 16 : i32
      %eq3A_140 = arith.constant 0 : i32
      %eq3A_141 = arith.cmpi eq, %jit3A, %eq3A_140 : i32
      %jit3A_142 = arith.constant 1 : i32
      %select_n3A_143 = arith.select %eq3A_141, %jit3A_142, %jit3A : i32
      %rem3A = arith.remsi %add3A_139, %select_n3A_143 : i32
      %ne3A = arith.constant 0 : i32
      %ne3A_144 = arith.cmpi ne, %rem3A, %ne3A : i32
      %lt3A_145 = arith.constant 0 : i32
      %lt3A_146 = arith.cmpi slt, %rem3A, %lt3A_145 : i32
      %lt3A_147 = arith.constant 0 : i32
      %lt3A_148 = arith.cmpi slt, %select_n3A_143, %lt3A_147 : i32
      %ne3A_149 = arith.xori %lt3A_146, %lt3A_148 : i1
      %and3A_150 = arith.andi %ne3A_149, %ne3A_144 : i1
      %add3A_151 = arith.addi %rem3A, %select_n3A_143 : i32
      %select_n3A_152 = arith.select %and3A_150, %add3A_151, %rem3A : i32
      %jit3A_153 = arith.constant 4 : i32
      %div3A = arith.divsi %select_n3A_152, %jit3A_153 : i32
      %sign3A = arith.constant 0 : i32
      %sign3A_154 = arith.cmpi sgt, %select_n3A_152, %sign3A : i32
      %sign3A_155 = arith.extui %sign3A_154 : i1 to i32
      %sign3A_156 = arith.constant 0 : i32
      %sign3A_157 = arith.cmpi slt, %select_n3A_152, %sign3A_156 : i32
      %sign3A_158 = arith.extui %sign3A_157 : i1 to i32
      %sign3A_159 = arith.subi %sign3A_155, %sign3A_158 : i32
      %sign3A_160 = arith.constant 0 : i32
      %sign3A_161 = arith.cmpi sgt, %jit3A_153, %sign3A_160 : i32
      %sign3A_162 = arith.extui %sign3A_161 : i1 to i32
      %sign3A_163 = arith.constant 0 : i32
      %sign3A_164 = arith.cmpi slt, %jit3A_153, %sign3A_163 : i32
      %sign3A_165 = arith.extui %sign3A_164 : i1 to i32
      %sign3A_166 = arith.subi %sign3A_162, %sign3A_165 : i32
      %ne3A_167 = arith.cmpi ne, %sign3A_159, %sign3A_166 : i32
      %rem3A_168 = arith.remsi %select_n3A_152, %jit3A_153 : i32
      %ne3A_169 = arith.constant 0 : i32
      %ne3A_170 = arith.cmpi ne, %rem3A_168, %ne3A_169 : i32
      %and3A_171 = arith.andi %ne3A_167, %ne3A_170 : i1
      %sub3A_172 = arith.constant 1 : i32
      %sub3A_173 = arith.subi %div3A, %sub3A_172 : i32
      %select_n3A_174 = arith.select %and3A_171, %sub3A_173, %div3A : i32
      %jit3A_175 = arith.constant 4 : i32
      %eq3A_176 = arith.constant 0 : i32
      %eq3A_177 = arith.cmpi eq, %jit3A_175, %eq3A_176 : i32
      %jit3A_178 = arith.constant 1 : i32
      %select_n3A_179 = arith.select %eq3A_177, %jit3A_178, %jit3A_175 : i32
      %rem3A_180 = arith.remsi %select_n3A_152, %select_n3A_179 : i32
      %ne3A_181 = arith.constant 0 : i32
      %ne3A_182 = arith.cmpi ne, %rem3A_180, %ne3A_181 : i32
      %lt3A_183 = arith.constant 0 : i32
      %lt3A_184 = arith.cmpi slt, %rem3A_180, %lt3A_183 : i32
      %lt3A_185 = arith.constant 0 : i32
      %lt3A_186 = arith.cmpi slt, %select_n3A_179, %lt3A_185 : i32
      %ne3A_187 = arith.xori %lt3A_184, %lt3A_186 : i1
      %and3A_188 = arith.andi %ne3A_187, %ne3A_182 : i1
      %add3A_189 = arith.addi %rem3A_180, %select_n3A_179 : i32
      %select_n3A_190 = arith.select %and3A_188, %add3A_189, %rem3A_180 : i32
      %mul3A_191 = arith.constant 32 : i32
      %mul3A_192 = arith.muli %select_n3A_190, %mul3A_191 : i32
      %add3A_193 = arith.constant 0 : i32
      %add3A_194 = arith.addi %mul3A_192, %add3A_193 : i32
      %get3A_195 = arith.index_cast %select_n3A_174 : i32 to index
      %get3A_196 = arith.index_cast %add3A_194 : i32 to index
      %get3A_197 = tpu.vector_load %arg5[%get3A_195, %get3A_196] {strides = array<i32>} : memref<8x128xi32, #tpu.memory_space<vmem>>, vector<1x16xi32>,
      %get3A_198 = vector.shape_cast %get3A_197 : vector<1x16xi32> to vector<16xi32>
      %and3A_199 = arith.constant 65535 : i32
      %and3A_200 = vector.broadcast %and3A_199 : i32 to vector<16xi32>
      %and3A_201 = arith.andi %get3A_198, %and3A_200 : vector<16xi32>
      %shift_right_arithmetic3A_202 = arith.constant 16 : i32
      %shift_right_arithmetic3A_203 = vector.broadcast %shift_right_arithmetic3A_202 : i32 to vector<16xi32>
      %shift_right_arithmetic3A_204 = arith.shrsi %get3A_198, %shift_right_arithmetic3A_203 : vector<16xi32>
      %sub3A_205 = vector.broadcast %mul3A_0 : i32 to vector<16xi32>
      %sub3A_206 = arith.subi %shift_right_arithmetic3A_204, %sub3A_205 : vector<16xi32>
      %ge3A_207 = arith.constant 0 : i32
      %ge3A_208 = vector.broadcast %ge3A_207 : i32 to vector<16xi32>
      %ge3A_209 = arith.cmpi sge, %sub3A_206, %ge3A_208 : vector<16xi32>
      %lt3A_210 = arith.constant 5000 : i32
      %lt3A_211 = vector.broadcast %lt3A_210 : i32 to vector<16xi32>
      %lt3A_212 = arith.cmpi slt, %sub3A_206, %lt3A_211 : vector<16xi32>
      %and3A_213 = arith.andi %ge3A_209, %lt3A_212 : vector<16xi1>
      %and3A_214 = arith.constant 63 : i32
      %and3A_215 = vector.broadcast %and3A_214 : i32 to vector<16xi32>
      %and3A_216 = arith.andi %shift_right_arithmetic3A_204, %and3A_215 : vector<16xi32>
      %add3A_217 = arith.constant 5000 : i32
      %add3A_218 = vector.broadcast %add3A_217 : i32 to vector<16xi32>
      %add3A_219 = arith.addi %add3A_218, %and3A_216 : vector<16xi32>
      %swap3A_220 = arith.constant 0 : index
      %swap3A_221 = tpu.vector_load %arg7[%swap3A_220] {strides = array<i32>} : memref<32xi32, #tpu.memory_space<vmem>>, vector<16xi32>,
      %swap3A_222 = vector.shape_cast %swap3A_221 : vector<16xi32> to vector<16xi32>
      %swap3A_223 = vector.shape_cast %and3A_201 : vector<16xi32> to vector<16xi32>
      tpu.vector_store %arg7[%swap3A_220], %swap3A_223 {strides = array<i32>} : memref<32xi32, #tpu.memory_space<vmem>>, vector<16xi32>,
      %select_n3A_224 = arith.select %and3A_213, %sub3A_206, %add3A_219 : vector<16xi1>, vector<16xi32>
      %swap3A_225 = arith.constant 0 : index
      %swap3A_226 = tpu.vector_load %arg9[%swap3A_225] {strides = array<i32>} : memref<32xi32, #tpu.memory_space<vmem>>, vector<16xi32>,
      %swap3A_227 = vector.shape_cast %swap3A_226 : vector<16xi32> to vector<16xi32>
      %swap3A_228 = vector.shape_cast %select_n3A_224 : vector<16xi32> to vector<16xi32>
      tpu.vector_store %arg9[%swap3A_225], %swap3A_228 {strides = array<i32>} : memref<32xi32, #tpu.memory_space<vmem>>, vector<16xi32>,
      %add3A_229 = arith.constant 4 : i32
      %add3A_230 = arith.addi %add3A_229, %select_n3A_174 : i32
      %get3A_231 = arith.index_cast %add3A_230 : i32 to index
      %get3A_232 = arith.index_cast %add3A_194 : i32 to index
      %get3A_233 = tpu.vector_load %arg5[%get3A_231, %get3A_232] {strides = array<i32>} : memref<8x128xi32, #tpu.memory_space<vmem>>, vector<1x16xi32>,
      %get3A_234 = vector.shape_cast %get3A_233 : vector<1x16xi32> to vector<16xi32>
      %bitcast_convert_type3A_235 = tpu.bitcast %get3A_234 : vector<16xi32> -> vector<16xf32>
      %swap3A_236 = arith.constant 0 : index
      %swap3A_237 = tpu.vector_load %arg11[%swap3A_236] {strides = array<i32>} : memref<32xf32, #tpu.memory_space<vmem>>, vector<16xf32>,
      %swap3A_238 = vector.shape_cast %swap3A_237 : vector<16xf32> to vector<16xf32>
      %swap3A_239 = vector.shape_cast %bitcast_convert_type3A_235 : vector<16xf32> to vector<16xf32>
      tpu.vector_store %arg11[%swap3A_236], %swap3A_239 {strides = array<i32>} : memref<32xf32, #tpu.memory_space<vmem>>, vector<16xf32>,
      %mul3A_240 = arith.constant 32 : i32
      %mul3A_241 = arith.muli %select_n3A_190, %mul3A_240 : i32
      %add3A_242 = arith.constant 16 : i32
      %add3A_243 = arith.addi %mul3A_241, %add3A_242 : i32
      %get3A_244 = arith.index_cast %select_n3A_174 : i32 to index
      %get3A_245 = arith.index_cast %add3A_243 : i32 to index
      %get3A_246 = tpu.vector_load %arg5[%get3A_244, %get3A_245] {strides = array<i32>} : memref<8x128xi32, #tpu.memory_space<vmem>>, vector<1x16xi32>,
      %get3A_247 = vector.shape_cast %get3A_246 : vector<1x16xi32> to vector<16xi32>
      %and3A_248 = arith.constant 65535 : i32
      %and3A_249 = vector.broadcast %and3A_248 : i32 to vector<16xi32>
      %and3A_250 = arith.andi %get3A_247, %and3A_249 : vector<16xi32>
      %shift_right_arithmetic3A_251 = arith.constant 16 : i32
      %shift_right_arithmetic3A_252 = vector.broadcast %shift_right_arithmetic3A_251 : i32 to vector<16xi32>
      %shift_right_arithmetic3A_253 = arith.shrsi %get3A_247, %shift_right_arithmetic3A_252 : vector<16xi32>
      %sub3A_254 = vector.broadcast %mul3A_0 : i32 to vector<16xi32>
      %sub3A_255 = arith.subi %shift_right_arithmetic3A_253, %sub3A_254 : vector<16xi32>
      %ge3A_256 = arith.constant 0 : i32
      %ge3A_257 = vector.broadcast %ge3A_256 : i32 to vector<16xi32>
      %ge3A_258 = arith.cmpi sge, %sub3A_255, %ge3A_257 : vector<16xi32>
      %lt3A_259 = arith.constant 5000 : i32
      %lt3A_260 = vector.broadcast %lt3A_259 : i32 to vector<16xi32>
      %lt3A_261 = arith.cmpi slt, %sub3A_255, %lt3A_260 : vector<16xi32>
      %and3A_262 = arith.andi %ge3A_258, %lt3A_261 : vector<16xi1>
      %and3A_263 = arith.constant 63 : i32
      %and3A_264 = vector.broadcast %and3A_263 : i32 to vector<16xi32>
      %and3A_265 = arith.andi %shift_right_arithmetic3A_253, %and3A_264 : vector<16xi32>
      %add3A_266 = arith.constant 5000 : i32
      %add3A_267 = vector.broadcast %add3A_266 : i32 to vector<16xi32>
      %add3A_268 = arith.addi %add3A_267, %and3A_265 : vector<16xi32>
      %swap3A_269 = arith.constant 16 : index
      %swap3A_270 = tpu.vector_load %arg7[%swap3A_269] {strides = array<i32>} : memref<32xi32, #tpu.memory_space<vmem>>, vector<16xi32>,
      %swap3A_271 = vector.shape_cast %swap3A_270 : vector<16xi32> to vector<16xi32>
      %swap3A_272 = vector.shape_cast %and3A_250 : vector<16xi32> to vector<16xi32>
      tpu.vector_store %arg7[%swap3A_269], %swap3A_272 {strides = array<i32>} : memref<32xi32, #tpu.memory_space<vmem>>, vector<16xi32>,
      %select_n3A_273 = arith.select %and3A_262, %sub3A_255, %add3A_268 : vector<16xi1>, vector<16xi32>
      %swap3A_274 = arith.constant 16 : index
      %swap3A_275 = tpu.vector_load %arg9[%swap3A_274] {strides = array<i32>} : memref<32xi32, #tpu.memory_space<vmem>>, vector<16xi32>,
      %swap3A_276 = vector.shape_cast %swap3A_275 : vector<16xi32> to vector<16xi32>
      %swap3A_277 = vector.shape_cast %select_n3A_273 : vector<16xi32> to vector<16xi32>
      tpu.vector_store %arg9[%swap3A_274], %swap3A_277 {strides = array<i32>} : memref<32xi32, #tpu.memory_space<vmem>>, vector<16xi32>,
      %add3A_278 = arith.constant 4 : i32
      %add3A_279 = arith.addi %add3A_278, %select_n3A_174 : i32
      %get3A_280 = arith.index_cast %add3A_279 : i32 to index
      %get3A_281 = arith.index_cast %add3A_243 : i32 to index
      %get3A_282 = tpu.vector_load %arg5[%get3A_280, %get3A_281] {strides = array<i32>} : memref<8x128xi32, #tpu.memory_space<vmem>>, vector<1x16xi32>,
      %get3A_283 = vector.shape_cast %get3A_282 : vector<1x16xi32> to vector<16xi32>
      %bitcast_convert_type3A_284 = tpu.bitcast %get3A_283 : vector<16xi32> -> vector<16xf32>
      %swap3A_285 = arith.constant 16 : index
      %swap3A_286 = tpu.vector_load %arg11[%swap3A_285] {strides = array<i32>} : memref<32xf32, #tpu.memory_space<vmem>>, vector<16xf32>,
      %swap3A_287 = vector.shape_cast %swap3A_286 : vector<16xf32> to vector<16xf32>
      %swap3A_288 = vector.shape_cast %bitcast_convert_type3A_284 : vector<16xf32> to vector<16xf32>
      tpu.vector_store %arg11[%swap3A_285], %swap3A_288 {strides = array<i32>} : memref<32xf32, #tpu.memory_space<vmem>>, vector<16xf32>,
      %dma_start3A_289 = arith.constant 0 : i32
      %dma_start3A_290 = arith.constant 0 : i32
      %dma_start3A_291 = tpu.memref_slice %arg14[%dma_start3A_289, %dma_start3A_290] : memref<10000x128xf32, #tpu.memory_space<vmem_shared>> -> memref<10000x128xf32, #tpu.memory_space<vmem_shared>>
      tpu.enqueue_indirect_dma source(%dma_start3A_291 : memref<10000x128xf32, #tpu.memory_space<vmem_shared>>) target(%arg13 : memref<32x128xf32, #tpu.memory_space<vmem>>) offsets(%arg7 : memref<32xi32, #tpu.memory_space<vmem>>) semaphore(%arg16 : memref<!tpu.dma_semaphore, #tpu.memory_space<semaphore_mem>>)
      %dma_wait3A = arith.constant 0 : i32
      %dma_wait3A_292 = arith.constant 0 : i32
      %dma_wait3A_293 = tpu.memref_slice %arg14[%dma_wait3A, %dma_wait3A_292] : memref<10000x128xf32, #tpu.memory_space<vmem_shared>> -> memref<10000x128xf32, #tpu.memory_space<vmem_shared>>
      tpu.wait_indirect_dma semaphore(%arg16 : memref<!tpu.dma_semaphore, #tpu.memory_space<semaphore_mem>>) src(%dma_wait3A_293 : memref<10000x128xf32, #tpu.memory_space<vmem_shared>>) dst(%arg12 : memref<32x128xf32, #tpu.memory_space<vmem>>)
      %scan3A_294 = arith.constant 0 : i32
      %scan3A_295 = arith.constant 0 : i32
      %scan3A_296 = arith.constant 2 : i32
      %scan3A_297 = arith.addi %scan3A_295, %scan3A_296 : i32
      %scan3A_298 = arith.constant 1 : i32
      scf.for %scan3A_314 = %scan3A_295 to %scan3A_297 step %scan3A_298  : i32 {
        %mul3A_315 = arith.constant 16 : i32
        %mul3A_316 = arith.muli %scan3A_314, %mul3A_315 : i32
        %get3A_317 = arith.index_cast %mul3A_316 : i32 to index
        %get3A_318 = tpu.vector_load %arg10[%get3A_317] {strides = array<i32>} : memref<32xf32, #tpu.memory_space<vmem>>, vector<16xf32>,
        %get3A_319 = vector.shape_cast %get3A_318 : vector<16xf32> to vector<16xf32>
        %broadcast_in_dim3A_320 = arith.constant 0 : i32
        %broadcast_in_dim3A_321 = vector.broadcast %broadcast_in_dim3A_320 : i32 to vector<16x1xi32>
        %gather3A = vector.shape_cast %broadcast_in_dim3A_321 : vector<16x1xi32> to vector<16xi32>
        %gather3A_322 = tpu.dynamic_gather %get3A_319[%gather3A] in [0] : vector<16xf32>, vector<16xi32> -> vector<16xf32>
        %mul3A_323 = arith.constant 16 : i32
        %mul3A_324 = arith.muli %scan3A_314, %mul3A_323 : i32
        %add3A_325 = arith.constant 0 : i32
        %add3A_326 = arith.addi %mul3A_324, %add3A_325 : i32
        %get3A_327 = arith.index_cast %add3A_326 : i32 to index
        %get3A_328 = arith.constant 0 : index
        %get3A_329 = tpu.vector_load %arg12[%get3A_327, %get3A_328] {strides = array<i32>} : memref<32x128xf32, #tpu.memory_space<vmem>>, vector<1x16xf32>,
        %get3A_330 = vector.shape_cast %get3A_329 : vector<1x16xf32> to vector<16xf32>
        %mul3A_331 = arith.mulf %get3A_330, %gather3A_322 : vector<16xf32>
        %swap3A_332 = arith.index_cast %add3A_326 : i32 to index
        %swap3A_333 = arith.constant 0 : index
        %swap3A_334 = tpu.vector_load %arg12[%swap3A_332, %swap3A_333] {strides = array<i32>} : memref<32x128xf32, #tpu.memory_space<vmem>>, vector<1x16xf32>,
        %swap3A_335 = vector.shape_cast %swap3A_334 : vector<1x16xf32> to vector<16xf32>
        %swap3A_336 = vector.shape_cast %mul3A_331 : vector<16xf32> to vector<1x16xf32>
        tpu.vector_store %arg12[%swap3A_332, %swap3A_333], %swap3A_336 {strides = array<i32>} : memref<32x128xf32, #tpu.memory_space<vmem>>, vector<1x16xf32>,
        %get3A_337 = arith.index_cast %add3A_326 : i32 to index
        %get3A_338 = arith.constant 16 : index
        %get3A_339 = tpu.vector_load %arg12[%get3A_337, %get3A_338] {strides = array<i32>} : memref<32x128xf32, #tpu.memory_space<vmem>>, vector<1x16xf32>,
        %get3A_340 = vector.shape_cast %get3A_339 : vector<1x16xf32> to vector<16xf32>
        %mul3A_341 = arith.mulf %get3A_340, %gather3A_322 : vector<16xf32>
        %swap3A_342 = arith.index_cast %add3A_326 : i32 to index
        %swap3A_343 = arith.constant 16 : index
        %swap3A_344 = tpu.vector_load %arg12[%swap3A_342, %swap3A_343] {strides = array<i32>} : memref<32x128xf32, #tpu.memory_space<vmem>>, vector<1x16xf32>,
        %swap3A_345 = vector.shape_cast %swap3A_344 : vector<1x16xf32> to vector<16xf32>
        %swap3A_346 = vector.shape_cast %mul3A_341 : vector<16xf32> to vector<1x16xf32>
        tpu.vector_store %arg12[%swap3A_342, %swap3A_343], %swap3A_346 {strides = array<i32>} : memref<32x128xf32, #tpu.memory_space<vmem>>, vector<1x16xf32>,
        %get3A_347 = arith.index_cast %add3A_326 : i32 to index
        %get3A_348 = arith.constant 32 : index
        %get3A_349 = tpu.vector_load %arg12[%get3A_347, %get3A_348] {strides = array<i32>} : memref<32x128xf32, #tpu.memory_space<vmem>>, vector<1x16xf32>,
        %get3A_350 = vector.shape_cast %get3A_349 : vector<1x16xf32> to vector<16xf32>
        %mul3A_351 = arith.mulf %get3A_350, %gather3A_322 : vector<16xf32>
        %swap3A_352 = arith.index_cast %add3A_326 : i32 to index
        %swap3A_353 = arith.constant 32 : index
        %swap3A_354 = tpu.vector_load %arg12[%swap3A_352, %swap3A_353] {strides = array<i32>} : memref<32x128xf32, #tpu.memory_space<vmem>>, vector<1x16xf32>,
        %swap3A_355 = vector.shape_cast %swap3A_354 : vector<1x16xf32> to vector<16xf32>
        %swap3A_356 = vector.shape_cast %mul3A_351 : vector<16xf32> to vector<1x16xf32>
        tpu.vector_store %arg12[%swap3A_352, %swap3A_353], %swap3A_356 {strides = array<i32>} : memref<32x128xf32, #tpu.memory_space<vmem>>, vector<1x16xf32>,
        %get3A_357 = arith.index_cast %add3A_326 : i32 to index
        %get3A_358 = arith.constant 48 : index
        %get3A_359 = tpu.vector_load %arg12[%get3A_357, %get3A_358] {strides = array<i32>} : memref<32x128xf32, #tpu.memory_space<vmem>>, vector<1x16xf32>,
        %get3A_360 = vector.shape_cast %get3A_359 : vector<1x16xf32> to vector<16xf32>
        %mul3A_361 = arith.mulf %get3A_360, %gather3A_322 : vector<16xf32>
        %swap3A_362 = arith.index_cast %add3A_326 : i32 to index
        %swap3A_363 = arith.constant 48 : index
        %swap3A_364 = tpu.vector_load %arg12[%swap3A_362, %swap3A_363] {strides = array<i32>} : memref<32x128xf32, #tpu.memory_space<vmem>>, vector<1x16xf32>,
        %swap3A_365 = vector.shape_cast %swap3A_364 : vector<1x16xf32> to vector<16xf32>
        %swap3A_366 = vector.shape_cast %mul3A_361 : vector<16xf32> to vector<1x16xf32>
        tpu.vector_store %arg12[%swap3A_362, %swap3A_363], %swap3A_366 {strides = array<i32>} : memref<32x128xf32, #tpu.memory_space<vmem>>, vector<1x16xf32>,
        %get3A_367 = arith.index_cast %add3A_326 : i32 to index
        %get3A_368 = arith.constant 64 : index
        %get3A_369 = tpu.vector_load %arg12[%get3A_367, %get3A_368] {strides = array<i32>} : memref<32x128xf32, #tpu.memory_space<vmem>>, vector<1x16xf32>,
        %get3A_370 = vector.shape_cast %get3A_369 : vector<1x16xf32> to vector<16xf32>
        %mul3A_371 = arith.mulf %get3A_370, %gather3A_322 : vector<16xf32>
        %swap3A_372 = arith.index_cast %add3A_326 : i32 to index
        %swap3A_373 = arith.constant 64 : index
        %swap3A_374 = tpu.vector_load %arg12[%swap3A_372, %swap3A_373] {strides = array<i32>} : memref<32x128xf32, #tpu.memory_space<vmem>>, vector<1x16xf32>,
        %swap3A_375 = vector.shape_cast %swap3A_374 : vector<1x16xf32> to vector<16xf32>
        %swap3A_376 = vector.shape_cast %mul3A_371 : vector<16xf32> to vector<1x16xf32>
        tpu.vector_store %arg12[%swap3A_372, %swap3A_373], %swap3A_376 {strides = array<i32>} : memref<32x128xf32, #tpu.memory_space<vmem>>, vector<1x16xf32>,
        %get3A_377 = arith.index_cast %add3A_326 : i32 to index
        %get3A_378 = arith.constant 80 : index
        %get3A_379 = tpu.vector_load %arg12[%get3A_377, %get3A_378] {strides = array<i32>} : memref<32x128xf32, #tpu.memory_space<vmem>>, vector<1x16xf32>,
        %get3A_380 = vector.shape_cast %get3A_379 : vector<1x16xf32> to vector<16xf32>
        %mul3A_381 = arith.mulf %get3A_380, %gather3A_322 : vector<16xf32>
        %swap3A_382 = arith.index_cast %add3A_326 : i32 to index
        %swap3A_383 = arith.constant 80 : index
        %swap3A_384 = tpu.vector_load %arg12[%swap3A_382, %swap3A_383] {strides = array<i32>} : memref<32x128xf32, #tpu.memory_space<vmem>>, vector<1x16xf32>,
        %swap3A_385 = vector.shape_cast %swap3A_384 : vector<1x16xf32> to vector<16xf32>
        %swap3A_386 = vector.shape_cast %mul3A_381 : vector<16xf32> to vector<1x16xf32>
        tpu.vector_store %arg12[%swap3A_382, %swap3A_383], %swap3A_386 {strides = array<i32>} : memref<32x128xf32, #tpu.memory_space<vmem>>, vector<1x16xf32>,
        %get3A_387 = arith.index_cast %add3A_326 : i32 to index
        %get3A_388 = arith.constant 96 : index
        %get3A_389 = tpu.vector_load %arg12[%get3A_387, %get3A_388] {strides = array<i32>} : memref<32x128xf32, #tpu.memory_space<vmem>>, vector<1x16xf32>,
        %get3A_390 = vector.shape_cast %get3A_389 : vector<1x16xf32> to vector<16xf32>
        %mul3A_391 = arith.mulf %get3A_390, %gather3A_322 : vector<16xf32>
        %swap3A_392 = arith.index_cast %add3A_326 : i32 to index
        %swap3A_393 = arith.constant 96 : index
        %swap3A_394 = tpu.vector_load %arg12[%swap3A_392, %swap3A_393] {strides = array<i32>} : memref<32x128xf32, #tpu.memory_space<vmem>>, vector<1x16xf32>,
        %swap3A_395 = vector.shape_cast %swap3A_394 : vector<1x16xf32> to vector<16xf32>
        %swap3A_396 = vector.shape_cast %mul3A_391 : vector<16xf32> to vector<1x16xf32>
        tpu.vector_store %arg12[%swap3A_392, %swap3A_393], %swap3A_396 {strides = array<i32>} : memref<32x128xf32, #tpu.memory_space<vmem>>, vector<1x16xf32>,
        %get3A_397 = arith.index_cast %add3A_326 : i32 to index
        %get3A_398 = arith.constant 112 : index
        %get3A_399 = tpu.vector_load %arg12[%get3A_397, %get3A_398] {strides = array<i32>} : memref<32x128xf32, #tpu.memory_space<vmem>>, vector<1x16xf32>,
        %get3A_400 = vector.shape_cast %get3A_399 : vector<1x16xf32> to vector<16xf32>
        %mul3A_401 = arith.mulf %get3A_400, %gather3A_322 : vector<16xf32>
        %swap3A_402 = arith.index_cast %add3A_326 : i32 to index
        %swap3A_403 = arith.constant 112 : index
        %swap3A_404 = tpu.vector_load %arg12[%swap3A_402, %swap3A_403] {strides = array<i32>} : memref<32x128xf32, #tpu.memory_space<vmem>>, vector<1x16xf32>,
        %swap3A_405 = vector.shape_cast %swap3A_404 : vector<1x16xf32> to vector<16xf32>
        %swap3A_406 = vector.shape_cast %mul3A_401 : vector<16xf32> to vector<1x16xf32>
        tpu.vector_store %arg12[%swap3A_402, %swap3A_403], %swap3A_406 {strides = array<i32>} : memref<32x128xf32, #tpu.memory_space<vmem>>, vector<1x16xf32>,
        %broadcast_in_dim3A_407 = arith.constant 1 : i32
        %broadcast_in_dim3A_408 = vector.broadcast %broadcast_in_dim3A_407 : i32 to vector<16x1xi32>
        %gather3A_409 = vector.shape_cast %broadcast_in_dim3A_408 : vector<16x1xi32> to vector<16xi32>
        %gather3A_410 = tpu.dynamic_gather %get3A_319[%gather3A_409] in [0] : vector<16xf32>, vector<16xi32> -> vector<16xf32>
        %mul3A_411 = arith.constant 16 : i32
        %mul3A_412 = arith.muli %scan3A_314, %mul3A_411 : i32
        %add3A_413 = arith.constant 1 : i32
        %add3A_414 = arith.addi %mul3A_412, %add3A_413 : i32
        %get3A_415 = arith.index_cast %add3A_414 : i32 to index
        %get3A_416 = arith.constant 0 : index
        %get3A_417 = tpu.vector_load %arg12[%get3A_415, %get3A_416] {strides = array<i32>} : memref<32x128xf32, #tpu.memory_space<vmem>>, vector<1x16xf32>,
        %get3A_418 = vector.shape_cast %get3A_417 : vector<1x16xf32> to vector<16xf32>
        %mul3A_419 = arith.mulf %get3A_418, %gather3A_410 : vector<16xf32>
        %swap3A_420 = arith.index_cast %add3A_414 : i32 to index
        %swap3A_421 = arith.constant 0 : index
        %swap3A_422 = tpu.vector_load %arg12[%swap3A_420, %swap3A_421] {strides = array<i32>} : memref<32x128xf32, #tpu.memory_space<vmem>>, vector<1x16xf32>,
        %swap3A_423 = vector.shape_cast %swap3A_422 : vector<1x16xf32> to vector<16xf32>
        %swap3A_424 = vector.shape_cast %mul3A_419 : vector<16xf32> to vector<1x16xf32>
        tpu.vector_store %arg12[%swap3A_420, %swap3A_421], %swap3A_424 {strides = array<i32>} : memref<32x128xf32, #tpu.memory_space<vmem>>, vector<1x16xf32>,
        %get3A_425 = arith.index_cast %add3A_414 : i32 to index
        %get3A_426 = arith.constant 16 : index
        %get3A_427 = tpu.vector_load %arg12[%get3A_425, %get3A_426] {strides = array<i32>} : memref<32x128xf32, #tpu.memory_space<vmem>>, vector<1x16xf32>,
        %get3A_428 = vector.shape_cast %get3A_427 : vector<1x16xf32> to vector<16xf32>
        %mul3A_429 = arith.mulf %get3A_428, %gather3A_410 : vector<16xf32>
        %swap3A_430 = arith.index_cast %add3A_414 : i32 to index
        %swap3A_431 = arith.constant 16 : index
        %swap3A_432 = tpu.vector_load %arg12[%swap3A_430, %swap3A_431] {strides = array<i32>} : memref<32x128xf32, #tpu.memory_space<vmem>>, vector<1x16xf32>,
        %swap3A_433 = vector.shape_cast %swap3A_432 : vector<1x16xf32> to vector<16xf32>
        %swap3A_434 = vector.shape_cast %mul3A_429 : vector<16xf32> to vector<1x16xf32>
        tpu.vector_store %arg12[%swap3A_430, %swap3A_431], %swap3A_434 {strides = array<i32>} : memref<32x128xf32, #tpu.memory_space<vmem>>, vector<1x16xf32>,
        %get3A_435 = arith.index_cast %add3A_414 : i32 to index
        %get3A_436 = arith.constant 32 : index
        %get3A_437 = tpu.vector_load %arg12[%get3A_435, %get3A_436] {strides = array<i32>} : memref<32x128xf32, #tpu.memory_space<vmem>>, vector<1x16xf32>,
        %get3A_438 = vector.shape_cast %get3A_437 : vector<1x16xf32> to vector<16xf32>
        %mul3A_439 = arith.mulf %get3A_438, %gather3A_410 : vector<16xf32>
        %swap3A_440 = arith.index_cast %add3A_414 : i32 to index
        %swap3A_441 = arith.constant 32 : index
        %swap3A_442 = tpu.vector_load %arg12[%swap3A_440, %swap3A_441] {strides = array<i32>} : memref<32x128xf32, #tpu.memory_space<vmem>>, vector<1x16xf32>,
        %swap3A_443 = vector.shape_cast %swap3A_442 : vector<1x16xf32> to vector<16xf32>
        %swap3A_444 = vector.shape_cast %mul3A_439 : vector<16xf32> to vector<1x16xf32>
        tpu.vector_store %arg12[%swap3A_440, %swap3A_441], %swap3A_444 {strides = array<i32>} : memref<32x128xf32, #tpu.memory_space<vmem>>, vector<1x16xf32>,
        %get3A_445 = arith.index_cast %add3A_414 : i32 to index
        %get3A_446 = arith.constant 48 : index
        %get3A_447 = tpu.vector_load %arg12[%get3A_445, %get3A_446] {strides = array<i32>} : memref<32x128xf32, #tpu.memory_space<vmem>>, vector<1x16xf32>,
        %get3A_448 = vector.shape_cast %get3A_447 : vector<1x16xf32> to vector<16xf32>
        %mul3A_449 = arith.mulf %get3A_448, %gather3A_410 : vector<16xf32>
        %swap3A_450 = arith.index_cast %add3A_414 : i32 to index
        %swap3A_451 = arith.constant 48 : index
        %swap3A_452 = tpu.vector_load %arg12[%swap3A_450, %swap3A_451] {strides = array<i32>} : memref<32x128xf32, #tpu.memory_space<vmem>>, vector<1x16xf32>,
        %swap3A_453 = vector.shape_cast %swap3A_452 : vector<1x16xf32> to vector<16xf32>
        %swap3A_454 = vector.shape_cast %mul3A_449 : vector<16xf32> to vector<1x16xf32>
        tpu.vector_store %arg12[%swap3A_450, %swap3A_451], %swap3A_454 {strides = array<i32>} : memref<32x128xf32, #tpu.memory_space<vmem>>, vector<1x16xf32>,
        %get3A_455 = arith.index_cast %add3A_414 : i32 to index
        %get3A_456 = arith.constant 64 : index
        %get3A_457 = tpu.vector_load %arg12[%get3A_455, %get3A_456] {strides = array<i32>} : memref<32x128xf32, #tpu.memory_space<vmem>>, vector<1x16xf32>,
        %get3A_458 = vector.shape_cast %get3A_457 : vector<1x16xf32> to vector<16xf32>
        %mul3A_459 = arith.mulf %get3A_458, %gather3A_410 : vector<16xf32>
        %swap3A_460 = arith.index_cast %add3A_414 : i32 to index
        %swap3A_461 = arith.constant 64 : index
        %swap3A_462 = tpu.vector_load %arg12[%swap3A_460, %swap3A_461] {strides = array<i32>} : memref<32x128xf32, #tpu.memory_space<vmem>>, vector<1x16xf32>,
        %swap3A_463 = vector.shape_cast %swap3A_462 : vector<1x16xf32> to vector<16xf32>
        %swap3A_464 = vector.shape_cast %mul3A_459 : vector<16xf32> to vector<1x16xf32>
        tpu.vector_store %arg12[%swap3A_460, %swap3A_461], %swap3A_464 {strides = array<i32>} : memref<32x128xf32, #tpu.memory_space<vmem>>, vector<1x16xf32>,
        %get3A_465 = arith.index_cast %add3A_414 : i32 to index
        %get3A_466 = arith.constant 80 : index
        %get3A_467 = tpu.vector_load %arg12[%get3A_465, %get3A_466] {strides = array<i32>} : memref<32x128xf32, #tpu.memory_space<vmem>>, vector<1x16xf32>,
        %get3A_468 = vector.shape_cast %get3A_467 : vector<1x16xf32> to vector<16xf32>
        %mul3A_469 = arith.mulf %get3A_468, %gather3A_410 : vector<16xf32>
        %swap3A_470 = arith.index_cast %add3A_414 : i32 to index
        %swap3A_471 = arith.constant 80 : index
        %swap3A_472 = tpu.vector_load %arg12[%swap3A_470, %swap3A_471] {strides = array<i32>} : memref<32x128xf32, #tpu.memory_space<vmem>>, vector<1x16xf32>,
        %swap3A_473 = vector.shape_cast %swap3A_472 : vector<1x16xf32> to vector<16xf32>
        %swap3A_474 = vector.shape_cast %mul3A_469 : vector<16xf32> to vector<1x16xf32>
        tpu.vector_store %arg12[%swap3A_470, %swap3A_471], %swap3A_474 {strides = array<i32>} : memref<32x128xf32, #tpu.memory_space<vmem>>, vector<1x16xf32>,
        %get3A_475 = arith.index_cast %add3A_414 : i32 to index
        %get3A_476 = arith.constant 96 : index
        %get3A_477 = tpu.vector_load %arg12[%get3A_475, %get3A_476] {strides = array<i32>} : memref<32x128xf32, #tpu.memory_space<vmem>>, vector<1x16xf32>,
        %get3A_478 = vector.shape_cast %get3A_477 : vector<1x16xf32> to vector<16xf32>
        %mul3A_479 = arith.mulf %get3A_478, %gather3A_410 : vector<16xf32>
        %swap3A_480 = arith.index_cast %add3A_414 : i32 to index
        %swap3A_481 = arith.constant 96 : index
        %swap3A_482 = tpu.vector_load %arg12[%swap3A_480, %swap3A_481] {strides = array<i32>} : memref<32x128xf32, #tpu.memory_space<vmem>>, vector<1x16xf32>,
        %swap3A_483 = vector.shape_cast %swap3A_482 : vector<1x16xf32> to vector<16xf32>
        %swap3A_484 = vector.shape_cast %mul3A_479 : vector<16xf32> to vector<1x16xf32>
        tpu.vector_store %arg12[%swap3A_480, %swap3A_481], %swap3A_484 {strides = array<i32>} : memref<32x128xf32, #tpu.memory_space<vmem>>, vector<1x16xf32>,
        %get3A_485 = arith.index_cast %add3A_414 : i32 to index
        %get3A_486 = arith.constant 112 : index
        %get3A_487 = tpu.vector_load %arg12[%get3A_485, %get3A_486] {strides = array<i32>} : memref<32x128xf32, #tpu.memory_space<vmem>>, vector<1x16xf32>,
        %get3A_488 = vector.shape_cast %get3A_487 : vector<1x16xf32> to vector<16xf32>
        %mul3A_489 = arith.mulf %get3A_488, %gather3A_410 : vector<16xf32>
        %swap3A_490 = arith.index_cast %add3A_414 : i32 to index
        %swap3A_491 = arith.constant 112 : index
        %swap3A_492 = tpu.vector_load %arg12[%swap3A_490, %swap3A_491] {strides = array<i32>} : memref<32x128xf32, #tpu.memory_space<vmem>>, vector<1x16xf32>,
        %swap3A_493 = vector.shape_cast %swap3A_492 : vector<1x16xf32> to vector<16xf32>
        %swap3A_494 = vector.shape_cast %mul3A_489 : vector<16xf32> to vector<1x16xf32>
        tpu.vector_store %arg12[%swap3A_490, %swap3A_491], %swap3A_494 {strides = array<i32>} : memref<32x128xf32, #tpu.memory_space<vmem>>, vector<1x16xf32>,
        %broadcast_in_dim3A_495 = arith.constant 2 : i32
        %broadcast_in_dim3A_496 = vector.broadcast %broadcast_in_dim3A_495 : i32 to vector<16x1xi32>
        %gather3A_497 = vector.shape_cast %broadcast_in_dim3A_496 : vector<16x1xi32> to vector<16xi32>
        %gather3A_498 = tpu.dynamic_gather %get3A_319[%gather3A_497] in [0] : vector<16xf32>, vector<16xi32> -> vector<16xf32>
        %mul3A_499 = arith.constant 16 : i32
        %mul3A_500 = arith.muli %scan3A_314, %mul3A_499 : i32
        %add3A_501 = arith.constant 2 : i32
        %add3A_502 = arith.addi %mul3A_500, %add3A_501 : i32
        %get3A_503 = arith.index_cast %add3A_502 : i32 to index
        %get3A_504 = arith.constant 0 : index
        %get3A_505 = tpu.vector_load %arg12[%get3A_503, %get3A_504] {strides = array<i32>} : memref<32x128xf32, #tpu.memory_space<vmem>>, vector<1x16xf32>,
        %get3A_506 = vector.shape_cast %get3A_505 : vector<1x16xf32> to vector<16xf32>
        %mul3A_507 = arith.mulf %get3A_506, %gather3A_498 : vector<16xf32>
        %swap3A_508 = arith.index_cast %add3A_502 : i32 to index
        %swap3A_509 = arith.constant 0 : index
        %swap3A_510 = tpu.vector_load %arg12[%swap3A_508, %swap3A_509] {strides = array<i32>} : memref<32x128xf32, #tpu.memory_space<vmem>>, vector<1x16xf32>,
        %swap3A_511 = vector.shape_cast %swap3A_510 : vector<1x16xf32> to vector<16xf32>
        %swap3A_512 = vector.shape_cast %mul3A_507 : vector<16xf32> to vector<1x16xf32>
        tpu.vector_store %arg12[%swap3A_508, %swap3A_509], %swap3A_512 {strides = array<i32>} : memref<32x128xf32, #tpu.memory_space<vmem>>, vector<1x16xf32>,
        %get3A_513 = arith.index_cast %add3A_502 : i32 to index
        %get3A_514 = arith.constant 16 : index
        %get3A_515 = tpu.vector_load %arg12[%get3A_513, %get3A_514] {strides = array<i32>} : memref<32x128xf32, #tpu.memory_space<vmem>>, vector<1x16xf32>,
        %get3A_516 = vector.shape_cast %get3A_515 : vector<1x16xf32> to vector<16xf32>
        %mul3A_517 = arith.mulf %get3A_516, %gather3A_498 : vector<16xf32>
        %swap3A_518 = arith.index_cast %add3A_502 : i32 to index
        %swap3A_519 = arith.constant 16 : index
        %swap3A_520 = tpu.vector_load %arg12[%swap3A_518, %swap3A_519] {strides = array<i32>} : memref<32x128xf32, #tpu.memory_space<vmem>>, vector<1x16xf32>,
        %swap3A_521 = vector.shape_cast %swap3A_520 : vector<1x16xf32> to vector<16xf32>
        %swap3A_522 = vector.shape_cast %mul3A_517 : vector<16xf32> to vector<1x16xf32>
        tpu.vector_store %arg12[%swap3A_518, %swap3A_519], %swap3A_522 {strides = array<i32>} : memref<32x128xf32, #tpu.memory_space<vmem>>, vector<1x16xf32>,
        %get3A_523 = arith.index_cast %add3A_502 : i32 to index
        %get3A_524 = arith.constant 32 : index
        %get3A_525 = tpu.vector_load %arg12[%get3A_523, %get3A_524] {strides = array<i32>} : memref<32x128xf32, #tpu.memory_space<vmem>>, vector<1x16xf32>,
        %get3A_526 = vector.shape_cast %get3A_525 : vector<1x16xf32> to vector<16xf32>
        %mul3A_527 = arith.mulf %get3A_526, %gather3A_498 : vector<16xf32>
        %swap3A_528 = arith.index_cast %add3A_502 : i32 to index
        %swap3A_529 = arith.constant 32 : index
        %swap3A_530 = tpu.vector_load %arg12[%swap3A_528, %swap3A_529] {strides = array<i32>} : memref<32x128xf32, #tpu.memory_space<vmem>>, vector<1x16xf32>,
        %swap3A_531 = vector.shape_cast %swap3A_530 : vector<1x16xf32> to vector<16xf32>
        %swap3A_532 = vector.shape_cast %mul3A_527 : vector<16xf32> to vector<1x16xf32>
        tpu.vector_store %arg12[%swap3A_528, %swap3A_529], %swap3A_532 {strides = array<i32>} : memref<32x128xf32, #tpu.memory_space<vmem>>, vector<1x16xf32>,
        %get3A_533 = arith.index_cast %add3A_502 : i32 to index
        %get3A_534 = arith.constant 48 : index
        %get3A_535 = tpu.vector_load %arg12[%get3A_533, %get3A_534] {strides = array<i32>} : memref<32x128xf32, #tpu.memory_space<vmem>>, vector<1x16xf32>,
        %get3A_536 = vector.shape_cast %get3A_535 : vector<1x16xf32> to vector<16xf32>
        %mul3A_537 = arith.mulf %get3A_536, %gather3A_498 : vector<16xf32>
        %swap3A_538 = arith.index_cast %add3A_502 : i32 to index
        %swap3A_539 = arith.constant 48 : index
        %swap3A_540 = tpu.vector_load %arg12[%swap3A_538, %swap3A_539] {strides = array<i32>} : memref<32x128xf32, #tpu.memory_space<vmem>>, vector<1x16xf32>,
        %swap3A_541 = vector.shape_cast %swap3A_540 : vector<1x16xf32> to vector<16xf32>
        %swap3A_542 = vector.shape_cast %mul3A_537 : vector<16xf32> to vector<1x16xf32>
        tpu.vector_store %arg12[%swap3A_538, %swap3A_539], %swap3A_542 {strides = array<i32>} : memref<32x128xf32, #tpu.memory_space<vmem>>, vector<1x16xf32>,
        %get3A_543 = arith.index_cast %add3A_502 : i32 to index
        %get3A_544 = arith.constant 64 : index
        %get3A_545 = tpu.vector_load %arg12[%get3A_543, %get3A_544] {strides = array<i32>} : memref<32x128xf32, #tpu.memory_space<vmem>>, vector<1x16xf32>,
        %get3A_546 = vector.shape_cast %get3A_545 : vector<1x16xf32> to vector<16xf32>
        %mul3A_547 = arith.mulf %get3A_546, %gather3A_498 : vector<16xf32>
        %swap3A_548 = arith.index_cast %add3A_502 : i32 to index
        %swap3A_549 = arith.constant 64 : index
        %swap3A_550 = tpu.vector_load %arg12[%swap3A_548, %swap3A_549] {strides = array<i32>} : memref<32x128xf32, #tpu.memory_space<vmem>>, vector<1x16xf32>,
        %swap3A_551 = vector.shape_cast %swap3A_550 : vector<1x16xf32> to vector<16xf32>
        %swap3A_552 = vector.shape_cast %mul3A_547 : vector<16xf32> to vector<1x16xf32>
        tpu.vector_store %arg12[%swap3A_548, %swap3A_549], %swap3A_552 {strides = array<i32>} : memref<32x128xf32, #tpu.memory_space<vmem>>, vector<1x16xf32>,
        %get3A_553 = arith.index_cast %add3A_502 : i32 to index
        %get3A_554 = arith.constant 80 : index
        %get3A_555 = tpu.vector_load %arg12[%get3A_553, %get3A_554] {strides = array<i32>} : memref<32x128xf32, #tpu.memory_space<vmem>>, vector<1x16xf32>,
        %get3A_556 = vector.shape_cast %get3A_555 : vector<1x16xf32> to vector<16xf32>
        %mul3A_557 = arith.mulf %get3A_556, %gather3A_498 : vector<16xf32>
        %swap3A_558 = arith.index_cast %add3A_502 : i32 to index
        %swap3A_559 = arith.constant 80 : index
        %swap3A_560 = tpu.vector_load %arg12[%swap3A_558, %swap3A_559] {strides = array<i32>} : memref<32x128xf32, #tpu.memory_space<vmem>>, vector<1x16xf32>,
        %swap3A_561 = vector.shape_cast %swap3A_560 : vector<1x16xf32> to vector<16xf32>
        %swap3A_562 = vector.shape_cast %mul3A_557 : vector<16xf32> to vector<1x16xf32>
        tpu.vector_store %arg12[%swap3A_558, %swap3A_559], %swap3A_562 {strides = array<i32>} : memref<32x128xf32, #tpu.memory_space<vmem>>, vector<1x16xf32>,
        %get3A_563 = arith.index_cast %add3A_502 : i32 to index
        %get3A_564 = arith.constant 96 : index
        %get3A_565 = tpu.vector_load %arg12[%get3A_563, %get3A_564] {strides = array<i32>} : memref<32x128xf32, #tpu.memory_space<vmem>>, vector<1x16xf32>,
        %get3A_566 = vector.shape_cast %get3A_565 : vector<1x16xf32> to vector<16xf32>
        %mul3A_567 = arith.mulf %get3A_566, %gather3A_498 : vector<16xf32>
        %swap3A_568 = arith.index_cast %add3A_502 : i32 to index
        %swap3A_569 = arith.constant 96 : index
        %swap3A_570 = tpu.vector_load %arg12[%swap3A_568, %swap3A_569] {strides = array<i32>} : memref<32x128xf32, #tpu.memory_space<vmem>>, vector<1x16xf32>,
        %swap3A_571 = vector.shape_cast %swap3A_570 : vector<1x16xf32> to vector<16xf32>
        %swap3A_572 = vector.shape_cast %mul3A_567 : vector<16xf32> to vector<1x16xf32>
        tpu.vector_store %arg12[%swap3A_568, %swap3A_569], %swap3A_572 {strides = array<i32>} : memref<32x128xf32, #tpu.memory_space<vmem>>, vector<1x16xf32>,
        %get3A_573 = arith.index_cast %add3A_502 : i32 to index
        %get3A_574 = arith.constant 112 : index
        %get3A_575 = tpu.vector_load %arg12[%get3A_573, %get3A_574] {strides = array<i32>} : memref<32x128xf32, #tpu.memory_space<vmem>>, vector<1x16xf32>,
        %get3A_576 = vector.shape_cast %get3A_575 : vector<1x16xf32> to vector<16xf32>
        %mul3A_577 = arith.mulf %get3A_576, %gather3A_498 : vector<16xf32>
        %swap3A_578 = arith.index_cast %add3A_502 : i32 to index
        %swap3A_579 = arith.constant 112 : index
        %swap3A_580 = tpu.vector_load %arg12[%swap3A_578, %swap3A_579] {strides = array<i32>} : memref<32x128xf32, #tpu.memory_space<vmem>>, vector<1x16xf32>,
        %swap3A_581 = vector.shape_cast %swap3A_580 : vector<1x16xf32> to vector<16xf32>
        %swap3A_582 = vector.shape_cast %mul3A_577 : vector<16xf32> to vector<1x16xf32>
        tpu.vector_store %arg12[%swap3A_578, %swap3A_579], %swap3A_582 {strides = array<i32>} : memref<32x128xf32, #tpu.memory_space<vmem>>, vector<1x16xf32>,
        %broadcast_in_dim3A_583 = arith.constant 3 : i32
        %broadcast_in_dim3A_584 = vector.broadcast %broadcast_in_dim3A_583 : i32 to vector<16x1xi32>
        %gather3A_585 = vector.shape_cast %broadcast_in_dim3A_584 : vector<16x1xi32> to vector<16xi32>
        %gather3A_586 = tpu.dynamic_gather %get3A_319[%gather3A_585] in [0] : vector<16xf32>, vector<16xi32> -> vector<16xf32>
        %mul3A_587 = arith.constant 16 : i32
        %mul3A_588 = arith.muli %scan3A_314, %mul3A_587 : i32
        %add3A_589 = arith.constant 3 : i32
        %add3A_590 = arith.addi %mul3A_588, %add3A_589 : i32
        %get3A_591 = arith.index_cast %add3A_590 : i32 to index
        %get3A_592 = arith.constant 0 : index
        %get3A_593 = tpu.vector_load %arg12[%get3A_591, %get3A_592] {strides = array<i32>} : memref<32x128xf32, #tpu.memory_space<vmem>>, vector<1x16xf32>,
        %get3A_594 = vector.shape_cast %get3A_593 : vector<1x16xf32> to vector<16xf32>
        %mul3A_595 = arith.mulf %get3A_594, %gather3A_586 : vector<16xf32>
        %swap3A_596 = arith.index_cast %add3A_590 : i32 to index
        %swap3A_597 = arith.constant 0 : index
        %swap3A_598 = tpu.vector_load %arg12[%swap3A_596, %swap3A_597] {strides = array<i32>} : memref<32x128xf32, #tpu.memory_space<vmem>>, vector<1x16xf32>,
        %swap3A_599 = vector.shape_cast %swap3A_598 : vector<1x16xf32> to vector<16xf32>
        %swap3A_600 = vector.shape_cast %mul3A_595 : vector<16xf32> to vector<1x16xf32>
        tpu.vector_store %arg12[%swap3A_596, %swap3A_597], %swap3A_600 {strides = array<i32>} : memref<32x128xf32, #tpu.memory_space<vmem>>, vector<1x16xf32>,
        %get3A_601 = arith.index_cast %add3A_590 : i32 to index
        %get3A_602 = arith.constant 16 : index
        %get3A_603 = tpu.vector_load %arg12[%get3A_601, %get3A_602] {strides = array<i32>} : memref<32x128xf32, #tpu.memory_space<vmem>>, vector<1x16xf32>,
        %get3A_604 = vector.shape_cast %get3A_603 : vector<1x16xf32> to vector<16xf32>
        %mul3A_605 = arith.mulf %get3A_604, %gather3A_586 : vector<16xf32>
        %swap3A_606 = arith.index_cast %add3A_590 : i32 to index
        %swap3A_607 = arith.constant 16 : index
        %swap3A_608 = tpu.vector_load %arg12[%swap3A_606, %swap3A_607] {strides = array<i32>} : memref<32x128xf32, #tpu.memory_space<vmem>>, vector<1x16xf32>,
        %swap3A_609 = vector.shape_cast %swap3A_608 : vector<1x16xf32> to vector<16xf32>
        %swap3A_610 = vector.shape_cast %mul3A_605 : vector<16xf32> to vector<1x16xf32>
        tpu.vector_store %arg12[%swap3A_606, %swap3A_607], %swap3A_610 {strides = array<i32>} : memref<32x128xf32, #tpu.memory_space<vmem>>, vector<1x16xf32>,
        %get3A_611 = arith.index_cast %add3A_590 : i32 to index
        %get3A_612 = arith.constant 32 : index
        %get3A_613 = tpu.vector_load %arg12[%get3A_611, %get3A_612] {strides = array<i32>} : memref<32x128xf32, #tpu.memory_space<vmem>>, vector<1x16xf32>,
        %get3A_614 = vector.shape_cast %get3A_613 : vector<1x16xf32> to vector<16xf32>
        %mul3A_615 = arith.mulf %get3A_614, %gather3A_586 : vector<16xf32>
        %swap3A_616 = arith.index_cast %add3A_590 : i32 to index
        %swap3A_617 = arith.constant 32 : index
        %swap3A_618 = tpu.vector_load %arg12[%swap3A_616, %swap3A_617] {strides = array<i32>} : memref<32x128xf32, #tpu.memory_space<vmem>>, vector<1x16xf32>,
        %swap3A_619 = vector.shape_cast %swap3A_618 : vector<1x16xf32> to vector<16xf32>
        %swap3A_620 = vector.shape_cast %mul3A_615 : vector<16xf32> to vector<1x16xf32>
        tpu.vector_store %arg12[%swap3A_616, %swap3A_617], %swap3A_620 {strides = array<i32>} : memref<32x128xf32, #tpu.memory_space<vmem>>, vector<1x16xf32>,
        %get3A_621 = arith.index_cast %add3A_590 : i32 to index
        %get3A_622 = arith.constant 48 : index
        %get3A_623 = tpu.vector_load %arg12[%get3A_621, %get3A_622] {strides = array<i32>} : memref<32x128xf32, #tpu.memory_space<vmem>>, vector<1x16xf32>,
        %get3A_624 = vector.shape_cast %get3A_623 : vector<1x16xf32> to vector<16xf32>
        %mul3A_625 = arith.mulf %get3A_624, %gather3A_586 : vector<16xf32>
        %swap3A_626 = arith.index_cast %add3A_590 : i32 to index
        %swap3A_627 = arith.constant 48 : index
        %swap3A_628 = tpu.vector_load %arg12[%swap3A_626, %swap3A_627] {strides = array<i32>} : memref<32x128xf32, #tpu.memory_space<vmem>>, vector<1x16xf32>,
        %swap3A_629 = vector.shape_cast %swap3A_628 : vector<1x16xf32> to vector<16xf32>
        %swap3A_630 = vector.shape_cast %mul3A_625 : vector<16xf32> to vector<1x16xf32>
        tpu.vector_store %arg12[%swap3A_626, %swap3A_627], %swap3A_630 {strides = array<i32>} : memref<32x128xf32, #tpu.memory_space<vmem>>, vector<1x16xf32>,
        %get3A_631 = arith.index_cast %add3A_590 : i32 to index
        %get3A_632 = arith.constant 64 : index
        %get3A_633 = tpu.vector_load %arg12[%get3A_631, %get3A_632] {strides = array<i32>} : memref<32x128xf32, #tpu.memory_space<vmem>>, vector<1x16xf32>,
        %get3A_634 = vector.shape_cast %get3A_633 : vector<1x16xf32> to vector<16xf32>
        %mul3A_635 = arith.mulf %get3A_634, %gather3A_586 : vector<16xf32>
        %swap3A_636 = arith.index_cast %add3A_590 : i32 to index
        %swap3A_637 = arith.constant 64 : index
        %swap3A_638 = tpu.vector_load %arg12[%swap3A_636, %swap3A_637] {strides = array<i32>} : memref<32x128xf32, #tpu.memory_space<vmem>>, vector<1x16xf32>,
        %swap3A_639 = vector.shape_cast %swap3A_638 : vector<1x16xf32> to vector<16xf32>
        %swap3A_640 = vector.shape_cast %mul3A_635 : vector<16xf32> to vector<1x16xf32>
        tpu.vector_store %arg12[%swap3A_636, %swap3A_637], %swap3A_640 {strides = array<i32>} : memref<32x128xf32, #tpu.memory_space<vmem>>, vector<1x16xf32>,
        %get3A_641 = arith.index_cast %add3A_590 : i32 to index
        %get3A_642 = arith.constant 80 : index
        %get3A_643 = tpu.vector_load %arg12[%get3A_641, %get3A_642] {strides = array<i32>} : memref<32x128xf32, #tpu.memory_space<vmem>>, vector<1x16xf32>,
        %get3A_644 = vector.shape_cast %get3A_643 : vector<1x16xf32> to vector<16xf32>
        %mul3A_645 = arith.mulf %get3A_644, %gather3A_586 : vector<16xf32>
        %swap3A_646 = arith.index_cast %add3A_590 : i32 to index
        %swap3A_647 = arith.constant 80 : index
        %swap3A_648 = tpu.vector_load %arg12[%swap3A_646, %swap3A_647] {strides = array<i32>} : memref<32x128xf32, #tpu.memory_space<vmem>>, vector<1x16xf32>,
        %swap3A_649 = vector.shape_cast %swap3A_648 : vector<1x16xf32> to vector<16xf32>
        %swap3A_650 = vector.shape_cast %mul3A_645 : vector<16xf32> to vector<1x16xf32>
        tpu.vector_store %arg12[%swap3A_646, %swap3A_647], %swap3A_650 {strides = array<i32>} : memref<32x128xf32, #tpu.memory_space<vmem>>, vector<1x16xf32>,
        %get3A_651 = arith.index_cast %add3A_590 : i32 to index
        %get3A_652 = arith.constant 96 : index
        %get3A_653 = tpu.vector_load %arg12[%get3A_651, %get3A_652] {strides = array<i32>} : memref<32x128xf32, #tpu.memory_space<vmem>>, vector<1x16xf32>,
        %get3A_654 = vector.shape_cast %get3A_653 : vector<1x16xf32> to vector<16xf32>
        %mul3A_655 = arith.mulf %get3A_654, %gather3A_586 : vector<16xf32>
        %swap3A_656 = arith.index_cast %add3A_590 : i32 to index
        %swap3A_657 = arith.constant 96 : index
        %swap3A_658 = tpu.vector_load %arg12[%swap3A_656, %swap3A_657] {strides = array<i32>} : memref<32x128xf32, #tpu.memory_space<vmem>>, vector<1x16xf32>,
        %swap3A_659 = vector.shape_cast %swap3A_658 : vector<1x16xf32> to vector<16xf32>
        %swap3A_660 = vector.shape_cast %mul3A_655 : vector<16xf32> to vector<1x16xf32>
        tpu.vector_store %arg12[%swap3A_656, %swap3A_657], %swap3A_660 {strides = array<i32>} : memref<32x128xf32, #tpu.memory_space<vmem>>, vector<1x16xf32>,
        %get3A_661 = arith.index_cast %add3A_590 : i32 to index
        %get3A_662 = arith.constant 112 : index
        %get3A_663 = tpu.vector_load %arg12[%get3A_661, %get3A_662] {strides = array<i32>} : memref<32x128xf32, #tpu.memory_space<vmem>>, vector<1x16xf32>,
        %get3A_664 = vector.shape_cast %get3A_663 : vector<1x16xf32> to vector<16xf32>
        %mul3A_665 = arith.mulf %get3A_664, %gather3A_586 : vector<16xf32>
        %swap3A_666 = arith.index_cast %add3A_590 : i32 to index
        %swap3A_667 = arith.constant 112 : index
        %swap3A_668 = tpu.vector_load %arg12[%swap3A_666, %swap3A_667] {strides = array<i32>} : memref<32x128xf32, #tpu.memory_space<vmem>>, vector<1x16xf32>,
        %swap3A_669 = vector.shape_cast %swap3A_668 : vector<1x16xf32> to vector<16xf32>
        %swap3A_670 = vector.shape_cast %mul3A_665 : vector<16xf32> to vector<1x16xf32>
        tpu.vector_store %arg12[%swap3A_666, %swap3A_667], %swap3A_670 {strides = array<i32>} : memref<32x128xf32, #tpu.memory_space<vmem>>, vector<1x16xf32>,
        %broadcast_in_dim3A_671 = arith.constant 4 : i32
        %broadcast_in_dim3A_672 = vector.broadcast %broadcast_in_dim3A_671 : i32 to vector<16x1xi32>
        %gather3A_673 = vector.shape_cast %broadcast_in_dim3A_672 : vector<16x1xi32> to vector<16xi32>
        %gather3A_674 = tpu.dynamic_gather %get3A_319[%gather3A_673] in [0] : vector<16xf32>, vector<16xi32> -> vector<16xf32>
        %mul3A_675 = arith.constant 16 : i32
        %mul3A_676 = arith.muli %scan3A_314, %mul3A_675 : i32
        %add3A_677 = arith.constant 4 : i32
        %add3A_678 = arith.addi %mul3A_676, %add3A_677 : i32
        %get3A_679 = arith.index_cast %add3A_678 : i32 to index
        %get3A_680 = arith.constant 0 : index
        %get3A_681 = tpu.vector_load %arg12[%get3A_679, %get3A_680] {strides = array<i32>} : memref<32x128xf32, #tpu.memory_space<vmem>>, vector<1x16xf32>,
        %get3A_682 = vector.shape_cast %get3A_681 : vector<1x16xf32> to vector<16xf32>
        %mul3A_683 = arith.mulf %get3A_682, %gather3A_674 : vector<16xf32>
        %swap3A_684 = arith.index_cast %add3A_678 : i32 to index
        %swap3A_685 = arith.constant 0 : index
        %swap3A_686 = tpu.vector_load %arg12[%swap3A_684, %swap3A_685] {strides = array<i32>} : memref<32x128xf32, #tpu.memory_space<vmem>>, vector<1x16xf32>,
        %swap3A_687 = vector.shape_cast %swap3A_686 : vector<1x16xf32> to vector<16xf32>
        %swap3A_688 = vector.shape_cast %mul3A_683 : vector<16xf32> to vector<1x16xf32>
        tpu.vector_store %arg12[%swap3A_684, %swap3A_685], %swap3A_688 {strides = array<i32>} : memref<32x128xf32, #tpu.memory_space<vmem>>, vector<1x16xf32>,
        %get3A_689 = arith.index_cast %add3A_678 : i32 to index
        %get3A_690 = arith.constant 16 : index
        %get3A_691 = tpu.vector_load %arg12[%get3A_689, %get3A_690] {strides = array<i32>} : memref<32x128xf32, #tpu.memory_space<vmem>>, vector<1x16xf32>,
        %get3A_692 = vector.shape_cast %get3A_691 : vector<1x16xf32> to vector<16xf32>
        %mul3A_693 = arith.mulf %get3A_692, %gather3A_674 : vector<16xf32>
        %swap3A_694 = arith.index_cast %add3A_678 : i32 to index
        %swap3A_695 = arith.constant 16 : index
        %swap3A_696 = tpu.vector_load %arg12[%swap3A_694, %swap3A_695] {strides = array<i32>} : memref<32x128xf32, #tpu.memory_space<vmem>>, vector<1x16xf32>,
        %swap3A_697 = vector.shape_cast %swap3A_696 : vector<1x16xf32> to vector<16xf32>
        %swap3A_698 = vector.shape_cast %mul3A_693 : vector<16xf32> to vector<1x16xf32>
        tpu.vector_store %arg12[%swap3A_694, %swap3A_695], %swap3A_698 {strides = array<i32>} : memref<32x128xf32, #tpu.memory_space<vmem>>, vector<1x16xf32>,
        %get3A_699 = arith.index_cast %add3A_678 : i32 to index
        %get3A_700 = arith.constant 32 : index
        %get3A_701 = tpu.vector_load %arg12[%get3A_699, %get3A_700] {strides = array<i32>} : memref<32x128xf32, #tpu.memory_space<vmem>>, vector<1x16xf32>,
        %get3A_702 = vector.shape_cast %get3A_701 : vector<1x16xf32> to vector<16xf32>
        %mul3A_703 = arith.mulf %get3A_702, %gather3A_674 : vector<16xf32>
        %swap3A_704 = arith.index_cast %add3A_678 : i32 to index
        %swap3A_705 = arith.constant 32 : index
        %swap3A_706 = tpu.vector_load %arg12[%swap3A_704, %swap3A_705] {strides = array<i32>} : memref<32x128xf32, #tpu.memory_space<vmem>>, vector<1x16xf32>,
        %swap3A_707 = vector.shape_cast %swap3A_706 : vector<1x16xf32> to vector<16xf32>
        %swap3A_708 = vector.shape_cast %mul3A_703 : vector<16xf32> to vector<1x16xf32>
        tpu.vector_store %arg12[%swap3A_704, %swap3A_705], %swap3A_708 {strides = array<i32>} : memref<32x128xf32, #tpu.memory_space<vmem>>, vector<1x16xf32>,
        %get3A_709 = arith.index_cast %add3A_678 : i32 to index
        %get3A_710 = arith.constant 48 : index
        %get3A_711 = tpu.vector_load %arg12[%get3A_709, %get3A_710] {strides = array<i32>} : memref<32x128xf32, #tpu.memory_space<vmem>>, vector<1x16xf32>,
        %get3A_712 = vector.shape_cast %get3A_711 : vector<1x16xf32> to vector<16xf32>
        %mul3A_713 = arith.mulf %get3A_712, %gather3A_674 : vector<16xf32>
        %swap3A_714 = arith.index_cast %add3A_678 : i32 to index
        %swap3A_715 = arith.constant 48 : index
        %swap3A_716 = tpu.vector_load %arg12[%swap3A_714, %swap3A_715] {strides = array<i32>} : memref<32x128xf32, #tpu.memory_space<vmem>>, vector<1x16xf32>,
        %swap3A_717 = vector.shape_cast %swap3A_716 : vector<1x16xf32> to vector<16xf32>
        %swap3A_718 = vector.shape_cast %mul3A_713 : vector<16xf32> to vector<1x16xf32>
        tpu.vector_store %arg12[%swap3A_714, %swap3A_715], %swap3A_718 {strides = array<i32>} : memref<32x128xf32, #tpu.memory_space<vmem>>, vector<1x16xf32>,
        %get3A_719 = arith.index_cast %add3A_678 : i32 to index
        %get3A_720 = arith.constant 64 : index
        %get3A_721 = tpu.vector_load %arg12[%get3A_719, %get3A_720] {strides = array<i32>} : memref<32x128xf32, #tpu.memory_space<vmem>>, vector<1x16xf32>,
        %get3A_722 = vector.shape_cast %get3A_721 : vector<1x16xf32> to vector<16xf32>
        %mul3A_723 = arith.mulf %get3A_722, %gather3A_674 : vector<16xf32>
        %swap3A_724 = arith.index_cast %add3A_678 : i32 to index
        %swap3A_725 = arith.constant 64 : index
        %swap3A_726 = tpu.vector_load %arg12[%swap3A_724, %swap3A_725] {strides = array<i32>} : memref<32x128xf32, #tpu.memory_space<vmem>>, vector<1x16xf32>,
        %swap3A_727 = vector.shape_cast %swap3A_726 : vector<1x16xf32> to vector<16xf32>
        %swap3A_728 = vector.shape_cast %mul3A_723 : vector<16xf32> to vector<1x16xf32>
        tpu.vector_store %arg12[%swap3A_724, %swap3A_725], %swap3A_728 {strides = array<i32>} : memref<32x128xf32, #tpu.memory_space<vmem>>, vector<1x16xf32>,
        %get3A_729 = arith.index_cast %add3A_678 : i32 to index
        %get3A_730 = arith.constant 80 : index
        %get3A_731 = tpu.vector_load %arg12[%get3A_729, %get3A_730] {strides = array<i32>} : memref<32x128xf32, #tpu.memory_space<vmem>>, vector<1x16xf32>,
        %get3A_732 = vector.shape_cast %get3A_731 : vector<1x16xf32> to vector<16xf32>
        %mul3A_733 = arith.mulf %get3A_732, %gather3A_674 : vector<16xf32>
        %swap3A_734 = arith.index_cast %add3A_678 : i32 to index
        %swap3A_735 = arith.constant 80 : index
        %swap3A_736 = tpu.vector_load %arg12[%swap3A_734, %swap3A_735] {strides = array<i32>} : memref<32x128xf32, #tpu.memory_space<vmem>>, vector<1x16xf32>,
        %swap3A_737 = vector.shape_cast %swap3A_736 : vector<1x16xf32> to vector<16xf32>
        %swap3A_738 = vector.shape_cast %mul3A_733 : vector<16xf32> to vector<1x16xf32>
        tpu.vector_store %arg12[%swap3A_734, %swap3A_735], %swap3A_738 {strides = array<i32>} : memref<32x128xf32, #tpu.memory_space<vmem>>, vector<1x16xf32>,
        %get3A_739 = arith.index_cast %add3A_678 : i32 to index
        %get3A_740 = arith.constant 96 : index
        %get3A_741 = tpu.vector_load %arg12[%get3A_739, %get3A_740] {strides = array<i32>} : memref<32x128xf32, #tpu.memory_space<vmem>>, vector<1x16xf32>,
        %get3A_742 = vector.shape_cast %get3A_741 : vector<1x16xf32> to vector<16xf32>
        %mul3A_743 = arith.mulf %get3A_742, %gather3A_674 : vector<16xf32>
        %swap3A_744 = arith.index_cast %add3A_678 : i32 to index
        %swap3A_745 = arith.constant 96 : index
        %swap3A_746 = tpu.vector_load %arg12[%swap3A_744, %swap3A_745] {strides = array<i32>} : memref<32x128xf32, #tpu.memory_space<vmem>>, vector<1x16xf32>,
        %swap3A_747 = vector.shape_cast %swap3A_746 : vector<1x16xf32> to vector<16xf32>
        %swap3A_748 = vector.shape_cast %mul3A_743 : vector<16xf32> to vector<1x16xf32>
        tpu.vector_store %arg12[%swap3A_744, %swap3A_745], %swap3A_748 {strides = array<i32>} : memref<32x128xf32, #tpu.memory_space<vmem>>, vector<1x16xf32>,
        %get3A_749 = arith.index_cast %add3A_678 : i32 to index
        %get3A_750 = arith.constant 112 : index
        %get3A_751 = tpu.vector_load %arg12[%get3A_749, %get3A_750] {strides = array<i32>} : memref<32x128xf32, #tpu.memory_space<vmem>>, vector<1x16xf32>,
        %get3A_752 = vector.shape_cast %get3A_751 : vector<1x16xf32> to vector<16xf32>
        %mul3A_753 = arith.mulf %get3A_752, %gather3A_674 : vector<16xf32>
        %swap3A_754 = arith.index_cast %add3A_678 : i32 to index
        %swap3A_755 = arith.constant 112 : index
        %swap3A_756 = tpu.vector_load %arg12[%swap3A_754, %swap3A_755] {strides = array<i32>} : memref<32x128xf32, #tpu.memory_space<vmem>>, vector<1x16xf32>,
        %swap3A_757 = vector.shape_cast %swap3A_756 : vector<1x16xf32> to vector<16xf32>
        %swap3A_758 = vector.shape_cast %mul3A_753 : vector<16xf32> to vector<1x16xf32>
        tpu.vector_store %arg12[%swap3A_754, %swap3A_755], %swap3A_758 {strides = array<i32>} : memref<32x128xf32, #tpu.memory_space<vmem>>, vector<1x16xf32>,
        %broadcast_in_dim3A_759 = arith.constant 5 : i32
        %broadcast_in_dim3A_760 = vector.broadcast %broadcast_in_dim3A_759 : i32 to vector<16x1xi32>
        %gather3A_761 = vector.shape_cast %broadcast_in_dim3A_760 : vector<16x1xi32> to vector<16xi32>
        %gather3A_762 = tpu.dynamic_gather %get3A_319[%gather3A_761] in [0] : vector<16xf32>, vector<16xi32> -> vector<16xf32>
        %mul3A_763 = arith.constant 16 : i32
        %mul3A_764 = arith.muli %scan3A_314, %mul3A_763 : i32
        %add3A_765 = arith.constant 5 : i32
        %add3A_766 = arith.addi %mul3A_764, %add3A_765 : i32
        %get3A_767 = arith.index_cast %add3A_766 : i32 to index
        %get3A_768 = arith.constant 0 : index
        %get3A_769 = tpu.vector_load %arg12[%get3A_767, %get3A_768] {strides = array<i32>} : memref<32x128xf32, #tpu.memory_space<vmem>>, vector<1x16xf32>,
        %get3A_770 = vector.shape_cast %get3A_769 : vector<1x16xf32> to vector<16xf32>
        %mul3A_771 = arith.mulf %get3A_770, %gather3A_762 : vector<16xf32>
        %swap3A_772 = arith.index_cast %add3A_766 : i32 to index
        %swap3A_773 = arith.constant 0 : index
        %swap3A_774 = tpu.vector_load %arg12[%swap3A_772, %swap3A_773] {strides = array<i32>} : memref<32x128xf32, #tpu.memory_space<vmem>>, vector<1x16xf32>,
        %swap3A_775 = vector.shape_cast %swap3A_774 : vector<1x16xf32> to vector<16xf32>
        %swap3A_776 = vector.shape_cast %mul3A_771 : vector<16xf32> to vector<1x16xf32>
        tpu.vector_store %arg12[%swap3A_772, %swap3A_773], %swap3A_776 {strides = array<i32>} : memref<32x128xf32, #tpu.memory_space<vmem>>, vector<1x16xf32>,
        %get3A_777 = arith.index_cast %add3A_766 : i32 to index
        %get3A_778 = arith.constant 16 : index
        %get3A_779 = tpu.vector_load %arg12[%get3A_777, %get3A_778] {strides = array<i32>} : memref<32x128xf32, #tpu.memory_space<vmem>>, vector<1x16xf32>,
        %get3A_780 = vector.shape_cast %get3A_779 : vector<1x16xf32> to vector<16xf32>
        %mul3A_781 = arith.mulf %get3A_780, %gather3A_762 : vector<16xf32>
        %swap3A_782 = arith.index_cast %add3A_766 : i32 to index
        %swap3A_783 = arith.constant 16 : index
        %swap3A_784 = tpu.vector_load %arg12[%swap3A_782, %swap3A_783] {strides = array<i32>} : memref<32x128xf32, #tpu.memory_space<vmem>>, vector<1x16xf32>,
        %swap3A_785 = vector.shape_cast %swap3A_784 : vector<1x16xf32> to vector<16xf32>
        %swap3A_786 = vector.shape_cast %mul3A_781 : vector<16xf32> to vector<1x16xf32>
        tpu.vector_store %arg12[%swap3A_782, %swap3A_783], %swap3A_786 {strides = array<i32>} : memref<32x128xf32, #tpu.memory_space<vmem>>, vector<1x16xf32>,
        %get3A_787 = arith.index_cast %add3A_766 : i32 to index
        %get3A_788 = arith.constant 32 : index
        %get3A_789 = tpu.vector_load %arg12[%get3A_787, %get3A_788] {strides = array<i32>} : memref<32x128xf32, #tpu.memory_space<vmem>>, vector<1x16xf32>,
        %get3A_790 = vector.shape_cast %get3A_789 : vector<1x16xf32> to vector<16xf32>
        %mul3A_791 = arith.mulf %get3A_790, %gather3A_762 : vector<16xf32>
        %swap3A_792 = arith.index_cast %add3A_766 : i32 to index
        %swap3A_793 = arith.constant 32 : index
        %swap3A_794 = tpu.vector_load %arg12[%swap3A_792, %swap3A_793] {strides = array<i32>} : memref<32x128xf32, #tpu.memory_space<vmem>>, vector<1x16xf32>,
        %swap3A_795 = vector.shape_cast %swap3A_794 : vector<1x16xf32> to vector<16xf32>
        %swap3A_796 = vector.shape_cast %mul3A_791 : vector<16xf32> to vector<1x16xf32>
        tpu.vector_store %arg12[%swap3A_792, %swap3A_793], %swap3A_796 {strides = array<i32>} : memref<32x128xf32, #tpu.memory_space<vmem>>, vector<1x16xf32>,
        %get3A_797 = arith.index_cast %add3A_766 : i32 to index
        %get3A_798 = arith.constant 48 : index
        %get3A_799 = tpu.vector_load %arg12[%get3A_797, %get3A_798] {strides = array<i32>} : memref<32x128xf32, #tpu.memory_space<vmem>>, vector<1x16xf32>,
        %get3A_800 = vector.shape_cast %get3A_799 : vector<1x16xf32> to vector<16xf32>
        %mul3A_801 = arith.mulf %get3A_800, %gather3A_762 : vector<16xf32>
        %swap3A_802 = arith.index_cast %add3A_766 : i32 to index
        %swap3A_803 = arith.constant 48 : index
        %swap3A_804 = tpu.vector_load %arg12[%swap3A_802, %swap3A_803] {strides = array<i32>} : memref<32x128xf32, #tpu.memory_space<vmem>>, vector<1x16xf32>,
        %swap3A_805 = vector.shape_cast %swap3A_804 : vector<1x16xf32> to vector<16xf32>
        %swap3A_806 = vector.shape_cast %mul3A_801 : vector<16xf32> to vector<1x16xf32>
        tpu.vector_store %arg12[%swap3A_802, %swap3A_803], %swap3A_806 {strides = array<i32>} : memref<32x128xf32, #tpu.memory_space<vmem>>, vector<1x16xf32>,
        %get3A_807 = arith.index_cast %add3A_766 : i32 to index
        %get3A_808 = arith.constant 64 : index
        %get3A_809 = tpu.vector_load %arg12[%get3A_807, %get3A_808] {strides = array<i32>} : memref<32x128xf32, #tpu.memory_space<vmem>>, vector<1x16xf32>,
        %get3A_810 = vector.shape_cast %get3A_809 : vector<1x16xf32> to vector<16xf32>
        %mul3A_811 = arith.mulf %get3A_810, %gather3A_762 : vector<16xf32>
        %swap3A_812 = arith.index_cast %add3A_766 : i32 to index
        %swap3A_813 = arith.constant 64 : index
        %swap3A_814 = tpu.vector_load %arg12[%swap3A_812, %swap3A_813] {strides = array<i32>} : memref<32x128xf32, #tpu.memory_space<vmem>>, vector<1x16xf32>,
        %swap3A_815 = vector.shape_cast %swap3A_814 : vector<1x16xf32> to vector<16xf32>
        %swap3A_816 = vector.shape_cast %mul3A_811 : vector<16xf32> to vector<1x16xf32>
        tpu.vector_store %arg12[%swap3A_812, %swap3A_813], %swap3A_816 {strides = array<i32>} : memref<32x128xf32, #tpu.memory_space<vmem>>, vector<1x16xf32>,
        %get3A_817 = arith.index_cast %add3A_766 : i32 to index
        %get3A_818 = arith.constant 80 : index
        %get3A_819 = tpu.vector_load %arg12[%get3A_817, %get3A_818] {strides = array<i32>} : memref<32x128xf32, #tpu.memory_space<vmem>>, vector<1x16xf32>,
        %get3A_820 = vector.shape_cast %get3A_819 : vector<1x16xf32> to vector<16xf32>
        %mul3A_821 = arith.mulf %get3A_820, %gather3A_762 : vector<16xf32>
        %swap3A_822 = arith.index_cast %add3A_766 : i32 to index
        %swap3A_823 = arith.constant 80 : index
        %swap3A_824 = tpu.vector_load %arg12[%swap3A_822, %swap3A_823] {strides = array<i32>} : memref<32x128xf32, #tpu.memory_space<vmem>>, vector<1x16xf32>,
        %swap3A_825 = vector.shape_cast %swap3A_824 : vector<1x16xf32> to vector<16xf32>
        %swap3A_826 = vector.shape_cast %mul3A_821 : vector<16xf32> to vector<1x16xf32>
        tpu.vector_store %arg12[%swap3A_822, %swap3A_823], %swap3A_826 {strides = array<i32>} : memref<32x128xf32, #tpu.memory_space<vmem>>, vector<1x16xf32>,
        %get3A_827 = arith.index_cast %add3A_766 : i32 to index
        %get3A_828 = arith.constant 96 : index
        %get3A_829 = tpu.vector_load %arg12[%get3A_827, %get3A_828] {strides = array<i32>} : memref<32x128xf32, #tpu.memory_space<vmem>>, vector<1x16xf32>,
        %get3A_830 = vector.shape_cast %get3A_829 : vector<1x16xf32> to vector<16xf32>
        %mul3A_831 = arith.mulf %get3A_830, %gather3A_762 : vector<16xf32>
        %swap3A_832 = arith.index_cast %add3A_766 : i32 to index
        %swap3A_833 = arith.constant 96 : index
        %swap3A_834 = tpu.vector_load %arg12[%swap3A_832, %swap3A_833] {strides = array<i32>} : memref<32x128xf32, #tpu.memory_space<vmem>>, vector<1x16xf32>,
        %swap3A_835 = vector.shape_cast %swap3A_834 : vector<1x16xf32> to vector<16xf32>
        %swap3A_836 = vector.shape_cast %mul3A_831 : vector<16xf32> to vector<1x16xf32>
        tpu.vector_store %arg12[%swap3A_832, %swap3A_833], %swap3A_836 {strides = array<i32>} : memref<32x128xf32, #tpu.memory_space<vmem>>, vector<1x16xf32>,
        %get3A_837 = arith.index_cast %add3A_766 : i32 to index
        %get3A_838 = arith.constant 112 : index
        %get3A_839 = tpu.vector_load %arg12[%get3A_837, %get3A_838] {strides = array<i32>} : memref<32x128xf32, #tpu.memory_space<vmem>>, vector<1x16xf32>,
        %get3A_840 = vector.shape_cast %get3A_839 : vector<1x16xf32> to vector<16xf32>
        %mul3A_841 = arith.mulf %get3A_840, %gather3A_762 : vector<16xf32>
        %swap3A_842 = arith.index_cast %add3A_766 : i32 to index
        %swap3A_843 = arith.constant 112 : index
        %swap3A_844 = tpu.vector_load %arg12[%swap3A_842, %swap3A_843] {strides = array<i32>} : memref<32x128xf32, #tpu.memory_space<vmem>>, vector<1x16xf32>,
        %swap3A_845 = vector.shape_cast %swap3A_844 : vector<1x16xf32> to vector<16xf32>
        %swap3A_846 = vector.shape_cast %mul3A_841 : vector<16xf32> to vector<1x16xf32>
        tpu.vector_store %arg12[%swap3A_842, %swap3A_843], %swap3A_846 {strides = array<i32>} : memref<32x128xf32, #tpu.memory_space<vmem>>, vector<1x16xf32>,
        %broadcast_in_dim3A_847 = arith.constant 6 : i32
        %broadcast_in_dim3A_848 = vector.broadcast %broadcast_in_dim3A_847 : i32 to vector<16x1xi32>
        %gather3A_849 = vector.shape_cast %broadcast_in_dim3A_848 : vector<16x1xi32> to vector<16xi32>
        %gather3A_850 = tpu.dynamic_gather %get3A_319[%gather3A_849] in [0] : vector<16xf32>, vector<16xi32> -> vector<16xf32>
        %mul3A_851 = arith.constant 16 : i32
        %mul3A_852 = arith.muli %scan3A_314, %mul3A_851 : i32
        %add3A_853 = arith.constant 6 : i32
        %add3A_854 = arith.addi %mul3A_852, %add3A_853 : i32
        %get3A_855 = arith.index_cast %add3A_854 : i32 to index
        %get3A_856 = arith.constant 0 : index
        %get3A_857 = tpu.vector_load %arg12[%get3A_855, %get3A_856] {strides = array<i32>} : memref<32x128xf32, #tpu.memory_space<vmem>>, vector<1x16xf32>,
        %get3A_858 = vector.shape_cast %get3A_857 : vector<1x16xf32> to vector<16xf32>
        %mul3A_859 = arith.mulf %get3A_858, %gather3A_850 : vector<16xf32>
        %swap3A_860 = arith.index_cast %add3A_854 : i32 to index
        %swap3A_861 = arith.constant 0 : index
        %swap3A_862 = tpu.vector_load %arg12[%swap3A_860, %swap3A_861] {strides = array<i32>} : memref<32x128xf32, #tpu.memory_space<vmem>>, vector<1x16xf32>,
        %swap3A_863 = vector.shape_cast %swap3A_862 : vector<1x16xf32> to vector<16xf32>
        %swap3A_864 = vector.shape_cast %mul3A_859 : vector<16xf32> to vector<1x16xf32>
        tpu.vector_store %arg12[%swap3A_860, %swap3A_861], %swap3A_864 {strides = array<i32>} : memref<32x128xf32, #tpu.memory_space<vmem>>, vector<1x16xf32>,
        %get3A_865 = arith.index_cast %add3A_854 : i32 to index
        %get3A_866 = arith.constant 16 : index
        %get3A_867 = tpu.vector_load %arg12[%get3A_865, %get3A_866] {strides = array<i32>} : memref<32x128xf32, #tpu.memory_space<vmem>>, vector<1x16xf32>,
        %get3A_868 = vector.shape_cast %get3A_867 : vector<1x16xf32> to vector<16xf32>
        %mul3A_869 = arith.mulf %get3A_868, %gather3A_850 : vector<16xf32>
        %swap3A_870 = arith.index_cast %add3A_854 : i32 to index
        %swap3A_871 = arith.constant 16 : index
        %swap3A_872 = tpu.vector_load %arg12[%swap3A_870, %swap3A_871] {strides = array<i32>} : memref<32x128xf32, #tpu.memory_space<vmem>>, vector<1x16xf32>,
        %swap3A_873 = vector.shape_cast %swap3A_872 : vector<1x16xf32> to vector<16xf32>
        %swap3A_874 = vector.shape_cast %mul3A_869 : vector<16xf32> to vector<1x16xf32>
        tpu.vector_store %arg12[%swap3A_870, %swap3A_871], %swap3A_874 {strides = array<i32>} : memref<32x128xf32, #tpu.memory_space<vmem>>, vector<1x16xf32>,
        %get3A_875 = arith.index_cast %add3A_854 : i32 to index
        %get3A_876 = arith.constant 32 : index
        %get3A_877 = tpu.vector_load %arg12[%get3A_875, %get3A_876] {strides = array<i32>} : memref<32x128xf32, #tpu.memory_space<vmem>>, vector<1x16xf32>,
        %get3A_878 = vector.shape_cast %get3A_877 : vector<1x16xf32> to vector<16xf32>
        %mul3A_879 = arith.mulf %get3A_878, %gather3A_850 : vector<16xf32>
        %swap3A_880 = arith.index_cast %add3A_854 : i32 to index
        %swap3A_881 = arith.constant 32 : index
        %swap3A_882 = tpu.vector_load %arg12[%swap3A_880, %swap3A_881] {strides = array<i32>} : memref<32x128xf32, #tpu.memory_space<vmem>>, vector<1x16xf32>,
        %swap3A_883 = vector.shape_cast %swap3A_882 : vector<1x16xf32> to vector<16xf32>
        %swap3A_884 = vector.shape_cast %mul3A_879 : vector<16xf32> to vector<1x16xf32>
        tpu.vector_store %arg12[%swap3A_880, %swap3A_881], %swap3A_884 {strides = array<i32>} : memref<32x128xf32, #tpu.memory_space<vmem>>, vector<1x16xf32>,
        %get3A_885 = arith.index_cast %add3A_854 : i32 to index
        %get3A_886 = arith.constant 48 : index
        %get3A_887 = tpu.vector_load %arg12[%get3A_885, %get3A_886] {strides = array<i32>} : memref<32x128xf32, #tpu.memory_space<vmem>>, vector<1x16xf32>,
        %get3A_888 = vector.shape_cast %get3A_887 : vector<1x16xf32> to vector<16xf32>
        %mul3A_889 = arith.mulf %get3A_888, %gather3A_850 : vector<16xf32>
        %swap3A_890 = arith.index_cast %add3A_854 : i32 to index
        %swap3A_891 = arith.constant 48 : index
        %swap3A_892 = tpu.vector_load %arg12[%swap3A_890, %swap3A_891] {strides = array<i32>} : memref<32x128xf32, #tpu.memory_space<vmem>>, vector<1x16xf32>,
        %swap3A_893 = vector.shape_cast %swap3A_892 : vector<1x16xf32> to vector<16xf32>
        %swap3A_894 = vector.shape_cast %mul3A_889 : vector<16xf32> to vector<1x16xf32>
        tpu.vector_store %arg12[%swap3A_890, %swap3A_891], %swap3A_894 {strides = array<i32>} : memref<32x128xf32, #tpu.memory_space<vmem>>, vector<1x16xf32>,
        %get3A_895 = arith.index_cast %add3A_854 : i32 to index
        %get3A_896 = arith.constant 64 : index
        %get3A_897 = tpu.vector_load %arg12[%get3A_895, %get3A_896] {strides = array<i32>} : memref<32x128xf32, #tpu.memory_space<vmem>>, vector<1x16xf32>,
        %get3A_898 = vector.shape_cast %get3A_897 : vector<1x16xf32> to vector<16xf32>
        %mul3A_899 = arith.mulf %get3A_898, %gather3A_850 : vector<16xf32>
        %swap3A_900 = arith.index_cast %add3A_854 : i32 to index
        %swap3A_901 = arith.constant 64 : index
        %swap3A_902 = tpu.vector_load %arg12[%swap3A_900, %swap3A_901] {strides = array<i32>} : memref<32x128xf32, #tpu.memory_space<vmem>>, vector<1x16xf32>,
        %swap3A_903 = vector.shape_cast %swap3A_902 : vector<1x16xf32> to vector<16xf32>
        %swap3A_904 = vector.shape_cast %mul3A_899 : vector<16xf32> to vector<1x16xf32>
        tpu.vector_store %arg12[%swap3A_900, %swap3A_901], %swap3A_904 {strides = array<i32>} : memref<32x128xf32, #tpu.memory_space<vmem>>, vector<1x16xf32>,
        %get3A_905 = arith.index_cast %add3A_854 : i32 to index
        %get3A_906 = arith.constant 80 : index
        %get3A_907 = tpu.vector_load %arg12[%get3A_905, %get3A_906] {strides = array<i32>} : memref<32x128xf32, #tpu.memory_space<vmem>>, vector<1x16xf32>,
        %get3A_908 = vector.shape_cast %get3A_907 : vector<1x16xf32> to vector<16xf32>
        %mul3A_909 = arith.mulf %get3A_908, %gather3A_850 : vector<16xf32>
        %swap3A_910 = arith.index_cast %add3A_854 : i32 to index
        %swap3A_911 = arith.constant 80 : index
        %swap3A_912 = tpu.vector_load %arg12[%swap3A_910, %swap3A_911] {strides = array<i32>} : memref<32x128xf32, #tpu.memory_space<vmem>>, vector<1x16xf32>,
        %swap3A_913 = vector.shape_cast %swap3A_912 : vector<1x16xf32> to vector<16xf32>
        %swap3A_914 = vector.shape_cast %mul3A_909 : vector<16xf32> to vector<1x16xf32>
        tpu.vector_store %arg12[%swap3A_910, %swap3A_911], %swap3A_914 {strides = array<i32>} : memref<32x128xf32, #tpu.memory_space<vmem>>, vector<1x16xf32>,
        %get3A_915 = arith.index_cast %add3A_854 : i32 to index
        %get3A_916 = arith.constant 96 : index
        %get3A_917 = tpu.vector_load %arg12[%get3A_915, %get3A_916] {strides = array<i32>} : memref<32x128xf32, #tpu.memory_space<vmem>>, vector<1x16xf32>,
        %get3A_918 = vector.shape_cast %get3A_917 : vector<1x16xf32> to vector<16xf32>
        %mul3A_919 = arith.mulf %get3A_918, %gather3A_850 : vector<16xf32>
        %swap3A_920 = arith.index_cast %add3A_854 : i32 to index
        %swap3A_921 = arith.constant 96 : index
        %swap3A_922 = tpu.vector_load %arg12[%swap3A_920, %swap3A_921] {strides = array<i32>} : memref<32x128xf32, #tpu.memory_space<vmem>>, vector<1x16xf32>,
        %swap3A_923 = vector.shape_cast %swap3A_922 : vector<1x16xf32> to vector<16xf32>
        %swap3A_924 = vector.shape_cast %mul3A_919 : vector<16xf32> to vector<1x16xf32>
        tpu.vector_store %arg12[%swap3A_920, %swap3A_921], %swap3A_924 {strides = array<i32>} : memref<32x128xf32, #tpu.memory_space<vmem>>, vector<1x16xf32>,
        %get3A_925 = arith.index_cast %add3A_854 : i32 to index
        %get3A_926 = arith.constant 112 : index
        %get3A_927 = tpu.vector_load %arg12[%get3A_925, %get3A_926] {strides = array<i32>} : memref<32x128xf32, #tpu.memory_space<vmem>>, vector<1x16xf32>,
        %get3A_928 = vector.shape_cast %get3A_927 : vector<1x16xf32> to vector<16xf32>
        %mul3A_929 = arith.mulf %get3A_928, %gather3A_850 : vector<16xf32>
        %swap3A_930 = arith.index_cast %add3A_854 : i32 to index
        %swap3A_931 = arith.constant 112 : index
        %swap3A_932 = tpu.vector_load %arg12[%swap3A_930, %swap3A_931] {strides = array<i32>} : memref<32x128xf32, #tpu.memory_space<vmem>>, vector<1x16xf32>,
        %swap3A_933 = vector.shape_cast %swap3A_932 : vector<1x16xf32> to vector<16xf32>
        %swap3A_934 = vector.shape_cast %mul3A_929 : vector<16xf32> to vector<1x16xf32>
        tpu.vector_store %arg12[%swap3A_930, %swap3A_931], %swap3A_934 {strides = array<i32>} : memref<32x128xf32, #tpu.memory_space<vmem>>, vector<1x16xf32>,
        %broadcast_in_dim3A_935 = arith.constant 7 : i32
        %broadcast_in_dim3A_936 = vector.broadcast %broadcast_in_dim3A_935 : i32 to vector<16x1xi32>
        %gather3A_937 = vector.shape_cast %broadcast_in_dim3A_936 : vector<16x1xi32> to vector<16xi32>
        %gather3A_938 = tpu.dynamic_gather %get3A_319[%gather3A_937] in [0] : vector<16xf32>, vector<16xi32> -> vector<16xf32>
        %mul3A_939 = arith.constant 16 : i32
        %mul3A_940 = arith.muli %scan3A_314, %mul3A_939 : i32
        %add3A_941 = arith.constant 7 : i32
        %add3A_942 = arith.addi %mul3A_940, %add3A_941 : i32
        %get3A_943 = arith.index_cast %add3A_942 : i32 to index
        %get3A_944 = arith.constant 0 : index
        %get3A_945 = tpu.vector_load %arg12[%get3A_943, %get3A_944] {strides = array<i32>} : memref<32x128xf32, #tpu.memory_space<vmem>>, vector<1x16xf32>,
        %get3A_946 = vector.shape_cast %get3A_945 : vector<1x16xf32> to vector<16xf32>
        %mul3A_947 = arith.mulf %get3A_946, %gather3A_938 : vector<16xf32>
        %swap3A_948 = arith.index_cast %add3A_942 : i32 to index
        %swap3A_949 = arith.constant 0 : index
        %swap3A_950 = tpu.vector_load %arg12[%swap3A_948, %swap3A_949] {strides = array<i32>} : memref<32x128xf32, #tpu.memory_space<vmem>>, vector<1x16xf32>,
        %swap3A_951 = vector.shape_cast %swap3A_950 : vector<1x16xf32> to vector<16xf32>
        %swap3A_952 = vector.shape_cast %mul3A_947 : vector<16xf32> to vector<1x16xf32>
        tpu.vector_store %arg12[%swap3A_948, %swap3A_949], %swap3A_952 {strides = array<i32>} : memref<32x128xf32, #tpu.memory_space<vmem>>, vector<1x16xf32>,
        %get3A_953 = arith.index_cast %add3A_942 : i32 to index
        %get3A_954 = arith.constant 16 : index
        %get3A_955 = tpu.vector_load %arg12[%get3A_953, %get3A_954] {strides = array<i32>} : memref<32x128xf32, #tpu.memory_space<vmem>>, vector<1x16xf32>,
        %get3A_956 = vector.shape_cast %get3A_955 : vector<1x16xf32> to vector<16xf32>
        %mul3A_957 = arith.mulf %get3A_956, %gather3A_938 : vector<16xf32>
        %swap3A_958 = arith.index_cast %add3A_942 : i32 to index
        %swap3A_959 = arith.constant 16 : index
        %swap3A_960 = tpu.vector_load %arg12[%swap3A_958, %swap3A_959] {strides = array<i32>} : memref<32x128xf32, #tpu.memory_space<vmem>>, vector<1x16xf32>,
        %swap3A_961 = vector.shape_cast %swap3A_960 : vector<1x16xf32> to vector<16xf32>
        %swap3A_962 = vector.shape_cast %mul3A_957 : vector<16xf32> to vector<1x16xf32>
        tpu.vector_store %arg12[%swap3A_958, %swap3A_959], %swap3A_962 {strides = array<i32>} : memref<32x128xf32, #tpu.memory_space<vmem>>, vector<1x16xf32>,
        %get3A_963 = arith.index_cast %add3A_942 : i32 to index
        %get3A_964 = arith.constant 32 : index
        %get3A_965 = tpu.vector_load %arg12[%get3A_963, %get3A_964] {strides = array<i32>} : memref<32x128xf32, #tpu.memory_space<vmem>>, vector<1x16xf32>,
        %get3A_966 = vector.shape_cast %get3A_965 : vector<1x16xf32> to vector<16xf32>
        %mul3A_967 = arith.mulf %get3A_966, %gather3A_938 : vector<16xf32>
        %swap3A_968 = arith.index_cast %add3A_942 : i32 to index
        %swap3A_969 = arith.constant 32 : index
        %swap3A_970 = tpu.vector_load %arg12[%swap3A_968, %swap3A_969] {strides = array<i32>} : memref<32x128xf32, #tpu.memory_space<vmem>>, vector<1x16xf32>,
        %swap3A_971 = vector.shape_cast %swap3A_970 : vector<1x16xf32> to vector<16xf32>
        %swap3A_972 = vector.shape_cast %mul3A_967 : vector<16xf32> to vector<1x16xf32>
        tpu.vector_store %arg12[%swap3A_968, %swap3A_969], %swap3A_972 {strides = array<i32>} : memref<32x128xf32, #tpu.memory_space<vmem>>, vector<1x16xf32>,
        %get3A_973 = arith.index_cast %add3A_942 : i32 to index
        %get3A_974 = arith.constant 48 : index
        %get3A_975 = tpu.vector_load %arg12[%get3A_973, %get3A_974] {strides = array<i32>} : memref<32x128xf32, #tpu.memory_space<vmem>>, vector<1x16xf32>,
        %get3A_976 = vector.shape_cast %get3A_975 : vector<1x16xf32> to vector<16xf32>
        %mul3A_977 = arith.mulf %get3A_976, %gather3A_938 : vector<16xf32>
        %swap3A_978 = arith.index_cast %add3A_942 : i32 to index
        %swap3A_979 = arith.constant 48 : index
        %swap3A_980 = tpu.vector_load %arg12[%swap3A_978, %swap3A_979] {strides = array<i32>} : memref<32x128xf32, #tpu.memory_space<vmem>>, vector<1x16xf32>,
        %swap3A_981 = vector.shape_cast %swap3A_980 : vector<1x16xf32> to vector<16xf32>
        %swap3A_982 = vector.shape_cast %mul3A_977 : vector<16xf32> to vector<1x16xf32>
        tpu.vector_store %arg12[%swap3A_978, %swap3A_979], %swap3A_982 {strides = array<i32>} : memref<32x128xf32, #tpu.memory_space<vmem>>, vector<1x16xf32>,
        %get3A_983 = arith.index_cast %add3A_942 : i32 to index
        %get3A_984 = arith.constant 64 : index
        %get3A_985 = tpu.vector_load %arg12[%get3A_983, %get3A_984] {strides = array<i32>} : memref<32x128xf32, #tpu.memory_space<vmem>>, vector<1x16xf32>,
        %get3A_986 = vector.shape_cast %get3A_985 : vector<1x16xf32> to vector<16xf32>
        %mul3A_987 = arith.mulf %get3A_986, %gather3A_938 : vector<16xf32>
        %swap3A_988 = arith.index_cast %add3A_942 : i32 to index
        %swap3A_989 = arith.constant 64 : index
        %swap3A_990 = tpu.vector_load %arg12[%swap3A_988, %swap3A_989] {strides = array<i32>} : memref<32x128xf32, #tpu.memory_space<vmem>>, vector<1x16xf32>,
        %swap3A_991 = vector.shape_cast %swap3A_990 : vector<1x16xf32> to vector<16xf32>
        %swap3A_992 = vector.shape_cast %mul3A_987 : vector<16xf32> to vector<1x16xf32>
        tpu.vector_store %arg12[%swap3A_988, %swap3A_989], %swap3A_992 {strides = array<i32>} : memref<32x128xf32, #tpu.memory_space<vmem>>, vector<1x16xf32>,
        %get3A_993 = arith.index_cast %add3A_942 : i32 to index
        %get3A_994 = arith.constant 80 : index
        %get3A_995 = tpu.vector_load %arg12[%get3A_993, %get3A_994] {strides = array<i32>} : memref<32x128xf32, #tpu.memory_space<vmem>>, vector<1x16xf32>,
        %get3A_996 = vector.shape_cast %get3A_995 : vector<1x16xf32> to vector<16xf32>
        %mul3A_997 = arith.mulf %get3A_996, %gather3A_938 : vector<16xf32>
        %swap3A_998 = arith.index_cast %add3A_942 : i32 to index
        %swap3A_999 = arith.constant 80 : index
        %swap3A_1000 = tpu.vector_load %arg12[%swap3A_998, %swap3A_999] {strides = array<i32>} : memref<32x128xf32, #tpu.memory_space<vmem>>, vector<1x16xf32>,
        %swap3A_1001 = vector.shape_cast %swap3A_1000 : vector<1x16xf32> to vector<16xf32>
        %swap3A_1002 = vector.shape_cast %mul3A_997 : vector<16xf32> to vector<1x16xf32>
        tpu.vector_store %arg12[%swap3A_998, %swap3A_999], %swap3A_1002 {strides = array<i32>} : memref<32x128xf32, #tpu.memory_space<vmem>>, vector<1x16xf32>,
        %get3A_1003 = arith.index_cast %add3A_942 : i32 to index
        %get3A_1004 = arith.constant 96 : index
        %get3A_1005 = tpu.vector_load %arg12[%get3A_1003, %get3A_1004] {strides = array<i32>} : memref<32x128xf32, #tpu.memory_space<vmem>>, vector<1x16xf32>,
        %get3A_1006 = vector.shape_cast %get3A_1005 : vector<1x16xf32> to vector<16xf32>
        %mul3A_1007 = arith.mulf %get3A_1006, %gather3A_938 : vector<16xf32>
        %swap3A_1008 = arith.index_cast %add3A_942 : i32 to index
        %swap3A_1009 = arith.constant 96 : index
        %swap3A_1010 = tpu.vector_load %arg12[%swap3A_1008, %swap3A_1009] {strides = array<i32>} : memref<32x128xf32, #tpu.memory_space<vmem>>, vector<1x16xf32>,
        %swap3A_1011 = vector.shape_cast %swap3A_1010 : vector<1x16xf32> to vector<16xf32>
        %swap3A_1012 = vector.shape_cast %mul3A_1007 : vector<16xf32> to vector<1x16xf32>
        tpu.vector_store %arg12[%swap3A_1008, %swap3A_1009], %swap3A_1012 {strides = array<i32>} : memref<32x128xf32, #tpu.memory_space<vmem>>, vector<1x16xf32>,
        %get3A_1013 = arith.index_cast %add3A_942 : i32 to index
        %get3A_1014 = arith.constant 112 : index
        %get3A_1015 = tpu.vector_load %arg12[%get3A_1013, %get3A_1014] {strides = array<i32>} : memref<32x128xf32, #tpu.memory_space<vmem>>, vector<1x16xf32>,
        %get3A_1016 = vector.shape_cast %get3A_1015 : vector<1x16xf32> to vector<16xf32>
        %mul3A_1017 = arith.mulf %get3A_1016, %gather3A_938 : vector<16xf32>
        %swap3A_1018 = arith.index_cast %add3A_942 : i32 to index
        %swap3A_1019 = arith.constant 112 : index
        %swap3A_1020 = tpu.vector_load %arg12[%swap3A_1018, %swap3A_1019] {strides = array<i32>} : memref<32x128xf32, #tpu.memory_space<vmem>>, vector<1x16xf32>,
        %swap3A_1021 = vector.shape_cast %swap3A_1020 : vector<1x16xf32> to vector<16xf32>
        %swap3A_1022 = vector.shape_cast %mul3A_1017 : vector<16xf32> to vector<1x16xf32>
        tpu.vector_store %arg12[%swap3A_1018, %swap3A_1019], %swap3A_1022 {strides = array<i32>} : memref<32x128xf32, #tpu.memory_space<vmem>>, vector<1x16xf32>,
        %broadcast_in_dim3A_1023 = arith.constant 8 : i32
        %broadcast_in_dim3A_1024 = vector.broadcast %broadcast_in_dim3A_1023 : i32 to vector<16x1xi32>
        %gather3A_1025 = vector.shape_cast %broadcast_in_dim3A_1024 : vector<16x1xi32> to vector<16xi32>
        %gather3A_1026 = tpu.dynamic_gather %get3A_319[%gather3A_1025] in [0] : vector<16xf32>, vector<16xi32> -> vector<16xf32>
        %mul3A_1027 = arith.constant 16 : i32
        %mul3A_1028 = arith.muli %scan3A_314, %mul3A_1027 : i32
        %add3A_1029 = arith.constant 8 : i32
        %add3A_1030 = arith.addi %mul3A_1028, %add3A_1029 : i32
        %get3A_1031 = arith.index_cast %add3A_1030 : i32 to index
        %get3A_1032 = arith.constant 0 : index
        %get3A_1033 = tpu.vector_load %arg12[%get3A_1031, %get3A_1032] {strides = array<i32>} : memref<32x128xf32, #tpu.memory_space<vmem>>, vector<1x16xf32>,
        %get3A_1034 = vector.shape_cast %get3A_1033 : vector<1x16xf32> to vector<16xf32>
        %mul3A_1035 = arith.mulf %get3A_1034, %gather3A_1026 : vector<16xf32>
        %swap3A_1036 = arith.index_cast %add3A_1030 : i32 to index
        %swap3A_1037 = arith.constant 0 : index
        %swap3A_1038 = tpu.vector_load %arg12[%swap3A_1036, %swap3A_1037] {strides = array<i32>} : memref<32x128xf32, #tpu.memory_space<vmem>>, vector<1x16xf32>,
        %swap3A_1039 = vector.shape_cast %swap3A_1038 : vector<1x16xf32> to vector<16xf32>
        %swap3A_1040 = vector.shape_cast %mul3A_1035 : vector<16xf32> to vector<1x16xf32>
        tpu.vector_store %arg12[%swap3A_1036, %swap3A_1037], %swap3A_1040 {strides = array<i32>} : memref<32x128xf32, #tpu.memory_space<vmem>>, vector<1x16xf32>,
        %get3A_1041 = arith.index_cast %add3A_1030 : i32 to index
        %get3A_1042 = arith.constant 16 : index
        %get3A_1043 = tpu.vector_load %arg12[%get3A_1041, %get3A_1042] {strides = array<i32>} : memref<32x128xf32, #tpu.memory_space<vmem>>, vector<1x16xf32>,
        %get3A_1044 = vector.shape_cast %get3A_1043 : vector<1x16xf32> to vector<16xf32>
        %mul3A_1045 = arith.mulf %get3A_1044, %gather3A_1026 : vector<16xf32>
        %swap3A_1046 = arith.index_cast %add3A_1030 : i32 to index
        %swap3A_1047 = arith.constant 16 : index
        %swap3A_1048 = tpu.vector_load %arg12[%swap3A_1046, %swap3A_1047] {strides = array<i32>} : memref<32x128xf32, #tpu.memory_space<vmem>>, vector<1x16xf32>,
        %swap3A_1049 = vector.shape_cast %swap3A_1048 : vector<1x16xf32> to vector<16xf32>
        %swap3A_1050 = vector.shape_cast %mul3A_1045 : vector<16xf32> to vector<1x16xf32>
        tpu.vector_store %arg12[%swap3A_1046, %swap3A_1047], %swap3A_1050 {strides = array<i32>} : memref<32x128xf32, #tpu.memory_space<vmem>>, vector<1x16xf32>,
        %get3A_1051 = arith.index_cast %add3A_1030 : i32 to index
        %get3A_1052 = arith.constant 32 : index
        %get3A_1053 = tpu.vector_load %arg12[%get3A_1051, %get3A_1052] {strides = array<i32>} : memref<32x128xf32, #tpu.memory_space<vmem>>, vector<1x16xf32>,
        %get3A_1054 = vector.shape_cast %get3A_1053 : vector<1x16xf32> to vector<16xf32>
        %mul3A_1055 = arith.mulf %get3A_1054, %gather3A_1026 : vector<16xf32>
        %swap3A_1056 = arith.index_cast %add3A_1030 : i32 to index
        %swap3A_1057 = arith.constant 32 : index
        %swap3A_1058 = tpu.vector_load %arg12[%swap3A_1056, %swap3A_1057] {strides = array<i32>} : memref<32x128xf32, #tpu.memory_space<vmem>>, vector<1x16xf32>,
        %swap3A_1059 = vector.shape_cast %swap3A_1058 : vector<1x16xf32> to vector<16xf32>
        %swap3A_1060 = vector.shape_cast %mul3A_1055 : vector<16xf32> to vector<1x16xf32>
        tpu.vector_store %arg12[%swap3A_1056, %swap3A_1057], %swap3A_1060 {strides = array<i32>} : memref<32x128xf32, #tpu.memory_space<vmem>>, vector<1x16xf32>,
        %get3A_1061 = arith.index_cast %add3A_1030 : i32 to index
        %get3A_1062 = arith.constant 48 : index
        %get3A_1063 = tpu.vector_load %arg12[%get3A_1061, %get3A_1062] {strides = array<i32>} : memref<32x128xf32, #tpu.memory_space<vmem>>, vector<1x16xf32>,
        %get3A_1064 = vector.shape_cast %get3A_1063 : vector<1x16xf32> to vector<16xf32>
        %mul3A_1065 = arith.mulf %get3A_1064, %gather3A_1026 : vector<16xf32>
        %swap3A_1066 = arith.index_cast %add3A_1030 : i32 to index
        %swap3A_1067 = arith.constant 48 : index
        %swap3A_1068 = tpu.vector_load %arg12[%swap3A_1066, %swap3A_1067] {strides = array<i32>} : memref<32x128xf32, #tpu.memory_space<vmem>>, vector<1x16xf32>,
        %swap3A_1069 = vector.shape_cast %swap3A_1068 : vector<1x16xf32> to vector<16xf32>
        %swap3A_1070 = vector.shape_cast %mul3A_1065 : vector<16xf32> to vector<1x16xf32>
        tpu.vector_store %arg12[%swap3A_1066, %swap3A_1067], %swap3A_1070 {strides = array<i32>} : memref<32x128xf32, #tpu.memory_space<vmem>>, vector<1x16xf32>,
        %get3A_1071 = arith.index_cast %add3A_1030 : i32 to index
        %get3A_1072 = arith.constant 64 : index
        %get3A_1073 = tpu.vector_load %arg12[%get3A_1071, %get3A_1072] {strides = array<i32>} : memref<32x128xf32, #tpu.memory_space<vmem>>, vector<1x16xf32>,
        %get3A_1074 = vector.shape_cast %get3A_1073 : vector<1x16xf32> to vector<16xf32>
        %mul3A_1075 = arith.mulf %get3A_1074, %gather3A_1026 : vector<16xf32>
        %swap3A_1076 = arith.index_cast %add3A_1030 : i32 to index
        %swap3A_1077 = arith.constant 64 : index
        %swap3A_1078 = tpu.vector_load %arg12[%swap3A_1076, %swap3A_1077] {strides = array<i32>} : memref<32x128xf32, #tpu.memory_space<vmem>>, vector<1x16xf32>,
        %swap3A_1079 = vector.shape_cast %swap3A_1078 : vector<1x16xf32> to vector<16xf32>
        %swap3A_1080 = vector.shape_cast %mul3A_1075 : vector<16xf32> to vector<1x16xf32>
        tpu.vector_store %arg12[%swap3A_1076, %swap3A_1077], %swap3A_1080 {strides = array<i32>} : memref<32x128xf32, #tpu.memory_space<vmem>>, vector<1x16xf32>,
        %get3A_1081 = arith.index_cast %add3A_1030 : i32 to index
        %get3A_1082 = arith.constant 80 : index
        %get3A_1083 = tpu.vector_load %arg12[%get3A_1081, %get3A_1082] {strides = array<i32>} : memref<32x128xf32, #tpu.memory_space<vmem>>, vector<1x16xf32>,
        %get3A_1084 = vector.shape_cast %get3A_1083 : vector<1x16xf32> to vector<16xf32>
        %mul3A_1085 = arith.mulf %get3A_1084, %gather3A_1026 : vector<16xf32>
        %swap3A_1086 = arith.index_cast %add3A_1030 : i32 to index
        %swap3A_1087 = arith.constant 80 : index
        %swap3A_1088 = tpu.vector_load %arg12[%swap3A_1086, %swap3A_1087] {strides = array<i32>} : memref<32x128xf32, #tpu.memory_space<vmem>>, vector<1x16xf32>,
        %swap3A_1089 = vector.shape_cast %swap3A_1088 : vector<1x16xf32> to vector<16xf32>
        %swap3A_1090 = vector.shape_cast %mul3A_1085 : vector<16xf32> to vector<1x16xf32>
        tpu.vector_store %arg12[%swap3A_1086, %swap3A_1087], %swap3A_1090 {strides = array<i32>} : memref<32x128xf32, #tpu.memory_space<vmem>>, vector<1x16xf32>,
        %get3A_1091 = arith.index_cast %add3A_1030 : i32 to index
        %get3A_1092 = arith.constant 96 : index
        %get3A_1093 = tpu.vector_load %arg12[%get3A_1091, %get3A_1092] {strides = array<i32>} : memref<32x128xf32, #tpu.memory_space<vmem>>, vector<1x16xf32>,
        %get3A_1094 = vector.shape_cast %get3A_1093 : vector<1x16xf32> to vector<16xf32>
        %mul3A_1095 = arith.mulf %get3A_1094, %gather3A_1026 : vector<16xf32>
        %swap3A_1096 = arith.index_cast %add3A_1030 : i32 to index
        %swap3A_1097 = arith.constant 96 : index
        %swap3A_1098 = tpu.vector_load %arg12[%swap3A_1096, %swap3A_1097] {strides = array<i32>} : memref<32x128xf32, #tpu.memory_space<vmem>>, vector<1x16xf32>,
        %swap3A_1099 = vector.shape_cast %swap3A_1098 : vector<1x16xf32> to vector<16xf32>
        %swap3A_1100 = vector.shape_cast %mul3A_1095 : vector<16xf32> to vector<1x16xf32>
        tpu.vector_store %arg12[%swap3A_1096, %swap3A_1097], %swap3A_1100 {strides = array<i32>} : memref<32x128xf32, #tpu.memory_space<vmem>>, vector<1x16xf32>,
        %get3A_1101 = arith.index_cast %add3A_1030 : i32 to index
        %get3A_1102 = arith.constant 112 : index
        %get3A_1103 = tpu.vector_load %arg12[%get3A_1101, %get3A_1102] {strides = array<i32>} : memref<32x128xf32, #tpu.memory_space<vmem>>, vector<1x16xf32>,
        %get3A_1104 = vector.shape_cast %get3A_1103 : vector<1x16xf32> to vector<16xf32>
        %mul3A_1105 = arith.mulf %get3A_1104, %gather3A_1026 : vector<16xf32>
        %swap3A_1106 = arith.index_cast %add3A_1030 : i32 to index
        %swap3A_1107 = arith.constant 112 : index
        %swap3A_1108 = tpu.vector_load %arg12[%swap3A_1106, %swap3A_1107] {strides = array<i32>} : memref<32x128xf32, #tpu.memory_space<vmem>>, vector<1x16xf32>,
        %swap3A_1109 = vector.shape_cast %swap3A_1108 : vector<1x16xf32> to vector<16xf32>
        %swap3A_1110 = vector.shape_cast %mul3A_1105 : vector<16xf32> to vector<1x16xf32>
        tpu.vector_store %arg12[%swap3A_1106, %swap3A_1107], %swap3A_1110 {strides = array<i32>} : memref<32x128xf32, #tpu.memory_space<vmem>>, vector<1x16xf32>,
        %broadcast_in_dim3A_1111 = arith.constant 9 : i32
        %broadcast_in_dim3A_1112 = vector.broadcast %broadcast_in_dim3A_1111 : i32 to vector<16x1xi32>
        %gather3A_1113 = vector.shape_cast %broadcast_in_dim3A_1112 : vector<16x1xi32> to vector<16xi32>
        %gather3A_1114 = tpu.dynamic_gather %get3A_319[%gather3A_1113] in [0] : vector<16xf32>, vector<16xi32> -> vector<16xf32>
        %mul3A_1115 = arith.constant 16 : i32
        %mul3A_1116 = arith.muli %scan3A_314, %mul3A_1115 : i32
        %add3A_1117 = arith.constant 9 : i32
        %add3A_1118 = arith.addi %mul3A_1116, %add3A_1117 : i32
        %get3A_1119 = arith.index_cast %add3A_1118 : i32 to index
        %get3A_1120 = arith.constant 0 : index
        %get3A_1121 = tpu.vector_load %arg12[%get3A_1119, %get3A_1120] {strides = array<i32>} : memref<32x128xf32, #tpu.memory_space<vmem>>, vector<1x16xf32>,
        %get3A_1122 = vector.shape_cast %get3A_1121 : vector<1x16xf32> to vector<16xf32>
        %mul3A_1123 = arith.mulf %get3A_1122, %gather3A_1114 : vector<16xf32>
        %swap3A_1124 = arith.index_cast %add3A_1118 : i32 to index
        %swap3A_1125 = arith.constant 0 : index
        %swap3A_1126 = tpu.vector_load %arg12[%swap3A_1124, %swap3A_1125] {strides = array<i32>} : memref<32x128xf32, #tpu.memory_space<vmem>>, vector<1x16xf32>,
        %swap3A_1127 = vector.shape_cast %swap3A_1126 : vector<1x16xf32> to vector<16xf32>
        %swap3A_1128 = vector.shape_cast %mul3A_1123 : vector<16xf32> to vector<1x16xf32>
        tpu.vector_store %arg12[%swap3A_1124, %swap3A_1125], %swap3A_1128 {strides = array<i32>} : memref<32x128xf32, #tpu.memory_space<vmem>>, vector<1x16xf32>,
        %get3A_1129 = arith.index_cast %add3A_1118 : i32 to index
        %get3A_1130 = arith.constant 16 : index
        %get3A_1131 = tpu.vector_load %arg12[%get3A_1129, %get3A_1130] {strides = array<i32>} : memref<32x128xf32, #tpu.memory_space<vmem>>, vector<1x16xf32>,
        %get3A_1132 = vector.shape_cast %get3A_1131 : vector<1x16xf32> to vector<16xf32>
        %mul3A_1133 = arith.mulf %get3A_1132, %gather3A_1114 : vector<16xf32>
        %swap3A_1134 = arith.index_cast %add3A_1118 : i32 to index
        %swap3A_1135 = arith.constant 16 : index
        %swap3A_1136 = tpu.vector_load %arg12[%swap3A_1134, %swap3A_1135] {strides = array<i32>} : memref<32x128xf32, #tpu.memory_space<vmem>>, vector<1x16xf32>,
        %swap3A_1137 = vector.shape_cast %swap3A_1136 : vector<1x16xf32> to vector<16xf32>
        %swap3A_1138 = vector.shape_cast %mul3A_1133 : vector<16xf32> to vector<1x16xf32>
        tpu.vector_store %arg12[%swap3A_1134, %swap3A_1135], %swap3A_1138 {strides = array<i32>} : memref<32x128xf32, #tpu.memory_space<vmem>>, vector<1x16xf32>,
        %get3A_1139 = arith.index_cast %add3A_1118 : i32 to index
        %get3A_1140 = arith.constant 32 : index
        %get3A_1141 = tpu.vector_load %arg12[%get3A_1139, %get3A_1140] {strides = array<i32>} : memref<32x128xf32, #tpu.memory_space<vmem>>, vector<1x16xf32>,
        %get3A_1142 = vector.shape_cast %get3A_1141 : vector<1x16xf32> to vector<16xf32>
        %mul3A_1143 = arith.mulf %get3A_1142, %gather3A_1114 : vector<16xf32>
        %swap3A_1144 = arith.index_cast %add3A_1118 : i32 to index
        %swap3A_1145 = arith.constant 32 : index
        %swap3A_1146 = tpu.vector_load %arg12[%swap3A_1144, %swap3A_1145] {strides = array<i32>} : memref<32x128xf32, #tpu.memory_space<vmem>>, vector<1x16xf32>,
        %swap3A_1147 = vector.shape_cast %swap3A_1146 : vector<1x16xf32> to vector<16xf32>
        %swap3A_1148 = vector.shape_cast %mul3A_1143 : vector<16xf32> to vector<1x16xf32>
        tpu.vector_store %arg12[%swap3A_1144, %swap3A_1145], %swap3A_1148 {strides = array<i32>} : memref<32x128xf32, #tpu.memory_space<vmem>>, vector<1x16xf32>,
        %get3A_1149 = arith.index_cast %add3A_1118 : i32 to index
        %get3A_1150 = arith.constant 48 : index
        %get3A_1151 = tpu.vector_load %arg12[%get3A_1149, %get3A_1150] {strides = array<i32>} : memref<32x128xf32, #tpu.memory_space<vmem>>, vector<1x16xf32>,
        %get3A_1152 = vector.shape_cast %get3A_1151 : vector<1x16xf32> to vector<16xf32>
        %mul3A_1153 = arith.mulf %get3A_1152, %gather3A_1114 : vector<16xf32>
        %swap3A_1154 = arith.index_cast %add3A_1118 : i32 to index
        %swap3A_1155 = arith.constant 48 : index
        %swap3A_1156 = tpu.vector_load %arg12[%swap3A_1154, %swap3A_1155] {strides = array<i32>} : memref<32x128xf32, #tpu.memory_space<vmem>>, vector<1x16xf32>,
        %swap3A_1157 = vector.shape_cast %swap3A_1156 : vector<1x16xf32> to vector<16xf32>
        %swap3A_1158 = vector.shape_cast %mul3A_1153 : vector<16xf32> to vector<1x16xf32>
        tpu.vector_store %arg12[%swap3A_1154, %swap3A_1155], %swap3A_1158 {strides = array<i32>} : memref<32x128xf32, #tpu.memory_space<vmem>>, vector<1x16xf32>,
        %get3A_1159 = arith.index_cast %add3A_1118 : i32 to index
        %get3A_1160 = arith.constant 64 : index
        %get3A_1161 = tpu.vector_load %arg12[%get3A_1159, %get3A_1160] {strides = array<i32>} : memref<32x128xf32, #tpu.memory_space<vmem>>, vector<1x16xf32>,
        %get3A_1162 = vector.shape_cast %get3A_1161 : vector<1x16xf32> to vector<16xf32>
        %mul3A_1163 = arith.mulf %get3A_1162, %gather3A_1114 : vector<16xf32>
        %swap3A_1164 = arith.index_cast %add3A_1118 : i32 to index
        %swap3A_1165 = arith.constant 64 : index
        %swap3A_1166 = tpu.vector_load %arg12[%swap3A_1164, %swap3A_1165] {strides = array<i32>} : memref<32x128xf32, #tpu.memory_space<vmem>>, vector<1x16xf32>,
        %swap3A_1167 = vector.shape_cast %swap3A_1166 : vector<1x16xf32> to vector<16xf32>
        %swap3A_1168 = vector.shape_cast %mul3A_1163 : vector<16xf32> to vector<1x16xf32>
        tpu.vector_store %arg12[%swap3A_1164, %swap3A_1165], %swap3A_1168 {strides = array<i32>} : memref<32x128xf32, #tpu.memory_space<vmem>>, vector<1x16xf32>,
        %get3A_1169 = arith.index_cast %add3A_1118 : i32 to index
        %get3A_1170 = arith.constant 80 : index
        %get3A_1171 = tpu.vector_load %arg12[%get3A_1169, %get3A_1170] {strides = array<i32>} : memref<32x128xf32, #tpu.memory_space<vmem>>, vector<1x16xf32>,
        %get3A_1172 = vector.shape_cast %get3A_1171 : vector<1x16xf32> to vector<16xf32>
        %mul3A_1173 = arith.mulf %get3A_1172, %gather3A_1114 : vector<16xf32>
        %swap3A_1174 = arith.index_cast %add3A_1118 : i32 to index
        %swap3A_1175 = arith.constant 80 : index
        %swap3A_1176 = tpu.vector_load %arg12[%swap3A_1174, %swap3A_1175] {strides = array<i32>} : memref<32x128xf32, #tpu.memory_space<vmem>>, vector<1x16xf32>,
        %swap3A_1177 = vector.shape_cast %swap3A_1176 : vector<1x16xf32> to vector<16xf32>
        %swap3A_1178 = vector.shape_cast %mul3A_1173 : vector<16xf32> to vector<1x16xf32>
        tpu.vector_store %arg12[%swap3A_1174, %swap3A_1175], %swap3A_1178 {strides = array<i32>} : memref<32x128xf32, #tpu.memory_space<vmem>>, vector<1x16xf32>,
        %get3A_1179 = arith.index_cast %add3A_1118 : i32 to index
        %get3A_1180 = arith.constant 96 : index
        %get3A_1181 = tpu.vector_load %arg12[%get3A_1179, %get3A_1180] {strides = array<i32>} : memref<32x128xf32, #tpu.memory_space<vmem>>, vector<1x16xf32>,
        %get3A_1182 = vector.shape_cast %get3A_1181 : vector<1x16xf32> to vector<16xf32>
        %mul3A_1183 = arith.mulf %get3A_1182, %gather3A_1114 : vector<16xf32>
        %swap3A_1184 = arith.index_cast %add3A_1118 : i32 to index
        %swap3A_1185 = arith.constant 96 : index
        %swap3A_1186 = tpu.vector_load %arg12[%swap3A_1184, %swap3A_1185] {strides = array<i32>} : memref<32x128xf32, #tpu.memory_space<vmem>>, vector<1x16xf32>,
        %swap3A_1187 = vector.shape_cast %swap3A_1186 : vector<1x16xf32> to vector<16xf32>
        %swap3A_1188 = vector.shape_cast %mul3A_1183 : vector<16xf32> to vector<1x16xf32>
        tpu.vector_store %arg12[%swap3A_1184, %swap3A_1185], %swap3A_1188 {strides = array<i32>} : memref<32x128xf32, #tpu.memory_space<vmem>>, vector<1x16xf32>,
        %get3A_1189 = arith.index_cast %add3A_1118 : i32 to index
        %get3A_1190 = arith.constant 112 : index
        %get3A_1191 = tpu.vector_load %arg12[%get3A_1189, %get3A_1190] {strides = array<i32>} : memref<32x128xf32, #tpu.memory_space<vmem>>, vector<1x16xf32>,
        %get3A_1192 = vector.shape_cast %get3A_1191 : vector<1x16xf32> to vector<16xf32>
        %mul3A_1193 = arith.mulf %get3A_1192, %gather3A_1114 : vector<16xf32>
        %swap3A_1194 = arith.index_cast %add3A_1118 : i32 to index
        %swap3A_1195 = arith.constant 112 : index
        %swap3A_1196 = tpu.vector_load %arg12[%swap3A_1194, %swap3A_1195] {strides = array<i32>} : memref<32x128xf32, #tpu.memory_space<vmem>>, vector<1x16xf32>,
        %swap3A_1197 = vector.shape_cast %swap3A_1196 : vector<1x16xf32> to vector<16xf32>
        %swap3A_1198 = vector.shape_cast %mul3A_1193 : vector<16xf32> to vector<1x16xf32>
        tpu.vector_store %arg12[%swap3A_1194, %swap3A_1195], %swap3A_1198 {strides = array<i32>} : memref<32x128xf32, #tpu.memory_space<vmem>>, vector<1x16xf32>,
        %broadcast_in_dim3A_1199 = arith.constant 10 : i32
        %broadcast_in_dim3A_1200 = vector.broadcast %broadcast_in_dim3A_1199 : i32 to vector<16x1xi32>
        %gather3A_1201 = vector.shape_cast %broadcast_in_dim3A_1200 : vector<16x1xi32> to vector<16xi32>
        %gather3A_1202 = tpu.dynamic_gather %get3A_319[%gather3A_1201] in [0] : vector<16xf32>, vector<16xi32> -> vector<16xf32>
        %mul3A_1203 = arith.constant 16 : i32
        %mul3A_1204 = arith.muli %scan3A_314, %mul3A_1203 : i32
        %add3A_1205 = arith.constant 10 : i32
        %add3A_1206 = arith.addi %mul3A_1204, %add3A_1205 : i32
        %get3A_1207 = arith.index_cast %add3A_1206 : i32 to index
        %get3A_1208 = arith.constant 0 : index
        %get3A_1209 = tpu.vector_load %arg12[%get3A_1207, %get3A_1208] {strides = array<i32>} : memref<32x128xf32, #tpu.memory_space<vmem>>, vector<1x16xf32>,
        %get3A_1210 = vector.shape_cast %get3A_1209 : vector<1x16xf32> to vector<16xf32>
        %mul3A_1211 = arith.mulf %get3A_1210, %gather3A_1202 : vector<16xf32>
        %swap3A_1212 = arith.index_cast %add3A_1206 : i32 to index
        %swap3A_1213 = arith.constant 0 : index
        %swap3A_1214 = tpu.vector_load %arg12[%swap3A_1212, %swap3A_1213] {strides = array<i32>} : memref<32x128xf32, #tpu.memory_space<vmem>>, vector<1x16xf32>,
        %swap3A_1215 = vector.shape_cast %swap3A_1214 : vector<1x16xf32> to vector<16xf32>
        %swap3A_1216 = vector.shape_cast %mul3A_1211 : vector<16xf32> to vector<1x16xf32>
        tpu.vector_store %arg12[%swap3A_1212, %swap3A_1213], %swap3A_1216 {strides = array<i32>} : memref<32x128xf32, #tpu.memory_space<vmem>>, vector<1x16xf32>,
        %get3A_1217 = arith.index_cast %add3A_1206 : i32 to index
        %get3A_1218 = arith.constant 16 : index
        %get3A_1219 = tpu.vector_load %arg12[%get3A_1217, %get3A_1218] {strides = array<i32>} : memref<32x128xf32, #tpu.memory_space<vmem>>, vector<1x16xf32>,
        %get3A_1220 = vector.shape_cast %get3A_1219 : vector<1x16xf32> to vector<16xf32>
        %mul3A_1221 = arith.mulf %get3A_1220, %gather3A_1202 : vector<16xf32>
        %swap3A_1222 = arith.index_cast %add3A_1206 : i32 to index
        %swap3A_1223 = arith.constant 16 : index
        %swap3A_1224 = tpu.vector_load %arg12[%swap3A_1222, %swap3A_1223] {strides = array<i32>} : memref<32x128xf32, #tpu.memory_space<vmem>>, vector<1x16xf32>,
        %swap3A_1225 = vector.shape_cast %swap3A_1224 : vector<1x16xf32> to vector<16xf32>
        %swap3A_1226 = vector.shape_cast %mul3A_1221 : vector<16xf32> to vector<1x16xf32>
        tpu.vector_store %arg12[%swap3A_1222, %swap3A_1223], %swap3A_1226 {strides = array<i32>} : memref<32x128xf32, #tpu.memory_space<vmem>>, vector<1x16xf32>,
        %get3A_1227 = arith.index_cast %add3A_1206 : i32 to index
        %get3A_1228 = arith.constant 32 : index
        %get3A_1229 = tpu.vector_load %arg12[%get3A_1227, %get3A_1228] {strides = array<i32>} : memref<32x128xf32, #tpu.memory_space<vmem>>, vector<1x16xf32>,
        %get3A_1230 = vector.shape_cast %get3A_1229 : vector<1x16xf32> to vector<16xf32>
        %mul3A_1231 = arith.mulf %get3A_1230, %gather3A_1202 : vector<16xf32>
        %swap3A_1232 = arith.index_cast %add3A_1206 : i32 to index
        %swap3A_1233 = arith.constant 32 : index
        %swap3A_1234 = tpu.vector_load %arg12[%swap3A_1232, %swap3A_1233] {strides = array<i32>} : memref<32x128xf32, #tpu.memory_space<vmem>>, vector<1x16xf32>,
        %swap3A_1235 = vector.shape_cast %swap3A_1234 : vector<1x16xf32> to vector<16xf32>
        %swap3A_1236 = vector.shape_cast %mul3A_1231 : vector<16xf32> to vector<1x16xf32>
        tpu.vector_store %arg12[%swap3A_1232, %swap3A_1233], %swap3A_1236 {strides = array<i32>} : memref<32x128xf32, #tpu.memory_space<vmem>>, vector<1x16xf32>,
        %get3A_1237 = arith.index_cast %add3A_1206 : i32 to index
        %get3A_1238 = arith.constant 48 : index
        %get3A_1239 = tpu.vector_load %arg12[%get3A_1237, %get3A_1238] {strides = array<i32>} : memref<32x128xf32, #tpu.memory_space<vmem>>, vector<1x16xf32>,
        %get3A_1240 = vector.shape_cast %get3A_1239 : vector<1x16xf32> to vector<16xf32>
        %mul3A_1241 = arith.mulf %get3A_1240, %gather3A_1202 : vector<16xf32>
        %swap3A_1242 = arith.index_cast %add3A_1206 : i32 to index
        %swap3A_1243 = arith.constant 48 : index
        %swap3A_1244 = tpu.vector_load %arg12[%swap3A_1242, %swap3A_1243] {strides = array<i32>} : memref<32x128xf32, #tpu.memory_space<vmem>>, vector<1x16xf32>,
        %swap3A_1245 = vector.shape_cast %swap3A_1244 : vector<1x16xf32> to vector<16xf32>
        %swap3A_1246 = vector.shape_cast %mul3A_1241 : vector<16xf32> to vector<1x16xf32>
        tpu.vector_store %arg12[%swap3A_1242, %swap3A_1243], %swap3A_1246 {strides = array<i32>} : memref<32x128xf32, #tpu.memory_space<vmem>>, vector<1x16xf32>,
        %get3A_1247 = arith.index_cast %add3A_1206 : i32 to index
        %get3A_1248 = arith.constant 64 : index
        %get3A_1249 = tpu.vector_load %arg12[%get3A_1247, %get3A_1248] {strides = array<i32>} : memref<32x128xf32, #tpu.memory_space<vmem>>, vector<1x16xf32>,
        %get3A_1250 = vector.shape_cast %get3A_1249 : vector<1x16xf32> to vector<16xf32>
        %mul3A_1251 = arith.mulf %get3A_1250, %gather3A_1202 : vector<16xf32>
        %swap3A_1252 = arith.index_cast %add3A_1206 : i32 to index
        %swap3A_1253 = arith.constant 64 : index
        %swap3A_1254 = tpu.vector_load %arg12[%swap3A_1252, %swap3A_1253] {strides = array<i32>} : memref<32x128xf32, #tpu.memory_space<vmem>>, vector<1x16xf32>,
        %swap3A_1255 = vector.shape_cast %swap3A_1254 : vector<1x16xf32> to vector<16xf32>
        %swap3A_1256 = vector.shape_cast %mul3A_1251 : vector<16xf32> to vector<1x16xf32>
        tpu.vector_store %arg12[%swap3A_1252, %swap3A_1253], %swap3A_1256 {strides = array<i32>} : memref<32x128xf32, #tpu.memory_space<vmem>>, vector<1x16xf32>,
        %get3A_1257 = arith.index_cast %add3A_1206 : i32 to index
        %get3A_1258 = arith.constant 80 : index
        %get3A_1259 = tpu.vector_load %arg12[%get3A_1257, %get3A_1258] {strides = array<i32>} : memref<32x128xf32, #tpu.memory_space<vmem>>, vector<1x16xf32>,
        %get3A_1260 = vector.shape_cast %get3A_1259 : vector<1x16xf32> to vector<16xf32>
        %mul3A_1261 = arith.mulf %get3A_1260, %gather3A_1202 : vector<16xf32>
        %swap3A_1262 = arith.index_cast %add3A_1206 : i32 to index
        %swap3A_1263 = arith.constant 80 : index
        %swap3A_1264 = tpu.vector_load %arg12[%swap3A_1262, %swap3A_1263] {strides = array<i32>} : memref<32x128xf32, #tpu.memory_space<vmem>>, vector<1x16xf32>,
        %swap3A_1265 = vector.shape_cast %swap3A_1264 : vector<1x16xf32> to vector<16xf32>
        %swap3A_1266 = vector.shape_cast %mul3A_1261 : vector<16xf32> to vector<1x16xf32>
        tpu.vector_store %arg12[%swap3A_1262, %swap3A_1263], %swap3A_1266 {strides = array<i32>} : memref<32x128xf32, #tpu.memory_space<vmem>>, vector<1x16xf32>,
        %get3A_1267 = arith.index_cast %add3A_1206 : i32 to index
        %get3A_1268 = arith.constant 96 : index
        %get3A_1269 = tpu.vector_load %arg12[%get3A_1267, %get3A_1268] {strides = array<i32>} : memref<32x128xf32, #tpu.memory_space<vmem>>, vector<1x16xf32>,
        %get3A_1270 = vector.shape_cast %get3A_1269 : vector<1x16xf32> to vector<16xf32>
        %mul3A_1271 = arith.mulf %get3A_1270, %gather3A_1202 : vector<16xf32>
        %swap3A_1272 = arith.index_cast %add3A_1206 : i32 to index
        %swap3A_1273 = arith.constant 96 : index
        %swap3A_1274 = tpu.vector_load %arg12[%swap3A_1272, %swap3A_1273] {strides = array<i32>} : memref<32x128xf32, #tpu.memory_space<vmem>>, vector<1x16xf32>,
        %swap3A_1275 = vector.shape_cast %swap3A_1274 : vector<1x16xf32> to vector<16xf32>
        %swap3A_1276 = vector.shape_cast %mul3A_1271 : vector<16xf32> to vector<1x16xf32>
        tpu.vector_store %arg12[%swap3A_1272, %swap3A_1273], %swap3A_1276 {strides = array<i32>} : memref<32x128xf32, #tpu.memory_space<vmem>>, vector<1x16xf32>,
        %get3A_1277 = arith.index_cast %add3A_1206 : i32 to index
        %get3A_1278 = arith.constant 112 : index
        %get3A_1279 = tpu.vector_load %arg12[%get3A_1277, %get3A_1278] {strides = array<i32>} : memref<32x128xf32, #tpu.memory_space<vmem>>, vector<1x16xf32>,
        %get3A_1280 = vector.shape_cast %get3A_1279 : vector<1x16xf32> to vector<16xf32>
        %mul3A_1281 = arith.mulf %get3A_1280, %gather3A_1202 : vector<16xf32>
        %swap3A_1282 = arith.index_cast %add3A_1206 : i32 to index
        %swap3A_1283 = arith.constant 112 : index
        %swap3A_1284 = tpu.vector_load %arg12[%swap3A_1282, %swap3A_1283] {strides = array<i32>} : memref<32x128xf32, #tpu.memory_space<vmem>>, vector<1x16xf32>,
        %swap3A_1285 = vector.shape_cast %swap3A_1284 : vector<1x16xf32> to vector<16xf32>
        %swap3A_1286 = vector.shape_cast %mul3A_1281 : vector<16xf32> to vector<1x16xf32>
        tpu.vector_store %arg12[%swap3A_1282, %swap3A_1283], %swap3A_1286 {strides = array<i32>} : memref<32x128xf32, #tpu.memory_space<vmem>>, vector<1x16xf32>,
        %broadcast_in_dim3A_1287 = arith.constant 11 : i32
        %broadcast_in_dim3A_1288 = vector.broadcast %broadcast_in_dim3A_1287 : i32 to vector<16x1xi32>
        %gather3A_1289 = vector.shape_cast %broadcast_in_dim3A_1288 : vector<16x1xi32> to vector<16xi32>
        %gather3A_1290 = tpu.dynamic_gather %get3A_319[%gather3A_1289] in [0] : vector<16xf32>, vector<16xi32> -> vector<16xf32>
        %mul3A_1291 = arith.constant 16 : i32
        %mul3A_1292 = arith.muli %scan3A_314, %mul3A_1291 : i32
        %add3A_1293 = arith.constant 11 : i32
        %add3A_1294 = arith.addi %mul3A_1292, %add3A_1293 : i32
        %get3A_1295 = arith.index_cast %add3A_1294 : i32 to index
        %get3A_1296 = arith.constant 0 : index
        %get3A_1297 = tpu.vector_load %arg12[%get3A_1295, %get3A_1296] {strides = array<i32>} : memref<32x128xf32, #tpu.memory_space<vmem>>, vector<1x16xf32>,
        %get3A_1298 = vector.shape_cast %get3A_1297 : vector<1x16xf32> to vector<16xf32>
        %mul3A_1299 = arith.mulf %get3A_1298, %gather3A_1290 : vector<16xf32>
        %swap3A_1300 = arith.index_cast %add3A_1294 : i32 to index
        %swap3A_1301 = arith.constant 0 : index
        %swap3A_1302 = tpu.vector_load %arg12[%swap3A_1300, %swap3A_1301] {strides = array<i32>} : memref<32x128xf32, #tpu.memory_space<vmem>>, vector<1x16xf32>,
        %swap3A_1303 = vector.shape_cast %swap3A_1302 : vector<1x16xf32> to vector<16xf32>
        %swap3A_1304 = vector.shape_cast %mul3A_1299 : vector<16xf32> to vector<1x16xf32>
        tpu.vector_store %arg12[%swap3A_1300, %swap3A_1301], %swap3A_1304 {strides = array<i32>} : memref<32x128xf32, #tpu.memory_space<vmem>>, vector<1x16xf32>,
        %get3A_1305 = arith.index_cast %add3A_1294 : i32 to index
        %get3A_1306 = arith.constant 16 : index
        %get3A_1307 = tpu.vector_load %arg12[%get3A_1305, %get3A_1306] {strides = array<i32>} : memref<32x128xf32, #tpu.memory_space<vmem>>, vector<1x16xf32>,
        %get3A_1308 = vector.shape_cast %get3A_1307 : vector<1x16xf32> to vector<16xf32>
        %mul3A_1309 = arith.mulf %get3A_1308, %gather3A_1290 : vector<16xf32>
        %swap3A_1310 = arith.index_cast %add3A_1294 : i32 to index
        %swap3A_1311 = arith.constant 16 : index
        %swap3A_1312 = tpu.vector_load %arg12[%swap3A_1310, %swap3A_1311] {strides = array<i32>} : memref<32x128xf32, #tpu.memory_space<vmem>>, vector<1x16xf32>,
        %swap3A_1313 = vector.shape_cast %swap3A_1312 : vector<1x16xf32> to vector<16xf32>
        %swap3A_1314 = vector.shape_cast %mul3A_1309 : vector<16xf32> to vector<1x16xf32>
        tpu.vector_store %arg12[%swap3A_1310, %swap3A_1311], %swap3A_1314 {strides = array<i32>} : memref<32x128xf32, #tpu.memory_space<vmem>>, vector<1x16xf32>,
        %get3A_1315 = arith.index_cast %add3A_1294 : i32 to index
        %get3A_1316 = arith.constant 32 : index
        %get3A_1317 = tpu.vector_load %arg12[%get3A_1315, %get3A_1316] {strides = array<i32>} : memref<32x128xf32, #tpu.memory_space<vmem>>, vector<1x16xf32>,
        %get3A_1318 = vector.shape_cast %get3A_1317 : vector<1x16xf32> to vector<16xf32>
        %mul3A_1319 = arith.mulf %get3A_1318, %gather3A_1290 : vector<16xf32>
        %swap3A_1320 = arith.index_cast %add3A_1294 : i32 to index
        %swap3A_1321 = arith.constant 32 : index
        %swap3A_1322 = tpu.vector_load %arg12[%swap3A_1320, %swap3A_1321] {strides = array<i32>} : memref<32x128xf32, #tpu.memory_space<vmem>>, vector<1x16xf32>,
        %swap3A_1323 = vector.shape_cast %swap3A_1322 : vector<1x16xf32> to vector<16xf32>
        %swap3A_1324 = vector.shape_cast %mul3A_1319 : vector<16xf32> to vector<1x16xf32>
        tpu.vector_store %arg12[%swap3A_1320, %swap3A_1321], %swap3A_1324 {strides = array<i32>} : memref<32x128xf32, #tpu.memory_space<vmem>>, vector<1x16xf32>,
        %get3A_1325 = arith.index_cast %add3A_1294 : i32 to index
        %get3A_1326 = arith.constant 48 : index
        %get3A_1327 = tpu.vector_load %arg12[%get3A_1325, %get3A_1326] {strides = array<i32>} : memref<32x128xf32, #tpu.memory_space<vmem>>, vector<1x16xf32>,
        %get3A_1328 = vector.shape_cast %get3A_1327 : vector<1x16xf32> to vector<16xf32>
        %mul3A_1329 = arith.mulf %get3A_1328, %gather3A_1290 : vector<16xf32>
        %swap3A_1330 = arith.index_cast %add3A_1294 : i32 to index
        %swap3A_1331 = arith.constant 48 : index
        %swap3A_1332 = tpu.vector_load %arg12[%swap3A_1330, %swap3A_1331] {strides = array<i32>} : memref<32x128xf32, #tpu.memory_space<vmem>>, vector<1x16xf32>,
        %swap3A_1333 = vector.shape_cast %swap3A_1332 : vector<1x16xf32> to vector<16xf32>
        %swap3A_1334 = vector.shape_cast %mul3A_1329 : vector<16xf32> to vector<1x16xf32>
        tpu.vector_store %arg12[%swap3A_1330, %swap3A_1331], %swap3A_1334 {strides = array<i32>} : memref<32x128xf32, #tpu.memory_space<vmem>>, vector<1x16xf32>,
        %get3A_1335 = arith.index_cast %add3A_1294 : i32 to index
        %get3A_1336 = arith.constant 64 : index
        %get3A_1337 = tpu.vector_load %arg12[%get3A_1335, %get3A_1336] {strides = array<i32>} : memref<32x128xf32, #tpu.memory_space<vmem>>, vector<1x16xf32>,
        %get3A_1338 = vector.shape_cast %get3A_1337 : vector<1x16xf32> to vector<16xf32>
        %mul3A_1339 = arith.mulf %get3A_1338, %gather3A_1290 : vector<16xf32>
        %swap3A_1340 = arith.index_cast %add3A_1294 : i32 to index
        %swap3A_1341 = arith.constant 64 : index
        %swap3A_1342 = tpu.vector_load %arg12[%swap3A_1340, %swap3A_1341] {strides = array<i32>} : memref<32x128xf32, #tpu.memory_space<vmem>>, vector<1x16xf32>,
        %swap3A_1343 = vector.shape_cast %swap3A_1342 : vector<1x16xf32> to vector<16xf32>
        %swap3A_1344 = vector.shape_cast %mul3A_1339 : vector<16xf32> to vector<1x16xf32>
        tpu.vector_store %arg12[%swap3A_1340, %swap3A_1341], %swap3A_1344 {strides = array<i32>} : memref<32x128xf32, #tpu.memory_space<vmem>>, vector<1x16xf32>,
        %get3A_1345 = arith.index_cast %add3A_1294 : i32 to index
        %get3A_1346 = arith.constant 80 : index
        %get3A_1347 = tpu.vector_load %arg12[%get3A_1345, %get3A_1346] {strides = array<i32>} : memref<32x128xf32, #tpu.memory_space<vmem>>, vector<1x16xf32>,
        %get3A_1348 = vector.shape_cast %get3A_1347 : vector<1x16xf32> to vector<16xf32>
        %mul3A_1349 = arith.mulf %get3A_1348, %gather3A_1290 : vector<16xf32>
        %swap3A_1350 = arith.index_cast %add3A_1294 : i32 to index
        %swap3A_1351 = arith.constant 80 : index
        %swap3A_1352 = tpu.vector_load %arg12[%swap3A_1350, %swap3A_1351] {strides = array<i32>} : memref<32x128xf32, #tpu.memory_space<vmem>>, vector<1x16xf32>,
        %swap3A_1353 = vector.shape_cast %swap3A_1352 : vector<1x16xf32> to vector<16xf32>
        %swap3A_1354 = vector.shape_cast %mul3A_1349 : vector<16xf32> to vector<1x16xf32>
        tpu.vector_store %arg12[%swap3A_1350, %swap3A_1351], %swap3A_1354 {strides = array<i32>} : memref<32x128xf32, #tpu.memory_space<vmem>>, vector<1x16xf32>,
        %get3A_1355 = arith.index_cast %add3A_1294 : i32 to index
        %get3A_1356 = arith.constant 96 : index
        %get3A_1357 = tpu.vector_load %arg12[%get3A_1355, %get3A_1356] {strides = array<i32>} : memref<32x128xf32, #tpu.memory_space<vmem>>, vector<1x16xf32>,
        %get3A_1358 = vector.shape_cast %get3A_1357 : vector<1x16xf32> to vector<16xf32>
        %mul3A_1359 = arith.mulf %get3A_1358, %gather3A_1290 : vector<16xf32>
        %swap3A_1360 = arith.index_cast %add3A_1294 : i32 to index
        %swap3A_1361 = arith.constant 96 : index
        %swap3A_1362 = tpu.vector_load %arg12[%swap3A_1360, %swap3A_1361] {strides = array<i32>} : memref<32x128xf32, #tpu.memory_space<vmem>>, vector<1x16xf32>,
        %swap3A_1363 = vector.shape_cast %swap3A_1362 : vector<1x16xf32> to vector<16xf32>
        %swap3A_1364 = vector.shape_cast %mul3A_1359 : vector<16xf32> to vector<1x16xf32>
        tpu.vector_store %arg12[%swap3A_1360, %swap3A_1361], %swap3A_1364 {strides = array<i32>} : memref<32x128xf32, #tpu.memory_space<vmem>>, vector<1x16xf32>,
        %get3A_1365 = arith.index_cast %add3A_1294 : i32 to index
        %get3A_1366 = arith.constant 112 : index
        %get3A_1367 = tpu.vector_load %arg12[%get3A_1365, %get3A_1366] {strides = array<i32>} : memref<32x128xf32, #tpu.memory_space<vmem>>, vector<1x16xf32>,
        %get3A_1368 = vector.shape_cast %get3A_1367 : vector<1x16xf32> to vector<16xf32>
        %mul3A_1369 = arith.mulf %get3A_1368, %gather3A_1290 : vector<16xf32>
        %swap3A_1370 = arith.index_cast %add3A_1294 : i32 to index
        %swap3A_1371 = arith.constant 112 : index
        %swap3A_1372 = tpu.vector_load %arg12[%swap3A_1370, %swap3A_1371] {strides = array<i32>} : memref<32x128xf32, #tpu.memory_space<vmem>>, vector<1x16xf32>,
        %swap3A_1373 = vector.shape_cast %swap3A_1372 : vector<1x16xf32> to vector<16xf32>
        %swap3A_1374 = vector.shape_cast %mul3A_1369 : vector<16xf32> to vector<1x16xf32>
        tpu.vector_store %arg12[%swap3A_1370, %swap3A_1371], %swap3A_1374 {strides = array<i32>} : memref<32x128xf32, #tpu.memory_space<vmem>>, vector<1x16xf32>,
        %broadcast_in_dim3A_1375 = arith.constant 12 : i32
        %broadcast_in_dim3A_1376 = vector.broadcast %broadcast_in_dim3A_1375 : i32 to vector<16x1xi32>
        %gather3A_1377 = vector.shape_cast %broadcast_in_dim3A_1376 : vector<16x1xi32> to vector<16xi32>
        %gather3A_1378 = tpu.dynamic_gather %get3A_319[%gather3A_1377] in [0] : vector<16xf32>, vector<16xi32> -> vector<16xf32>
        %mul3A_1379 = arith.constant 16 : i32
        %mul3A_1380 = arith.muli %scan3A_314, %mul3A_1379 : i32
        %add3A_1381 = arith.constant 12 : i32
        %add3A_1382 = arith.addi %mul3A_1380, %add3A_1381 : i32
        %get3A_1383 = arith.index_cast %add3A_1382 : i32 to index
        %get3A_1384 = arith.constant 0 : index
        %get3A_1385 = tpu.vector_load %arg12[%get3A_1383, %get3A_1384] {strides = array<i32>} : memref<32x128xf32, #tpu.memory_space<vmem>>, vector<1x16xf32>,
        %get3A_1386 = vector.shape_cast %get3A_1385 : vector<1x16xf32> to vector<16xf32>
        %mul3A_1387 = arith.mulf %get3A_1386, %gather3A_1378 : vector<16xf32>
        %swap3A_1388 = arith.index_cast %add3A_1382 : i32 to index
        %swap3A_1389 = arith.constant 0 : index
        %swap3A_1390 = tpu.vector_load %arg12[%swap3A_1388, %swap3A_1389] {strides = array<i32>} : memref<32x128xf32, #tpu.memory_space<vmem>>, vector<1x16xf32>,
        %swap3A_1391 = vector.shape_cast %swap3A_1390 : vector<1x16xf32> to vector<16xf32>
        %swap3A_1392 = vector.shape_cast %mul3A_1387 : vector<16xf32> to vector<1x16xf32>
        tpu.vector_store %arg12[%swap3A_1388, %swap3A_1389], %swap3A_1392 {strides = array<i32>} : memref<32x128xf32, #tpu.memory_space<vmem>>, vector<1x16xf32>,
        %get3A_1393 = arith.index_cast %add3A_1382 : i32 to index
        %get3A_1394 = arith.constant 16 : index
        %get3A_1395 = tpu.vector_load %arg12[%get3A_1393, %get3A_1394] {strides = array<i32>} : memref<32x128xf32, #tpu.memory_space<vmem>>, vector<1x16xf32>,
        %get3A_1396 = vector.shape_cast %get3A_1395 : vector<1x16xf32> to vector<16xf32>
        %mul3A_1397 = arith.mulf %get3A_1396, %gather3A_1378 : vector<16xf32>
        %swap3A_1398 = arith.index_cast %add3A_1382 : i32 to index
        %swap3A_1399 = arith.constant 16 : index
        %swap3A_1400 = tpu.vector_load %arg12[%swap3A_1398, %swap3A_1399] {strides = array<i32>} : memref<32x128xf32, #tpu.memory_space<vmem>>, vector<1x16xf32>,
        %swap3A_1401 = vector.shape_cast %swap3A_1400 : vector<1x16xf32> to vector<16xf32>
        %swap3A_1402 = vector.shape_cast %mul3A_1397 : vector<16xf32> to vector<1x16xf32>
        tpu.vector_store %arg12[%swap3A_1398, %swap3A_1399], %swap3A_1402 {strides = array<i32>} : memref<32x128xf32, #tpu.memory_space<vmem>>, vector<1x16xf32>,
        %get3A_1403 = arith.index_cast %add3A_1382 : i32 to index
        %get3A_1404 = arith.constant 32 : index
        %get3A_1405 = tpu.vector_load %arg12[%get3A_1403, %get3A_1404] {strides = array<i32>} : memref<32x128xf32, #tpu.memory_space<vmem>>, vector<1x16xf32>,
        %get3A_1406 = vector.shape_cast %get3A_1405 : vector<1x16xf32> to vector<16xf32>
        %mul3A_1407 = arith.mulf %get3A_1406, %gather3A_1378 : vector<16xf32>
        %swap3A_1408 = arith.index_cast %add3A_1382 : i32 to index
        %swap3A_1409 = arith.constant 32 : index
        %swap3A_1410 = tpu.vector_load %arg12[%swap3A_1408, %swap3A_1409] {strides = array<i32>} : memref<32x128xf32, #tpu.memory_space<vmem>>, vector<1x16xf32>,
        %swap3A_1411 = vector.shape_cast %swap3A_1410 : vector<1x16xf32> to vector<16xf32>
        %swap3A_1412 = vector.shape_cast %mul3A_1407 : vector<16xf32> to vector<1x16xf32>
        tpu.vector_store %arg12[%swap3A_1408, %swap3A_1409], %swap3A_1412 {strides = array<i32>} : memref<32x128xf32, #tpu.memory_space<vmem>>, vector<1x16xf32>,
        %get3A_1413 = arith.index_cast %add3A_1382 : i32 to index
        %get3A_1414 = arith.constant 48 : index
        %get3A_1415 = tpu.vector_load %arg12[%get3A_1413, %get3A_1414] {strides = array<i32>} : memref<32x128xf32, #tpu.memory_space<vmem>>, vector<1x16xf32>,
        %get3A_1416 = vector.shape_cast %get3A_1415 : vector<1x16xf32> to vector<16xf32>
        %mul3A_1417 = arith.mulf %get3A_1416, %gather3A_1378 : vector<16xf32>
        %swap3A_1418 = arith.index_cast %add3A_1382 : i32 to index
        %swap3A_1419 = arith.constant 48 : index
        %swap3A_1420 = tpu.vector_load %arg12[%swap3A_1418, %swap3A_1419] {strides = array<i32>} : memref<32x128xf32, #tpu.memory_space<vmem>>, vector<1x16xf32>,
        %swap3A_1421 = vector.shape_cast %swap3A_1420 : vector<1x16xf32> to vector<16xf32>
        %swap3A_1422 = vector.shape_cast %mul3A_1417 : vector<16xf32> to vector<1x16xf32>
        tpu.vector_store %arg12[%swap3A_1418, %swap3A_1419], %swap3A_1422 {strides = array<i32>} : memref<32x128xf32, #tpu.memory_space<vmem>>, vector<1x16xf32>,
        %get3A_1423 = arith.index_cast %add3A_1382 : i32 to index
        %get3A_1424 = arith.constant 64 : index
        %get3A_1425 = tpu.vector_load %arg12[%get3A_1423, %get3A_1424] {strides = array<i32>} : memref<32x128xf32, #tpu.memory_space<vmem>>, vector<1x16xf32>,
        %get3A_1426 = vector.shape_cast %get3A_1425 : vector<1x16xf32> to vector<16xf32>
        %mul3A_1427 = arith.mulf %get3A_1426, %gather3A_1378 : vector<16xf32>
        %swap3A_1428 = arith.index_cast %add3A_1382 : i32 to index
        %swap3A_1429 = arith.constant 64 : index
        %swap3A_1430 = tpu.vector_load %arg12[%swap3A_1428, %swap3A_1429] {strides = array<i32>} : memref<32x128xf32, #tpu.memory_space<vmem>>, vector<1x16xf32>,
        %swap3A_1431 = vector.shape_cast %swap3A_1430 : vector<1x16xf32> to vector<16xf32>
        %swap3A_1432 = vector.shape_cast %mul3A_1427 : vector<16xf32> to vector<1x16xf32>
        tpu.vector_store %arg12[%swap3A_1428, %swap3A_1429], %swap3A_1432 {strides = array<i32>} : memref<32x128xf32, #tpu.memory_space<vmem>>, vector<1x16xf32>,
        %get3A_1433 = arith.index_cast %add3A_1382 : i32 to index
        %get3A_1434 = arith.constant 80 : index
        %get3A_1435 = tpu.vector_load %arg12[%get3A_1433, %get3A_1434] {strides = array<i32>} : memref<32x128xf32, #tpu.memory_space<vmem>>, vector<1x16xf32>,
        %get3A_1436 = vector.shape_cast %get3A_1435 : vector<1x16xf32> to vector<16xf32>
        %mul3A_1437 = arith.mulf %get3A_1436, %gather3A_1378 : vector<16xf32>
        %swap3A_1438 = arith.index_cast %add3A_1382 : i32 to index
        %swap3A_1439 = arith.constant 80 : index
        %swap3A_1440 = tpu.vector_load %arg12[%swap3A_1438, %swap3A_1439] {strides = array<i32>} : memref<32x128xf32, #tpu.memory_space<vmem>>, vector<1x16xf32>,
        %swap3A_1441 = vector.shape_cast %swap3A_1440 : vector<1x16xf32> to vector<16xf32>
        %swap3A_1442 = vector.shape_cast %mul3A_1437 : vector<16xf32> to vector<1x16xf32>
        tpu.vector_store %arg12[%swap3A_1438, %swap3A_1439], %swap3A_1442 {strides = array<i32>} : memref<32x128xf32, #tpu.memory_space<vmem>>, vector<1x16xf32>,
        %get3A_1443 = arith.index_cast %add3A_1382 : i32 to index
        %get3A_1444 = arith.constant 96 : index
        %get3A_1445 = tpu.vector_load %arg12[%get3A_1443, %get3A_1444] {strides = array<i32>} : memref<32x128xf32, #tpu.memory_space<vmem>>, vector<1x16xf32>,
        %get3A_1446 = vector.shape_cast %get3A_1445 : vector<1x16xf32> to vector<16xf32>
        %mul3A_1447 = arith.mulf %get3A_1446, %gather3A_1378 : vector<16xf32>
        %swap3A_1448 = arith.index_cast %add3A_1382 : i32 to index
        %swap3A_1449 = arith.constant 96 : index
        %swap3A_1450 = tpu.vector_load %arg12[%swap3A_1448, %swap3A_1449] {strides = array<i32>} : memref<32x128xf32, #tpu.memory_space<vmem>>, vector<1x16xf32>,
        %swap3A_1451 = vector.shape_cast %swap3A_1450 : vector<1x16xf32> to vector<16xf32>
        %swap3A_1452 = vector.shape_cast %mul3A_1447 : vector<16xf32> to vector<1x16xf32>
        tpu.vector_store %arg12[%swap3A_1448, %swap3A_1449], %swap3A_1452 {strides = array<i32>} : memref<32x128xf32, #tpu.memory_space<vmem>>, vector<1x16xf32>,
        %get3A_1453 = arith.index_cast %add3A_1382 : i32 to index
        %get3A_1454 = arith.constant 112 : index
        %get3A_1455 = tpu.vector_load %arg12[%get3A_1453, %get3A_1454] {strides = array<i32>} : memref<32x128xf32, #tpu.memory_space<vmem>>, vector<1x16xf32>,
        %get3A_1456 = vector.shape_cast %get3A_1455 : vector<1x16xf32> to vector<16xf32>
        %mul3A_1457 = arith.mulf %get3A_1456, %gather3A_1378 : vector<16xf32>
        %swap3A_1458 = arith.index_cast %add3A_1382 : i32 to index
        %swap3A_1459 = arith.constant 112 : index
        %swap3A_1460 = tpu.vector_load %arg12[%swap3A_1458, %swap3A_1459] {strides = array<i32>} : memref<32x128xf32, #tpu.memory_space<vmem>>, vector<1x16xf32>,
        %swap3A_1461 = vector.shape_cast %swap3A_1460 : vector<1x16xf32> to vector<16xf32>
        %swap3A_1462 = vector.shape_cast %mul3A_1457 : vector<16xf32> to vector<1x16xf32>
        tpu.vector_store %arg12[%swap3A_1458, %swap3A_1459], %swap3A_1462 {strides = array<i32>} : memref<32x128xf32, #tpu.memory_space<vmem>>, vector<1x16xf32>,
        %broadcast_in_dim3A_1463 = arith.constant 13 : i32
        %broadcast_in_dim3A_1464 = vector.broadcast %broadcast_in_dim3A_1463 : i32 to vector<16x1xi32>
        %gather3A_1465 = vector.shape_cast %broadcast_in_dim3A_1464 : vector<16x1xi32> to vector<16xi32>
        %gather3A_1466 = tpu.dynamic_gather %get3A_319[%gather3A_1465] in [0] : vector<16xf32>, vector<16xi32> -> vector<16xf32>
        %mul3A_1467 = arith.constant 16 : i32
        %mul3A_1468 = arith.muli %scan3A_314, %mul3A_1467 : i32
        %add3A_1469 = arith.constant 13 : i32
        %add3A_1470 = arith.addi %mul3A_1468, %add3A_1469 : i32
        %get3A_1471 = arith.index_cast %add3A_1470 : i32 to index
        %get3A_1472 = arith.constant 0 : index
        %get3A_1473 = tpu.vector_load %arg12[%get3A_1471, %get3A_1472] {strides = array<i32>} : memref<32x128xf32, #tpu.memory_space<vmem>>, vector<1x16xf32>,
        %get3A_1474 = vector.shape_cast %get3A_1473 : vector<1x16xf32> to vector<16xf32>
        %mul3A_1475 = arith.mulf %get3A_1474, %gather3A_1466 : vector<16xf32>
        %swap3A_1476 = arith.index_cast %add3A_1470 : i32 to index
        %swap3A_1477 = arith.constant 0 : index
        %swap3A_1478 = tpu.vector_load %arg12[%swap3A_1476, %swap3A_1477] {strides = array<i32>} : memref<32x128xf32, #tpu.memory_space<vmem>>, vector<1x16xf32>,
        %swap3A_1479 = vector.shape_cast %swap3A_1478 : vector<1x16xf32> to vector<16xf32>
        %swap3A_1480 = vector.shape_cast %mul3A_1475 : vector<16xf32> to vector<1x16xf32>
        tpu.vector_store %arg12[%swap3A_1476, %swap3A_1477], %swap3A_1480 {strides = array<i32>} : memref<32x128xf32, #tpu.memory_space<vmem>>, vector<1x16xf32>,
        %get3A_1481 = arith.index_cast %add3A_1470 : i32 to index
        %get3A_1482 = arith.constant 16 : index
        %get3A_1483 = tpu.vector_load %arg12[%get3A_1481, %get3A_1482] {strides = array<i32>} : memref<32x128xf32, #tpu.memory_space<vmem>>, vector<1x16xf32>,
        %get3A_1484 = vector.shape_cast %get3A_1483 : vector<1x16xf32> to vector<16xf32>
        %mul3A_1485 = arith.mulf %get3A_1484, %gather3A_1466 : vector<16xf32>
        %swap3A_1486 = arith.index_cast %add3A_1470 : i32 to index
        %swap3A_1487 = arith.constant 16 : index
        %swap3A_1488 = tpu.vector_load %arg12[%swap3A_1486, %swap3A_1487] {strides = array<i32>} : memref<32x128xf32, #tpu.memory_space<vmem>>, vector<1x16xf32>,
        %swap3A_1489 = vector.shape_cast %swap3A_1488 : vector<1x16xf32> to vector<16xf32>
        %swap3A_1490 = vector.shape_cast %mul3A_1485 : vector<16xf32> to vector<1x16xf32>
        tpu.vector_store %arg12[%swap3A_1486, %swap3A_1487], %swap3A_1490 {strides = array<i32>} : memref<32x128xf32, #tpu.memory_space<vmem>>, vector<1x16xf32>,
        %get3A_1491 = arith.index_cast %add3A_1470 : i32 to index
        %get3A_1492 = arith.constant 32 : index
        %get3A_1493 = tpu.vector_load %arg12[%get3A_1491, %get3A_1492] {strides = array<i32>} : memref<32x128xf32, #tpu.memory_space<vmem>>, vector<1x16xf32>,
        %get3A_1494 = vector.shape_cast %get3A_1493 : vector<1x16xf32> to vector<16xf32>
        %mul3A_1495 = arith.mulf %get3A_1494, %gather3A_1466 : vector<16xf32>
        %swap3A_1496 = arith.index_cast %add3A_1470 : i32 to index
        %swap3A_1497 = arith.constant 32 : index
        %swap3A_1498 = tpu.vector_load %arg12[%swap3A_1496, %swap3A_1497] {strides = array<i32>} : memref<32x128xf32, #tpu.memory_space<vmem>>, vector<1x16xf32>,
        %swap3A_1499 = vector.shape_cast %swap3A_1498 : vector<1x16xf32> to vector<16xf32>
        %swap3A_1500 = vector.shape_cast %mul3A_1495 : vector<16xf32> to vector<1x16xf32>
        tpu.vector_store %arg12[%swap3A_1496, %swap3A_1497], %swap3A_1500 {strides = array<i32>} : memref<32x128xf32, #tpu.memory_space<vmem>>, vector<1x16xf32>,
        %get3A_1501 = arith.index_cast %add3A_1470 : i32 to index
        %get3A_1502 = arith.constant 48 : index
        %get3A_1503 = tpu.vector_load %arg12[%get3A_1501, %get3A_1502] {strides = array<i32>} : memref<32x128xf32, #tpu.memory_space<vmem>>, vector<1x16xf32>,
        %get3A_1504 = vector.shape_cast %get3A_1503 : vector<1x16xf32> to vector<16xf32>
        %mul3A_1505 = arith.mulf %get3A_1504, %gather3A_1466 : vector<16xf32>
        %swap3A_1506 = arith.index_cast %add3A_1470 : i32 to index
        %swap3A_1507 = arith.constant 48 : index
        %swap3A_1508 = tpu.vector_load %arg12[%swap3A_1506, %swap3A_1507] {strides = array<i32>} : memref<32x128xf32, #tpu.memory_space<vmem>>, vector<1x16xf32>,
        %swap3A_1509 = vector.shape_cast %swap3A_1508 : vector<1x16xf32> to vector<16xf32>
        %swap3A_1510 = vector.shape_cast %mul3A_1505 : vector<16xf32> to vector<1x16xf32>
        tpu.vector_store %arg12[%swap3A_1506, %swap3A_1507], %swap3A_1510 {strides = array<i32>} : memref<32x128xf32, #tpu.memory_space<vmem>>, vector<1x16xf32>,
        %get3A_1511 = arith.index_cast %add3A_1470 : i32 to index
        %get3A_1512 = arith.constant 64 : index
        %get3A_1513 = tpu.vector_load %arg12[%get3A_1511, %get3A_1512] {strides = array<i32>} : memref<32x128xf32, #tpu.memory_space<vmem>>, vector<1x16xf32>,
        %get3A_1514 = vector.shape_cast %get3A_1513 : vector<1x16xf32> to vector<16xf32>
        %mul3A_1515 = arith.mulf %get3A_1514, %gather3A_1466 : vector<16xf32>
        %swap3A_1516 = arith.index_cast %add3A_1470 : i32 to index
        %swap3A_1517 = arith.constant 64 : index
        %swap3A_1518 = tpu.vector_load %arg12[%swap3A_1516, %swap3A_1517] {strides = array<i32>} : memref<32x128xf32, #tpu.memory_space<vmem>>, vector<1x16xf32>,
        %swap3A_1519 = vector.shape_cast %swap3A_1518 : vector<1x16xf32> to vector<16xf32>
        %swap3A_1520 = vector.shape_cast %mul3A_1515 : vector<16xf32> to vector<1x16xf32>
        tpu.vector_store %arg12[%swap3A_1516, %swap3A_1517], %swap3A_1520 {strides = array<i32>} : memref<32x128xf32, #tpu.memory_space<vmem>>, vector<1x16xf32>,
        %get3A_1521 = arith.index_cast %add3A_1470 : i32 to index
        %get3A_1522 = arith.constant 80 : index
        %get3A_1523 = tpu.vector_load %arg12[%get3A_1521, %get3A_1522] {strides = array<i32>} : memref<32x128xf32, #tpu.memory_space<vmem>>, vector<1x16xf32>,
        %get3A_1524 = vector.shape_cast %get3A_1523 : vector<1x16xf32> to vector<16xf32>
        %mul3A_1525 = arith.mulf %get3A_1524, %gather3A_1466 : vector<16xf32>
        %swap3A_1526 = arith.index_cast %add3A_1470 : i32 to index
        %swap3A_1527 = arith.constant 80 : index
        %swap3A_1528 = tpu.vector_load %arg12[%swap3A_1526, %swap3A_1527] {strides = array<i32>} : memref<32x128xf32, #tpu.memory_space<vmem>>, vector<1x16xf32>,
        %swap3A_1529 = vector.shape_cast %swap3A_1528 : vector<1x16xf32> to vector<16xf32>
        %swap3A_1530 = vector.shape_cast %mul3A_1525 : vector<16xf32> to vector<1x16xf32>
        tpu.vector_store %arg12[%swap3A_1526, %swap3A_1527], %swap3A_1530 {strides = array<i32>} : memref<32x128xf32, #tpu.memory_space<vmem>>, vector<1x16xf32>,
        %get3A_1531 = arith.index_cast %add3A_1470 : i32 to index
        %get3A_1532 = arith.constant 96 : index
        %get3A_1533 = tpu.vector_load %arg12[%get3A_1531, %get3A_1532] {strides = array<i32>} : memref<32x128xf32, #tpu.memory_space<vmem>>, vector<1x16xf32>,
        %get3A_1534 = vector.shape_cast %get3A_1533 : vector<1x16xf32> to vector<16xf32>
        %mul3A_1535 = arith.mulf %get3A_1534, %gather3A_1466 : vector<16xf32>
        %swap3A_1536 = arith.index_cast %add3A_1470 : i32 to index
        %swap3A_1537 = arith.constant 96 : index
        %swap3A_1538 = tpu.vector_load %arg12[%swap3A_1536, %swap3A_1537] {strides = array<i32>} : memref<32x128xf32, #tpu.memory_space<vmem>>, vector<1x16xf32>,
        %swap3A_1539 = vector.shape_cast %swap3A_1538 : vector<1x16xf32> to vector<16xf32>
        %swap3A_1540 = vector.shape_cast %mul3A_1535 : vector<16xf32> to vector<1x16xf32>
        tpu.vector_store %arg12[%swap3A_1536, %swap3A_1537], %swap3A_1540 {strides = array<i32>} : memref<32x128xf32, #tpu.memory_space<vmem>>, vector<1x16xf32>,
        %get3A_1541 = arith.index_cast %add3A_1470 : i32 to index
        %get3A_1542 = arith.constant 112 : index
        %get3A_1543 = tpu.vector_load %arg12[%get3A_1541, %get3A_1542] {strides = array<i32>} : memref<32x128xf32, #tpu.memory_space<vmem>>, vector<1x16xf32>,
        %get3A_1544 = vector.shape_cast %get3A_1543 : vector<1x16xf32> to vector<16xf32>
        %mul3A_1545 = arith.mulf %get3A_1544, %gather3A_1466 : vector<16xf32>
        %swap3A_1546 = arith.index_cast %add3A_1470 : i32 to index
        %swap3A_1547 = arith.constant 112 : index
        %swap3A_1548 = tpu.vector_load %arg12[%swap3A_1546, %swap3A_1547] {strides = array<i32>} : memref<32x128xf32, #tpu.memory_space<vmem>>, vector<1x16xf32>,
        %swap3A_1549 = vector.shape_cast %swap3A_1548 : vector<1x16xf32> to vector<16xf32>
        %swap3A_1550 = vector.shape_cast %mul3A_1545 : vector<16xf32> to vector<1x16xf32>
        tpu.vector_store %arg12[%swap3A_1546, %swap3A_1547], %swap3A_1550 {strides = array<i32>} : memref<32x128xf32, #tpu.memory_space<vmem>>, vector<1x16xf32>,
        %broadcast_in_dim3A_1551 = arith.constant 14 : i32
        %broadcast_in_dim3A_1552 = vector.broadcast %broadcast_in_dim3A_1551 : i32 to vector<16x1xi32>
        %gather3A_1553 = vector.shape_cast %broadcast_in_dim3A_1552 : vector<16x1xi32> to vector<16xi32>
        %gather3A_1554 = tpu.dynamic_gather %get3A_319[%gather3A_1553] in [0] : vector<16xf32>, vector<16xi32> -> vector<16xf32>
        %mul3A_1555 = arith.constant 16 : i32
        %mul3A_1556 = arith.muli %scan3A_314, %mul3A_1555 : i32
        %add3A_1557 = arith.constant 14 : i32
        %add3A_1558 = arith.addi %mul3A_1556, %add3A_1557 : i32
        %get3A_1559 = arith.index_cast %add3A_1558 : i32 to index
        %get3A_1560 = arith.constant 0 : index
        %get3A_1561 = tpu.vector_load %arg12[%get3A_1559, %get3A_1560] {strides = array<i32>} : memref<32x128xf32, #tpu.memory_space<vmem>>, vector<1x16xf32>,
        %get3A_1562 = vector.shape_cast %get3A_1561 : vector<1x16xf32> to vector<16xf32>
        %mul3A_1563 = arith.mulf %get3A_1562, %gather3A_1554 : vector<16xf32>
        %swap3A_1564 = arith.index_cast %add3A_1558 : i32 to index
        %swap3A_1565 = arith.constant 0 : index
        %swap3A_1566 = tpu.vector_load %arg12[%swap3A_1564, %swap3A_1565] {strides = array<i32>} : memref<32x128xf32, #tpu.memory_space<vmem>>, vector<1x16xf32>,
        %swap3A_1567 = vector.shape_cast %swap3A_1566 : vector<1x16xf32> to vector<16xf32>
        %swap3A_1568 = vector.shape_cast %mul3A_1563 : vector<16xf32> to vector<1x16xf32>
        tpu.vector_store %arg12[%swap3A_1564, %swap3A_1565], %swap3A_1568 {strides = array<i32>} : memref<32x128xf32, #tpu.memory_space<vmem>>, vector<1x16xf32>,
        %get3A_1569 = arith.index_cast %add3A_1558 : i32 to index
        %get3A_1570 = arith.constant 16 : index
        %get3A_1571 = tpu.vector_load %arg12[%get3A_1569, %get3A_1570] {strides = array<i32>} : memref<32x128xf32, #tpu.memory_space<vmem>>, vector<1x16xf32>,
        %get3A_1572 = vector.shape_cast %get3A_1571 : vector<1x16xf32> to vector<16xf32>
        %mul3A_1573 = arith.mulf %get3A_1572, %gather3A_1554 : vector<16xf32>
        %swap3A_1574 = arith.index_cast %add3A_1558 : i32 to index
        %swap3A_1575 = arith.constant 16 : index
        %swap3A_1576 = tpu.vector_load %arg12[%swap3A_1574, %swap3A_1575] {strides = array<i32>} : memref<32x128xf32, #tpu.memory_space<vmem>>, vector<1x16xf32>,
        %swap3A_1577 = vector.shape_cast %swap3A_1576 : vector<1x16xf32> to vector<16xf32>
        %swap3A_1578 = vector.shape_cast %mul3A_1573 : vector<16xf32> to vector<1x16xf32>
        tpu.vector_store %arg12[%swap3A_1574, %swap3A_1575], %swap3A_1578 {strides = array<i32>} : memref<32x128xf32, #tpu.memory_space<vmem>>, vector<1x16xf32>,
        %get3A_1579 = arith.index_cast %add3A_1558 : i32 to index
        %get3A_1580 = arith.constant 32 : index
        %get3A_1581 = tpu.vector_load %arg12[%get3A_1579, %get3A_1580] {strides = array<i32>} : memref<32x128xf32, #tpu.memory_space<vmem>>, vector<1x16xf32>,
        %get3A_1582 = vector.shape_cast %get3A_1581 : vector<1x16xf32> to vector<16xf32>
        %mul3A_1583 = arith.mulf %get3A_1582, %gather3A_1554 : vector<16xf32>
        %swap3A_1584 = arith.index_cast %add3A_1558 : i32 to index
        %swap3A_1585 = arith.constant 32 : index
        %swap3A_1586 = tpu.vector_load %arg12[%swap3A_1584, %swap3A_1585] {strides = array<i32>} : memref<32x128xf32, #tpu.memory_space<vmem>>, vector<1x16xf32>,
        %swap3A_1587 = vector.shape_cast %swap3A_1586 : vector<1x16xf32> to vector<16xf32>
        %swap3A_1588 = vector.shape_cast %mul3A_1583 : vector<16xf32> to vector<1x16xf32>
        tpu.vector_store %arg12[%swap3A_1584, %swap3A_1585], %swap3A_1588 {strides = array<i32>} : memref<32x128xf32, #tpu.memory_space<vmem>>, vector<1x16xf32>,
        %get3A_1589 = arith.index_cast %add3A_1558 : i32 to index
        %get3A_1590 = arith.constant 48 : index
        %get3A_1591 = tpu.vector_load %arg12[%get3A_1589, %get3A_1590] {strides = array<i32>} : memref<32x128xf32, #tpu.memory_space<vmem>>, vector<1x16xf32>,
        %get3A_1592 = vector.shape_cast %get3A_1591 : vector<1x16xf32> to vector<16xf32>
        %mul3A_1593 = arith.mulf %get3A_1592, %gather3A_1554 : vector<16xf32>
        %swap3A_1594 = arith.index_cast %add3A_1558 : i32 to index
        %swap3A_1595 = arith.constant 48 : index
        %swap3A_1596 = tpu.vector_load %arg12[%swap3A_1594, %swap3A_1595] {strides = array<i32>} : memref<32x128xf32, #tpu.memory_space<vmem>>, vector<1x16xf32>,
        %swap3A_1597 = vector.shape_cast %swap3A_1596 : vector<1x16xf32> to vector<16xf32>
        %swap3A_1598 = vector.shape_cast %mul3A_1593 : vector<16xf32> to vector<1x16xf32>
        tpu.vector_store %arg12[%swap3A_1594, %swap3A_1595], %swap3A_1598 {strides = array<i32>} : memref<32x128xf32, #tpu.memory_space<vmem>>, vector<1x16xf32>,
        %get3A_1599 = arith.index_cast %add3A_1558 : i32 to index
        %get3A_1600 = arith.constant 64 : index
        %get3A_1601 = tpu.vector_load %arg12[%get3A_1599, %get3A_1600] {strides = array<i32>} : memref<32x128xf32, #tpu.memory_space<vmem>>, vector<1x16xf32>,
        %get3A_1602 = vector.shape_cast %get3A_1601 : vector<1x16xf32> to vector<16xf32>
        %mul3A_1603 = arith.mulf %get3A_1602, %gather3A_1554 : vector<16xf32>
        %swap3A_1604 = arith.index_cast %add3A_1558 : i32 to index
        %swap3A_1605 = arith.constant 64 : index
        %swap3A_1606 = tpu.vector_load %arg12[%swap3A_1604, %swap3A_1605] {strides = array<i32>} : memref<32x128xf32, #tpu.memory_space<vmem>>, vector<1x16xf32>,
        %swap3A_1607 = vector.shape_cast %swap3A_1606 : vector<1x16xf32> to vector<16xf32>
        %swap3A_1608 = vector.shape_cast %mul3A_1603 : vector<16xf32> to vector<1x16xf32>
        tpu.vector_store %arg12[%swap3A_1604, %swap3A_1605], %swap3A_1608 {strides = array<i32>} : memref<32x128xf32, #tpu.memory_space<vmem>>, vector<1x16xf32>,
        %get3A_1609 = arith.index_cast %add3A_1558 : i32 to index
        %get3A_1610 = arith.constant 80 : index
        %get3A_1611 = tpu.vector_load %arg12[%get3A_1609, %get3A_1610] {strides = array<i32>} : memref<32x128xf32, #tpu.memory_space<vmem>>, vector<1x16xf32>,
        %get3A_1612 = vector.shape_cast %get3A_1611 : vector<1x16xf32> to vector<16xf32>
        %mul3A_1613 = arith.mulf %get3A_1612, %gather3A_1554 : vector<16xf32>
        %swap3A_1614 = arith.index_cast %add3A_1558 : i32 to index
        %swap3A_1615 = arith.constant 80 : index
        %swap3A_1616 = tpu.vector_load %arg12[%swap3A_1614, %swap3A_1615] {strides = array<i32>} : memref<32x128xf32, #tpu.memory_space<vmem>>, vector<1x16xf32>,
        %swap3A_1617 = vector.shape_cast %swap3A_1616 : vector<1x16xf32> to vector<16xf32>
        %swap3A_1618 = vector.shape_cast %mul3A_1613 : vector<16xf32> to vector<1x16xf32>
        tpu.vector_store %arg12[%swap3A_1614, %swap3A_1615], %swap3A_1618 {strides = array<i32>} : memref<32x128xf32, #tpu.memory_space<vmem>>, vector<1x16xf32>,
        %get3A_1619 = arith.index_cast %add3A_1558 : i32 to index
        %get3A_1620 = arith.constant 96 : index
        %get3A_1621 = tpu.vector_load %arg12[%get3A_1619, %get3A_1620] {strides = array<i32>} : memref<32x128xf32, #tpu.memory_space<vmem>>, vector<1x16xf32>,
        %get3A_1622 = vector.shape_cast %get3A_1621 : vector<1x16xf32> to vector<16xf32>
        %mul3A_1623 = arith.mulf %get3A_1622, %gather3A_1554 : vector<16xf32>
        %swap3A_1624 = arith.index_cast %add3A_1558 : i32 to index
        %swap3A_1625 = arith.constant 96 : index
        %swap3A_1626 = tpu.vector_load %arg12[%swap3A_1624, %swap3A_1625] {strides = array<i32>} : memref<32x128xf32, #tpu.memory_space<vmem>>, vector<1x16xf32>,
        %swap3A_1627 = vector.shape_cast %swap3A_1626 : vector<1x16xf32> to vector<16xf32>
        %swap3A_1628 = vector.shape_cast %mul3A_1623 : vector<16xf32> to vector<1x16xf32>
        tpu.vector_store %arg12[%swap3A_1624, %swap3A_1625], %swap3A_1628 {strides = array<i32>} : memref<32x128xf32, #tpu.memory_space<vmem>>, vector<1x16xf32>,
        %get3A_1629 = arith.index_cast %add3A_1558 : i32 to index
        %get3A_1630 = arith.constant 112 : index
        %get3A_1631 = tpu.vector_load %arg12[%get3A_1629, %get3A_1630] {strides = array<i32>} : memref<32x128xf32, #tpu.memory_space<vmem>>, vector<1x16xf32>,
        %get3A_1632 = vector.shape_cast %get3A_1631 : vector<1x16xf32> to vector<16xf32>
        %mul3A_1633 = arith.mulf %get3A_1632, %gather3A_1554 : vector<16xf32>
        %swap3A_1634 = arith.index_cast %add3A_1558 : i32 to index
        %swap3A_1635 = arith.constant 112 : index
        %swap3A_1636 = tpu.vector_load %arg12[%swap3A_1634, %swap3A_1635] {strides = array<i32>} : memref<32x128xf32, #tpu.memory_space<vmem>>, vector<1x16xf32>,
        %swap3A_1637 = vector.shape_cast %swap3A_1636 : vector<1x16xf32> to vector<16xf32>
        %swap3A_1638 = vector.shape_cast %mul3A_1633 : vector<16xf32> to vector<1x16xf32>
        tpu.vector_store %arg12[%swap3A_1634, %swap3A_1635], %swap3A_1638 {strides = array<i32>} : memref<32x128xf32, #tpu.memory_space<vmem>>, vector<1x16xf32>,
        %broadcast_in_dim3A_1639 = arith.constant 15 : i32
        %broadcast_in_dim3A_1640 = vector.broadcast %broadcast_in_dim3A_1639 : i32 to vector<16x1xi32>
        %gather3A_1641 = vector.shape_cast %broadcast_in_dim3A_1640 : vector<16x1xi32> to vector<16xi32>
        %gather3A_1642 = tpu.dynamic_gather %get3A_319[%gather3A_1641] in [0] : vector<16xf32>, vector<16xi32> -> vector<16xf32>
        %mul3A_1643 = arith.constant 16 : i32
        %mul3A_1644 = arith.muli %scan3A_314, %mul3A_1643 : i32
        %add3A_1645 = arith.constant 15 : i32
        %add3A_1646 = arith.addi %mul3A_1644, %add3A_1645 : i32
        %get3A_1647 = arith.index_cast %add3A_1646 : i32 to index
        %get3A_1648 = arith.constant 0 : index
        %get3A_1649 = tpu.vector_load %arg12[%get3A_1647, %get3A_1648] {strides = array<i32>} : memref<32x128xf32, #tpu.memory_space<vmem>>, vector<1x16xf32>,
        %get3A_1650 = vector.shape_cast %get3A_1649 : vector<1x16xf32> to vector<16xf32>
        %mul3A_1651 = arith.mulf %get3A_1650, %gather3A_1642 : vector<16xf32>
        %swap3A_1652 = arith.index_cast %add3A_1646 : i32 to index
        %swap3A_1653 = arith.constant 0 : index
        %swap3A_1654 = tpu.vector_load %arg12[%swap3A_1652, %swap3A_1653] {strides = array<i32>} : memref<32x128xf32, #tpu.memory_space<vmem>>, vector<1x16xf32>,
        %swap3A_1655 = vector.shape_cast %swap3A_1654 : vector<1x16xf32> to vector<16xf32>
        %swap3A_1656 = vector.shape_cast %mul3A_1651 : vector<16xf32> to vector<1x16xf32>
        tpu.vector_store %arg12[%swap3A_1652, %swap3A_1653], %swap3A_1656 {strides = array<i32>} : memref<32x128xf32, #tpu.memory_space<vmem>>, vector<1x16xf32>,
        %get3A_1657 = arith.index_cast %add3A_1646 : i32 to index
        %get3A_1658 = arith.constant 16 : index
        %get3A_1659 = tpu.vector_load %arg12[%get3A_1657, %get3A_1658] {strides = array<i32>} : memref<32x128xf32, #tpu.memory_space<vmem>>, vector<1x16xf32>,
        %get3A_1660 = vector.shape_cast %get3A_1659 : vector<1x16xf32> to vector<16xf32>
        %mul3A_1661 = arith.mulf %get3A_1660, %gather3A_1642 : vector<16xf32>
        %swap3A_1662 = arith.index_cast %add3A_1646 : i32 to index
        %swap3A_1663 = arith.constant 16 : index
        %swap3A_1664 = tpu.vector_load %arg12[%swap3A_1662, %swap3A_1663] {strides = array<i32>} : memref<32x128xf32, #tpu.memory_space<vmem>>, vector<1x16xf32>,
        %swap3A_1665 = vector.shape_cast %swap3A_1664 : vector<1x16xf32> to vector<16xf32>
        %swap3A_1666 = vector.shape_cast %mul3A_1661 : vector<16xf32> to vector<1x16xf32>
        tpu.vector_store %arg12[%swap3A_1662, %swap3A_1663], %swap3A_1666 {strides = array<i32>} : memref<32x128xf32, #tpu.memory_space<vmem>>, vector<1x16xf32>,
        %get3A_1667 = arith.index_cast %add3A_1646 : i32 to index
        %get3A_1668 = arith.constant 32 : index
        %get3A_1669 = tpu.vector_load %arg12[%get3A_1667, %get3A_1668] {strides = array<i32>} : memref<32x128xf32, #tpu.memory_space<vmem>>, vector<1x16xf32>,
        %get3A_1670 = vector.shape_cast %get3A_1669 : vector<1x16xf32> to vector<16xf32>
        %mul3A_1671 = arith.mulf %get3A_1670, %gather3A_1642 : vector<16xf32>
        %swap3A_1672 = arith.index_cast %add3A_1646 : i32 to index
        %swap3A_1673 = arith.constant 32 : index
        %swap3A_1674 = tpu.vector_load %arg12[%swap3A_1672, %swap3A_1673] {strides = array<i32>} : memref<32x128xf32, #tpu.memory_space<vmem>>, vector<1x16xf32>,
        %swap3A_1675 = vector.shape_cast %swap3A_1674 : vector<1x16xf32> to vector<16xf32>
        %swap3A_1676 = vector.shape_cast %mul3A_1671 : vector<16xf32> to vector<1x16xf32>
        tpu.vector_store %arg12[%swap3A_1672, %swap3A_1673], %swap3A_1676 {strides = array<i32>} : memref<32x128xf32, #tpu.memory_space<vmem>>, vector<1x16xf32>,
        %get3A_1677 = arith.index_cast %add3A_1646 : i32 to index
        %get3A_1678 = arith.constant 48 : index
        %get3A_1679 = tpu.vector_load %arg12[%get3A_1677, %get3A_1678] {strides = array<i32>} : memref<32x128xf32, #tpu.memory_space<vmem>>, vector<1x16xf32>,
        %get3A_1680 = vector.shape_cast %get3A_1679 : vector<1x16xf32> to vector<16xf32>
        %mul3A_1681 = arith.mulf %get3A_1680, %gather3A_1642 : vector<16xf32>
        %swap3A_1682 = arith.index_cast %add3A_1646 : i32 to index
        %swap3A_1683 = arith.constant 48 : index
        %swap3A_1684 = tpu.vector_load %arg12[%swap3A_1682, %swap3A_1683] {strides = array<i32>} : memref<32x128xf32, #tpu.memory_space<vmem>>, vector<1x16xf32>,
        %swap3A_1685 = vector.shape_cast %swap3A_1684 : vector<1x16xf32> to vector<16xf32>
        %swap3A_1686 = vector.shape_cast %mul3A_1681 : vector<16xf32> to vector<1x16xf32>
        tpu.vector_store %arg12[%swap3A_1682, %swap3A_1683], %swap3A_1686 {strides = array<i32>} : memref<32x128xf32, #tpu.memory_space<vmem>>, vector<1x16xf32>,
        %get3A_1687 = arith.index_cast %add3A_1646 : i32 to index
        %get3A_1688 = arith.constant 64 : index
        %get3A_1689 = tpu.vector_load %arg12[%get3A_1687, %get3A_1688] {strides = array<i32>} : memref<32x128xf32, #tpu.memory_space<vmem>>, vector<1x16xf32>,
        %get3A_1690 = vector.shape_cast %get3A_1689 : vector<1x16xf32> to vector<16xf32>
        %mul3A_1691 = arith.mulf %get3A_1690, %gather3A_1642 : vector<16xf32>
        %swap3A_1692 = arith.index_cast %add3A_1646 : i32 to index
        %swap3A_1693 = arith.constant 64 : index
        %swap3A_1694 = tpu.vector_load %arg12[%swap3A_1692, %swap3A_1693] {strides = array<i32>} : memref<32x128xf32, #tpu.memory_space<vmem>>, vector<1x16xf32>,
        %swap3A_1695 = vector.shape_cast %swap3A_1694 : vector<1x16xf32> to vector<16xf32>
        %swap3A_1696 = vector.shape_cast %mul3A_1691 : vector<16xf32> to vector<1x16xf32>
        tpu.vector_store %arg12[%swap3A_1692, %swap3A_1693], %swap3A_1696 {strides = array<i32>} : memref<32x128xf32, #tpu.memory_space<vmem>>, vector<1x16xf32>,
        %get3A_1697 = arith.index_cast %add3A_1646 : i32 to index
        %get3A_1698 = arith.constant 80 : index
        %get3A_1699 = tpu.vector_load %arg12[%get3A_1697, %get3A_1698] {strides = array<i32>} : memref<32x128xf32, #tpu.memory_space<vmem>>, vector<1x16xf32>,
        %get3A_1700 = vector.shape_cast %get3A_1699 : vector<1x16xf32> to vector<16xf32>
        %mul3A_1701 = arith.mulf %get3A_1700, %gather3A_1642 : vector<16xf32>
        %swap3A_1702 = arith.index_cast %add3A_1646 : i32 to index
        %swap3A_1703 = arith.constant 80 : index
        %swap3A_1704 = tpu.vector_load %arg12[%swap3A_1702, %swap3A_1703] {strides = array<i32>} : memref<32x128xf32, #tpu.memory_space<vmem>>, vector<1x16xf32>,
        %swap3A_1705 = vector.shape_cast %swap3A_1704 : vector<1x16xf32> to vector<16xf32>
        %swap3A_1706 = vector.shape_cast %mul3A_1701 : vector<16xf32> to vector<1x16xf32>
        tpu.vector_store %arg12[%swap3A_1702, %swap3A_1703], %swap3A_1706 {strides = array<i32>} : memref<32x128xf32, #tpu.memory_space<vmem>>, vector<1x16xf32>,
        %get3A_1707 = arith.index_cast %add3A_1646 : i32 to index
        %get3A_1708 = arith.constant 96 : index
        %get3A_1709 = tpu.vector_load %arg12[%get3A_1707, %get3A_1708] {strides = array<i32>} : memref<32x128xf32, #tpu.memory_space<vmem>>, vector<1x16xf32>,
        %get3A_1710 = vector.shape_cast %get3A_1709 : vector<1x16xf32> to vector<16xf32>
        %mul3A_1711 = arith.mulf %get3A_1710, %gather3A_1642 : vector<16xf32>
        %swap3A_1712 = arith.index_cast %add3A_1646 : i32 to index
        %swap3A_1713 = arith.constant 96 : index
        %swap3A_1714 = tpu.vector_load %arg12[%swap3A_1712, %swap3A_1713] {strides = array<i32>} : memref<32x128xf32, #tpu.memory_space<vmem>>, vector<1x16xf32>,
        %swap3A_1715 = vector.shape_cast %swap3A_1714 : vector<1x16xf32> to vector<16xf32>
        %swap3A_1716 = vector.shape_cast %mul3A_1711 : vector<16xf32> to vector<1x16xf32>
        tpu.vector_store %arg12[%swap3A_1712, %swap3A_1713], %swap3A_1716 {strides = array<i32>} : memref<32x128xf32, #tpu.memory_space<vmem>>, vector<1x16xf32>,
        %get3A_1717 = arith.index_cast %add3A_1646 : i32 to index
        %get3A_1718 = arith.constant 112 : index
        %get3A_1719 = tpu.vector_load %arg12[%get3A_1717, %get3A_1718] {strides = array<i32>} : memref<32x128xf32, #tpu.memory_space<vmem>>, vector<1x16xf32>,
        %get3A_1720 = vector.shape_cast %get3A_1719 : vector<1x16xf32> to vector<16xf32>
        %mul3A_1721 = arith.mulf %get3A_1720, %gather3A_1642 : vector<16xf32>
        %swap3A_1722 = arith.index_cast %add3A_1646 : i32 to index
        %swap3A_1723 = arith.constant 112 : index
        %swap3A_1724 = tpu.vector_load %arg12[%swap3A_1722, %swap3A_1723] {strides = array<i32>} : memref<32x128xf32, #tpu.memory_space<vmem>>, vector<1x16xf32>,
        %swap3A_1725 = vector.shape_cast %swap3A_1724 : vector<1x16xf32> to vector<16xf32>
        %swap3A_1726 = vector.shape_cast %mul3A_1721 : vector<16xf32> to vector<1x16xf32>
        tpu.vector_store %arg12[%swap3A_1722, %swap3A_1723], %swap3A_1726 {strides = array<i32>} : memref<32x128xf32, #tpu.memory_space<vmem>>, vector<1x16xf32>,
      }
      %scan3A_299 = arith.constant 2 : i32
      "tpu.region"() ({
        %run_scoped3A = tpu.sem_alloc : memref<!tpu.dma_semaphore, #tpu.memory_space<semaphore_mem>>
        %dma_start3A_314 = arith.constant 0 : i32
        %dma_start3A_315 = arith.constant 0 : i32
        %dma_start3A_316 = tpu.memref_slice %arg15[%dma_start3A_314, %dma_start3A_315] : memref<5064x128xf32, #tpu.memory_space<vmem_shared>> -> memref<5064x128xf32, #tpu.memory_space<vmem_shared>>
        tpu.enqueue_indirect_dma source(%arg12 : memref<32x128xf32, #tpu.memory_space<vmem>>) target(%dma_start3A_316 : memref<5064x128xf32, #tpu.memory_space<vmem_shared>>) offsets(%arg8 : memref<32xi32, #tpu.memory_space<vmem>>) semaphore(%run_scoped3A : memref<!tpu.dma_semaphore, #tpu.memory_space<semaphore_mem>>) {add = true}
        %dma_wait3A_317 = arith.constant 0 : i32
        %dma_wait3A_318 = arith.constant 0 : i32
        %dma_wait3A_319 = tpu.memref_slice %arg15[%dma_wait3A_317, %dma_wait3A_318] : memref<5064x128xf32, #tpu.memory_space<vmem_shared>> -> memref<5064x128xf32, #tpu.memory_space<vmem_shared>>
        tpu.wait_indirect_dma semaphore(%run_scoped3A : memref<!tpu.dma_semaphore, #tpu.memory_space<semaphore_mem>>) src(%arg12 : memref<32x128xf32, #tpu.memory_space<vmem>>) dst(%dma_wait3A_319 : memref<5064x128xf32, #tpu.memory_space<vmem_shared>>)
        tpu.yield
      }) : () -> ()
      %lt3A_300 = arith.constant 319 : i32
      %lt3A_301 = arith.cmpi slt, %scan3A_135, %lt3A_300 : i32
      %convert_element_type3A_302 = arith.extui %lt3A_301 : i1 to i32
      %cond3A_303 = arith.constant 0 : i32
      %cond3A_304 = arith.cmpi ne, %convert_element_type3A_302, %cond3A_303 : i32
      scf.if %cond3A_304 {
        %add3A_314 = arith.constant 2 : i32
        %add3A_315 = arith.addi %mul3A_137, %add3A_314 : i32
        %jit3A_316 = arith.constant 16 : i32
        %eq3A_317 = arith.constant 0 : i32
        %eq3A_318 = arith.cmpi eq, %jit3A_316, %eq3A_317 : i32
        %jit3A_319 = arith.constant 1 : i32
        %select_n3A_320 = arith.select %eq3A_318, %jit3A_319, %jit3A_316 : i32
        %rem3A_321 = arith.remsi %add3A_315, %select_n3A_320 : i32
        %ne3A_322 = arith.constant 0 : i32
        %ne3A_323 = arith.cmpi ne, %rem3A_321, %ne3A_322 : i32
        %lt3A_324 = arith.constant 0 : i32
        %lt3A_325 = arith.cmpi slt, %rem3A_321, %lt3A_324 : i32
        %lt3A_326 = arith.constant 0 : i32
        %lt3A_327 = arith.cmpi slt, %select_n3A_320, %lt3A_326 : i32
        %ne3A_328 = arith.xori %lt3A_325, %lt3A_327 : i1
        %and3A_329 = arith.andi %ne3A_328, %ne3A_323 : i1
        %add3A_330 = arith.addi %rem3A_321, %select_n3A_320 : i32
        %select_n3A_331 = arith.select %and3A_329, %add3A_330, %rem3A_321 : i32
        %eq3A_332 = arith.constant 0 : i32
        %eq3A_333 = arith.cmpi eq, %select_n3A_331, %eq3A_332 : i32
        %convert_element_type3A_334 = arith.extui %eq3A_333 : i1 to i32
        %cond3A_335 = arith.constant 0 : i32
        %cond3A_336 = arith.cmpi ne, %convert_element_type3A_334, %cond3A_335 : i32
        scf.if %cond3A_336 {
          %jit3A_494 = arith.constant 16 : i32
          %div3A_495 = arith.divsi %add3A_315, %jit3A_494 : i32
          %sign3A_496 = arith.constant 0 : i32
          %sign3A_497 = arith.cmpi sgt, %add3A_315, %sign3A_496 : i32
          %sign3A_498 = arith.extui %sign3A_497 : i1 to i32
          %sign3A_499 = arith.constant 0 : i32
          %sign3A_500 = arith.cmpi slt, %add3A_315, %sign3A_499 : i32
          %sign3A_501 = arith.extui %sign3A_500 : i1 to i32
          %sign3A_502 = arith.subi %sign3A_498, %sign3A_501 : i32
          %sign3A_503 = arith.constant 0 : i32
          %sign3A_504 = arith.cmpi sgt, %jit3A_494, %sign3A_503 : i32
          %sign3A_505 = arith.extui %sign3A_504 : i1 to i32
          %sign3A_506 = arith.constant 0 : i32
          %sign3A_507 = arith.cmpi slt, %jit3A_494, %sign3A_506 : i32
          %sign3A_508 = arith.extui %sign3A_507 : i1 to i32
          %sign3A_509 = arith.subi %sign3A_505, %sign3A_508 : i32
          %ne3A_510 = arith.cmpi ne, %sign3A_502, %sign3A_509 : i32
          %rem3A_511 = arith.remsi %add3A_315, %jit3A_494 : i32
          %ne3A_512 = arith.constant 0 : i32
          %ne3A_513 = arith.cmpi ne, %rem3A_511, %ne3A_512 : i32
          %and3A_514 = arith.andi %ne3A_510, %ne3A_513 : i1
          %sub3A_515 = arith.constant 1 : i32
          %sub3A_516 = arith.subi %div3A_495, %sub3A_515 : i32
          %select_n3A_517 = arith.select %and3A_514, %sub3A_516, %div3A_495 : i32
          %mul3A_518 = arith.constant 2 : i32
          %mul3A_519 = arith.muli %select_n3A_517, %mul3A_518 : i32
          %mul3A_520 = arith.constant 4 : i32
          %mul3A_521 = arith.muli %mul3A_519, %mul3A_520 : i32
          %multiple_of3A_522 = tpu.assume_multiple %mul3A_521, 8 : i32
          "tpu.region"() ({
            %run_scoped3A = tpu.sem_alloc : memref<!tpu.dma_semaphore, #tpu.memory_space<semaphore_mem>>
            %dma_start3A_523 = arith.constant 0 : i32
            %dma_start3A_524 = tpu.memref_slice %arg3[%arg1, %multiple_of3A_522, %dma_start3A_523] : memref<16x320x128xi32, #tpu.memory_space<hbm>> -> memref<1x8x128xi32, #tpu.memory_space<hbm>>
            %dma_start3A_525 = tpu.memref_squeeze %dma_start3A_524 : memref<1x8x128xi32, #tpu.memory_space<hbm>> -> memref<8x128xi32, #tpu.memory_space<hbm>>
            %dma_start3A_526 = arith.constant 0 : i32
            %dma_start3A_527 = tpu.memref_slice %arg3[%arg1, %multiple_of3A_522, %dma_start3A_526] : memref<16x320x128xi32, #tpu.memory_space<hbm>> -> memref<1x8x128xi32, #tpu.memory_space<hbm>>
            %dma_start3A_528 = tpu.memref_squeeze %dma_start3A_527 : memref<1x8x128xi32, #tpu.memory_space<hbm>> -> memref<8x128xi32, #tpu.memory_space<hbm>>
            tpu.enqueue_dma source(%dma_start3A_528 : memref<8x128xi32, #tpu.memory_space<hbm>>) target(%arg5 : memref<8x128xi32, #tpu.memory_space<vmem>>) target_semaphore(%run_scoped3A : memref<!tpu.dma_semaphore, #tpu.memory_space<semaphore_mem>>)
            %dma_wait3A_529 = arith.constant 0 : i32
            %dma_wait3A_530 = tpu.memref_slice %arg3[%arg1, %multiple_of3A_522, %dma_wait3A_529] : memref<16x320x128xi32, #tpu.memory_space<hbm>> -> memref<1x8x128xi32, #tpu.memory_space<hbm>>
            %dma_wait3A_531 = tpu.memref_squeeze %dma_wait3A_530 : memref<1x8x128xi32, #tpu.memory_space<hbm>> -> memref<8x128xi32, #tpu.memory_space<hbm>>
            %dma_wait3A_532 = arith.constant 0 : i32
            %dma_wait3A_533 = tpu.memref_slice %arg3[%arg1, %multiple_of3A_522, %dma_wait3A_532] : memref<16x320x128xi32, #tpu.memory_space<hbm>> -> memref<1x8x128xi32, #tpu.memory_space<hbm>>
            %dma_wait3A_534 = tpu.memref_squeeze %dma_wait3A_533 : memref<1x8x128xi32, #tpu.memory_space<hbm>> -> memref<8x128xi32, #tpu.memory_space<hbm>>
            tpu.wait_dma2 semaphore(%run_scoped3A : memref<!tpu.dma_semaphore, #tpu.memory_space<semaphore_mem>>) src(%dma_wait3A_534 : memref<8x128xi32, #tpu.memory_space<hbm>>) dst(%arg5 : memref<8x128xi32, #tpu.memory_space<vmem>>)
            tpu.yield
          }) : () -> ()
        } else {
        }
        %jit3A_337 = arith.constant 16 : i32
        %eq3A_338 = arith.constant 0 : i32
        %eq3A_339 = arith.cmpi eq, %jit3A_337, %eq3A_338 : i32
        %jit3A_340 = arith.constant 1 : i32
        %select_n3A_341 = arith.select %eq3A_339, %jit3A_340, %jit3A_337 : i32
        %rem3A_342 = arith.remsi %add3A_315, %select_n3A_341 : i32
        %ne3A_343 = arith.constant 0 : i32
        %ne3A_344 = arith.cmpi ne, %rem3A_342, %ne3A_343 : i32
        %lt3A_345 = arith.constant 0 : i32
        %lt3A_346 = arith.cmpi slt, %rem3A_342, %lt3A_345 : i32
        %lt3A_347 = arith.constant 0 : i32
        %lt3A_348 = arith.cmpi slt, %select_n3A_341, %lt3A_347 : i32
        %ne3A_349 = arith.xori %lt3A_346, %lt3A_348 : i1
        %and3A_350 = arith.andi %ne3A_349, %ne3A_344 : i1
        %add3A_351 = arith.addi %rem3A_342, %select_n3A_341 : i32
        %select_n3A_352 = arith.select %and3A_350, %add3A_351, %rem3A_342 : i32
        %jit3A_353 = arith.constant 4 : i32
        %div3A_354 = arith.divsi %select_n3A_352, %jit3A_353 : i32
        %sign3A_355 = arith.constant 0 : i32
        %sign3A_356 = arith.cmpi sgt, %select_n3A_352, %sign3A_355 : i32
        %sign3A_357 = arith.extui %sign3A_356 : i1 to i32
        %sign3A_358 = arith.constant 0 : i32
        %sign3A_359 = arith.cmpi slt, %select_n3A_352, %sign3A_358 : i32
        %sign3A_360 = arith.extui %sign3A_359 : i1 to i32
        %sign3A_361 = arith.subi %sign3A_357, %sign3A_360 : i32
        %sign3A_362 = arith.constant 0 : i32
        %sign3A_363 = arith.cmpi sgt, %jit3A_353, %sign3A_362 : i32
        %sign3A_364 = arith.extui %sign3A_363 : i1 to i32
        %sign3A_365 = arith.constant 0 : i32
        %sign3A_366 = arith.cmpi slt, %jit3A_353, %sign3A_365 : i32
        %sign3A_367 = arith.extui %sign3A_366 : i1 to i32
        %sign3A_368 = arith.subi %sign3A_364, %sign3A_367 : i32
        %ne3A_369 = arith.cmpi ne, %sign3A_361, %sign3A_368 : i32
        %rem3A_370 = arith.remsi %select_n3A_352, %jit3A_353 : i32
        %ne3A_371 = arith.constant 0 : i32
        %ne3A_372 = arith.cmpi ne, %rem3A_370, %ne3A_371 : i32
        %and3A_373 = arith.andi %ne3A_369, %ne3A_372 : i1
        %sub3A_374 = arith.constant 1 : i32
        %sub3A_375 = arith.subi %div3A_354, %sub3A_374 : i32
        %select_n3A_376 = arith.select %and3A_373, %sub3A_375, %div3A_354 : i32
        %jit3A_377 = arith.constant 4 : i32
        %eq3A_378 = arith.constant 0 : i32
        %eq3A_379 = arith.cmpi eq, %jit3A_377, %eq3A_378 : i32
        %jit3A_380 = arith.constant 1 : i32
        %select_n3A_381 = arith.select %eq3A_379, %jit3A_380, %jit3A_377 : i32
        %rem3A_382 = arith.remsi %select_n3A_352, %select_n3A_381 : i32
        %ne3A_383 = arith.constant 0 : i32
        %ne3A_384 = arith.cmpi ne, %rem3A_382, %ne3A_383 : i32
        %lt3A_385 = arith.constant 0 : i32
        %lt3A_386 = arith.cmpi slt, %rem3A_382, %lt3A_385 : i32
        %lt3A_387 = arith.constant 0 : i32
        %lt3A_388 = arith.cmpi slt, %select_n3A_381, %lt3A_387 : i32
        %ne3A_389 = arith.xori %lt3A_386, %lt3A_388 : i1
        %and3A_390 = arith.andi %ne3A_389, %ne3A_384 : i1
        %add3A_391 = arith.addi %rem3A_382, %select_n3A_381 : i32
        %select_n3A_392 = arith.select %and3A_390, %add3A_391, %rem3A_382 : i32
        %mul3A_393 = arith.constant 32 : i32
        %mul3A_394 = arith.muli %select_n3A_392, %mul3A_393 : i32
        %add3A_395 = arith.constant 0 : i32
        %add3A_396 = arith.addi %mul3A_394, %add3A_395 : i32
        %get3A_397 = arith.index_cast %select_n3A_376 : i32 to index
        %get3A_398 = arith.index_cast %add3A_396 : i32 to index
        %get3A_399 = tpu.vector_load %arg5[%get3A_397, %get3A_398] {strides = array<i32>} : memref<8x128xi32, #tpu.memory_space<vmem>>, vector<1x16xi32>,
        %get3A_400 = vector.shape_cast %get3A_399 : vector<1x16xi32> to vector<16xi32>
        %and3A_401 = arith.constant 65535 : i32
        %and3A_402 = vector.broadcast %and3A_401 : i32 to vector<16xi32>
        %and3A_403 = arith.andi %get3A_400, %and3A_402 : vector<16xi32>
        %shift_right_arithmetic3A_404 = arith.constant 16 : i32
        %shift_right_arithmetic3A_405 = vector.broadcast %shift_right_arithmetic3A_404 : i32 to vector<16xi32>
        %shift_right_arithmetic3A_406 = arith.shrsi %get3A_400, %shift_right_arithmetic3A_405 : vector<16xi32>
        %sub3A_407 = vector.broadcast %mul3A_0 : i32 to vector<16xi32>
        %sub3A_408 = arith.subi %shift_right_arithmetic3A_406, %sub3A_407 : vector<16xi32>
        %ge3A_409 = arith.constant 0 : i32
        %ge3A_410 = vector.broadcast %ge3A_409 : i32 to vector<16xi32>
        %ge3A_411 = arith.cmpi sge, %sub3A_408, %ge3A_410 : vector<16xi32>
        %lt3A_412 = arith.constant 5000 : i32
        %lt3A_413 = vector.broadcast %lt3A_412 : i32 to vector<16xi32>
        %lt3A_414 = arith.cmpi slt, %sub3A_408, %lt3A_413 : vector<16xi32>
        %and3A_415 = arith.andi %ge3A_411, %lt3A_414 : vector<16xi1>
        %and3A_416 = arith.constant 63 : i32
        %and3A_417 = vector.broadcast %and3A_416 : i32 to vector<16xi32>
        %and3A_418 = arith.andi %shift_right_arithmetic3A_406, %and3A_417 : vector<16xi32>
        %add3A_419 = arith.constant 5000 : i32
        %add3A_420 = vector.broadcast %add3A_419 : i32 to vector<16xi32>
        %add3A_421 = arith.addi %add3A_420, %and3A_418 : vector<16xi32>
        %swap3A_422 = arith.constant 0 : index
        %swap3A_423 = tpu.vector_load %arg6[%swap3A_422] {strides = array<i32>} : memref<32xi32, #tpu.memory_space<vmem>>, vector<16xi32>,
        %swap3A_424 = vector.shape_cast %swap3A_423 : vector<16xi32> to vector<16xi32>
        %swap3A_425 = vector.shape_cast %and3A_403 : vector<16xi32> to vector<16xi32>
        tpu.vector_store %arg6[%swap3A_422], %swap3A_425 {strides = array<i32>} : memref<32xi32, #tpu.memory_space<vmem>>, vector<16xi32>,
        %select_n3A_426 = arith.select %and3A_415, %sub3A_408, %add3A_421 : vector<16xi1>, vector<16xi32>
        %swap3A_427 = arith.constant 0 : index
        %swap3A_428 = tpu.vector_load %arg8[%swap3A_427] {strides = array<i32>} : memref<32xi32, #tpu.memory_space<vmem>>, vector<16xi32>,
        %swap3A_429 = vector.shape_cast %swap3A_428 : vector<16xi32> to vector<16xi32>
        %swap3A_430 = vector.shape_cast %select_n3A_426 : vector<16xi32> to vector<16xi32>
        tpu.vector_store %arg8[%swap3A_427], %swap3A_430 {strides = array<i32>} : memref<32xi32, #tpu.memory_space<vmem>>, vector<16xi32>,
        %add3A_431 = arith.constant 4 : i32
        %add3A_432 = arith.addi %add3A_431, %select_n3A_376 : i32
        %get3A_433 = arith.index_cast %add3A_432 : i32 to index
        %get3A_434 = arith.index_cast %add3A_396 : i32 to index
        %get3A_435 = tpu.vector_load %arg5[%get3A_433, %get3A_434] {strides = array<i32>} : memref<8x128xi32, #tpu.memory_space<vmem>>, vector<1x16xi32>,
        %get3A_436 = vector.shape_cast %get3A_435 : vector<1x16xi32> to vector<16xi32>
        %bitcast_convert_type3A_437 = tpu.bitcast %get3A_436 : vector<16xi32> -> vector<16xf32>
        %swap3A_438 = arith.constant 0 : index
        %swap3A_439 = tpu.vector_load %arg10[%swap3A_438] {strides = array<i32>} : memref<32xf32, #tpu.memory_space<vmem>>, vector<16xf32>,
        %swap3A_440 = vector.shape_cast %swap3A_439 : vector<16xf32> to vector<16xf32>
        %swap3A_441 = vector.shape_cast %bitcast_convert_type3A_437 : vector<16xf32> to vector<16xf32>
        tpu.vector_store %arg10[%swap3A_438], %swap3A_441 {strides = array<i32>} : memref<32xf32, #tpu.memory_space<vmem>>, vector<16xf32>,
        %mul3A_442 = arith.constant 32 : i32
        %mul3A_443 = arith.muli %select_n3A_392, %mul3A_442 : i32
        %add3A_444 = arith.constant 16 : i32
        %add3A_445 = arith.addi %mul3A_443, %add3A_444 : i32
        %get3A_446 = arith.index_cast %select_n3A_376 : i32 to index
        %get3A_447 = arith.index_cast %add3A_445 : i32 to index
        %get3A_448 = tpu.vector_load %arg5[%get3A_446, %get3A_447] {strides = array<i32>} : memref<8x128xi32, #tpu.memory_space<vmem>>, vector<1x16xi32>,
        %get3A_449 = vector.shape_cast %get3A_448 : vector<1x16xi32> to vector<16xi32>
        %and3A_450 = arith.constant 65535 : i32
        %and3A_451 = vector.broadcast %and3A_450 : i32 to vector<16xi32>
        %and3A_452 = arith.andi %get3A_449, %and3A_451 : vector<16xi32>
        %shift_right_arithmetic3A_453 = arith.constant 16 : i32
        %shift_right_arithmetic3A_454 = vector.broadcast %shift_right_arithmetic3A_453 : i32 to vector<16xi32>
        %shift_right_arithmetic3A_455 = arith.shrsi %get3A_449, %shift_right_arithmetic3A_454 : vector<16xi32>
        %sub3A_456 = vector.broadcast %mul3A_0 : i32 to vector<16xi32>
        %sub3A_457 = arith.subi %shift_right_arithmetic3A_455, %sub3A_456 : vector<16xi32>
        %ge3A_458 = arith.constant 0 : i32
        %ge3A_459 = vector.broadcast %ge3A_458 : i32 to vector<16xi32>
        %ge3A_460 = arith.cmpi sge, %sub3A_457, %ge3A_459 : vector<16xi32>
        %lt3A_461 = arith.constant 5000 : i32
        %lt3A_462 = vector.broadcast %lt3A_461 : i32 to vector<16xi32>
        %lt3A_463 = arith.cmpi slt, %sub3A_457, %lt3A_462 : vector<16xi32>
        %and3A_464 = arith.andi %ge3A_460, %lt3A_463 : vector<16xi1>
        %and3A_465 = arith.constant 63 : i32
        %and3A_466 = vector.broadcast %and3A_465 : i32 to vector<16xi32>
        %and3A_467 = arith.andi %shift_right_arithmetic3A_455, %and3A_466 : vector<16xi32>
        %add3A_468 = arith.constant 5000 : i32
        %add3A_469 = vector.broadcast %add3A_468 : i32 to vector<16xi32>
        %add3A_470 = arith.addi %add3A_469, %and3A_467 : vector<16xi32>
        %swap3A_471 = arith.constant 16 : index
        %swap3A_472 = tpu.vector_load %arg6[%swap3A_471] {strides = array<i32>} : memref<32xi32, #tpu.memory_space<vmem>>, vector<16xi32>,
        %swap3A_473 = vector.shape_cast %swap3A_472 : vector<16xi32> to vector<16xi32>
        %swap3A_474 = vector.shape_cast %and3A_452 : vector<16xi32> to vector<16xi32>
        tpu.vector_store %arg6[%swap3A_471], %swap3A_474 {strides = array<i32>} : memref<32xi32, #tpu.memory_space<vmem>>, vector<16xi32>,
        %select_n3A_475 = arith.select %and3A_464, %sub3A_457, %add3A_470 : vector<16xi1>, vector<16xi32>
        %swap3A_476 = arith.constant 16 : index
        %swap3A_477 = tpu.vector_load %arg8[%swap3A_476] {strides = array<i32>} : memref<32xi32, #tpu.memory_space<vmem>>, vector<16xi32>,
        %swap3A_478 = vector.shape_cast %swap3A_477 : vector<16xi32> to vector<16xi32>
        %swap3A_479 = vector.shape_cast %select_n3A_475 : vector<16xi32> to vector<16xi32>
        tpu.vector_store %arg8[%swap3A_476], %swap3A_479 {strides = array<i32>} : memref<32xi32, #tpu.memory_space<vmem>>, vector<16xi32>,
        %add3A_480 = arith.constant 4 : i32
        %add3A_481 = arith.addi %add3A_480, %select_n3A_376 : i32
        %get3A_482 = arith.index_cast %add3A_481 : i32 to index
        %get3A_483 = arith.index_cast %add3A_445 : i32 to index
        %get3A_484 = tpu.vector_load %arg5[%get3A_482, %get3A_483] {strides = array<i32>} : memref<8x128xi32, #tpu.memory_space<vmem>>, vector<1x16xi32>,
        %get3A_485 = vector.shape_cast %get3A_484 : vector<1x16xi32> to vector<16xi32>
        %bitcast_convert_type3A_486 = tpu.bitcast %get3A_485 : vector<16xi32> -> vector<16xf32>
        %swap3A_487 = arith.constant 16 : index
        %swap3A_488 = tpu.vector_load %arg10[%swap3A_487] {strides = array<i32>} : memref<32xf32, #tpu.memory_space<vmem>>, vector<16xf32>,
        %swap3A_489 = vector.shape_cast %swap3A_488 : vector<16xf32> to vector<16xf32>
        %swap3A_490 = vector.shape_cast %bitcast_convert_type3A_486 : vector<16xf32> to vector<16xf32>
        tpu.vector_store %arg10[%swap3A_487], %swap3A_490 {strides = array<i32>} : memref<32xf32, #tpu.memory_space<vmem>>, vector<16xf32>,
        %dma_start3A_491 = arith.constant 0 : i32
        %dma_start3A_492 = arith.constant 0 : i32
        %dma_start3A_493 = tpu.memref_slice %arg14[%dma_start3A_491, %dma_start3A_492] : memref<10000x128xf32, #tpu.memory_space<vmem_shared>> -> memref<10000x128xf32, #tpu.memory_space<vmem_shared>>
        tpu.enqueue_indirect_dma source(%dma_start3A_493 : memref<10000x128xf32, #tpu.memory_space<vmem_shared>>) target(%arg12 : memref<32x128xf32, #tpu.memory_space<vmem>>) offsets(%arg6 : memref<32xi32, #tpu.memory_space<vmem>>) semaphore(%arg16 : memref<!tpu.dma_semaphore, #tpu.memory_space<semaphore_mem>>)
      } else {
      }
      %dma_wait3A_305 = arith.constant 0 : i32
      %dma_wait3A_306 = arith.constant 0 : i32
      %dma_wait3A_307 = tpu.memref_slice %arg14[%dma_wait3A_305, %dma_wait3A_306] : memref<10000x128xf32, #tpu.memory_space<vmem_shared>> -> memref<10000x128xf32, #tpu.memory_space<vmem_shared>>
      tpu.wait_indirect_dma semaphore(%arg16 : memref<!tpu.dma_semaphore, #tpu.memory_space<semaphore_mem>>) src(%dma_wait3A_307 : memref<10000x128xf32, #tpu.memory_space<vmem_shared>>) dst(%arg13 : memref<32x128xf32, #tpu.memory_space<vmem>>)
      %scan3A_308 = arith.constant 0 : i32
      %scan3A_309 = arith.constant 0 : i32
      %scan3A_310 = arith.constant 2 : i32
      %scan3A_311 = arith.addi %scan3A_309, %scan3A_310 : i32
      %scan3A_312 = arith.constant 1 : i32
      scf.for %scan3A_314 = %scan3A_309 to %scan3A_311 step %scan3A_312  : i32 {
        %mul3A_315 = arith.constant 16 : i32
        %mul3A_316 = arith.muli %scan3A_314, %mul3A_315 : i32
        %get3A_317 = arith.index_cast %mul3A_316 : i32 to index
        %get3A_318 = tpu.vector_load %arg11[%get3A_317] {strides = array<i32>} : memref<32xf32, #tpu.memory_space<vmem>>, vector<16xf32>,
        %get3A_319 = vector.shape_cast %get3A_318 : vector<16xf32> to vector<16xf32>
        %broadcast_in_dim3A_320 = arith.constant 0 : i32
        %broadcast_in_dim3A_321 = vector.broadcast %broadcast_in_dim3A_320 : i32 to vector<16x1xi32>
        %gather3A = vector.shape_cast %broadcast_in_dim3A_321 : vector<16x1xi32> to vector<16xi32>
        %gather3A_322 = tpu.dynamic_gather %get3A_319[%gather3A] in [0] : vector<16xf32>, vector<16xi32> -> vector<16xf32>
        %mul3A_323 = arith.constant 16 : i32
        %mul3A_324 = arith.muli %scan3A_314, %mul3A_323 : i32
        %add3A_325 = arith.constant 0 : i32
        %add3A_326 = arith.addi %mul3A_324, %add3A_325 : i32
        %get3A_327 = arith.index_cast %add3A_326 : i32 to index
        %get3A_328 = arith.constant 0 : index
        %get3A_329 = tpu.vector_load %arg13[%get3A_327, %get3A_328] {strides = array<i32>} : memref<32x128xf32, #tpu.memory_space<vmem>>, vector<1x16xf32>,
        %get3A_330 = vector.shape_cast %get3A_329 : vector<1x16xf32> to vector<16xf32>
        %mul3A_331 = arith.mulf %get3A_330, %gather3A_322 : vector<16xf32>
        %swap3A_332 = arith.index_cast %add3A_326 : i32 to index
        %swap3A_333 = arith.constant 0 : index
        %swap3A_334 = tpu.vector_load %arg13[%swap3A_332, %swap3A_333] {strides = array<i32>} : memref<32x128xf32, #tpu.memory_space<vmem>>, vector<1x16xf32>,
        %swap3A_335 = vector.shape_cast %swap3A_334 : vector<1x16xf32> to vector<16xf32>
        %swap3A_336 = vector.shape_cast %mul3A_331 : vector<16xf32> to vector<1x16xf32>
        tpu.vector_store %arg13[%swap3A_332, %swap3A_333], %swap3A_336 {strides = array<i32>} : memref<32x128xf32, #tpu.memory_space<vmem>>, vector<1x16xf32>,
        %get3A_337 = arith.index_cast %add3A_326 : i32 to index
        %get3A_338 = arith.constant 16 : index
        %get3A_339 = tpu.vector_load %arg13[%get3A_337, %get3A_338] {strides = array<i32>} : memref<32x128xf32, #tpu.memory_space<vmem>>, vector<1x16xf32>,
        %get3A_340 = vector.shape_cast %get3A_339 : vector<1x16xf32> to vector<16xf32>
        %mul3A_341 = arith.mulf %get3A_340, %gather3A_322 : vector<16xf32>
        %swap3A_342 = arith.index_cast %add3A_326 : i32 to index
        %swap3A_343 = arith.constant 16 : index
        %swap3A_344 = tpu.vector_load %arg13[%swap3A_342, %swap3A_343] {strides = array<i32>} : memref<32x128xf32, #tpu.memory_space<vmem>>, vector<1x16xf32>,
        %swap3A_345 = vector.shape_cast %swap3A_344 : vector<1x16xf32> to vector<16xf32>
        %swap3A_346 = vector.shape_cast %mul3A_341 : vector<16xf32> to vector<1x16xf32>
        tpu.vector_store %arg13[%swap3A_342, %swap3A_343], %swap3A_346 {strides = array<i32>} : memref<32x128xf32, #tpu.memory_space<vmem>>, vector<1x16xf32>,
        %get3A_347 = arith.index_cast %add3A_326 : i32 to index
        %get3A_348 = arith.constant 32 : index
        %get3A_349 = tpu.vector_load %arg13[%get3A_347, %get3A_348] {strides = array<i32>} : memref<32x128xf32, #tpu.memory_space<vmem>>, vector<1x16xf32>,
        %get3A_350 = vector.shape_cast %get3A_349 : vector<1x16xf32> to vector<16xf32>
        %mul3A_351 = arith.mulf %get3A_350, %gather3A_322 : vector<16xf32>
        %swap3A_352 = arith.index_cast %add3A_326 : i32 to index
        %swap3A_353 = arith.constant 32 : index
        %swap3A_354 = tpu.vector_load %arg13[%swap3A_352, %swap3A_353] {strides = array<i32>} : memref<32x128xf32, #tpu.memory_space<vmem>>, vector<1x16xf32>,
        %swap3A_355 = vector.shape_cast %swap3A_354 : vector<1x16xf32> to vector<16xf32>
        %swap3A_356 = vector.shape_cast %mul3A_351 : vector<16xf32> to vector<1x16xf32>
        tpu.vector_store %arg13[%swap3A_352, %swap3A_353], %swap3A_356 {strides = array<i32>} : memref<32x128xf32, #tpu.memory_space<vmem>>, vector<1x16xf32>,
        %get3A_357 = arith.index_cast %add3A_326 : i32 to index
        %get3A_358 = arith.constant 48 : index
        %get3A_359 = tpu.vector_load %arg13[%get3A_357, %get3A_358] {strides = array<i32>} : memref<32x128xf32, #tpu.memory_space<vmem>>, vector<1x16xf32>,
        %get3A_360 = vector.shape_cast %get3A_359 : vector<1x16xf32> to vector<16xf32>
        %mul3A_361 = arith.mulf %get3A_360, %gather3A_322 : vector<16xf32>
        %swap3A_362 = arith.index_cast %add3A_326 : i32 to index
        %swap3A_363 = arith.constant 48 : index
        %swap3A_364 = tpu.vector_load %arg13[%swap3A_362, %swap3A_363] {strides = array<i32>} : memref<32x128xf32, #tpu.memory_space<vmem>>, vector<1x16xf32>,
        %swap3A_365 = vector.shape_cast %swap3A_364 : vector<1x16xf32> to vector<16xf32>
        %swap3A_366 = vector.shape_cast %mul3A_361 : vector<16xf32> to vector<1x16xf32>
        tpu.vector_store %arg13[%swap3A_362, %swap3A_363], %swap3A_366 {strides = array<i32>} : memref<32x128xf32, #tpu.memory_space<vmem>>, vector<1x16xf32>,
        %get3A_367 = arith.index_cast %add3A_326 : i32 to index
        %get3A_368 = arith.constant 64 : index
        %get3A_369 = tpu.vector_load %arg13[%get3A_367, %get3A_368] {strides = array<i32>} : memref<32x128xf32, #tpu.memory_space<vmem>>, vector<1x16xf32>,
        %get3A_370 = vector.shape_cast %get3A_369 : vector<1x16xf32> to vector<16xf32>
        %mul3A_371 = arith.mulf %get3A_370, %gather3A_322 : vector<16xf32>
        %swap3A_372 = arith.index_cast %add3A_326 : i32 to index
        %swap3A_373 = arith.constant 64 : index
        %swap3A_374 = tpu.vector_load %arg13[%swap3A_372, %swap3A_373] {strides = array<i32>} : memref<32x128xf32, #tpu.memory_space<vmem>>, vector<1x16xf32>,
        %swap3A_375 = vector.shape_cast %swap3A_374 : vector<1x16xf32> to vector<16xf32>
        %swap3A_376 = vector.shape_cast %mul3A_371 : vector<16xf32> to vector<1x16xf32>
        tpu.vector_store %arg13[%swap3A_372, %swap3A_373], %swap3A_376 {strides = array<i32>} : memref<32x128xf32, #tpu.memory_space<vmem>>, vector<1x16xf32>,
        %get3A_377 = arith.index_cast %add3A_326 : i32 to index
        %get3A_378 = arith.constant 80 : index
        %get3A_379 = tpu.vector_load %arg13[%get3A_377, %get3A_378] {strides = array<i32>} : memref<32x128xf32, #tpu.memory_space<vmem>>, vector<1x16xf32>,
        %get3A_380 = vector.shape_cast %get3A_379 : vector<1x16xf32> to vector<16xf32>
        %mul3A_381 = arith.mulf %get3A_380, %gather3A_322 : vector<16xf32>
        %swap3A_382 = arith.index_cast %add3A_326 : i32 to index
        %swap3A_383 = arith.constant 80 : index
        %swap3A_384 = tpu.vector_load %arg13[%swap3A_382, %swap3A_383] {strides = array<i32>} : memref<32x128xf32, #tpu.memory_space<vmem>>, vector<1x16xf32>,
        %swap3A_385 = vector.shape_cast %swap3A_384 : vector<1x16xf32> to vector<16xf32>
        %swap3A_386 = vector.shape_cast %mul3A_381 : vector<16xf32> to vector<1x16xf32>
        tpu.vector_store %arg13[%swap3A_382, %swap3A_383], %swap3A_386 {strides = array<i32>} : memref<32x128xf32, #tpu.memory_space<vmem>>, vector<1x16xf32>,
        %get3A_387 = arith.index_cast %add3A_326 : i32 to index
        %get3A_388 = arith.constant 96 : index
        %get3A_389 = tpu.vector_load %arg13[%get3A_387, %get3A_388] {strides = array<i32>} : memref<32x128xf32, #tpu.memory_space<vmem>>, vector<1x16xf32>,
        %get3A_390 = vector.shape_cast %get3A_389 : vector<1x16xf32> to vector<16xf32>
        %mul3A_391 = arith.mulf %get3A_390, %gather3A_322 : vector<16xf32>
        %swap3A_392 = arith.index_cast %add3A_326 : i32 to index
        %swap3A_393 = arith.constant 96 : index
        %swap3A_394 = tpu.vector_load %arg13[%swap3A_392, %swap3A_393] {strides = array<i32>} : memref<32x128xf32, #tpu.memory_space<vmem>>, vector<1x16xf32>,
        %swap3A_395 = vector.shape_cast %swap3A_394 : vector<1x16xf32> to vector<16xf32>
        %swap3A_396 = vector.shape_cast %mul3A_391 : vector<16xf32> to vector<1x16xf32>
        tpu.vector_store %arg13[%swap3A_392, %swap3A_393], %swap3A_396 {strides = array<i32>} : memref<32x128xf32, #tpu.memory_space<vmem>>, vector<1x16xf32>,
        %get3A_397 = arith.index_cast %add3A_326 : i32 to index
        %get3A_398 = arith.constant 112 : index
        %get3A_399 = tpu.vector_load %arg13[%get3A_397, %get3A_398] {strides = array<i32>} : memref<32x128xf32, #tpu.memory_space<vmem>>, vector<1x16xf32>,
        %get3A_400 = vector.shape_cast %get3A_399 : vector<1x16xf32> to vector<16xf32>
        %mul3A_401 = arith.mulf %get3A_400, %gather3A_322 : vector<16xf32>
        %swap3A_402 = arith.index_cast %add3A_326 : i32 to index
        %swap3A_403 = arith.constant 112 : index
        %swap3A_404 = tpu.vector_load %arg13[%swap3A_402, %swap3A_403] {strides = array<i32>} : memref<32x128xf32, #tpu.memory_space<vmem>>, vector<1x16xf32>,
        %swap3A_405 = vector.shape_cast %swap3A_404 : vector<1x16xf32> to vector<16xf32>
        %swap3A_406 = vector.shape_cast %mul3A_401 : vector<16xf32> to vector<1x16xf32>
        tpu.vector_store %arg13[%swap3A_402, %swap3A_403], %swap3A_406 {strides = array<i32>} : memref<32x128xf32, #tpu.memory_space<vmem>>, vector<1x16xf32>,
        %broadcast_in_dim3A_407 = arith.constant 1 : i32
        %broadcast_in_dim3A_408 = vector.broadcast %broadcast_in_dim3A_407 : i32 to vector<16x1xi32>
        %gather3A_409 = vector.shape_cast %broadcast_in_dim3A_408 : vector<16x1xi32> to vector<16xi32>
        %gather3A_410 = tpu.dynamic_gather %get3A_319[%gather3A_409] in [0] : vector<16xf32>, vector<16xi32> -> vector<16xf32>
        %mul3A_411 = arith.constant 16 : i32
        %mul3A_412 = arith.muli %scan3A_314, %mul3A_411 : i32
        %add3A_413 = arith.constant 1 : i32
        %add3A_414 = arith.addi %mul3A_412, %add3A_413 : i32
        %get3A_415 = arith.index_cast %add3A_414 : i32 to index
        %get3A_416 = arith.constant 0 : index
        %get3A_417 = tpu.vector_load %arg13[%get3A_415, %get3A_416] {strides = array<i32>} : memref<32x128xf32, #tpu.memory_space<vmem>>, vector<1x16xf32>,
        %get3A_418 = vector.shape_cast %get3A_417 : vector<1x16xf32> to vector<16xf32>
        %mul3A_419 = arith.mulf %get3A_418, %gather3A_410 : vector<16xf32>
        %swap3A_420 = arith.index_cast %add3A_414 : i32 to index
        %swap3A_421 = arith.constant 0 : index
        %swap3A_422 = tpu.vector_load %arg13[%swap3A_420, %swap3A_421] {strides = array<i32>} : memref<32x128xf32, #tpu.memory_space<vmem>>, vector<1x16xf32>,
        %swap3A_423 = vector.shape_cast %swap3A_422 : vector<1x16xf32> to vector<16xf32>
        %swap3A_424 = vector.shape_cast %mul3A_419 : vector<16xf32> to vector<1x16xf32>
        tpu.vector_store %arg13[%swap3A_420, %swap3A_421], %swap3A_424 {strides = array<i32>} : memref<32x128xf32, #tpu.memory_space<vmem>>, vector<1x16xf32>,
        %get3A_425 = arith.index_cast %add3A_414 : i32 to index
        %get3A_426 = arith.constant 16 : index
        %get3A_427 = tpu.vector_load %arg13[%get3A_425, %get3A_426] {strides = array<i32>} : memref<32x128xf32, #tpu.memory_space<vmem>>, vector<1x16xf32>,
        %get3A_428 = vector.shape_cast %get3A_427 : vector<1x16xf32> to vector<16xf32>
        %mul3A_429 = arith.mulf %get3A_428, %gather3A_410 : vector<16xf32>
        %swap3A_430 = arith.index_cast %add3A_414 : i32 to index
        %swap3A_431 = arith.constant 16 : index
        %swap3A_432 = tpu.vector_load %arg13[%swap3A_430, %swap3A_431] {strides = array<i32>} : memref<32x128xf32, #tpu.memory_space<vmem>>, vector<1x16xf32>,
        %swap3A_433 = vector.shape_cast %swap3A_432 : vector<1x16xf32> to vector<16xf32>
        %swap3A_434 = vector.shape_cast %mul3A_429 : vector<16xf32> to vector<1x16xf32>
        tpu.vector_store %arg13[%swap3A_430, %swap3A_431], %swap3A_434 {strides = array<i32>} : memref<32x128xf32, #tpu.memory_space<vmem>>, vector<1x16xf32>,
        %get3A_435 = arith.index_cast %add3A_414 : i32 to index
        %get3A_436 = arith.constant 32 : index
        %get3A_437 = tpu.vector_load %arg13[%get3A_435, %get3A_436] {strides = array<i32>} : memref<32x128xf32, #tpu.memory_space<vmem>>, vector<1x16xf32>,
        %get3A_438 = vector.shape_cast %get3A_437 : vector<1x16xf32> to vector<16xf32>
        %mul3A_439 = arith.mulf %get3A_438, %gather3A_410 : vector<16xf32>
        %swap3A_440 = arith.index_cast %add3A_414 : i32 to index
        %swap3A_441 = arith.constant 32 : index
        %swap3A_442 = tpu.vector_load %arg13[%swap3A_440, %swap3A_441] {strides = array<i32>} : memref<32x128xf32, #tpu.memory_space<vmem>>, vector<1x16xf32>,
        %swap3A_443 = vector.shape_cast %swap3A_442 : vector<1x16xf32> to vector<16xf32>
        %swap3A_444 = vector.shape_cast %mul3A_439 : vector<16xf32> to vector<1x16xf32>
        tpu.vector_store %arg13[%swap3A_440, %swap3A_441], %swap3A_444 {strides = array<i32>} : memref<32x128xf32, #tpu.memory_space<vmem>>, vector<1x16xf32>,
        %get3A_445 = arith.index_cast %add3A_414 : i32 to index
        %get3A_446 = arith.constant 48 : index
        %get3A_447 = tpu.vector_load %arg13[%get3A_445, %get3A_446] {strides = array<i32>} : memref<32x128xf32, #tpu.memory_space<vmem>>, vector<1x16xf32>,
        %get3A_448 = vector.shape_cast %get3A_447 : vector<1x16xf32> to vector<16xf32>
        %mul3A_449 = arith.mulf %get3A_448, %gather3A_410 : vector<16xf32>
        %swap3A_450 = arith.index_cast %add3A_414 : i32 to index
        %swap3A_451 = arith.constant 48 : index
        %swap3A_452 = tpu.vector_load %arg13[%swap3A_450, %swap3A_451] {strides = array<i32>} : memref<32x128xf32, #tpu.memory_space<vmem>>, vector<1x16xf32>,
        %swap3A_453 = vector.shape_cast %swap3A_452 : vector<1x16xf32> to vector<16xf32>
        %swap3A_454 = vector.shape_cast %mul3A_449 : vector<16xf32> to vector<1x16xf32>
        tpu.vector_store %arg13[%swap3A_450, %swap3A_451], %swap3A_454 {strides = array<i32>} : memref<32x128xf32, #tpu.memory_space<vmem>>, vector<1x16xf32>,
        %get3A_455 = arith.index_cast %add3A_414 : i32 to index
        %get3A_456 = arith.constant 64 : index
        %get3A_457 = tpu.vector_load %arg13[%get3A_455, %get3A_456] {strides = array<i32>} : memref<32x128xf32, #tpu.memory_space<vmem>>, vector<1x16xf32>,
        %get3A_458 = vector.shape_cast %get3A_457 : vector<1x16xf32> to vector<16xf32>
        %mul3A_459 = arith.mulf %get3A_458, %gather3A_410 : vector<16xf32>
        %swap3A_460 = arith.index_cast %add3A_414 : i32 to index
        %swap3A_461 = arith.constant 64 : index
        %swap3A_462 = tpu.vector_load %arg13[%swap3A_460, %swap3A_461] {strides = array<i32>} : memref<32x128xf32, #tpu.memory_space<vmem>>, vector<1x16xf32>,
        %swap3A_463 = vector.shape_cast %swap3A_462 : vector<1x16xf32> to vector<16xf32>
        %swap3A_464 = vector.shape_cast %mul3A_459 : vector<16xf32> to vector<1x16xf32>
        tpu.vector_store %arg13[%swap3A_460, %swap3A_461], %swap3A_464 {strides = array<i32>} : memref<32x128xf32, #tpu.memory_space<vmem>>, vector<1x16xf32>,
        %get3A_465 = arith.index_cast %add3A_414 : i32 to index
        %get3A_466 = arith.constant 80 : index
        %get3A_467 = tpu.vector_load %arg13[%get3A_465, %get3A_466] {strides = array<i32>} : memref<32x128xf32, #tpu.memory_space<vmem>>, vector<1x16xf32>,
        %get3A_468 = vector.shape_cast %get3A_467 : vector<1x16xf32> to vector<16xf32>
        %mul3A_469 = arith.mulf %get3A_468, %gather3A_410 : vector<16xf32>
        %swap3A_470 = arith.index_cast %add3A_414 : i32 to index
        %swap3A_471 = arith.constant 80 : index
        %swap3A_472 = tpu.vector_load %arg13[%swap3A_470, %swap3A_471] {strides = array<i32>} : memref<32x128xf32, #tpu.memory_space<vmem>>, vector<1x16xf32>,
        %swap3A_473 = vector.shape_cast %swap3A_472 : vector<1x16xf32> to vector<16xf32>
        %swap3A_474 = vector.shape_cast %mul3A_469 : vector<16xf32> to vector<1x16xf32>
        tpu.vector_store %arg13[%swap3A_470, %swap3A_471], %swap3A_474 {strides = array<i32>} : memref<32x128xf32, #tpu.memory_space<vmem>>, vector<1x16xf32>,
        %get3A_475 = arith.index_cast %add3A_414 : i32 to index
        %get3A_476 = arith.constant 96 : index
        %get3A_477 = tpu.vector_load %arg13[%get3A_475, %get3A_476] {strides = array<i32>} : memref<32x128xf32, #tpu.memory_space<vmem>>, vector<1x16xf32>,
        %get3A_478 = vector.shape_cast %get3A_477 : vector<1x16xf32> to vector<16xf32>
        %mul3A_479 = arith.mulf %get3A_478, %gather3A_410 : vector<16xf32>
        %swap3A_480 = arith.index_cast %add3A_414 : i32 to index
        %swap3A_481 = arith.constant 96 : index
        %swap3A_482 = tpu.vector_load %arg13[%swap3A_480, %swap3A_481] {strides = array<i32>} : memref<32x128xf32, #tpu.memory_space<vmem>>, vector<1x16xf32>,
        %swap3A_483 = vector.shape_cast %swap3A_482 : vector<1x16xf32> to vector<16xf32>
        %swap3A_484 = vector.shape_cast %mul3A_479 : vector<16xf32> to vector<1x16xf32>
        tpu.vector_store %arg13[%swap3A_480, %swap3A_481], %swap3A_484 {strides = array<i32>} : memref<32x128xf32, #tpu.memory_space<vmem>>, vector<1x16xf32>,
        %get3A_485 = arith.index_cast %add3A_414 : i32 to index
        %get3A_486 = arith.constant 112 : index
        %get3A_487 = tpu.vector_load %arg13[%get3A_485, %get3A_486] {strides = array<i32>} : memref<32x128xf32, #tpu.memory_space<vmem>>, vector<1x16xf32>,
        %get3A_488 = vector.shape_cast %get3A_487 : vector<1x16xf32> to vector<16xf32>
        %mul3A_489 = arith.mulf %get3A_488, %gather3A_410 : vector<16xf32>
        %swap3A_490 = arith.index_cast %add3A_414 : i32 to index
        %swap3A_491 = arith.constant 112 : index
        %swap3A_492 = tpu.vector_load %arg13[%swap3A_490, %swap3A_491] {strides = array<i32>} : memref<32x128xf32, #tpu.memory_space<vmem>>, vector<1x16xf32>,
        %swap3A_493 = vector.shape_cast %swap3A_492 : vector<1x16xf32> to vector<16xf32>
        %swap3A_494 = vector.shape_cast %mul3A_489 : vector<16xf32> to vector<1x16xf32>
        tpu.vector_store %arg13[%swap3A_490, %swap3A_491], %swap3A_494 {strides = array<i32>} : memref<32x128xf32, #tpu.memory_space<vmem>>, vector<1x16xf32>,
        %broadcast_in_dim3A_495 = arith.constant 2 : i32
        %broadcast_in_dim3A_496 = vector.broadcast %broadcast_in_dim3A_495 : i32 to vector<16x1xi32>
        %gather3A_497 = vector.shape_cast %broadcast_in_dim3A_496 : vector<16x1xi32> to vector<16xi32>
        %gather3A_498 = tpu.dynamic_gather %get3A_319[%gather3A_497] in [0] : vector<16xf32>, vector<16xi32> -> vector<16xf32>
        %mul3A_499 = arith.constant 16 : i32
        %mul3A_500 = arith.muli %scan3A_314, %mul3A_499 : i32
        %add3A_501 = arith.constant 2 : i32
        %add3A_502 = arith.addi %mul3A_500, %add3A_501 : i32
        %get3A_503 = arith.index_cast %add3A_502 : i32 to index
        %get3A_504 = arith.constant 0 : index
        %get3A_505 = tpu.vector_load %arg13[%get3A_503, %get3A_504] {strides = array<i32>} : memref<32x128xf32, #tpu.memory_space<vmem>>, vector<1x16xf32>,
        %get3A_506 = vector.shape_cast %get3A_505 : vector<1x16xf32> to vector<16xf32>
        %mul3A_507 = arith.mulf %get3A_506, %gather3A_498 : vector<16xf32>
        %swap3A_508 = arith.index_cast %add3A_502 : i32 to index
        %swap3A_509 = arith.constant 0 : index
        %swap3A_510 = tpu.vector_load %arg13[%swap3A_508, %swap3A_509] {strides = array<i32>} : memref<32x128xf32, #tpu.memory_space<vmem>>, vector<1x16xf32>,
        %swap3A_511 = vector.shape_cast %swap3A_510 : vector<1x16xf32> to vector<16xf32>
        %swap3A_512 = vector.shape_cast %mul3A_507 : vector<16xf32> to vector<1x16xf32>
        tpu.vector_store %arg13[%swap3A_508, %swap3A_509], %swap3A_512 {strides = array<i32>} : memref<32x128xf32, #tpu.memory_space<vmem>>, vector<1x16xf32>,
        %get3A_513 = arith.index_cast %add3A_502 : i32 to index
        %get3A_514 = arith.constant 16 : index
        %get3A_515 = tpu.vector_load %arg13[%get3A_513, %get3A_514] {strides = array<i32>} : memref<32x128xf32, #tpu.memory_space<vmem>>, vector<1x16xf32>,
        %get3A_516 = vector.shape_cast %get3A_515 : vector<1x16xf32> to vector<16xf32>
        %mul3A_517 = arith.mulf %get3A_516, %gather3A_498 : vector<16xf32>
        %swap3A_518 = arith.index_cast %add3A_502 : i32 to index
        %swap3A_519 = arith.constant 16 : index
        %swap3A_520 = tpu.vector_load %arg13[%swap3A_518, %swap3A_519] {strides = array<i32>} : memref<32x128xf32, #tpu.memory_space<vmem>>, vector<1x16xf32>,
        %swap3A_521 = vector.shape_cast %swap3A_520 : vector<1x16xf32> to vector<16xf32>
        %swap3A_522 = vector.shape_cast %mul3A_517 : vector<16xf32> to vector<1x16xf32>
        tpu.vector_store %arg13[%swap3A_518, %swap3A_519], %swap3A_522 {strides = array<i32>} : memref<32x128xf32, #tpu.memory_space<vmem>>, vector<1x16xf32>,
        %get3A_523 = arith.index_cast %add3A_502 : i32 to index
        %get3A_524 = arith.constant 32 : index
        %get3A_525 = tpu.vector_load %arg13[%get3A_523, %get3A_524] {strides = array<i32>} : memref<32x128xf32, #tpu.memory_space<vmem>>, vector<1x16xf32>,
        %get3A_526 = vector.shape_cast %get3A_525 : vector<1x16xf32> to vector<16xf32>
        %mul3A_527 = arith.mulf %get3A_526, %gather3A_498 : vector<16xf32>
        %swap3A_528 = arith.index_cast %add3A_502 : i32 to index
        %swap3A_529 = arith.constant 32 : index
        %swap3A_530 = tpu.vector_load %arg13[%swap3A_528, %swap3A_529] {strides = array<i32>} : memref<32x128xf32, #tpu.memory_space<vmem>>, vector<1x16xf32>,
        %swap3A_531 = vector.shape_cast %swap3A_530 : vector<1x16xf32> to vector<16xf32>
        %swap3A_532 = vector.shape_cast %mul3A_527 : vector<16xf32> to vector<1x16xf32>
        tpu.vector_store %arg13[%swap3A_528, %swap3A_529], %swap3A_532 {strides = array<i32>} : memref<32x128xf32, #tpu.memory_space<vmem>>, vector<1x16xf32>,
        %get3A_533 = arith.index_cast %add3A_502 : i32 to index
        %get3A_534 = arith.constant 48 : index
        %get3A_535 = tpu.vector_load %arg13[%get3A_533, %get3A_534] {strides = array<i32>} : memref<32x128xf32, #tpu.memory_space<vmem>>, vector<1x16xf32>,
        %get3A_536 = vector.shape_cast %get3A_535 : vector<1x16xf32> to vector<16xf32>
        %mul3A_537 = arith.mulf %get3A_536, %gather3A_498 : vector<16xf32>
        %swap3A_538 = arith.index_cast %add3A_502 : i32 to index
        %swap3A_539 = arith.constant 48 : index
        %swap3A_540 = tpu.vector_load %arg13[%swap3A_538, %swap3A_539] {strides = array<i32>} : memref<32x128xf32, #tpu.memory_space<vmem>>, vector<1x16xf32>,
        %swap3A_541 = vector.shape_cast %swap3A_540 : vector<1x16xf32> to vector<16xf32>
        %swap3A_542 = vector.shape_cast %mul3A_537 : vector<16xf32> to vector<1x16xf32>
        tpu.vector_store %arg13[%swap3A_538, %swap3A_539], %swap3A_542 {strides = array<i32>} : memref<32x128xf32, #tpu.memory_space<vmem>>, vector<1x16xf32>,
        %get3A_543 = arith.index_cast %add3A_502 : i32 to index
        %get3A_544 = arith.constant 64 : index
        %get3A_545 = tpu.vector_load %arg13[%get3A_543, %get3A_544] {strides = array<i32>} : memref<32x128xf32, #tpu.memory_space<vmem>>, vector<1x16xf32>,
        %get3A_546 = vector.shape_cast %get3A_545 : vector<1x16xf32> to vector<16xf32>
        %mul3A_547 = arith.mulf %get3A_546, %gather3A_498 : vector<16xf32>
        %swap3A_548 = arith.index_cast %add3A_502 : i32 to index
        %swap3A_549 = arith.constant 64 : index
        %swap3A_550 = tpu.vector_load %arg13[%swap3A_548, %swap3A_549] {strides = array<i32>} : memref<32x128xf32, #tpu.memory_space<vmem>>, vector<1x16xf32>,
        %swap3A_551 = vector.shape_cast %swap3A_550 : vector<1x16xf32> to vector<16xf32>
        %swap3A_552 = vector.shape_cast %mul3A_547 : vector<16xf32> to vector<1x16xf32>
        tpu.vector_store %arg13[%swap3A_548, %swap3A_549], %swap3A_552 {strides = array<i32>} : memref<32x128xf32, #tpu.memory_space<vmem>>, vector<1x16xf32>,
        %get3A_553 = arith.index_cast %add3A_502 : i32 to index
        %get3A_554 = arith.constant 80 : index
        %get3A_555 = tpu.vector_load %arg13[%get3A_553, %get3A_554] {strides = array<i32>} : memref<32x128xf32, #tpu.memory_space<vmem>>, vector<1x16xf32>,
        %get3A_556 = vector.shape_cast %get3A_555 : vector<1x16xf32> to vector<16xf32>
        %mul3A_557 = arith.mulf %get3A_556, %gather3A_498 : vector<16xf32>
        %swap3A_558 = arith.index_cast %add3A_502 : i32 to index
        %swap3A_559 = arith.constant 80 : index
        %swap3A_560 = tpu.vector_load %arg13[%swap3A_558, %swap3A_559] {strides = array<i32>} : memref<32x128xf32, #tpu.memory_space<vmem>>, vector<1x16xf32>,
        %swap3A_561 = vector.shape_cast %swap3A_560 : vector<1x16xf32> to vector<16xf32>
        %swap3A_562 = vector.shape_cast %mul3A_557 : vector<16xf32> to vector<1x16xf32>
        tpu.vector_store %arg13[%swap3A_558, %swap3A_559], %swap3A_562 {strides = array<i32>} : memref<32x128xf32, #tpu.memory_space<vmem>>, vector<1x16xf32>,
        %get3A_563 = arith.index_cast %add3A_502 : i32 to index
        %get3A_564 = arith.constant 96 : index
        %get3A_565 = tpu.vector_load %arg13[%get3A_563, %get3A_564] {strides = array<i32>} : memref<32x128xf32, #tpu.memory_space<vmem>>, vector<1x16xf32>,
        %get3A_566 = vector.shape_cast %get3A_565 : vector<1x16xf32> to vector<16xf32>
        %mul3A_567 = arith.mulf %get3A_566, %gather3A_498 : vector<16xf32>
        %swap3A_568 = arith.index_cast %add3A_502 : i32 to index
        %swap3A_569 = arith.constant 96 : index
        %swap3A_570 = tpu.vector_load %arg13[%swap3A_568, %swap3A_569] {strides = array<i32>} : memref<32x128xf32, #tpu.memory_space<vmem>>, vector<1x16xf32>,
        %swap3A_571 = vector.shape_cast %swap3A_570 : vector<1x16xf32> to vector<16xf32>
        %swap3A_572 = vector.shape_cast %mul3A_567 : vector<16xf32> to vector<1x16xf32>
        tpu.vector_store %arg13[%swap3A_568, %swap3A_569], %swap3A_572 {strides = array<i32>} : memref<32x128xf32, #tpu.memory_space<vmem>>, vector<1x16xf32>,
        %get3A_573 = arith.index_cast %add3A_502 : i32 to index
        %get3A_574 = arith.constant 112 : index
        %get3A_575 = tpu.vector_load %arg13[%get3A_573, %get3A_574] {strides = array<i32>} : memref<32x128xf32, #tpu.memory_space<vmem>>, vector<1x16xf32>,
        %get3A_576 = vector.shape_cast %get3A_575 : vector<1x16xf32> to vector<16xf32>
        %mul3A_577 = arith.mulf %get3A_576, %gather3A_498 : vector<16xf32>
        %swap3A_578 = arith.index_cast %add3A_502 : i32 to index
        %swap3A_579 = arith.constant 112 : index
        %swap3A_580 = tpu.vector_load %arg13[%swap3A_578, %swap3A_579] {strides = array<i32>} : memref<32x128xf32, #tpu.memory_space<vmem>>, vector<1x16xf32>,
        %swap3A_581 = vector.shape_cast %swap3A_580 : vector<1x16xf32> to vector<16xf32>
        %swap3A_582 = vector.shape_cast %mul3A_577 : vector<16xf32> to vector<1x16xf32>
        tpu.vector_store %arg13[%swap3A_578, %swap3A_579], %swap3A_582 {strides = array<i32>} : memref<32x128xf32, #tpu.memory_space<vmem>>, vector<1x16xf32>,
        %broadcast_in_dim3A_583 = arith.constant 3 : i32
        %broadcast_in_dim3A_584 = vector.broadcast %broadcast_in_dim3A_583 : i32 to vector<16x1xi32>
        %gather3A_585 = vector.shape_cast %broadcast_in_dim3A_584 : vector<16x1xi32> to vector<16xi32>
        %gather3A_586 = tpu.dynamic_gather %get3A_319[%gather3A_585] in [0] : vector<16xf32>, vector<16xi32> -> vector<16xf32>
        %mul3A_587 = arith.constant 16 : i32
        %mul3A_588 = arith.muli %scan3A_314, %mul3A_587 : i32
        %add3A_589 = arith.constant 3 : i32
        %add3A_590 = arith.addi %mul3A_588, %add3A_589 : i32
        %get3A_591 = arith.index_cast %add3A_590 : i32 to index
        %get3A_592 = arith.constant 0 : index
        %get3A_593 = tpu.vector_load %arg13[%get3A_591, %get3A_592] {strides = array<i32>} : memref<32x128xf32, #tpu.memory_space<vmem>>, vector<1x16xf32>,
        %get3A_594 = vector.shape_cast %get3A_593 : vector<1x16xf32> to vector<16xf32>
        %mul3A_595 = arith.mulf %get3A_594, %gather3A_586 : vector<16xf32>
        %swap3A_596 = arith.index_cast %add3A_590 : i32 to index
        %swap3A_597 = arith.constant 0 : index
        %swap3A_598 = tpu.vector_load %arg13[%swap3A_596, %swap3A_597] {strides = array<i32>} : memref<32x128xf32, #tpu.memory_space<vmem>>, vector<1x16xf32>,
        %swap3A_599 = vector.shape_cast %swap3A_598 : vector<1x16xf32> to vector<16xf32>
        %swap3A_600 = vector.shape_cast %mul3A_595 : vector<16xf32> to vector<1x16xf32>
        tpu.vector_store %arg13[%swap3A_596, %swap3A_597], %swap3A_600 {strides = array<i32>} : memref<32x128xf32, #tpu.memory_space<vmem>>, vector<1x16xf32>,
        %get3A_601 = arith.index_cast %add3A_590 : i32 to index
        %get3A_602 = arith.constant 16 : index
        %get3A_603 = tpu.vector_load %arg13[%get3A_601, %get3A_602] {strides = array<i32>} : memref<32x128xf32, #tpu.memory_space<vmem>>, vector<1x16xf32>,
        %get3A_604 = vector.shape_cast %get3A_603 : vector<1x16xf32> to vector<16xf32>
        %mul3A_605 = arith.mulf %get3A_604, %gather3A_586 : vector<16xf32>
        %swap3A_606 = arith.index_cast %add3A_590 : i32 to index
        %swap3A_607 = arith.constant 16 : index
        %swap3A_608 = tpu.vector_load %arg13[%swap3A_606, %swap3A_607] {strides = array<i32>} : memref<32x128xf32, #tpu.memory_space<vmem>>, vector<1x16xf32>,
        %swap3A_609 = vector.shape_cast %swap3A_608 : vector<1x16xf32> to vector<16xf32>
        %swap3A_610 = vector.shape_cast %mul3A_605 : vector<16xf32> to vector<1x16xf32>
        tpu.vector_store %arg13[%swap3A_606, %swap3A_607], %swap3A_610 {strides = array<i32>} : memref<32x128xf32, #tpu.memory_space<vmem>>, vector<1x16xf32>,
        %get3A_611 = arith.index_cast %add3A_590 : i32 to index
        %get3A_612 = arith.constant 32 : index
        %get3A_613 = tpu.vector_load %arg13[%get3A_611, %get3A_612] {strides = array<i32>} : memref<32x128xf32, #tpu.memory_space<vmem>>, vector<1x16xf32>,
        %get3A_614 = vector.shape_cast %get3A_613 : vector<1x16xf32> to vector<16xf32>
        %mul3A_615 = arith.mulf %get3A_614, %gather3A_586 : vector<16xf32>
        %swap3A_616 = arith.index_cast %add3A_590 : i32 to index
        %swap3A_617 = arith.constant 32 : index
        %swap3A_618 = tpu.vector_load %arg13[%swap3A_616, %swap3A_617] {strides = array<i32>} : memref<32x128xf32, #tpu.memory_space<vmem>>, vector<1x16xf32>,
        %swap3A_619 = vector.shape_cast %swap3A_618 : vector<1x16xf32> to vector<16xf32>
        %swap3A_620 = vector.shape_cast %mul3A_615 : vector<16xf32> to vector<1x16xf32>
        tpu.vector_store %arg13[%swap3A_616, %swap3A_617], %swap3A_620 {strides = array<i32>} : memref<32x128xf32, #tpu.memory_space<vmem>>, vector<1x16xf32>,
        %get3A_621 = arith.index_cast %add3A_590 : i32 to index
        %get3A_622 = arith.constant 48 : index
        %get3A_623 = tpu.vector_load %arg13[%get3A_621, %get3A_622] {strides = array<i32>} : memref<32x128xf32, #tpu.memory_space<vmem>>, vector<1x16xf32>,
        %get3A_624 = vector.shape_cast %get3A_623 : vector<1x16xf32> to vector<16xf32>
        %mul3A_625 = arith.mulf %get3A_624, %gather3A_586 : vector<16xf32>
        %swap3A_626 = arith.index_cast %add3A_590 : i32 to index
        %swap3A_627 = arith.constant 48 : index
        %swap3A_628 = tpu.vector_load %arg13[%swap3A_626, %swap3A_627] {strides = array<i32>} : memref<32x128xf32, #tpu.memory_space<vmem>>, vector<1x16xf32>,
        %swap3A_629 = vector.shape_cast %swap3A_628 : vector<1x16xf32> to vector<16xf32>
        %swap3A_630 = vector.shape_cast %mul3A_625 : vector<16xf32> to vector<1x16xf32>
        tpu.vector_store %arg13[%swap3A_626, %swap3A_627], %swap3A_630 {strides = array<i32>} : memref<32x128xf32, #tpu.memory_space<vmem>>, vector<1x16xf32>,
        %get3A_631 = arith.index_cast %add3A_590 : i32 to index
        %get3A_632 = arith.constant 64 : index
        %get3A_633 = tpu.vector_load %arg13[%get3A_631, %get3A_632] {strides = array<i32>} : memref<32x128xf32, #tpu.memory_space<vmem>>, vector<1x16xf32>,
        %get3A_634 = vector.shape_cast %get3A_633 : vector<1x16xf32> to vector<16xf32>
        %mul3A_635 = arith.mulf %get3A_634, %gather3A_586 : vector<16xf32>
        %swap3A_636 = arith.index_cast %add3A_590 : i32 to index
        %swap3A_637 = arith.constant 64 : index
        %swap3A_638 = tpu.vector_load %arg13[%swap3A_636, %swap3A_637] {strides = array<i32>} : memref<32x128xf32, #tpu.memory_space<vmem>>, vector<1x16xf32>,
        %swap3A_639 = vector.shape_cast %swap3A_638 : vector<1x16xf32> to vector<16xf32>
        %swap3A_640 = vector.shape_cast %mul3A_635 : vector<16xf32> to vector<1x16xf32>
        tpu.vector_store %arg13[%swap3A_636, %swap3A_637], %swap3A_640 {strides = array<i32>} : memref<32x128xf32, #tpu.memory_space<vmem>>, vector<1x16xf32>,
        %get3A_641 = arith.index_cast %add3A_590 : i32 to index
        %get3A_642 = arith.constant 80 : index
        %get3A_643 = tpu.vector_load %arg13[%get3A_641, %get3A_642] {strides = array<i32>} : memref<32x128xf32, #tpu.memory_space<vmem>>, vector<1x16xf32>,
        %get3A_644 = vector.shape_cast %get3A_643 : vector<1x16xf32> to vector<16xf32>
        %mul3A_645 = arith.mulf %get3A_644, %gather3A_586 : vector<16xf32>
        %swap3A_646 = arith.index_cast %add3A_590 : i32 to index
        %swap3A_647 = arith.constant 80 : index
        %swap3A_648 = tpu.vector_load %arg13[%swap3A_646, %swap3A_647] {strides = array<i32>} : memref<32x128xf32, #tpu.memory_space<vmem>>, vector<1x16xf32>,
        %swap3A_649 = vector.shape_cast %swap3A_648 : vector<1x16xf32> to vector<16xf32>
        %swap3A_650 = vector.shape_cast %mul3A_645 : vector<16xf32> to vector<1x16xf32>
        tpu.vector_store %arg13[%swap3A_646, %swap3A_647], %swap3A_650 {strides = array<i32>} : memref<32x128xf32, #tpu.memory_space<vmem>>, vector<1x16xf32>,
        %get3A_651 = arith.index_cast %add3A_590 : i32 to index
        %get3A_652 = arith.constant 96 : index
        %get3A_653 = tpu.vector_load %arg13[%get3A_651, %get3A_652] {strides = array<i32>} : memref<32x128xf32, #tpu.memory_space<vmem>>, vector<1x16xf32>,
        %get3A_654 = vector.shape_cast %get3A_653 : vector<1x16xf32> to vector<16xf32>
        %mul3A_655 = arith.mulf %get3A_654, %gather3A_586 : vector<16xf32>
        %swap3A_656 = arith.index_cast %add3A_590 : i32 to index
        %swap3A_657 = arith.constant 96 : index
        %swap3A_658 = tpu.vector_load %arg13[%swap3A_656, %swap3A_657] {strides = array<i32>} : memref<32x128xf32, #tpu.memory_space<vmem>>, vector<1x16xf32>,
        %swap3A_659 = vector.shape_cast %swap3A_658 : vector<1x16xf32> to vector<16xf32>
        %swap3A_660 = vector.shape_cast %mul3A_655 : vector<16xf32> to vector<1x16xf32>
        tpu.vector_store %arg13[%swap3A_656, %swap3A_657], %swap3A_660 {strides = array<i32>} : memref<32x128xf32, #tpu.memory_space<vmem>>, vector<1x16xf32>,
        %get3A_661 = arith.index_cast %add3A_590 : i32 to index
        %get3A_662 = arith.constant 112 : index
        %get3A_663 = tpu.vector_load %arg13[%get3A_661, %get3A_662] {strides = array<i32>} : memref<32x128xf32, #tpu.memory_space<vmem>>, vector<1x16xf32>,
        %get3A_664 = vector.shape_cast %get3A_663 : vector<1x16xf32> to vector<16xf32>
        %mul3A_665 = arith.mulf %get3A_664, %gather3A_586 : vector<16xf32>
        %swap3A_666 = arith.index_cast %add3A_590 : i32 to index
        %swap3A_667 = arith.constant 112 : index
        %swap3A_668 = tpu.vector_load %arg13[%swap3A_666, %swap3A_667] {strides = array<i32>} : memref<32x128xf32, #tpu.memory_space<vmem>>, vector<1x16xf32>,
        %swap3A_669 = vector.shape_cast %swap3A_668 : vector<1x16xf32> to vector<16xf32>
        %swap3A_670 = vector.shape_cast %mul3A_665 : vector<16xf32> to vector<1x16xf32>
        tpu.vector_store %arg13[%swap3A_666, %swap3A_667], %swap3A_670 {strides = array<i32>} : memref<32x128xf32, #tpu.memory_space<vmem>>, vector<1x16xf32>,
        %broadcast_in_dim3A_671 = arith.constant 4 : i32
        %broadcast_in_dim3A_672 = vector.broadcast %broadcast_in_dim3A_671 : i32 to vector<16x1xi32>
        %gather3A_673 = vector.shape_cast %broadcast_in_dim3A_672 : vector<16x1xi32> to vector<16xi32>
        %gather3A_674 = tpu.dynamic_gather %get3A_319[%gather3A_673] in [0] : vector<16xf32>, vector<16xi32> -> vector<16xf32>
        %mul3A_675 = arith.constant 16 : i32
        %mul3A_676 = arith.muli %scan3A_314, %mul3A_675 : i32
        %add3A_677 = arith.constant 4 : i32
        %add3A_678 = arith.addi %mul3A_676, %add3A_677 : i32
        %get3A_679 = arith.index_cast %add3A_678 : i32 to index
        %get3A_680 = arith.constant 0 : index
        %get3A_681 = tpu.vector_load %arg13[%get3A_679, %get3A_680] {strides = array<i32>} : memref<32x128xf32, #tpu.memory_space<vmem>>, vector<1x16xf32>,
        %get3A_682 = vector.shape_cast %get3A_681 : vector<1x16xf32> to vector<16xf32>
        %mul3A_683 = arith.mulf %get3A_682, %gather3A_674 : vector<16xf32>
        %swap3A_684 = arith.index_cast %add3A_678 : i32 to index
        %swap3A_685 = arith.constant 0 : index
        %swap3A_686 = tpu.vector_load %arg13[%swap3A_684, %swap3A_685] {strides = array<i32>} : memref<32x128xf32, #tpu.memory_space<vmem>>, vector<1x16xf32>,
        %swap3A_687 = vector.shape_cast %swap3A_686 : vector<1x16xf32> to vector<16xf32>
        %swap3A_688 = vector.shape_cast %mul3A_683 : vector<16xf32> to vector<1x16xf32>
        tpu.vector_store %arg13[%swap3A_684, %swap3A_685], %swap3A_688 {strides = array<i32>} : memref<32x128xf32, #tpu.memory_space<vmem>>, vector<1x16xf32>,
        %get3A_689 = arith.index_cast %add3A_678 : i32 to index
        %get3A_690 = arith.constant 16 : index
        %get3A_691 = tpu.vector_load %arg13[%get3A_689, %get3A_690] {strides = array<i32>} : memref<32x128xf32, #tpu.memory_space<vmem>>, vector<1x16xf32>,
        %get3A_692 = vector.shape_cast %get3A_691 : vector<1x16xf32> to vector<16xf32>
        %mul3A_693 = arith.mulf %get3A_692, %gather3A_674 : vector<16xf32>
        %swap3A_694 = arith.index_cast %add3A_678 : i32 to index
        %swap3A_695 = arith.constant 16 : index
        %swap3A_696 = tpu.vector_load %arg13[%swap3A_694, %swap3A_695] {strides = array<i32>} : memref<32x128xf32, #tpu.memory_space<vmem>>, vector<1x16xf32>,
        %swap3A_697 = vector.shape_cast %swap3A_696 : vector<1x16xf32> to vector<16xf32>
        %swap3A_698 = vector.shape_cast %mul3A_693 : vector<16xf32> to vector<1x16xf32>
        tpu.vector_store %arg13[%swap3A_694, %swap3A_695], %swap3A_698 {strides = array<i32>} : memref<32x128xf32, #tpu.memory_space<vmem>>, vector<1x16xf32>,
        %get3A_699 = arith.index_cast %add3A_678 : i32 to index
        %get3A_700 = arith.constant 32 : index
        %get3A_701 = tpu.vector_load %arg13[%get3A_699, %get3A_700] {strides = array<i32>} : memref<32x128xf32, #tpu.memory_space<vmem>>, vector<1x16xf32>,
        %get3A_702 = vector.shape_cast %get3A_701 : vector<1x16xf32> to vector<16xf32>
        %mul3A_703 = arith.mulf %get3A_702, %gather3A_674 : vector<16xf32>
        %swap3A_704 = arith.index_cast %add3A_678 : i32 to index
        %swap3A_705 = arith.constant 32 : index
        %swap3A_706 = tpu.vector_load %arg13[%swap3A_704, %swap3A_705] {strides = array<i32>} : memref<32x128xf32, #tpu.memory_space<vmem>>, vector<1x16xf32>,
        %swap3A_707 = vector.shape_cast %swap3A_706 : vector<1x16xf32> to vector<16xf32>
        %swap3A_708 = vector.shape_cast %mul3A_703 : vector<16xf32> to vector<1x16xf32>
        tpu.vector_store %arg13[%swap3A_704, %swap3A_705], %swap3A_708 {strides = array<i32>} : memref<32x128xf32, #tpu.memory_space<vmem>>, vector<1x16xf32>,
        %get3A_709 = arith.index_cast %add3A_678 : i32 to index
        %get3A_710 = arith.constant 48 : index
        %get3A_711 = tpu.vector_load %arg13[%get3A_709, %get3A_710] {strides = array<i32>} : memref<32x128xf32, #tpu.memory_space<vmem>>, vector<1x16xf32>,
        %get3A_712 = vector.shape_cast %get3A_711 : vector<1x16xf32> to vector<16xf32>
        %mul3A_713 = arith.mulf %get3A_712, %gather3A_674 : vector<16xf32>
        %swap3A_714 = arith.index_cast %add3A_678 : i32 to index
        %swap3A_715 = arith.constant 48 : index
        %swap3A_716 = tpu.vector_load %arg13[%swap3A_714, %swap3A_715] {strides = array<i32>} : memref<32x128xf32, #tpu.memory_space<vmem>>, vector<1x16xf32>,
        %swap3A_717 = vector.shape_cast %swap3A_716 : vector<1x16xf32> to vector<16xf32>
        %swap3A_718 = vector.shape_cast %mul3A_713 : vector<16xf32> to vector<1x16xf32>
        tpu.vector_store %arg13[%swap3A_714, %swap3A_715], %swap3A_718 {strides = array<i32>} : memref<32x128xf32, #tpu.memory_space<vmem>>, vector<1x16xf32>,
        %get3A_719 = arith.index_cast %add3A_678 : i32 to index
        %get3A_720 = arith.constant 64 : index
        %get3A_721 = tpu.vector_load %arg13[%get3A_719, %get3A_720] {strides = array<i32>} : memref<32x128xf32, #tpu.memory_space<vmem>>, vector<1x16xf32>,
        %get3A_722 = vector.shape_cast %get3A_721 : vector<1x16xf32> to vector<16xf32>
        %mul3A_723 = arith.mulf %get3A_722, %gather3A_674 : vector<16xf32>
        %swap3A_724 = arith.index_cast %add3A_678 : i32 to index
        %swap3A_725 = arith.constant 64 : index
        %swap3A_726 = tpu.vector_load %arg13[%swap3A_724, %swap3A_725] {strides = array<i32>} : memref<32x128xf32, #tpu.memory_space<vmem>>, vector<1x16xf32>,
        %swap3A_727 = vector.shape_cast %swap3A_726 : vector<1x16xf32> to vector<16xf32>
        %swap3A_728 = vector.shape_cast %mul3A_723 : vector<16xf32> to vector<1x16xf32>
        tpu.vector_store %arg13[%swap3A_724, %swap3A_725], %swap3A_728 {strides = array<i32>} : memref<32x128xf32, #tpu.memory_space<vmem>>, vector<1x16xf32>,
        %get3A_729 = arith.index_cast %add3A_678 : i32 to index
        %get3A_730 = arith.constant 80 : index
        %get3A_731 = tpu.vector_load %arg13[%get3A_729, %get3A_730] {strides = array<i32>} : memref<32x128xf32, #tpu.memory_space<vmem>>, vector<1x16xf32>,
        %get3A_732 = vector.shape_cast %get3A_731 : vector<1x16xf32> to vector<16xf32>
        %mul3A_733 = arith.mulf %get3A_732, %gather3A_674 : vector<16xf32>
        %swap3A_734 = arith.index_cast %add3A_678 : i32 to index
        %swap3A_735 = arith.constant 80 : index
        %swap3A_736 = tpu.vector_load %arg13[%swap3A_734, %swap3A_735] {strides = array<i32>} : memref<32x128xf32, #tpu.memory_space<vmem>>, vector<1x16xf32>,
        %swap3A_737 = vector.shape_cast %swap3A_736 : vector<1x16xf32> to vector<16xf32>
        %swap3A_738 = vector.shape_cast %mul3A_733 : vector<16xf32> to vector<1x16xf32>
        tpu.vector_store %arg13[%swap3A_734, %swap3A_735], %swap3A_738 {strides = array<i32>} : memref<32x128xf32, #tpu.memory_space<vmem>>, vector<1x16xf32>,
        %get3A_739 = arith.index_cast %add3A_678 : i32 to index
        %get3A_740 = arith.constant 96 : index
        %get3A_741 = tpu.vector_load %arg13[%get3A_739, %get3A_740] {strides = array<i32>} : memref<32x128xf32, #tpu.memory_space<vmem>>, vector<1x16xf32>,
        %get3A_742 = vector.shape_cast %get3A_741 : vector<1x16xf32> to vector<16xf32>
        %mul3A_743 = arith.mulf %get3A_742, %gather3A_674 : vector<16xf32>
        %swap3A_744 = arith.index_cast %add3A_678 : i32 to index
        %swap3A_745 = arith.constant 96 : index
        %swap3A_746 = tpu.vector_load %arg13[%swap3A_744, %swap3A_745] {strides = array<i32>} : memref<32x128xf32, #tpu.memory_space<vmem>>, vector<1x16xf32>,
        %swap3A_747 = vector.shape_cast %swap3A_746 : vector<1x16xf32> to vector<16xf32>
        %swap3A_748 = vector.shape_cast %mul3A_743 : vector<16xf32> to vector<1x16xf32>
        tpu.vector_store %arg13[%swap3A_744, %swap3A_745], %swap3A_748 {strides = array<i32>} : memref<32x128xf32, #tpu.memory_space<vmem>>, vector<1x16xf32>,
        %get3A_749 = arith.index_cast %add3A_678 : i32 to index
        %get3A_750 = arith.constant 112 : index
        %get3A_751 = tpu.vector_load %arg13[%get3A_749, %get3A_750] {strides = array<i32>} : memref<32x128xf32, #tpu.memory_space<vmem>>, vector<1x16xf32>,
        %get3A_752 = vector.shape_cast %get3A_751 : vector<1x16xf32> to vector<16xf32>
        %mul3A_753 = arith.mulf %get3A_752, %gather3A_674 : vector<16xf32>
        %swap3A_754 = arith.index_cast %add3A_678 : i32 to index
        %swap3A_755 = arith.constant 112 : index
        %swap3A_756 = tpu.vector_load %arg13[%swap3A_754, %swap3A_755] {strides = array<i32>} : memref<32x128xf32, #tpu.memory_space<vmem>>, vector<1x16xf32>,
        %swap3A_757 = vector.shape_cast %swap3A_756 : vector<1x16xf32> to vector<16xf32>
        %swap3A_758 = vector.shape_cast %mul3A_753 : vector<16xf32> to vector<1x16xf32>
        tpu.vector_store %arg13[%swap3A_754, %swap3A_755], %swap3A_758 {strides = array<i32>} : memref<32x128xf32, #tpu.memory_space<vmem>>, vector<1x16xf32>,
        %broadcast_in_dim3A_759 = arith.constant 5 : i32
        %broadcast_in_dim3A_760 = vector.broadcast %broadcast_in_dim3A_759 : i32 to vector<16x1xi32>
        %gather3A_761 = vector.shape_cast %broadcast_in_dim3A_760 : vector<16x1xi32> to vector<16xi32>
        %gather3A_762 = tpu.dynamic_gather %get3A_319[%gather3A_761] in [0] : vector<16xf32>, vector<16xi32> -> vector<16xf32>
        %mul3A_763 = arith.constant 16 : i32
        %mul3A_764 = arith.muli %scan3A_314, %mul3A_763 : i32
        %add3A_765 = arith.constant 5 : i32
        %add3A_766 = arith.addi %mul3A_764, %add3A_765 : i32
        %get3A_767 = arith.index_cast %add3A_766 : i32 to index
        %get3A_768 = arith.constant 0 : index
        %get3A_769 = tpu.vector_load %arg13[%get3A_767, %get3A_768] {strides = array<i32>} : memref<32x128xf32, #tpu.memory_space<vmem>>, vector<1x16xf32>,
        %get3A_770 = vector.shape_cast %get3A_769 : vector<1x16xf32> to vector<16xf32>
        %mul3A_771 = arith.mulf %get3A_770, %gather3A_762 : vector<16xf32>
        %swap3A_772 = arith.index_cast %add3A_766 : i32 to index
        %swap3A_773 = arith.constant 0 : index
        %swap3A_774 = tpu.vector_load %arg13[%swap3A_772, %swap3A_773] {strides = array<i32>} : memref<32x128xf32, #tpu.memory_space<vmem>>, vector<1x16xf32>,
        %swap3A_775 = vector.shape_cast %swap3A_774 : vector<1x16xf32> to vector<16xf32>
        %swap3A_776 = vector.shape_cast %mul3A_771 : vector<16xf32> to vector<1x16xf32>
        tpu.vector_store %arg13[%swap3A_772, %swap3A_773], %swap3A_776 {strides = array<i32>} : memref<32x128xf32, #tpu.memory_space<vmem>>, vector<1x16xf32>,
        %get3A_777 = arith.index_cast %add3A_766 : i32 to index
        %get3A_778 = arith.constant 16 : index
        %get3A_779 = tpu.vector_load %arg13[%get3A_777, %get3A_778] {strides = array<i32>} : memref<32x128xf32, #tpu.memory_space<vmem>>, vector<1x16xf32>,
        %get3A_780 = vector.shape_cast %get3A_779 : vector<1x16xf32> to vector<16xf32>
        %mul3A_781 = arith.mulf %get3A_780, %gather3A_762 : vector<16xf32>
        %swap3A_782 = arith.index_cast %add3A_766 : i32 to index
        %swap3A_783 = arith.constant 16 : index
        %swap3A_784 = tpu.vector_load %arg13[%swap3A_782, %swap3A_783] {strides = array<i32>} : memref<32x128xf32, #tpu.memory_space<vmem>>, vector<1x16xf32>,
        %swap3A_785 = vector.shape_cast %swap3A_784 : vector<1x16xf32> to vector<16xf32>
        %swap3A_786 = vector.shape_cast %mul3A_781 : vector<16xf32> to vector<1x16xf32>
        tpu.vector_store %arg13[%swap3A_782, %swap3A_783], %swap3A_786 {strides = array<i32>} : memref<32x128xf32, #tpu.memory_space<vmem>>, vector<1x16xf32>,
        %get3A_787 = arith.index_cast %add3A_766 : i32 to index
        %get3A_788 = arith.constant 32 : index
        %get3A_789 = tpu.vector_load %arg13[%get3A_787, %get3A_788] {strides = array<i32>} : memref<32x128xf32, #tpu.memory_space<vmem>>, vector<1x16xf32>,
        %get3A_790 = vector.shape_cast %get3A_789 : vector<1x16xf32> to vector<16xf32>
        %mul3A_791 = arith.mulf %get3A_790, %gather3A_762 : vector<16xf32>
        %swap3A_792 = arith.index_cast %add3A_766 : i32 to index
        %swap3A_793 = arith.constant 32 : index
        %swap3A_794 = tpu.vector_load %arg13[%swap3A_792, %swap3A_793] {strides = array<i32>} : memref<32x128xf32, #tpu.memory_space<vmem>>, vector<1x16xf32>,
        %swap3A_795 = vector.shape_cast %swap3A_794 : vector<1x16xf32> to vector<16xf32>
        %swap3A_796 = vector.shape_cast %mul3A_791 : vector<16xf32> to vector<1x16xf32>
        tpu.vector_store %arg13[%swap3A_792, %swap3A_793], %swap3A_796 {strides = array<i32>} : memref<32x128xf32, #tpu.memory_space<vmem>>, vector<1x16xf32>,
        %get3A_797 = arith.index_cast %add3A_766 : i32 to index
        %get3A_798 = arith.constant 48 : index
        %get3A_799 = tpu.vector_load %arg13[%get3A_797, %get3A_798] {strides = array<i32>} : memref<32x128xf32, #tpu.memory_space<vmem>>, vector<1x16xf32>,
        %get3A_800 = vector.shape_cast %get3A_799 : vector<1x16xf32> to vector<16xf32>
        %mul3A_801 = arith.mulf %get3A_800, %gather3A_762 : vector<16xf32>
        %swap3A_802 = arith.index_cast %add3A_766 : i32 to index
        %swap3A_803 = arith.constant 48 : index
        %swap3A_804 = tpu.vector_load %arg13[%swap3A_802, %swap3A_803] {strides = array<i32>} : memref<32x128xf32, #tpu.memory_space<vmem>>, vector<1x16xf32>,
        %swap3A_805 = vector.shape_cast %swap3A_804 : vector<1x16xf32> to vector<16xf32>
        %swap3A_806 = vector.shape_cast %mul3A_801 : vector<16xf32> to vector<1x16xf32>
        tpu.vector_store %arg13[%swap3A_802, %swap3A_803], %swap3A_806 {strides = array<i32>} : memref<32x128xf32, #tpu.memory_space<vmem>>, vector<1x16xf32>,
        %get3A_807 = arith.index_cast %add3A_766 : i32 to index
        %get3A_808 = arith.constant 64 : index
        %get3A_809 = tpu.vector_load %arg13[%get3A_807, %get3A_808] {strides = array<i32>} : memref<32x128xf32, #tpu.memory_space<vmem>>, vector<1x16xf32>,
        %get3A_810 = vector.shape_cast %get3A_809 : vector<1x16xf32> to vector<16xf32>
        %mul3A_811 = arith.mulf %get3A_810, %gather3A_762 : vector<16xf32>
        %swap3A_812 = arith.index_cast %add3A_766 : i32 to index
        %swap3A_813 = arith.constant 64 : index
        %swap3A_814 = tpu.vector_load %arg13[%swap3A_812, %swap3A_813] {strides = array<i32>} : memref<32x128xf32, #tpu.memory_space<vmem>>, vector<1x16xf32>,
        %swap3A_815 = vector.shape_cast %swap3A_814 : vector<1x16xf32> to vector<16xf32>
        %swap3A_816 = vector.shape_cast %mul3A_811 : vector<16xf32> to vector<1x16xf32>
        tpu.vector_store %arg13[%swap3A_812, %swap3A_813], %swap3A_816 {strides = array<i32>} : memref<32x128xf32, #tpu.memory_space<vmem>>, vector<1x16xf32>,
        %get3A_817 = arith.index_cast %add3A_766 : i32 to index
        %get3A_818 = arith.constant 80 : index
        %get3A_819 = tpu.vector_load %arg13[%get3A_817, %get3A_818] {strides = array<i32>} : memref<32x128xf32, #tpu.memory_space<vmem>>, vector<1x16xf32>,
        %get3A_820 = vector.shape_cast %get3A_819 : vector<1x16xf32> to vector<16xf32>
        %mul3A_821 = arith.mulf %get3A_820, %gather3A_762 : vector<16xf32>
        %swap3A_822 = arith.index_cast %add3A_766 : i32 to index
        %swap3A_823 = arith.constant 80 : index
        %swap3A_824 = tpu.vector_load %arg13[%swap3A_822, %swap3A_823] {strides = array<i32>} : memref<32x128xf32, #tpu.memory_space<vmem>>, vector<1x16xf32>,
        %swap3A_825 = vector.shape_cast %swap3A_824 : vector<1x16xf32> to vector<16xf32>
        %swap3A_826 = vector.shape_cast %mul3A_821 : vector<16xf32> to vector<1x16xf32>
        tpu.vector_store %arg13[%swap3A_822, %swap3A_823], %swap3A_826 {strides = array<i32>} : memref<32x128xf32, #tpu.memory_space<vmem>>, vector<1x16xf32>,
        %get3A_827 = arith.index_cast %add3A_766 : i32 to index
        %get3A_828 = arith.constant 96 : index
        %get3A_829 = tpu.vector_load %arg13[%get3A_827, %get3A_828] {strides = array<i32>} : memref<32x128xf32, #tpu.memory_space<vmem>>, vector<1x16xf32>,
        %get3A_830 = vector.shape_cast %get3A_829 : vector<1x16xf32> to vector<16xf32>
        %mul3A_831 = arith.mulf %get3A_830, %gather3A_762 : vector<16xf32>
        %swap3A_832 = arith.index_cast %add3A_766 : i32 to index
        %swap3A_833 = arith.constant 96 : index
        %swap3A_834 = tpu.vector_load %arg13[%swap3A_832, %swap3A_833] {strides = array<i32>} : memref<32x128xf32, #tpu.memory_space<vmem>>, vector<1x16xf32>,
        %swap3A_835 = vector.shape_cast %swap3A_834 : vector<1x16xf32> to vector<16xf32>
        %swap3A_836 = vector.shape_cast %mul3A_831 : vector<16xf32> to vector<1x16xf32>
        tpu.vector_store %arg13[%swap3A_832, %swap3A_833], %swap3A_836 {strides = array<i32>} : memref<32x128xf32, #tpu.memory_space<vmem>>, vector<1x16xf32>,
        %get3A_837 = arith.index_cast %add3A_766 : i32 to index
        %get3A_838 = arith.constant 112 : index
        %get3A_839 = tpu.vector_load %arg13[%get3A_837, %get3A_838] {strides = array<i32>} : memref<32x128xf32, #tpu.memory_space<vmem>>, vector<1x16xf32>,
        %get3A_840 = vector.shape_cast %get3A_839 : vector<1x16xf32> to vector<16xf32>
        %mul3A_841 = arith.mulf %get3A_840, %gather3A_762 : vector<16xf32>
        %swap3A_842 = arith.index_cast %add3A_766 : i32 to index
        %swap3A_843 = arith.constant 112 : index
        %swap3A_844 = tpu.vector_load %arg13[%swap3A_842, %swap3A_843] {strides = array<i32>} : memref<32x128xf32, #tpu.memory_space<vmem>>, vector<1x16xf32>,
        %swap3A_845 = vector.shape_cast %swap3A_844 : vector<1x16xf32> to vector<16xf32>
        %swap3A_846 = vector.shape_cast %mul3A_841 : vector<16xf32> to vector<1x16xf32>
        tpu.vector_store %arg13[%swap3A_842, %swap3A_843], %swap3A_846 {strides = array<i32>} : memref<32x128xf32, #tpu.memory_space<vmem>>, vector<1x16xf32>,
        %broadcast_in_dim3A_847 = arith.constant 6 : i32
        %broadcast_in_dim3A_848 = vector.broadcast %broadcast_in_dim3A_847 : i32 to vector<16x1xi32>
        %gather3A_849 = vector.shape_cast %broadcast_in_dim3A_848 : vector<16x1xi32> to vector<16xi32>
        %gather3A_850 = tpu.dynamic_gather %get3A_319[%gather3A_849] in [0] : vector<16xf32>, vector<16xi32> -> vector<16xf32>
        %mul3A_851 = arith.constant 16 : i32
        %mul3A_852 = arith.muli %scan3A_314, %mul3A_851 : i32
        %add3A_853 = arith.constant 6 : i32
        %add3A_854 = arith.addi %mul3A_852, %add3A_853 : i32
        %get3A_855 = arith.index_cast %add3A_854 : i32 to index
        %get3A_856 = arith.constant 0 : index
        %get3A_857 = tpu.vector_load %arg13[%get3A_855, %get3A_856] {strides = array<i32>} : memref<32x128xf32, #tpu.memory_space<vmem>>, vector<1x16xf32>,
        %get3A_858 = vector.shape_cast %get3A_857 : vector<1x16xf32> to vector<16xf32>
        %mul3A_859 = arith.mulf %get3A_858, %gather3A_850 : vector<16xf32>
        %swap3A_860 = arith.index_cast %add3A_854 : i32 to index
        %swap3A_861 = arith.constant 0 : index
        %swap3A_862 = tpu.vector_load %arg13[%swap3A_860, %swap3A_861] {strides = array<i32>} : memref<32x128xf32, #tpu.memory_space<vmem>>, vector<1x16xf32>,
        %swap3A_863 = vector.shape_cast %swap3A_862 : vector<1x16xf32> to vector<16xf32>
        %swap3A_864 = vector.shape_cast %mul3A_859 : vector<16xf32> to vector<1x16xf32>
        tpu.vector_store %arg13[%swap3A_860, %swap3A_861], %swap3A_864 {strides = array<i32>} : memref<32x128xf32, #tpu.memory_space<vmem>>, vector<1x16xf32>,
        %get3A_865 = arith.index_cast %add3A_854 : i32 to index
        %get3A_866 = arith.constant 16 : index
        %get3A_867 = tpu.vector_load %arg13[%get3A_865, %get3A_866] {strides = array<i32>} : memref<32x128xf32, #tpu.memory_space<vmem>>, vector<1x16xf32>,
        %get3A_868 = vector.shape_cast %get3A_867 : vector<1x16xf32> to vector<16xf32>
        %mul3A_869 = arith.mulf %get3A_868, %gather3A_850 : vector<16xf32>
        %swap3A_870 = arith.index_cast %add3A_854 : i32 to index
        %swap3A_871 = arith.constant 16 : index
        %swap3A_872 = tpu.vector_load %arg13[%swap3A_870, %swap3A_871] {strides = array<i32>} : memref<32x128xf32, #tpu.memory_space<vmem>>, vector<1x16xf32>,
        %swap3A_873 = vector.shape_cast %swap3A_872 : vector<1x16xf32> to vector<16xf32>
        %swap3A_874 = vector.shape_cast %mul3A_869 : vector<16xf32> to vector<1x16xf32>
        tpu.vector_store %arg13[%swap3A_870, %swap3A_871], %swap3A_874 {strides = array<i32>} : memref<32x128xf32, #tpu.memory_space<vmem>>, vector<1x16xf32>,
        %get3A_875 = arith.index_cast %add3A_854 : i32 to index
        %get3A_876 = arith.constant 32 : index
        %get3A_877 = tpu.vector_load %arg13[%get3A_875, %get3A_876] {strides = array<i32>} : memref<32x128xf32, #tpu.memory_space<vmem>>, vector<1x16xf32>,
        %get3A_878 = vector.shape_cast %get3A_877 : vector<1x16xf32> to vector<16xf32>
        %mul3A_879 = arith.mulf %get3A_878, %gather3A_850 : vector<16xf32>
        %swap3A_880 = arith.index_cast %add3A_854 : i32 to index
        %swap3A_881 = arith.constant 32 : index
        %swap3A_882 = tpu.vector_load %arg13[%swap3A_880, %swap3A_881] {strides = array<i32>} : memref<32x128xf32, #tpu.memory_space<vmem>>, vector<1x16xf32>,
        %swap3A_883 = vector.shape_cast %swap3A_882 : vector<1x16xf32> to vector<16xf32>
        %swap3A_884 = vector.shape_cast %mul3A_879 : vector<16xf32> to vector<1x16xf32>
        tpu.vector_store %arg13[%swap3A_880, %swap3A_881], %swap3A_884 {strides = array<i32>} : memref<32x128xf32, #tpu.memory_space<vmem>>, vector<1x16xf32>,
        %get3A_885 = arith.index_cast %add3A_854 : i32 to index
        %get3A_886 = arith.constant 48 : index
        %get3A_887 = tpu.vector_load %arg13[%get3A_885, %get3A_886] {strides = array<i32>} : memref<32x128xf32, #tpu.memory_space<vmem>>, vector<1x16xf32>,
        %get3A_888 = vector.shape_cast %get3A_887 : vector<1x16xf32> to vector<16xf32>
        %mul3A_889 = arith.mulf %get3A_888, %gather3A_850 : vector<16xf32>
        %swap3A_890 = arith.index_cast %add3A_854 : i32 to index
        %swap3A_891 = arith.constant 48 : index
        %swap3A_892 = tpu.vector_load %arg13[%swap3A_890, %swap3A_891] {strides = array<i32>} : memref<32x128xf32, #tpu.memory_space<vmem>>, vector<1x16xf32>,
        %swap3A_893 = vector.shape_cast %swap3A_892 : vector<1x16xf32> to vector<16xf32>
        %swap3A_894 = vector.shape_cast %mul3A_889 : vector<16xf32> to vector<1x16xf32>
        tpu.vector_store %arg13[%swap3A_890, %swap3A_891], %swap3A_894 {strides = array<i32>} : memref<32x128xf32, #tpu.memory_space<vmem>>, vector<1x16xf32>,
        %get3A_895 = arith.index_cast %add3A_854 : i32 to index
        %get3A_896 = arith.constant 64 : index
        %get3A_897 = tpu.vector_load %arg13[%get3A_895, %get3A_896] {strides = array<i32>} : memref<32x128xf32, #tpu.memory_space<vmem>>, vector<1x16xf32>,
        %get3A_898 = vector.shape_cast %get3A_897 : vector<1x16xf32> to vector<16xf32>
        %mul3A_899 = arith.mulf %get3A_898, %gather3A_850 : vector<16xf32>
        %swap3A_900 = arith.index_cast %add3A_854 : i32 to index
        %swap3A_901 = arith.constant 64 : index
        %swap3A_902 = tpu.vector_load %arg13[%swap3A_900, %swap3A_901] {strides = array<i32>} : memref<32x128xf32, #tpu.memory_space<vmem>>, vector<1x16xf32>,
        %swap3A_903 = vector.shape_cast %swap3A_902 : vector<1x16xf32> to vector<16xf32>
        %swap3A_904 = vector.shape_cast %mul3A_899 : vector<16xf32> to vector<1x16xf32>
        tpu.vector_store %arg13[%swap3A_900, %swap3A_901], %swap3A_904 {strides = array<i32>} : memref<32x128xf32, #tpu.memory_space<vmem>>, vector<1x16xf32>,
        %get3A_905 = arith.index_cast %add3A_854 : i32 to index
        %get3A_906 = arith.constant 80 : index
        %get3A_907 = tpu.vector_load %arg13[%get3A_905, %get3A_906] {strides = array<i32>} : memref<32x128xf32, #tpu.memory_space<vmem>>, vector<1x16xf32>,
        %get3A_908 = vector.shape_cast %get3A_907 : vector<1x16xf32> to vector<16xf32>
        %mul3A_909 = arith.mulf %get3A_908, %gather3A_850 : vector<16xf32>
        %swap3A_910 = arith.index_cast %add3A_854 : i32 to index
        %swap3A_911 = arith.constant 80 : index
        %swap3A_912 = tpu.vector_load %arg13[%swap3A_910, %swap3A_911] {strides = array<i32>} : memref<32x128xf32, #tpu.memory_space<vmem>>, vector<1x16xf32>,
        %swap3A_913 = vector.shape_cast %swap3A_912 : vector<1x16xf32> to vector<16xf32>
        %swap3A_914 = vector.shape_cast %mul3A_909 : vector<16xf32> to vector<1x16xf32>
        tpu.vector_store %arg13[%swap3A_910, %swap3A_911], %swap3A_914 {strides = array<i32>} : memref<32x128xf32, #tpu.memory_space<vmem>>, vector<1x16xf32>,
        %get3A_915 = arith.index_cast %add3A_854 : i32 to index
        %get3A_916 = arith.constant 96 : index
        %get3A_917 = tpu.vector_load %arg13[%get3A_915, %get3A_916] {strides = array<i32>} : memref<32x128xf32, #tpu.memory_space<vmem>>, vector<1x16xf32>,
        %get3A_918 = vector.shape_cast %get3A_917 : vector<1x16xf32> to vector<16xf32>
        %mul3A_919 = arith.mulf %get3A_918, %gather3A_850 : vector<16xf32>
        %swap3A_920 = arith.index_cast %add3A_854 : i32 to index
        %swap3A_921 = arith.constant 96 : index
        %swap3A_922 = tpu.vector_load %arg13[%swap3A_920, %swap3A_921] {strides = array<i32>} : memref<32x128xf32, #tpu.memory_space<vmem>>, vector<1x16xf32>,
        %swap3A_923 = vector.shape_cast %swap3A_922 : vector<1x16xf32> to vector<16xf32>
        %swap3A_924 = vector.shape_cast %mul3A_919 : vector<16xf32> to vector<1x16xf32>
        tpu.vector_store %arg13[%swap3A_920, %swap3A_921], %swap3A_924 {strides = array<i32>} : memref<32x128xf32, #tpu.memory_space<vmem>>, vector<1x16xf32>,
        %get3A_925 = arith.index_cast %add3A_854 : i32 to index
        %get3A_926 = arith.constant 112 : index
        %get3A_927 = tpu.vector_load %arg13[%get3A_925, %get3A_926] {strides = array<i32>} : memref<32x128xf32, #tpu.memory_space<vmem>>, vector<1x16xf32>,
        %get3A_928 = vector.shape_cast %get3A_927 : vector<1x16xf32> to vector<16xf32>
        %mul3A_929 = arith.mulf %get3A_928, %gather3A_850 : vector<16xf32>
        %swap3A_930 = arith.index_cast %add3A_854 : i32 to index
        %swap3A_931 = arith.constant 112 : index
        %swap3A_932 = tpu.vector_load %arg13[%swap3A_930, %swap3A_931] {strides = array<i32>} : memref<32x128xf32, #tpu.memory_space<vmem>>, vector<1x16xf32>,
        %swap3A_933 = vector.shape_cast %swap3A_932 : vector<1x16xf32> to vector<16xf32>
        %swap3A_934 = vector.shape_cast %mul3A_929 : vector<16xf32> to vector<1x16xf32>
        tpu.vector_store %arg13[%swap3A_930, %swap3A_931], %swap3A_934 {strides = array<i32>} : memref<32x128xf32, #tpu.memory_space<vmem>>, vector<1x16xf32>,
        %broadcast_in_dim3A_935 = arith.constant 7 : i32
        %broadcast_in_dim3A_936 = vector.broadcast %broadcast_in_dim3A_935 : i32 to vector<16x1xi32>
        %gather3A_937 = vector.shape_cast %broadcast_in_dim3A_936 : vector<16x1xi32> to vector<16xi32>
        %gather3A_938 = tpu.dynamic_gather %get3A_319[%gather3A_937] in [0] : vector<16xf32>, vector<16xi32> -> vector<16xf32>
        %mul3A_939 = arith.constant 16 : i32
        %mul3A_940 = arith.muli %scan3A_314, %mul3A_939 : i32
        %add3A_941 = arith.constant 7 : i32
        %add3A_942 = arith.addi %mul3A_940, %add3A_941 : i32
        %get3A_943 = arith.index_cast %add3A_942 : i32 to index
        %get3A_944 = arith.constant 0 : index
        %get3A_945 = tpu.vector_load %arg13[%get3A_943, %get3A_944] {strides = array<i32>} : memref<32x128xf32, #tpu.memory_space<vmem>>, vector<1x16xf32>,
        %get3A_946 = vector.shape_cast %get3A_945 : vector<1x16xf32> to vector<16xf32>
        %mul3A_947 = arith.mulf %get3A_946, %gather3A_938 : vector<16xf32>
        %swap3A_948 = arith.index_cast %add3A_942 : i32 to index
        %swap3A_949 = arith.constant 0 : index
        %swap3A_950 = tpu.vector_load %arg13[%swap3A_948, %swap3A_949] {strides = array<i32>} : memref<32x128xf32, #tpu.memory_space<vmem>>, vector<1x16xf32>,
        %swap3A_951 = vector.shape_cast %swap3A_950 : vector<1x16xf32> to vector<16xf32>
        %swap3A_952 = vector.shape_cast %mul3A_947 : vector<16xf32> to vector<1x16xf32>
        tpu.vector_store %arg13[%swap3A_948, %swap3A_949], %swap3A_952 {strides = array<i32>} : memref<32x128xf32, #tpu.memory_space<vmem>>, vector<1x16xf32>,
        %get3A_953 = arith.index_cast %add3A_942 : i32 to index
        %get3A_954 = arith.constant 16 : index
        %get3A_955 = tpu.vector_load %arg13[%get3A_953, %get3A_954] {strides = array<i32>} : memref<32x128xf32, #tpu.memory_space<vmem>>, vector<1x16xf32>,
        %get3A_956 = vector.shape_cast %get3A_955 : vector<1x16xf32> to vector<16xf32>
        %mul3A_957 = arith.mulf %get3A_956, %gather3A_938 : vector<16xf32>
        %swap3A_958 = arith.index_cast %add3A_942 : i32 to index
        %swap3A_959 = arith.constant 16 : index
        %swap3A_960 = tpu.vector_load %arg13[%swap3A_958, %swap3A_959] {strides = array<i32>} : memref<32x128xf32, #tpu.memory_space<vmem>>, vector<1x16xf32>,
        %swap3A_961 = vector.shape_cast %swap3A_960 : vector<1x16xf32> to vector<16xf32>
        %swap3A_962 = vector.shape_cast %mul3A_957 : vector<16xf32> to vector<1x16xf32>
        tpu.vector_store %arg13[%swap3A_958, %swap3A_959], %swap3A_962 {strides = array<i32>} : memref<32x128xf32, #tpu.memory_space<vmem>>, vector<1x16xf32>,
        %get3A_963 = arith.index_cast %add3A_942 : i32 to index
        %get3A_964 = arith.constant 32 : index
        %get3A_965 = tpu.vector_load %arg13[%get3A_963, %get3A_964] {strides = array<i32>} : memref<32x128xf32, #tpu.memory_space<vmem>>, vector<1x16xf32>,
        %get3A_966 = vector.shape_cast %get3A_965 : vector<1x16xf32> to vector<16xf32>
        %mul3A_967 = arith.mulf %get3A_966, %gather3A_938 : vector<16xf32>
        %swap3A_968 = arith.index_cast %add3A_942 : i32 to index
        %swap3A_969 = arith.constant 32 : index
        %swap3A_970 = tpu.vector_load %arg13[%swap3A_968, %swap3A_969] {strides = array<i32>} : memref<32x128xf32, #tpu.memory_space<vmem>>, vector<1x16xf32>,
        %swap3A_971 = vector.shape_cast %swap3A_970 : vector<1x16xf32> to vector<16xf32>
        %swap3A_972 = vector.shape_cast %mul3A_967 : vector<16xf32> to vector<1x16xf32>
        tpu.vector_store %arg13[%swap3A_968, %swap3A_969], %swap3A_972 {strides = array<i32>} : memref<32x128xf32, #tpu.memory_space<vmem>>, vector<1x16xf32>,
        %get3A_973 = arith.index_cast %add3A_942 : i32 to index
        %get3A_974 = arith.constant 48 : index
        %get3A_975 = tpu.vector_load %arg13[%get3A_973, %get3A_974] {strides = array<i32>} : memref<32x128xf32, #tpu.memory_space<vmem>>, vector<1x16xf32>,
        %get3A_976 = vector.shape_cast %get3A_975 : vector<1x16xf32> to vector<16xf32>
        %mul3A_977 = arith.mulf %get3A_976, %gather3A_938 : vector<16xf32>
        %swap3A_978 = arith.index_cast %add3A_942 : i32 to index
        %swap3A_979 = arith.constant 48 : index
        %swap3A_980 = tpu.vector_load %arg13[%swap3A_978, %swap3A_979] {strides = array<i32>} : memref<32x128xf32, #tpu.memory_space<vmem>>, vector<1x16xf32>,
        %swap3A_981 = vector.shape_cast %swap3A_980 : vector<1x16xf32> to vector<16xf32>
        %swap3A_982 = vector.shape_cast %mul3A_977 : vector<16xf32> to vector<1x16xf32>
        tpu.vector_store %arg13[%swap3A_978, %swap3A_979], %swap3A_982 {strides = array<i32>} : memref<32x128xf32, #tpu.memory_space<vmem>>, vector<1x16xf32>,
        %get3A_983 = arith.index_cast %add3A_942 : i32 to index
        %get3A_984 = arith.constant 64 : index
        %get3A_985 = tpu.vector_load %arg13[%get3A_983, %get3A_984] {strides = array<i32>} : memref<32x128xf32, #tpu.memory_space<vmem>>, vector<1x16xf32>,
        %get3A_986 = vector.shape_cast %get3A_985 : vector<1x16xf32> to vector<16xf32>
        %mul3A_987 = arith.mulf %get3A_986, %gather3A_938 : vector<16xf32>
        %swap3A_988 = arith.index_cast %add3A_942 : i32 to index
        %swap3A_989 = arith.constant 64 : index
        %swap3A_990 = tpu.vector_load %arg13[%swap3A_988, %swap3A_989] {strides = array<i32>} : memref<32x128xf32, #tpu.memory_space<vmem>>, vector<1x16xf32>,
        %swap3A_991 = vector.shape_cast %swap3A_990 : vector<1x16xf32> to vector<16xf32>
        %swap3A_992 = vector.shape_cast %mul3A_987 : vector<16xf32> to vector<1x16xf32>
        tpu.vector_store %arg13[%swap3A_988, %swap3A_989], %swap3A_992 {strides = array<i32>} : memref<32x128xf32, #tpu.memory_space<vmem>>, vector<1x16xf32>,
        %get3A_993 = arith.index_cast %add3A_942 : i32 to index
        %get3A_994 = arith.constant 80 : index
        %get3A_995 = tpu.vector_load %arg13[%get3A_993, %get3A_994] {strides = array<i32>} : memref<32x128xf32, #tpu.memory_space<vmem>>, vector<1x16xf32>,
        %get3A_996 = vector.shape_cast %get3A_995 : vector<1x16xf32> to vector<16xf32>
        %mul3A_997 = arith.mulf %get3A_996, %gather3A_938 : vector<16xf32>
        %swap3A_998 = arith.index_cast %add3A_942 : i32 to index
        %swap3A_999 = arith.constant 80 : index
        %swap3A_1000 = tpu.vector_load %arg13[%swap3A_998, %swap3A_999] {strides = array<i32>} : memref<32x128xf32, #tpu.memory_space<vmem>>, vector<1x16xf32>,
        %swap3A_1001 = vector.shape_cast %swap3A_1000 : vector<1x16xf32> to vector<16xf32>
        %swap3A_1002 = vector.shape_cast %mul3A_997 : vector<16xf32> to vector<1x16xf32>
        tpu.vector_store %arg13[%swap3A_998, %swap3A_999], %swap3A_1002 {strides = array<i32>} : memref<32x128xf32, #tpu.memory_space<vmem>>, vector<1x16xf32>,
        %get3A_1003 = arith.index_cast %add3A_942 : i32 to index
        %get3A_1004 = arith.constant 96 : index
        %get3A_1005 = tpu.vector_load %arg13[%get3A_1003, %get3A_1004] {strides = array<i32>} : memref<32x128xf32, #tpu.memory_space<vmem>>, vector<1x16xf32>,
        %get3A_1006 = vector.shape_cast %get3A_1005 : vector<1x16xf32> to vector<16xf32>
        %mul3A_1007 = arith.mulf %get3A_1006, %gather3A_938 : vector<16xf32>
        %swap3A_1008 = arith.index_cast %add3A_942 : i32 to index
        %swap3A_1009 = arith.constant 96 : index
        %swap3A_1010 = tpu.vector_load %arg13[%swap3A_1008, %swap3A_1009] {strides = array<i32>} : memref<32x128xf32, #tpu.memory_space<vmem>>, vector<1x16xf32>,
        %swap3A_1011 = vector.shape_cast %swap3A_1010 : vector<1x16xf32> to vector<16xf32>
        %swap3A_1012 = vector.shape_cast %mul3A_1007 : vector<16xf32> to vector<1x16xf32>
        tpu.vector_store %arg13[%swap3A_1008, %swap3A_1009], %swap3A_1012 {strides = array<i32>} : memref<32x128xf32, #tpu.memory_space<vmem>>, vector<1x16xf32>,
        %get3A_1013 = arith.index_cast %add3A_942 : i32 to index
        %get3A_1014 = arith.constant 112 : index
        %get3A_1015 = tpu.vector_load %arg13[%get3A_1013, %get3A_1014] {strides = array<i32>} : memref<32x128xf32, #tpu.memory_space<vmem>>, vector<1x16xf32>,
        %get3A_1016 = vector.shape_cast %get3A_1015 : vector<1x16xf32> to vector<16xf32>
        %mul3A_1017 = arith.mulf %get3A_1016, %gather3A_938 : vector<16xf32>
        %swap3A_1018 = arith.index_cast %add3A_942 : i32 to index
        %swap3A_1019 = arith.constant 112 : index
        %swap3A_1020 = tpu.vector_load %arg13[%swap3A_1018, %swap3A_1019] {strides = array<i32>} : memref<32x128xf32, #tpu.memory_space<vmem>>, vector<1x16xf32>,
        %swap3A_1021 = vector.shape_cast %swap3A_1020 : vector<1x16xf32> to vector<16xf32>
        %swap3A_1022 = vector.shape_cast %mul3A_1017 : vector<16xf32> to vector<1x16xf32>
        tpu.vector_store %arg13[%swap3A_1018, %swap3A_1019], %swap3A_1022 {strides = array<i32>} : memref<32x128xf32, #tpu.memory_space<vmem>>, vector<1x16xf32>,
        %broadcast_in_dim3A_1023 = arith.constant 8 : i32
        %broadcast_in_dim3A_1024 = vector.broadcast %broadcast_in_dim3A_1023 : i32 to vector<16x1xi32>
        %gather3A_1025 = vector.shape_cast %broadcast_in_dim3A_1024 : vector<16x1xi32> to vector<16xi32>
        %gather3A_1026 = tpu.dynamic_gather %get3A_319[%gather3A_1025] in [0] : vector<16xf32>, vector<16xi32> -> vector<16xf32>
        %mul3A_1027 = arith.constant 16 : i32
        %mul3A_1028 = arith.muli %scan3A_314, %mul3A_1027 : i32
        %add3A_1029 = arith.constant 8 : i32
        %add3A_1030 = arith.addi %mul3A_1028, %add3A_1029 : i32
        %get3A_1031 = arith.index_cast %add3A_1030 : i32 to index
        %get3A_1032 = arith.constant 0 : index
        %get3A_1033 = tpu.vector_load %arg13[%get3A_1031, %get3A_1032] {strides = array<i32>} : memref<32x128xf32, #tpu.memory_space<vmem>>, vector<1x16xf32>,
        %get3A_1034 = vector.shape_cast %get3A_1033 : vector<1x16xf32> to vector<16xf32>
        %mul3A_1035 = arith.mulf %get3A_1034, %gather3A_1026 : vector<16xf32>
        %swap3A_1036 = arith.index_cast %add3A_1030 : i32 to index
        %swap3A_1037 = arith.constant 0 : index
        %swap3A_1038 = tpu.vector_load %arg13[%swap3A_1036, %swap3A_1037] {strides = array<i32>} : memref<32x128xf32, #tpu.memory_space<vmem>>, vector<1x16xf32>,
        %swap3A_1039 = vector.shape_cast %swap3A_1038 : vector<1x16xf32> to vector<16xf32>
        %swap3A_1040 = vector.shape_cast %mul3A_1035 : vector<16xf32> to vector<1x16xf32>
        tpu.vector_store %arg13[%swap3A_1036, %swap3A_1037], %swap3A_1040 {strides = array<i32>} : memref<32x128xf32, #tpu.memory_space<vmem>>, vector<1x16xf32>,
        %get3A_1041 = arith.index_cast %add3A_1030 : i32 to index
        %get3A_1042 = arith.constant 16 : index
        %get3A_1043 = tpu.vector_load %arg13[%get3A_1041, %get3A_1042] {strides = array<i32>} : memref<32x128xf32, #tpu.memory_space<vmem>>, vector<1x16xf32>,
        %get3A_1044 = vector.shape_cast %get3A_1043 : vector<1x16xf32> to vector<16xf32>
        %mul3A_1045 = arith.mulf %get3A_1044, %gather3A_1026 : vector<16xf32>
        %swap3A_1046 = arith.index_cast %add3A_1030 : i32 to index
        %swap3A_1047 = arith.constant 16 : index
        %swap3A_1048 = tpu.vector_load %arg13[%swap3A_1046, %swap3A_1047] {strides = array<i32>} : memref<32x128xf32, #tpu.memory_space<vmem>>, vector<1x16xf32>,
        %swap3A_1049 = vector.shape_cast %swap3A_1048 : vector<1x16xf32> to vector<16xf32>
        %swap3A_1050 = vector.shape_cast %mul3A_1045 : vector<16xf32> to vector<1x16xf32>
        tpu.vector_store %arg13[%swap3A_1046, %swap3A_1047], %swap3A_1050 {strides = array<i32>} : memref<32x128xf32, #tpu.memory_space<vmem>>, vector<1x16xf32>,
        %get3A_1051 = arith.index_cast %add3A_1030 : i32 to index
        %get3A_1052 = arith.constant 32 : index
        %get3A_1053 = tpu.vector_load %arg13[%get3A_1051, %get3A_1052] {strides = array<i32>} : memref<32x128xf32, #tpu.memory_space<vmem>>, vector<1x16xf32>,
        %get3A_1054 = vector.shape_cast %get3A_1053 : vector<1x16xf32> to vector<16xf32>
        %mul3A_1055 = arith.mulf %get3A_1054, %gather3A_1026 : vector<16xf32>
        %swap3A_1056 = arith.index_cast %add3A_1030 : i32 to index
        %swap3A_1057 = arith.constant 32 : index
        %swap3A_1058 = tpu.vector_load %arg13[%swap3A_1056, %swap3A_1057] {strides = array<i32>} : memref<32x128xf32, #tpu.memory_space<vmem>>, vector<1x16xf32>,
        %swap3A_1059 = vector.shape_cast %swap3A_1058 : vector<1x16xf32> to vector<16xf32>
        %swap3A_1060 = vector.shape_cast %mul3A_1055 : vector<16xf32> to vector<1x16xf32>
        tpu.vector_store %arg13[%swap3A_1056, %swap3A_1057], %swap3A_1060 {strides = array<i32>} : memref<32x128xf32, #tpu.memory_space<vmem>>, vector<1x16xf32>,
        %get3A_1061 = arith.index_cast %add3A_1030 : i32 to index
        %get3A_1062 = arith.constant 48 : index
        %get3A_1063 = tpu.vector_load %arg13[%get3A_1061, %get3A_1062] {strides = array<i32>} : memref<32x128xf32, #tpu.memory_space<vmem>>, vector<1x16xf32>,
        %get3A_1064 = vector.shape_cast %get3A_1063 : vector<1x16xf32> to vector<16xf32>
        %mul3A_1065 = arith.mulf %get3A_1064, %gather3A_1026 : vector<16xf32>
        %swap3A_1066 = arith.index_cast %add3A_1030 : i32 to index
        %swap3A_1067 = arith.constant 48 : index
        %swap3A_1068 = tpu.vector_load %arg13[%swap3A_1066, %swap3A_1067] {strides = array<i32>} : memref<32x128xf32, #tpu.memory_space<vmem>>, vector<1x16xf32>,
        %swap3A_1069 = vector.shape_cast %swap3A_1068 : vector<1x16xf32> to vector<16xf32>
        %swap3A_1070 = vector.shape_cast %mul3A_1065 : vector<16xf32> to vector<1x16xf32>
        tpu.vector_store %arg13[%swap3A_1066, %swap3A_1067], %swap3A_1070 {strides = array<i32>} : memref<32x128xf32, #tpu.memory_space<vmem>>, vector<1x16xf32>,
        %get3A_1071 = arith.index_cast %add3A_1030 : i32 to index
        %get3A_1072 = arith.constant 64 : index
        %get3A_1073 = tpu.vector_load %arg13[%get3A_1071, %get3A_1072] {strides = array<i32>} : memref<32x128xf32, #tpu.memory_space<vmem>>, vector<1x16xf32>,
        %get3A_1074 = vector.shape_cast %get3A_1073 : vector<1x16xf32> to vector<16xf32>
        %mul3A_1075 = arith.mulf %get3A_1074, %gather3A_1026 : vector<16xf32>
        %swap3A_1076 = arith.index_cast %add3A_1030 : i32 to index
        %swap3A_1077 = arith.constant 64 : index
        %swap3A_1078 = tpu.vector_load %arg13[%swap3A_1076, %swap3A_1077] {strides = array<i32>} : memref<32x128xf32, #tpu.memory_space<vmem>>, vector<1x16xf32>,
        %swap3A_1079 = vector.shape_cast %swap3A_1078 : vector<1x16xf32> to vector<16xf32>
        %swap3A_1080 = vector.shape_cast %mul3A_1075 : vector<16xf32> to vector<1x16xf32>
        tpu.vector_store %arg13[%swap3A_1076, %swap3A_1077], %swap3A_1080 {strides = array<i32>} : memref<32x128xf32, #tpu.memory_space<vmem>>, vector<1x16xf32>,
        %get3A_1081 = arith.index_cast %add3A_1030 : i32 to index
        %get3A_1082 = arith.constant 80 : index
        %get3A_1083 = tpu.vector_load %arg13[%get3A_1081, %get3A_1082] {strides = array<i32>} : memref<32x128xf32, #tpu.memory_space<vmem>>, vector<1x16xf32>,
        %get3A_1084 = vector.shape_cast %get3A_1083 : vector<1x16xf32> to vector<16xf32>
        %mul3A_1085 = arith.mulf %get3A_1084, %gather3A_1026 : vector<16xf32>
        %swap3A_1086 = arith.index_cast %add3A_1030 : i32 to index
        %swap3A_1087 = arith.constant 80 : index
        %swap3A_1088 = tpu.vector_load %arg13[%swap3A_1086, %swap3A_1087] {strides = array<i32>} : memref<32x128xf32, #tpu.memory_space<vmem>>, vector<1x16xf32>,
        %swap3A_1089 = vector.shape_cast %swap3A_1088 : vector<1x16xf32> to vector<16xf32>
        %swap3A_1090 = vector.shape_cast %mul3A_1085 : vector<16xf32> to vector<1x16xf32>
        tpu.vector_store %arg13[%swap3A_1086, %swap3A_1087], %swap3A_1090 {strides = array<i32>} : memref<32x128xf32, #tpu.memory_space<vmem>>, vector<1x16xf32>,
        %get3A_1091 = arith.index_cast %add3A_1030 : i32 to index
        %get3A_1092 = arith.constant 96 : index
        %get3A_1093 = tpu.vector_load %arg13[%get3A_1091, %get3A_1092] {strides = array<i32>} : memref<32x128xf32, #tpu.memory_space<vmem>>, vector<1x16xf32>,
        %get3A_1094 = vector.shape_cast %get3A_1093 : vector<1x16xf32> to vector<16xf32>
        %mul3A_1095 = arith.mulf %get3A_1094, %gather3A_1026 : vector<16xf32>
        %swap3A_1096 = arith.index_cast %add3A_1030 : i32 to index
        %swap3A_1097 = arith.constant 96 : index
        %swap3A_1098 = tpu.vector_load %arg13[%swap3A_1096, %swap3A_1097] {strides = array<i32>} : memref<32x128xf32, #tpu.memory_space<vmem>>, vector<1x16xf32>,
        %swap3A_1099 = vector.shape_cast %swap3A_1098 : vector<1x16xf32> to vector<16xf32>
        %swap3A_1100 = vector.shape_cast %mul3A_1095 : vector<16xf32> to vector<1x16xf32>
        tpu.vector_store %arg13[%swap3A_1096, %swap3A_1097], %swap3A_1100 {strides = array<i32>} : memref<32x128xf32, #tpu.memory_space<vmem>>, vector<1x16xf32>,
        %get3A_1101 = arith.index_cast %add3A_1030 : i32 to index
        %get3A_1102 = arith.constant 112 : index
        %get3A_1103 = tpu.vector_load %arg13[%get3A_1101, %get3A_1102] {strides = array<i32>} : memref<32x128xf32, #tpu.memory_space<vmem>>, vector<1x16xf32>,
        %get3A_1104 = vector.shape_cast %get3A_1103 : vector<1x16xf32> to vector<16xf32>
        %mul3A_1105 = arith.mulf %get3A_1104, %gather3A_1026 : vector<16xf32>
        %swap3A_1106 = arith.index_cast %add3A_1030 : i32 to index
        %swap3A_1107 = arith.constant 112 : index
        %swap3A_1108 = tpu.vector_load %arg13[%swap3A_1106, %swap3A_1107] {strides = array<i32>} : memref<32x128xf32, #tpu.memory_space<vmem>>, vector<1x16xf32>,
        %swap3A_1109 = vector.shape_cast %swap3A_1108 : vector<1x16xf32> to vector<16xf32>
        %swap3A_1110 = vector.shape_cast %mul3A_1105 : vector<16xf32> to vector<1x16xf32>
        tpu.vector_store %arg13[%swap3A_1106, %swap3A_1107], %swap3A_1110 {strides = array<i32>} : memref<32x128xf32, #tpu.memory_space<vmem>>, vector<1x16xf32>,
        %broadcast_in_dim3A_1111 = arith.constant 9 : i32
        %broadcast_in_dim3A_1112 = vector.broadcast %broadcast_in_dim3A_1111 : i32 to vector<16x1xi32>
        %gather3A_1113 = vector.shape_cast %broadcast_in_dim3A_1112 : vector<16x1xi32> to vector<16xi32>
        %gather3A_1114 = tpu.dynamic_gather %get3A_319[%gather3A_1113] in [0] : vector<16xf32>, vector<16xi32> -> vector<16xf32>
        %mul3A_1115 = arith.constant 16 : i32
        %mul3A_1116 = arith.muli %scan3A_314, %mul3A_1115 : i32
        %add3A_1117 = arith.constant 9 : i32
        %add3A_1118 = arith.addi %mul3A_1116, %add3A_1117 : i32
        %get3A_1119 = arith.index_cast %add3A_1118 : i32 to index
        %get3A_1120 = arith.constant 0 : index
        %get3A_1121 = tpu.vector_load %arg13[%get3A_1119, %get3A_1120] {strides = array<i32>} : memref<32x128xf32, #tpu.memory_space<vmem>>, vector<1x16xf32>,
        %get3A_1122 = vector.shape_cast %get3A_1121 : vector<1x16xf32> to vector<16xf32>
        %mul3A_1123 = arith.mulf %get3A_1122, %gather3A_1114 : vector<16xf32>
        %swap3A_1124 = arith.index_cast %add3A_1118 : i32 to index
        %swap3A_1125 = arith.constant 0 : index
        %swap3A_1126 = tpu.vector_load %arg13[%swap3A_1124, %swap3A_1125] {strides = array<i32>} : memref<32x128xf32, #tpu.memory_space<vmem>>, vector<1x16xf32>,
        %swap3A_1127 = vector.shape_cast %swap3A_1126 : vector<1x16xf32> to vector<16xf32>
        %swap3A_1128 = vector.shape_cast %mul3A_1123 : vector<16xf32> to vector<1x16xf32>
        tpu.vector_store %arg13[%swap3A_1124, %swap3A_1125], %swap3A_1128 {strides = array<i32>} : memref<32x128xf32, #tpu.memory_space<vmem>>, vector<1x16xf32>,
        %get3A_1129 = arith.index_cast %add3A_1118 : i32 to index
        %get3A_1130 = arith.constant 16 : index
        %get3A_1131 = tpu.vector_load %arg13[%get3A_1129, %get3A_1130] {strides = array<i32>} : memref<32x128xf32, #tpu.memory_space<vmem>>, vector<1x16xf32>,
        %get3A_1132 = vector.shape_cast %get3A_1131 : vector<1x16xf32> to vector<16xf32>
        %mul3A_1133 = arith.mulf %get3A_1132, %gather3A_1114 : vector<16xf32>
        %swap3A_1134 = arith.index_cast %add3A_1118 : i32 to index
        %swap3A_1135 = arith.constant 16 : index
        %swap3A_1136 = tpu.vector_load %arg13[%swap3A_1134, %swap3A_1135] {strides = array<i32>} : memref<32x128xf32, #tpu.memory_space<vmem>>, vector<1x16xf32>,
        %swap3A_1137 = vector.shape_cast %swap3A_1136 : vector<1x16xf32> to vector<16xf32>
        %swap3A_1138 = vector.shape_cast %mul3A_1133 : vector<16xf32> to vector<1x16xf32>
        tpu.vector_store %arg13[%swap3A_1134, %swap3A_1135], %swap3A_1138 {strides = array<i32>} : memref<32x128xf32, #tpu.memory_space<vmem>>, vector<1x16xf32>,
        %get3A_1139 = arith.index_cast %add3A_1118 : i32 to index
        %get3A_1140 = arith.constant 32 : index
        %get3A_1141 = tpu.vector_load %arg13[%get3A_1139, %get3A_1140] {strides = array<i32>} : memref<32x128xf32, #tpu.memory_space<vmem>>, vector<1x16xf32>,
        %get3A_1142 = vector.shape_cast %get3A_1141 : vector<1x16xf32> to vector<16xf32>
        %mul3A_1143 = arith.mulf %get3A_1142, %gather3A_1114 : vector<16xf32>
        %swap3A_1144 = arith.index_cast %add3A_1118 : i32 to index
        %swap3A_1145 = arith.constant 32 : index
        %swap3A_1146 = tpu.vector_load %arg13[%swap3A_1144, %swap3A_1145] {strides = array<i32>} : memref<32x128xf32, #tpu.memory_space<vmem>>, vector<1x16xf32>,
        %swap3A_1147 = vector.shape_cast %swap3A_1146 : vector<1x16xf32> to vector<16xf32>
        %swap3A_1148 = vector.shape_cast %mul3A_1143 : vector<16xf32> to vector<1x16xf32>
        tpu.vector_store %arg13[%swap3A_1144, %swap3A_1145], %swap3A_1148 {strides = array<i32>} : memref<32x128xf32, #tpu.memory_space<vmem>>, vector<1x16xf32>,
        %get3A_1149 = arith.index_cast %add3A_1118 : i32 to index
        %get3A_1150 = arith.constant 48 : index
        %get3A_1151 = tpu.vector_load %arg13[%get3A_1149, %get3A_1150] {strides = array<i32>} : memref<32x128xf32, #tpu.memory_space<vmem>>, vector<1x16xf32>,
        %get3A_1152 = vector.shape_cast %get3A_1151 : vector<1x16xf32> to vector<16xf32>
        %mul3A_1153 = arith.mulf %get3A_1152, %gather3A_1114 : vector<16xf32>
        %swap3A_1154 = arith.index_cast %add3A_1118 : i32 to index
        %swap3A_1155 = arith.constant 48 : index
        %swap3A_1156 = tpu.vector_load %arg13[%swap3A_1154, %swap3A_1155] {strides = array<i32>} : memref<32x128xf32, #tpu.memory_space<vmem>>, vector<1x16xf32>,
        %swap3A_1157 = vector.shape_cast %swap3A_1156 : vector<1x16xf32> to vector<16xf32>
        %swap3A_1158 = vector.shape_cast %mul3A_1153 : vector<16xf32> to vector<1x16xf32>
        tpu.vector_store %arg13[%swap3A_1154, %swap3A_1155], %swap3A_1158 {strides = array<i32>} : memref<32x128xf32, #tpu.memory_space<vmem>>, vector<1x16xf32>,
        %get3A_1159 = arith.index_cast %add3A_1118 : i32 to index
        %get3A_1160 = arith.constant 64 : index
        %get3A_1161 = tpu.vector_load %arg13[%get3A_1159, %get3A_1160] {strides = array<i32>} : memref<32x128xf32, #tpu.memory_space<vmem>>, vector<1x16xf32>,
        %get3A_1162 = vector.shape_cast %get3A_1161 : vector<1x16xf32> to vector<16xf32>
        %mul3A_1163 = arith.mulf %get3A_1162, %gather3A_1114 : vector<16xf32>
        %swap3A_1164 = arith.index_cast %add3A_1118 : i32 to index
        %swap3A_1165 = arith.constant 64 : index
        %swap3A_1166 = tpu.vector_load %arg13[%swap3A_1164, %swap3A_1165] {strides = array<i32>} : memref<32x128xf32, #tpu.memory_space<vmem>>, vector<1x16xf32>,
        %swap3A_1167 = vector.shape_cast %swap3A_1166 : vector<1x16xf32> to vector<16xf32>
        %swap3A_1168 = vector.shape_cast %mul3A_1163 : vector<16xf32> to vector<1x16xf32>
        tpu.vector_store %arg13[%swap3A_1164, %swap3A_1165], %swap3A_1168 {strides = array<i32>} : memref<32x128xf32, #tpu.memory_space<vmem>>, vector<1x16xf32>,
        %get3A_1169 = arith.index_cast %add3A_1118 : i32 to index
        %get3A_1170 = arith.constant 80 : index
        %get3A_1171 = tpu.vector_load %arg13[%get3A_1169, %get3A_1170] {strides = array<i32>} : memref<32x128xf32, #tpu.memory_space<vmem>>, vector<1x16xf32>,
        %get3A_1172 = vector.shape_cast %get3A_1171 : vector<1x16xf32> to vector<16xf32>
        %mul3A_1173 = arith.mulf %get3A_1172, %gather3A_1114 : vector<16xf32>
        %swap3A_1174 = arith.index_cast %add3A_1118 : i32 to index
        %swap3A_1175 = arith.constant 80 : index
        %swap3A_1176 = tpu.vector_load %arg13[%swap3A_1174, %swap3A_1175] {strides = array<i32>} : memref<32x128xf32, #tpu.memory_space<vmem>>, vector<1x16xf32>,
        %swap3A_1177 = vector.shape_cast %swap3A_1176 : vector<1x16xf32> to vector<16xf32>
        %swap3A_1178 = vector.shape_cast %mul3A_1173 : vector<16xf32> to vector<1x16xf32>
        tpu.vector_store %arg13[%swap3A_1174, %swap3A_1175], %swap3A_1178 {strides = array<i32>} : memref<32x128xf32, #tpu.memory_space<vmem>>, vector<1x16xf32>,
        %get3A_1179 = arith.index_cast %add3A_1118 : i32 to index
        %get3A_1180 = arith.constant 96 : index
        %get3A_1181 = tpu.vector_load %arg13[%get3A_1179, %get3A_1180] {strides = array<i32>} : memref<32x128xf32, #tpu.memory_space<vmem>>, vector<1x16xf32>,
        %get3A_1182 = vector.shape_cast %get3A_1181 : vector<1x16xf32> to vector<16xf32>
        %mul3A_1183 = arith.mulf %get3A_1182, %gather3A_1114 : vector<16xf32>
        %swap3A_1184 = arith.index_cast %add3A_1118 : i32 to index
        %swap3A_1185 = arith.constant 96 : index
        %swap3A_1186 = tpu.vector_load %arg13[%swap3A_1184, %swap3A_1185] {strides = array<i32>} : memref<32x128xf32, #tpu.memory_space<vmem>>, vector<1x16xf32>,
        %swap3A_1187 = vector.shape_cast %swap3A_1186 : vector<1x16xf32> to vector<16xf32>
        %swap3A_1188 = vector.shape_cast %mul3A_1183 : vector<16xf32> to vector<1x16xf32>
        tpu.vector_store %arg13[%swap3A_1184, %swap3A_1185], %swap3A_1188 {strides = array<i32>} : memref<32x128xf32, #tpu.memory_space<vmem>>, vector<1x16xf32>,
        %get3A_1189 = arith.index_cast %add3A_1118 : i32 to index
        %get3A_1190 = arith.constant 112 : index
        %get3A_1191 = tpu.vector_load %arg13[%get3A_1189, %get3A_1190] {strides = array<i32>} : memref<32x128xf32, #tpu.memory_space<vmem>>, vector<1x16xf32>,
        %get3A_1192 = vector.shape_cast %get3A_1191 : vector<1x16xf32> to vector<16xf32>
        %mul3A_1193 = arith.mulf %get3A_1192, %gather3A_1114 : vector<16xf32>
        %swap3A_1194 = arith.index_cast %add3A_1118 : i32 to index
        %swap3A_1195 = arith.constant 112 : index
        %swap3A_1196 = tpu.vector_load %arg13[%swap3A_1194, %swap3A_1195] {strides = array<i32>} : memref<32x128xf32, #tpu.memory_space<vmem>>, vector<1x16xf32>,
        %swap3A_1197 = vector.shape_cast %swap3A_1196 : vector<1x16xf32> to vector<16xf32>
        %swap3A_1198 = vector.shape_cast %mul3A_1193 : vector<16xf32> to vector<1x16xf32>
        tpu.vector_store %arg13[%swap3A_1194, %swap3A_1195], %swap3A_1198 {strides = array<i32>} : memref<32x128xf32, #tpu.memory_space<vmem>>, vector<1x16xf32>,
        %broadcast_in_dim3A_1199 = arith.constant 10 : i32
        %broadcast_in_dim3A_1200 = vector.broadcast %broadcast_in_dim3A_1199 : i32 to vector<16x1xi32>
        %gather3A_1201 = vector.shape_cast %broadcast_in_dim3A_1200 : vector<16x1xi32> to vector<16xi32>
        %gather3A_1202 = tpu.dynamic_gather %get3A_319[%gather3A_1201] in [0] : vector<16xf32>, vector<16xi32> -> vector<16xf32>
        %mul3A_1203 = arith.constant 16 : i32
        %mul3A_1204 = arith.muli %scan3A_314, %mul3A_1203 : i32
        %add3A_1205 = arith.constant 10 : i32
        %add3A_1206 = arith.addi %mul3A_1204, %add3A_1205 : i32
        %get3A_1207 = arith.index_cast %add3A_1206 : i32 to index
        %get3A_1208 = arith.constant 0 : index
        %get3A_1209 = tpu.vector_load %arg13[%get3A_1207, %get3A_1208] {strides = array<i32>} : memref<32x128xf32, #tpu.memory_space<vmem>>, vector<1x16xf32>,
        %get3A_1210 = vector.shape_cast %get3A_1209 : vector<1x16xf32> to vector<16xf32>
        %mul3A_1211 = arith.mulf %get3A_1210, %gather3A_1202 : vector<16xf32>
        %swap3A_1212 = arith.index_cast %add3A_1206 : i32 to index
        %swap3A_1213 = arith.constant 0 : index
        %swap3A_1214 = tpu.vector_load %arg13[%swap3A_1212, %swap3A_1213] {strides = array<i32>} : memref<32x128xf32, #tpu.memory_space<vmem>>, vector<1x16xf32>,
        %swap3A_1215 = vector.shape_cast %swap3A_1214 : vector<1x16xf32> to vector<16xf32>
        %swap3A_1216 = vector.shape_cast %mul3A_1211 : vector<16xf32> to vector<1x16xf32>
        tpu.vector_store %arg13[%swap3A_1212, %swap3A_1213], %swap3A_1216 {strides = array<i32>} : memref<32x128xf32, #tpu.memory_space<vmem>>, vector<1x16xf32>,
        %get3A_1217 = arith.index_cast %add3A_1206 : i32 to index
        %get3A_1218 = arith.constant 16 : index
        %get3A_1219 = tpu.vector_load %arg13[%get3A_1217, %get3A_1218] {strides = array<i32>} : memref<32x128xf32, #tpu.memory_space<vmem>>, vector<1x16xf32>,
        %get3A_1220 = vector.shape_cast %get3A_1219 : vector<1x16xf32> to vector<16xf32>
        %mul3A_1221 = arith.mulf %get3A_1220, %gather3A_1202 : vector<16xf32>
        %swap3A_1222 = arith.index_cast %add3A_1206 : i32 to index
        %swap3A_1223 = arith.constant 16 : index
        %swap3A_1224 = tpu.vector_load %arg13[%swap3A_1222, %swap3A_1223] {strides = array<i32>} : memref<32x128xf32, #tpu.memory_space<vmem>>, vector<1x16xf32>,
        %swap3A_1225 = vector.shape_cast %swap3A_1224 : vector<1x16xf32> to vector<16xf32>
        %swap3A_1226 = vector.shape_cast %mul3A_1221 : vector<16xf32> to vector<1x16xf32>
        tpu.vector_store %arg13[%swap3A_1222, %swap3A_1223], %swap3A_1226 {strides = array<i32>} : memref<32x128xf32, #tpu.memory_space<vmem>>, vector<1x16xf32>,
        %get3A_1227 = arith.index_cast %add3A_1206 : i32 to index
        %get3A_1228 = arith.constant 32 : index
        %get3A_1229 = tpu.vector_load %arg13[%get3A_1227, %get3A_1228] {strides = array<i32>} : memref<32x128xf32, #tpu.memory_space<vmem>>, vector<1x16xf32>,
        %get3A_1230 = vector.shape_cast %get3A_1229 : vector<1x16xf32> to vector<16xf32>
        %mul3A_1231 = arith.mulf %get3A_1230, %gather3A_1202 : vector<16xf32>
        %swap3A_1232 = arith.index_cast %add3A_1206 : i32 to index
        %swap3A_1233 = arith.constant 32 : index
        %swap3A_1234 = tpu.vector_load %arg13[%swap3A_1232, %swap3A_1233] {strides = array<i32>} : memref<32x128xf32, #tpu.memory_space<vmem>>, vector<1x16xf32>,
        %swap3A_1235 = vector.shape_cast %swap3A_1234 : vector<1x16xf32> to vector<16xf32>
        %swap3A_1236 = vector.shape_cast %mul3A_1231 : vector<16xf32> to vector<1x16xf32>
        tpu.vector_store %arg13[%swap3A_1232, %swap3A_1233], %swap3A_1236 {strides = array<i32>} : memref<32x128xf32, #tpu.memory_space<vmem>>, vector<1x16xf32>,
        %get3A_1237 = arith.index_cast %add3A_1206 : i32 to index
        %get3A_1238 = arith.constant 48 : index
        %get3A_1239 = tpu.vector_load %arg13[%get3A_1237, %get3A_1238] {strides = array<i32>} : memref<32x128xf32, #tpu.memory_space<vmem>>, vector<1x16xf32>,
        %get3A_1240 = vector.shape_cast %get3A_1239 : vector<1x16xf32> to vector<16xf32>
        %mul3A_1241 = arith.mulf %get3A_1240, %gather3A_1202 : vector<16xf32>
        %swap3A_1242 = arith.index_cast %add3A_1206 : i32 to index
        %swap3A_1243 = arith.constant 48 : index
        %swap3A_1244 = tpu.vector_load %arg13[%swap3A_1242, %swap3A_1243] {strides = array<i32>} : memref<32x128xf32, #tpu.memory_space<vmem>>, vector<1x16xf32>,
        %swap3A_1245 = vector.shape_cast %swap3A_1244 : vector<1x16xf32> to vector<16xf32>
        %swap3A_1246 = vector.shape_cast %mul3A_1241 : vector<16xf32> to vector<1x16xf32>
        tpu.vector_store %arg13[%swap3A_1242, %swap3A_1243], %swap3A_1246 {strides = array<i32>} : memref<32x128xf32, #tpu.memory_space<vmem>>, vector<1x16xf32>,
        %get3A_1247 = arith.index_cast %add3A_1206 : i32 to index
        %get3A_1248 = arith.constant 64 : index
        %get3A_1249 = tpu.vector_load %arg13[%get3A_1247, %get3A_1248] {strides = array<i32>} : memref<32x128xf32, #tpu.memory_space<vmem>>, vector<1x16xf32>,
        %get3A_1250 = vector.shape_cast %get3A_1249 : vector<1x16xf32> to vector<16xf32>
        %mul3A_1251 = arith.mulf %get3A_1250, %gather3A_1202 : vector<16xf32>
        %swap3A_1252 = arith.index_cast %add3A_1206 : i32 to index
        %swap3A_1253 = arith.constant 64 : index
        %swap3A_1254 = tpu.vector_load %arg13[%swap3A_1252, %swap3A_1253] {strides = array<i32>} : memref<32x128xf32, #tpu.memory_space<vmem>>, vector<1x16xf32>,
        %swap3A_1255 = vector.shape_cast %swap3A_1254 : vector<1x16xf32> to vector<16xf32>
        %swap3A_1256 = vector.shape_cast %mul3A_1251 : vector<16xf32> to vector<1x16xf32>
        tpu.vector_store %arg13[%swap3A_1252, %swap3A_1253], %swap3A_1256 {strides = array<i32>} : memref<32x128xf32, #tpu.memory_space<vmem>>, vector<1x16xf32>,
        %get3A_1257 = arith.index_cast %add3A_1206 : i32 to index
        %get3A_1258 = arith.constant 80 : index
        %get3A_1259 = tpu.vector_load %arg13[%get3A_1257, %get3A_1258] {strides = array<i32>} : memref<32x128xf32, #tpu.memory_space<vmem>>, vector<1x16xf32>,
        %get3A_1260 = vector.shape_cast %get3A_1259 : vector<1x16xf32> to vector<16xf32>
        %mul3A_1261 = arith.mulf %get3A_1260, %gather3A_1202 : vector<16xf32>
        %swap3A_1262 = arith.index_cast %add3A_1206 : i32 to index
        %swap3A_1263 = arith.constant 80 : index
        %swap3A_1264 = tpu.vector_load %arg13[%swap3A_1262, %swap3A_1263] {strides = array<i32>} : memref<32x128xf32, #tpu.memory_space<vmem>>, vector<1x16xf32>,
        %swap3A_1265 = vector.shape_cast %swap3A_1264 : vector<1x16xf32> to vector<16xf32>
        %swap3A_1266 = vector.shape_cast %mul3A_1261 : vector<16xf32> to vector<1x16xf32>
        tpu.vector_store %arg13[%swap3A_1262, %swap3A_1263], %swap3A_1266 {strides = array<i32>} : memref<32x128xf32, #tpu.memory_space<vmem>>, vector<1x16xf32>,
        %get3A_1267 = arith.index_cast %add3A_1206 : i32 to index
        %get3A_1268 = arith.constant 96 : index
        %get3A_1269 = tpu.vector_load %arg13[%get3A_1267, %get3A_1268] {strides = array<i32>} : memref<32x128xf32, #tpu.memory_space<vmem>>, vector<1x16xf32>,
        %get3A_1270 = vector.shape_cast %get3A_1269 : vector<1x16xf32> to vector<16xf32>
        %mul3A_1271 = arith.mulf %get3A_1270, %gather3A_1202 : vector<16xf32>
        %swap3A_1272 = arith.index_cast %add3A_1206 : i32 to index
        %swap3A_1273 = arith.constant 96 : index
        %swap3A_1274 = tpu.vector_load %arg13[%swap3A_1272, %swap3A_1273] {strides = array<i32>} : memref<32x128xf32, #tpu.memory_space<vmem>>, vector<1x16xf32>,
        %swap3A_1275 = vector.shape_cast %swap3A_1274 : vector<1x16xf32> to vector<16xf32>
        %swap3A_1276 = vector.shape_cast %mul3A_1271 : vector<16xf32> to vector<1x16xf32>
        tpu.vector_store %arg13[%swap3A_1272, %swap3A_1273], %swap3A_1276 {strides = array<i32>} : memref<32x128xf32, #tpu.memory_space<vmem>>, vector<1x16xf32>,
        %get3A_1277 = arith.index_cast %add3A_1206 : i32 to index
        %get3A_1278 = arith.constant 112 : index
        %get3A_1279 = tpu.vector_load %arg13[%get3A_1277, %get3A_1278] {strides = array<i32>} : memref<32x128xf32, #tpu.memory_space<vmem>>, vector<1x16xf32>,
        %get3A_1280 = vector.shape_cast %get3A_1279 : vector<1x16xf32> to vector<16xf32>
        %mul3A_1281 = arith.mulf %get3A_1280, %gather3A_1202 : vector<16xf32>
        %swap3A_1282 = arith.index_cast %add3A_1206 : i32 to index
        %swap3A_1283 = arith.constant 112 : index
        %swap3A_1284 = tpu.vector_load %arg13[%swap3A_1282, %swap3A_1283] {strides = array<i32>} : memref<32x128xf32, #tpu.memory_space<vmem>>, vector<1x16xf32>,
        %swap3A_1285 = vector.shape_cast %swap3A_1284 : vector<1x16xf32> to vector<16xf32>
        %swap3A_1286 = vector.shape_cast %mul3A_1281 : vector<16xf32> to vector<1x16xf32>
        tpu.vector_store %arg13[%swap3A_1282, %swap3A_1283], %swap3A_1286 {strides = array<i32>} : memref<32x128xf32, #tpu.memory_space<vmem>>, vector<1x16xf32>,
        %broadcast_in_dim3A_1287 = arith.constant 11 : i32
        %broadcast_in_dim3A_1288 = vector.broadcast %broadcast_in_dim3A_1287 : i32 to vector<16x1xi32>
        %gather3A_1289 = vector.shape_cast %broadcast_in_dim3A_1288 : vector<16x1xi32> to vector<16xi32>
        %gather3A_1290 = tpu.dynamic_gather %get3A_319[%gather3A_1289] in [0] : vector<16xf32>, vector<16xi32> -> vector<16xf32>
        %mul3A_1291 = arith.constant 16 : i32
        %mul3A_1292 = arith.muli %scan3A_314, %mul3A_1291 : i32
        %add3A_1293 = arith.constant 11 : i32
        %add3A_1294 = arith.addi %mul3A_1292, %add3A_1293 : i32
        %get3A_1295 = arith.index_cast %add3A_1294 : i32 to index
        %get3A_1296 = arith.constant 0 : index
        %get3A_1297 = tpu.vector_load %arg13[%get3A_1295, %get3A_1296] {strides = array<i32>} : memref<32x128xf32, #tpu.memory_space<vmem>>, vector<1x16xf32>,
        %get3A_1298 = vector.shape_cast %get3A_1297 : vector<1x16xf32> to vector<16xf32>
        %mul3A_1299 = arith.mulf %get3A_1298, %gather3A_1290 : vector<16xf32>
        %swap3A_1300 = arith.index_cast %add3A_1294 : i32 to index
        %swap3A_1301 = arith.constant 0 : index
        %swap3A_1302 = tpu.vector_load %arg13[%swap3A_1300, %swap3A_1301] {strides = array<i32>} : memref<32x128xf32, #tpu.memory_space<vmem>>, vector<1x16xf32>,
        %swap3A_1303 = vector.shape_cast %swap3A_1302 : vector<1x16xf32> to vector<16xf32>
        %swap3A_1304 = vector.shape_cast %mul3A_1299 : vector<16xf32> to vector<1x16xf32>
        tpu.vector_store %arg13[%swap3A_1300, %swap3A_1301], %swap3A_1304 {strides = array<i32>} : memref<32x128xf32, #tpu.memory_space<vmem>>, vector<1x16xf32>,
        %get3A_1305 = arith.index_cast %add3A_1294 : i32 to index
        %get3A_1306 = arith.constant 16 : index
        %get3A_1307 = tpu.vector_load %arg13[%get3A_1305, %get3A_1306] {strides = array<i32>} : memref<32x128xf32, #tpu.memory_space<vmem>>, vector<1x16xf32>,
        %get3A_1308 = vector.shape_cast %get3A_1307 : vector<1x16xf32> to vector<16xf32>
        %mul3A_1309 = arith.mulf %get3A_1308, %gather3A_1290 : vector<16xf32>
        %swap3A_1310 = arith.index_cast %add3A_1294 : i32 to index
        %swap3A_1311 = arith.constant 16 : index
        %swap3A_1312 = tpu.vector_load %arg13[%swap3A_1310, %swap3A_1311] {strides = array<i32>} : memref<32x128xf32, #tpu.memory_space<vmem>>, vector<1x16xf32>,
        %swap3A_1313 = vector.shape_cast %swap3A_1312 : vector<1x16xf32> to vector<16xf32>
        %swap3A_1314 = vector.shape_cast %mul3A_1309 : vector<16xf32> to vector<1x16xf32>
        tpu.vector_store %arg13[%swap3A_1310, %swap3A_1311], %swap3A_1314 {strides = array<i32>} : memref<32x128xf32, #tpu.memory_space<vmem>>, vector<1x16xf32>,
        %get3A_1315 = arith.index_cast %add3A_1294 : i32 to index
        %get3A_1316 = arith.constant 32 : index
        %get3A_1317 = tpu.vector_load %arg13[%get3A_1315, %get3A_1316] {strides = array<i32>} : memref<32x128xf32, #tpu.memory_space<vmem>>, vector<1x16xf32>,
        %get3A_1318 = vector.shape_cast %get3A_1317 : vector<1x16xf32> to vector<16xf32>
        %mul3A_1319 = arith.mulf %get3A_1318, %gather3A_1290 : vector<16xf32>
        %swap3A_1320 = arith.index_cast %add3A_1294 : i32 to index
        %swap3A_1321 = arith.constant 32 : index
        %swap3A_1322 = tpu.vector_load %arg13[%swap3A_1320, %swap3A_1321] {strides = array<i32>} : memref<32x128xf32, #tpu.memory_space<vmem>>, vector<1x16xf32>,
        %swap3A_1323 = vector.shape_cast %swap3A_1322 : vector<1x16xf32> to vector<16xf32>
        %swap3A_1324 = vector.shape_cast %mul3A_1319 : vector<16xf32> to vector<1x16xf32>
        tpu.vector_store %arg13[%swap3A_1320, %swap3A_1321], %swap3A_1324 {strides = array<i32>} : memref<32x128xf32, #tpu.memory_space<vmem>>, vector<1x16xf32>,
        %get3A_1325 = arith.index_cast %add3A_1294 : i32 to index
        %get3A_1326 = arith.constant 48 : index
        %get3A_1327 = tpu.vector_load %arg13[%get3A_1325, %get3A_1326] {strides = array<i32>} : memref<32x128xf32, #tpu.memory_space<vmem>>, vector<1x16xf32>,
        %get3A_1328 = vector.shape_cast %get3A_1327 : vector<1x16xf32> to vector<16xf32>
        %mul3A_1329 = arith.mulf %get3A_1328, %gather3A_1290 : vector<16xf32>
        %swap3A_1330 = arith.index_cast %add3A_1294 : i32 to index
        %swap3A_1331 = arith.constant 48 : index
        %swap3A_1332 = tpu.vector_load %arg13[%swap3A_1330, %swap3A_1331] {strides = array<i32>} : memref<32x128xf32, #tpu.memory_space<vmem>>, vector<1x16xf32>,
        %swap3A_1333 = vector.shape_cast %swap3A_1332 : vector<1x16xf32> to vector<16xf32>
        %swap3A_1334 = vector.shape_cast %mul3A_1329 : vector<16xf32> to vector<1x16xf32>
        tpu.vector_store %arg13[%swap3A_1330, %swap3A_1331], %swap3A_1334 {strides = array<i32>} : memref<32x128xf32, #tpu.memory_space<vmem>>, vector<1x16xf32>,
        %get3A_1335 = arith.index_cast %add3A_1294 : i32 to index
        %get3A_1336 = arith.constant 64 : index
        %get3A_1337 = tpu.vector_load %arg13[%get3A_1335, %get3A_1336] {strides = array<i32>} : memref<32x128xf32, #tpu.memory_space<vmem>>, vector<1x16xf32>,
        %get3A_1338 = vector.shape_cast %get3A_1337 : vector<1x16xf32> to vector<16xf32>
        %mul3A_1339 = arith.mulf %get3A_1338, %gather3A_1290 : vector<16xf32>
        %swap3A_1340 = arith.index_cast %add3A_1294 : i32 to index
        %swap3A_1341 = arith.constant 64 : index
        %swap3A_1342 = tpu.vector_load %arg13[%swap3A_1340, %swap3A_1341] {strides = array<i32>} : memref<32x128xf32, #tpu.memory_space<vmem>>, vector<1x16xf32>,
        %swap3A_1343 = vector.shape_cast %swap3A_1342 : vector<1x16xf32> to vector<16xf32>
        %swap3A_1344 = vector.shape_cast %mul3A_1339 : vector<16xf32> to vector<1x16xf32>
        tpu.vector_store %arg13[%swap3A_1340, %swap3A_1341], %swap3A_1344 {strides = array<i32>} : memref<32x128xf32, #tpu.memory_space<vmem>>, vector<1x16xf32>,
        %get3A_1345 = arith.index_cast %add3A_1294 : i32 to index
        %get3A_1346 = arith.constant 80 : index
        %get3A_1347 = tpu.vector_load %arg13[%get3A_1345, %get3A_1346] {strides = array<i32>} : memref<32x128xf32, #tpu.memory_space<vmem>>, vector<1x16xf32>,
        %get3A_1348 = vector.shape_cast %get3A_1347 : vector<1x16xf32> to vector<16xf32>
        %mul3A_1349 = arith.mulf %get3A_1348, %gather3A_1290 : vector<16xf32>
        %swap3A_1350 = arith.index_cast %add3A_1294 : i32 to index
        %swap3A_1351 = arith.constant 80 : index
        %swap3A_1352 = tpu.vector_load %arg13[%swap3A_1350, %swap3A_1351] {strides = array<i32>} : memref<32x128xf32, #tpu.memory_space<vmem>>, vector<1x16xf32>,
        %swap3A_1353 = vector.shape_cast %swap3A_1352 : vector<1x16xf32> to vector<16xf32>
        %swap3A_1354 = vector.shape_cast %mul3A_1349 : vector<16xf32> to vector<1x16xf32>
        tpu.vector_store %arg13[%swap3A_1350, %swap3A_1351], %swap3A_1354 {strides = array<i32>} : memref<32x128xf32, #tpu.memory_space<vmem>>, vector<1x16xf32>,
        %get3A_1355 = arith.index_cast %add3A_1294 : i32 to index
        %get3A_1356 = arith.constant 96 : index
        %get3A_1357 = tpu.vector_load %arg13[%get3A_1355, %get3A_1356] {strides = array<i32>} : memref<32x128xf32, #tpu.memory_space<vmem>>, vector<1x16xf32>,
        %get3A_1358 = vector.shape_cast %get3A_1357 : vector<1x16xf32> to vector<16xf32>
        %mul3A_1359 = arith.mulf %get3A_1358, %gather3A_1290 : vector<16xf32>
        %swap3A_1360 = arith.index_cast %add3A_1294 : i32 to index
        %swap3A_1361 = arith.constant 96 : index
        %swap3A_1362 = tpu.vector_load %arg13[%swap3A_1360, %swap3A_1361] {strides = array<i32>} : memref<32x128xf32, #tpu.memory_space<vmem>>, vector<1x16xf32>,
        %swap3A_1363 = vector.shape_cast %swap3A_1362 : vector<1x16xf32> to vector<16xf32>
        %swap3A_1364 = vector.shape_cast %mul3A_1359 : vector<16xf32> to vector<1x16xf32>
        tpu.vector_store %arg13[%swap3A_1360, %swap3A_1361], %swap3A_1364 {strides = array<i32>} : memref<32x128xf32, #tpu.memory_space<vmem>>, vector<1x16xf32>,
        %get3A_1365 = arith.index_cast %add3A_1294 : i32 to index
        %get3A_1366 = arith.constant 112 : index
        %get3A_1367 = tpu.vector_load %arg13[%get3A_1365, %get3A_1366] {strides = array<i32>} : memref<32x128xf32, #tpu.memory_space<vmem>>, vector<1x16xf32>,
        %get3A_1368 = vector.shape_cast %get3A_1367 : vector<1x16xf32> to vector<16xf32>
        %mul3A_1369 = arith.mulf %get3A_1368, %gather3A_1290 : vector<16xf32>
        %swap3A_1370 = arith.index_cast %add3A_1294 : i32 to index
        %swap3A_1371 = arith.constant 112 : index
        %swap3A_1372 = tpu.vector_load %arg13[%swap3A_1370, %swap3A_1371] {strides = array<i32>} : memref<32x128xf32, #tpu.memory_space<vmem>>, vector<1x16xf32>,
        %swap3A_1373 = vector.shape_cast %swap3A_1372 : vector<1x16xf32> to vector<16xf32>
        %swap3A_1374 = vector.shape_cast %mul3A_1369 : vector<16xf32> to vector<1x16xf32>
        tpu.vector_store %arg13[%swap3A_1370, %swap3A_1371], %swap3A_1374 {strides = array<i32>} : memref<32x128xf32, #tpu.memory_space<vmem>>, vector<1x16xf32>,
        %broadcast_in_dim3A_1375 = arith.constant 12 : i32
        %broadcast_in_dim3A_1376 = vector.broadcast %broadcast_in_dim3A_1375 : i32 to vector<16x1xi32>
        %gather3A_1377 = vector.shape_cast %broadcast_in_dim3A_1376 : vector<16x1xi32> to vector<16xi32>
        %gather3A_1378 = tpu.dynamic_gather %get3A_319[%gather3A_1377] in [0] : vector<16xf32>, vector<16xi32> -> vector<16xf32>
        %mul3A_1379 = arith.constant 16 : i32
        %mul3A_1380 = arith.muli %scan3A_314, %mul3A_1379 : i32
        %add3A_1381 = arith.constant 12 : i32
        %add3A_1382 = arith.addi %mul3A_1380, %add3A_1381 : i32
        %get3A_1383 = arith.index_cast %add3A_1382 : i32 to index
        %get3A_1384 = arith.constant 0 : index
        %get3A_1385 = tpu.vector_load %arg13[%get3A_1383, %get3A_1384] {strides = array<i32>} : memref<32x128xf32, #tpu.memory_space<vmem>>, vector<1x16xf32>,
        %get3A_1386 = vector.shape_cast %get3A_1385 : vector<1x16xf32> to vector<16xf32>
        %mul3A_1387 = arith.mulf %get3A_1386, %gather3A_1378 : vector<16xf32>
        %swap3A_1388 = arith.index_cast %add3A_1382 : i32 to index
        %swap3A_1389 = arith.constant 0 : index
        %swap3A_1390 = tpu.vector_load %arg13[%swap3A_1388, %swap3A_1389] {strides = array<i32>} : memref<32x128xf32, #tpu.memory_space<vmem>>, vector<1x16xf32>,
        %swap3A_1391 = vector.shape_cast %swap3A_1390 : vector<1x16xf32> to vector<16xf32>
        %swap3A_1392 = vector.shape_cast %mul3A_1387 : vector<16xf32> to vector<1x16xf32>
        tpu.vector_store %arg13[%swap3A_1388, %swap3A_1389], %swap3A_1392 {strides = array<i32>} : memref<32x128xf32, #tpu.memory_space<vmem>>, vector<1x16xf32>,
        %get3A_1393 = arith.index_cast %add3A_1382 : i32 to index
        %get3A_1394 = arith.constant 16 : index
        %get3A_1395 = tpu.vector_load %arg13[%get3A_1393, %get3A_1394] {strides = array<i32>} : memref<32x128xf32, #tpu.memory_space<vmem>>, vector<1x16xf32>,
        %get3A_1396 = vector.shape_cast %get3A_1395 : vector<1x16xf32> to vector<16xf32>
        %mul3A_1397 = arith.mulf %get3A_1396, %gather3A_1378 : vector<16xf32>
        %swap3A_1398 = arith.index_cast %add3A_1382 : i32 to index
        %swap3A_1399 = arith.constant 16 : index
        %swap3A_1400 = tpu.vector_load %arg13[%swap3A_1398, %swap3A_1399] {strides = array<i32>} : memref<32x128xf32, #tpu.memory_space<vmem>>, vector<1x16xf32>,
        %swap3A_1401 = vector.shape_cast %swap3A_1400 : vector<1x16xf32> to vector<16xf32>
        %swap3A_1402 = vector.shape_cast %mul3A_1397 : vector<16xf32> to vector<1x16xf32>
        tpu.vector_store %arg13[%swap3A_1398, %swap3A_1399], %swap3A_1402 {strides = array<i32>} : memref<32x128xf32, #tpu.memory_space<vmem>>, vector<1x16xf32>,
        %get3A_1403 = arith.index_cast %add3A_1382 : i32 to index
        %get3A_1404 = arith.constant 32 : index
        %get3A_1405 = tpu.vector_load %arg13[%get3A_1403, %get3A_1404] {strides = array<i32>} : memref<32x128xf32, #tpu.memory_space<vmem>>, vector<1x16xf32>,
        %get3A_1406 = vector.shape_cast %get3A_1405 : vector<1x16xf32> to vector<16xf32>
        %mul3A_1407 = arith.mulf %get3A_1406, %gather3A_1378 : vector<16xf32>
        %swap3A_1408 = arith.index_cast %add3A_1382 : i32 to index
        %swap3A_1409 = arith.constant 32 : index
        %swap3A_1410 = tpu.vector_load %arg13[%swap3A_1408, %swap3A_1409] {strides = array<i32>} : memref<32x128xf32, #tpu.memory_space<vmem>>, vector<1x16xf32>,
        %swap3A_1411 = vector.shape_cast %swap3A_1410 : vector<1x16xf32> to vector<16xf32>
        %swap3A_1412 = vector.shape_cast %mul3A_1407 : vector<16xf32> to vector<1x16xf32>
        tpu.vector_store %arg13[%swap3A_1408, %swap3A_1409], %swap3A_1412 {strides = array<i32>} : memref<32x128xf32, #tpu.memory_space<vmem>>, vector<1x16xf32>,
        %get3A_1413 = arith.index_cast %add3A_1382 : i32 to index
        %get3A_1414 = arith.constant 48 : index
        %get3A_1415 = tpu.vector_load %arg13[%get3A_1413, %get3A_1414] {strides = array<i32>} : memref<32x128xf32, #tpu.memory_space<vmem>>, vector<1x16xf32>,
        %get3A_1416 = vector.shape_cast %get3A_1415 : vector<1x16xf32> to vector<16xf32>
        %mul3A_1417 = arith.mulf %get3A_1416, %gather3A_1378 : vector<16xf32>
        %swap3A_1418 = arith.index_cast %add3A_1382 : i32 to index
        %swap3A_1419 = arith.constant 48 : index
        %swap3A_1420 = tpu.vector_load %arg13[%swap3A_1418, %swap3A_1419] {strides = array<i32>} : memref<32x128xf32, #tpu.memory_space<vmem>>, vector<1x16xf32>,
        %swap3A_1421 = vector.shape_cast %swap3A_1420 : vector<1x16xf32> to vector<16xf32>
        %swap3A_1422 = vector.shape_cast %mul3A_1417 : vector<16xf32> to vector<1x16xf32>
        tpu.vector_store %arg13[%swap3A_1418, %swap3A_1419], %swap3A_1422 {strides = array<i32>} : memref<32x128xf32, #tpu.memory_space<vmem>>, vector<1x16xf32>,
        %get3A_1423 = arith.index_cast %add3A_1382 : i32 to index
        %get3A_1424 = arith.constant 64 : index
        %get3A_1425 = tpu.vector_load %arg13[%get3A_1423, %get3A_1424] {strides = array<i32>} : memref<32x128xf32, #tpu.memory_space<vmem>>, vector<1x16xf32>,
        %get3A_1426 = vector.shape_cast %get3A_1425 : vector<1x16xf32> to vector<16xf32>
        %mul3A_1427 = arith.mulf %get3A_1426, %gather3A_1378 : vector<16xf32>
        %swap3A_1428 = arith.index_cast %add3A_1382 : i32 to index
        %swap3A_1429 = arith.constant 64 : index
        %swap3A_1430 = tpu.vector_load %arg13[%swap3A_1428, %swap3A_1429] {strides = array<i32>} : memref<32x128xf32, #tpu.memory_space<vmem>>, vector<1x16xf32>,
        %swap3A_1431 = vector.shape_cast %swap3A_1430 : vector<1x16xf32> to vector<16xf32>
        %swap3A_1432 = vector.shape_cast %mul3A_1427 : vector<16xf32> to vector<1x16xf32>
        tpu.vector_store %arg13[%swap3A_1428, %swap3A_1429], %swap3A_1432 {strides = array<i32>} : memref<32x128xf32, #tpu.memory_space<vmem>>, vector<1x16xf32>,
        %get3A_1433 = arith.index_cast %add3A_1382 : i32 to index
        %get3A_1434 = arith.constant 80 : index
        %get3A_1435 = tpu.vector_load %arg13[%get3A_1433, %get3A_1434] {strides = array<i32>} : memref<32x128xf32, #tpu.memory_space<vmem>>, vector<1x16xf32>,
        %get3A_1436 = vector.shape_cast %get3A_1435 : vector<1x16xf32> to vector<16xf32>
        %mul3A_1437 = arith.mulf %get3A_1436, %gather3A_1378 : vector<16xf32>
        %swap3A_1438 = arith.index_cast %add3A_1382 : i32 to index
        %swap3A_1439 = arith.constant 80 : index
        %swap3A_1440 = tpu.vector_load %arg13[%swap3A_1438, %swap3A_1439] {strides = array<i32>} : memref<32x128xf32, #tpu.memory_space<vmem>>, vector<1x16xf32>,
        %swap3A_1441 = vector.shape_cast %swap3A_1440 : vector<1x16xf32> to vector<16xf32>
        %swap3A_1442 = vector.shape_cast %mul3A_1437 : vector<16xf32> to vector<1x16xf32>
        tpu.vector_store %arg13[%swap3A_1438, %swap3A_1439], %swap3A_1442 {strides = array<i32>} : memref<32x128xf32, #tpu.memory_space<vmem>>, vector<1x16xf32>,
        %get3A_1443 = arith.index_cast %add3A_1382 : i32 to index
        %get3A_1444 = arith.constant 96 : index
        %get3A_1445 = tpu.vector_load %arg13[%get3A_1443, %get3A_1444] {strides = array<i32>} : memref<32x128xf32, #tpu.memory_space<vmem>>, vector<1x16xf32>,
        %get3A_1446 = vector.shape_cast %get3A_1445 : vector<1x16xf32> to vector<16xf32>
        %mul3A_1447 = arith.mulf %get3A_1446, %gather3A_1378 : vector<16xf32>
        %swap3A_1448 = arith.index_cast %add3A_1382 : i32 to index
        %swap3A_1449 = arith.constant 96 : index
        %swap3A_1450 = tpu.vector_load %arg13[%swap3A_1448, %swap3A_1449] {strides = array<i32>} : memref<32x128xf32, #tpu.memory_space<vmem>>, vector<1x16xf32>,
        %swap3A_1451 = vector.shape_cast %swap3A_1450 : vector<1x16xf32> to vector<16xf32>
        %swap3A_1452 = vector.shape_cast %mul3A_1447 : vector<16xf32> to vector<1x16xf32>
        tpu.vector_store %arg13[%swap3A_1448, %swap3A_1449], %swap3A_1452 {strides = array<i32>} : memref<32x128xf32, #tpu.memory_space<vmem>>, vector<1x16xf32>,
        %get3A_1453 = arith.index_cast %add3A_1382 : i32 to index
        %get3A_1454 = arith.constant 112 : index
        %get3A_1455 = tpu.vector_load %arg13[%get3A_1453, %get3A_1454] {strides = array<i32>} : memref<32x128xf32, #tpu.memory_space<vmem>>, vector<1x16xf32>,
        %get3A_1456 = vector.shape_cast %get3A_1455 : vector<1x16xf32> to vector<16xf32>
        %mul3A_1457 = arith.mulf %get3A_1456, %gather3A_1378 : vector<16xf32>
        %swap3A_1458 = arith.index_cast %add3A_1382 : i32 to index
        %swap3A_1459 = arith.constant 112 : index
        %swap3A_1460 = tpu.vector_load %arg13[%swap3A_1458, %swap3A_1459] {strides = array<i32>} : memref<32x128xf32, #tpu.memory_space<vmem>>, vector<1x16xf32>,
        %swap3A_1461 = vector.shape_cast %swap3A_1460 : vector<1x16xf32> to vector<16xf32>
        %swap3A_1462 = vector.shape_cast %mul3A_1457 : vector<16xf32> to vector<1x16xf32>
        tpu.vector_store %arg13[%swap3A_1458, %swap3A_1459], %swap3A_1462 {strides = array<i32>} : memref<32x128xf32, #tpu.memory_space<vmem>>, vector<1x16xf32>,
        %broadcast_in_dim3A_1463 = arith.constant 13 : i32
        %broadcast_in_dim3A_1464 = vector.broadcast %broadcast_in_dim3A_1463 : i32 to vector<16x1xi32>
        %gather3A_1465 = vector.shape_cast %broadcast_in_dim3A_1464 : vector<16x1xi32> to vector<16xi32>
        %gather3A_1466 = tpu.dynamic_gather %get3A_319[%gather3A_1465] in [0] : vector<16xf32>, vector<16xi32> -> vector<16xf32>
        %mul3A_1467 = arith.constant 16 : i32
        %mul3A_1468 = arith.muli %scan3A_314, %mul3A_1467 : i32
        %add3A_1469 = arith.constant 13 : i32
        %add3A_1470 = arith.addi %mul3A_1468, %add3A_1469 : i32
        %get3A_1471 = arith.index_cast %add3A_1470 : i32 to index
        %get3A_1472 = arith.constant 0 : index
        %get3A_1473 = tpu.vector_load %arg13[%get3A_1471, %get3A_1472] {strides = array<i32>} : memref<32x128xf32, #tpu.memory_space<vmem>>, vector<1x16xf32>,
        %get3A_1474 = vector.shape_cast %get3A_1473 : vector<1x16xf32> to vector<16xf32>
        %mul3A_1475 = arith.mulf %get3A_1474, %gather3A_1466 : vector<16xf32>
        %swap3A_1476 = arith.index_cast %add3A_1470 : i32 to index
        %swap3A_1477 = arith.constant 0 : index
        %swap3A_1478 = tpu.vector_load %arg13[%swap3A_1476, %swap3A_1477] {strides = array<i32>} : memref<32x128xf32, #tpu.memory_space<vmem>>, vector<1x16xf32>,
        %swap3A_1479 = vector.shape_cast %swap3A_1478 : vector<1x16xf32> to vector<16xf32>
        %swap3A_1480 = vector.shape_cast %mul3A_1475 : vector<16xf32> to vector<1x16xf32>
        tpu.vector_store %arg13[%swap3A_1476, %swap3A_1477], %swap3A_1480 {strides = array<i32>} : memref<32x128xf32, #tpu.memory_space<vmem>>, vector<1x16xf32>,
        %get3A_1481 = arith.index_cast %add3A_1470 : i32 to index
        %get3A_1482 = arith.constant 16 : index
        %get3A_1483 = tpu.vector_load %arg13[%get3A_1481, %get3A_1482] {strides = array<i32>} : memref<32x128xf32, #tpu.memory_space<vmem>>, vector<1x16xf32>,
        %get3A_1484 = vector.shape_cast %get3A_1483 : vector<1x16xf32> to vector<16xf32>
        %mul3A_1485 = arith.mulf %get3A_1484, %gather3A_1466 : vector<16xf32>
        %swap3A_1486 = arith.index_cast %add3A_1470 : i32 to index
        %swap3A_1487 = arith.constant 16 : index
        %swap3A_1488 = tpu.vector_load %arg13[%swap3A_1486, %swap3A_1487] {strides = array<i32>} : memref<32x128xf32, #tpu.memory_space<vmem>>, vector<1x16xf32>,
        %swap3A_1489 = vector.shape_cast %swap3A_1488 : vector<1x16xf32> to vector<16xf32>
        %swap3A_1490 = vector.shape_cast %mul3A_1485 : vector<16xf32> to vector<1x16xf32>
        tpu.vector_store %arg13[%swap3A_1486, %swap3A_1487], %swap3A_1490 {strides = array<i32>} : memref<32x128xf32, #tpu.memory_space<vmem>>, vector<1x16xf32>,
        %get3A_1491 = arith.index_cast %add3A_1470 : i32 to index
        %get3A_1492 = arith.constant 32 : index
        %get3A_1493 = tpu.vector_load %arg13[%get3A_1491, %get3A_1492] {strides = array<i32>} : memref<32x128xf32, #tpu.memory_space<vmem>>, vector<1x16xf32>,
        %get3A_1494 = vector.shape_cast %get3A_1493 : vector<1x16xf32> to vector<16xf32>
        %mul3A_1495 = arith.mulf %get3A_1494, %gather3A_1466 : vector<16xf32>
        %swap3A_1496 = arith.index_cast %add3A_1470 : i32 to index
        %swap3A_1497 = arith.constant 32 : index
        %swap3A_1498 = tpu.vector_load %arg13[%swap3A_1496, %swap3A_1497] {strides = array<i32>} : memref<32x128xf32, #tpu.memory_space<vmem>>, vector<1x16xf32>,
        %swap3A_1499 = vector.shape_cast %swap3A_1498 : vector<1x16xf32> to vector<16xf32>
        %swap3A_1500 = vector.shape_cast %mul3A_1495 : vector<16xf32> to vector<1x16xf32>
        tpu.vector_store %arg13[%swap3A_1496, %swap3A_1497], %swap3A_1500 {strides = array<i32>} : memref<32x128xf32, #tpu.memory_space<vmem>>, vector<1x16xf32>,
        %get3A_1501 = arith.index_cast %add3A_1470 : i32 to index
        %get3A_1502 = arith.constant 48 : index
        %get3A_1503 = tpu.vector_load %arg13[%get3A_1501, %get3A_1502] {strides = array<i32>} : memref<32x128xf32, #tpu.memory_space<vmem>>, vector<1x16xf32>,
        %get3A_1504 = vector.shape_cast %get3A_1503 : vector<1x16xf32> to vector<16xf32>
        %mul3A_1505 = arith.mulf %get3A_1504, %gather3A_1466 : vector<16xf32>
        %swap3A_1506 = arith.index_cast %add3A_1470 : i32 to index
        %swap3A_1507 = arith.constant 48 : index
        %swap3A_1508 = tpu.vector_load %arg13[%swap3A_1506, %swap3A_1507] {strides = array<i32>} : memref<32x128xf32, #tpu.memory_space<vmem>>, vector<1x16xf32>,
        %swap3A_1509 = vector.shape_cast %swap3A_1508 : vector<1x16xf32> to vector<16xf32>
        %swap3A_1510 = vector.shape_cast %mul3A_1505 : vector<16xf32> to vector<1x16xf32>
        tpu.vector_store %arg13[%swap3A_1506, %swap3A_1507], %swap3A_1510 {strides = array<i32>} : memref<32x128xf32, #tpu.memory_space<vmem>>, vector<1x16xf32>,
        %get3A_1511 = arith.index_cast %add3A_1470 : i32 to index
        %get3A_1512 = arith.constant 64 : index
        %get3A_1513 = tpu.vector_load %arg13[%get3A_1511, %get3A_1512] {strides = array<i32>} : memref<32x128xf32, #tpu.memory_space<vmem>>, vector<1x16xf32>,
        %get3A_1514 = vector.shape_cast %get3A_1513 : vector<1x16xf32> to vector<16xf32>
        %mul3A_1515 = arith.mulf %get3A_1514, %gather3A_1466 : vector<16xf32>
        %swap3A_1516 = arith.index_cast %add3A_1470 : i32 to index
        %swap3A_1517 = arith.constant 64 : index
        %swap3A_1518 = tpu.vector_load %arg13[%swap3A_1516, %swap3A_1517] {strides = array<i32>} : memref<32x128xf32, #tpu.memory_space<vmem>>, vector<1x16xf32>,
        %swap3A_1519 = vector.shape_cast %swap3A_1518 : vector<1x16xf32> to vector<16xf32>
        %swap3A_1520 = vector.shape_cast %mul3A_1515 : vector<16xf32> to vector<1x16xf32>
        tpu.vector_store %arg13[%swap3A_1516, %swap3A_1517], %swap3A_1520 {strides = array<i32>} : memref<32x128xf32, #tpu.memory_space<vmem>>, vector<1x16xf32>,
        %get3A_1521 = arith.index_cast %add3A_1470 : i32 to index
        %get3A_1522 = arith.constant 80 : index
        %get3A_1523 = tpu.vector_load %arg13[%get3A_1521, %get3A_1522] {strides = array<i32>} : memref<32x128xf32, #tpu.memory_space<vmem>>, vector<1x16xf32>,
        %get3A_1524 = vector.shape_cast %get3A_1523 : vector<1x16xf32> to vector<16xf32>
        %mul3A_1525 = arith.mulf %get3A_1524, %gather3A_1466 : vector<16xf32>
        %swap3A_1526 = arith.index_cast %add3A_1470 : i32 to index
        %swap3A_1527 = arith.constant 80 : index
        %swap3A_1528 = tpu.vector_load %arg13[%swap3A_1526, %swap3A_1527] {strides = array<i32>} : memref<32x128xf32, #tpu.memory_space<vmem>>, vector<1x16xf32>,
        %swap3A_1529 = vector.shape_cast %swap3A_1528 : vector<1x16xf32> to vector<16xf32>
        %swap3A_1530 = vector.shape_cast %mul3A_1525 : vector<16xf32> to vector<1x16xf32>
        tpu.vector_store %arg13[%swap3A_1526, %swap3A_1527], %swap3A_1530 {strides = array<i32>} : memref<32x128xf32, #tpu.memory_space<vmem>>, vector<1x16xf32>,
        %get3A_1531 = arith.index_cast %add3A_1470 : i32 to index
        %get3A_1532 = arith.constant 96 : index
        %get3A_1533 = tpu.vector_load %arg13[%get3A_1531, %get3A_1532] {strides = array<i32>} : memref<32x128xf32, #tpu.memory_space<vmem>>, vector<1x16xf32>,
        %get3A_1534 = vector.shape_cast %get3A_1533 : vector<1x16xf32> to vector<16xf32>
        %mul3A_1535 = arith.mulf %get3A_1534, %gather3A_1466 : vector<16xf32>
        %swap3A_1536 = arith.index_cast %add3A_1470 : i32 to index
        %swap3A_1537 = arith.constant 96 : index
        %swap3A_1538 = tpu.vector_load %arg13[%swap3A_1536, %swap3A_1537] {strides = array<i32>} : memref<32x128xf32, #tpu.memory_space<vmem>>, vector<1x16xf32>,
        %swap3A_1539 = vector.shape_cast %swap3A_1538 : vector<1x16xf32> to vector<16xf32>
        %swap3A_1540 = vector.shape_cast %mul3A_1535 : vector<16xf32> to vector<1x16xf32>
        tpu.vector_store %arg13[%swap3A_1536, %swap3A_1537], %swap3A_1540 {strides = array<i32>} : memref<32x128xf32, #tpu.memory_space<vmem>>, vector<1x16xf32>,
        %get3A_1541 = arith.index_cast %add3A_1470 : i32 to index
        %get3A_1542 = arith.constant 112 : index
        %get3A_1543 = tpu.vector_load %arg13[%get3A_1541, %get3A_1542] {strides = array<i32>} : memref<32x128xf32, #tpu.memory_space<vmem>>, vector<1x16xf32>,
        %get3A_1544 = vector.shape_cast %get3A_1543 : vector<1x16xf32> to vector<16xf32>
        %mul3A_1545 = arith.mulf %get3A_1544, %gather3A_1466 : vector<16xf32>
        %swap3A_1546 = arith.index_cast %add3A_1470 : i32 to index
        %swap3A_1547 = arith.constant 112 : index
        %swap3A_1548 = tpu.vector_load %arg13[%swap3A_1546, %swap3A_1547] {strides = array<i32>} : memref<32x128xf32, #tpu.memory_space<vmem>>, vector<1x16xf32>,
        %swap3A_1549 = vector.shape_cast %swap3A_1548 : vector<1x16xf32> to vector<16xf32>
        %swap3A_1550 = vector.shape_cast %mul3A_1545 : vector<16xf32> to vector<1x16xf32>
        tpu.vector_store %arg13[%swap3A_1546, %swap3A_1547], %swap3A_1550 {strides = array<i32>} : memref<32x128xf32, #tpu.memory_space<vmem>>, vector<1x16xf32>,
        %broadcast_in_dim3A_1551 = arith.constant 14 : i32
        %broadcast_in_dim3A_1552 = vector.broadcast %broadcast_in_dim3A_1551 : i32 to vector<16x1xi32>
        %gather3A_1553 = vector.shape_cast %broadcast_in_dim3A_1552 : vector<16x1xi32> to vector<16xi32>
        %gather3A_1554 = tpu.dynamic_gather %get3A_319[%gather3A_1553] in [0] : vector<16xf32>, vector<16xi32> -> vector<16xf32>
        %mul3A_1555 = arith.constant 16 : i32
        %mul3A_1556 = arith.muli %scan3A_314, %mul3A_1555 : i32
        %add3A_1557 = arith.constant 14 : i32
        %add3A_1558 = arith.addi %mul3A_1556, %add3A_1557 : i32
        %get3A_1559 = arith.index_cast %add3A_1558 : i32 to index
        %get3A_1560 = arith.constant 0 : index
        %get3A_1561 = tpu.vector_load %arg13[%get3A_1559, %get3A_1560] {strides = array<i32>} : memref<32x128xf32, #tpu.memory_space<vmem>>, vector<1x16xf32>,
        %get3A_1562 = vector.shape_cast %get3A_1561 : vector<1x16xf32> to vector<16xf32>
        %mul3A_1563 = arith.mulf %get3A_1562, %gather3A_1554 : vector<16xf32>
        %swap3A_1564 = arith.index_cast %add3A_1558 : i32 to index
        %swap3A_1565 = arith.constant 0 : index
        %swap3A_1566 = tpu.vector_load %arg13[%swap3A_1564, %swap3A_1565] {strides = array<i32>} : memref<32x128xf32, #tpu.memory_space<vmem>>, vector<1x16xf32>,
        %swap3A_1567 = vector.shape_cast %swap3A_1566 : vector<1x16xf32> to vector<16xf32>
        %swap3A_1568 = vector.shape_cast %mul3A_1563 : vector<16xf32> to vector<1x16xf32>
        tpu.vector_store %arg13[%swap3A_1564, %swap3A_1565], %swap3A_1568 {strides = array<i32>} : memref<32x128xf32, #tpu.memory_space<vmem>>, vector<1x16xf32>,
        %get3A_1569 = arith.index_cast %add3A_1558 : i32 to index
        %get3A_1570 = arith.constant 16 : index
        %get3A_1571 = tpu.vector_load %arg13[%get3A_1569, %get3A_1570] {strides = array<i32>} : memref<32x128xf32, #tpu.memory_space<vmem>>, vector<1x16xf32>,
        %get3A_1572 = vector.shape_cast %get3A_1571 : vector<1x16xf32> to vector<16xf32>
        %mul3A_1573 = arith.mulf %get3A_1572, %gather3A_1554 : vector<16xf32>
        %swap3A_1574 = arith.index_cast %add3A_1558 : i32 to index
        %swap3A_1575 = arith.constant 16 : index
        %swap3A_1576 = tpu.vector_load %arg13[%swap3A_1574, %swap3A_1575] {strides = array<i32>} : memref<32x128xf32, #tpu.memory_space<vmem>>, vector<1x16xf32>,
        %swap3A_1577 = vector.shape_cast %swap3A_1576 : vector<1x16xf32> to vector<16xf32>
        %swap3A_1578 = vector.shape_cast %mul3A_1573 : vector<16xf32> to vector<1x16xf32>
        tpu.vector_store %arg13[%swap3A_1574, %swap3A_1575], %swap3A_1578 {strides = array<i32>} : memref<32x128xf32, #tpu.memory_space<vmem>>, vector<1x16xf32>,
        %get3A_1579 = arith.index_cast %add3A_1558 : i32 to index
        %get3A_1580 = arith.constant 32 : index
        %get3A_1581 = tpu.vector_load %arg13[%get3A_1579, %get3A_1580] {strides = array<i32>} : memref<32x128xf32, #tpu.memory_space<vmem>>, vector<1x16xf32>,
        %get3A_1582 = vector.shape_cast %get3A_1581 : vector<1x16xf32> to vector<16xf32>
        %mul3A_1583 = arith.mulf %get3A_1582, %gather3A_1554 : vector<16xf32>
        %swap3A_1584 = arith.index_cast %add3A_1558 : i32 to index
        %swap3A_1585 = arith.constant 32 : index
        %swap3A_1586 = tpu.vector_load %arg13[%swap3A_1584, %swap3A_1585] {strides = array<i32>} : memref<32x128xf32, #tpu.memory_space<vmem>>, vector<1x16xf32>,
        %swap3A_1587 = vector.shape_cast %swap3A_1586 : vector<1x16xf32> to vector<16xf32>
        %swap3A_1588 = vector.shape_cast %mul3A_1583 : vector<16xf32> to vector<1x16xf32>
        tpu.vector_store %arg13[%swap3A_1584, %swap3A_1585], %swap3A_1588 {strides = array<i32>} : memref<32x128xf32, #tpu.memory_space<vmem>>, vector<1x16xf32>,
        %get3A_1589 = arith.index_cast %add3A_1558 : i32 to index
        %get3A_1590 = arith.constant 48 : index
        %get3A_1591 = tpu.vector_load %arg13[%get3A_1589, %get3A_1590] {strides = array<i32>} : memref<32x128xf32, #tpu.memory_space<vmem>>, vector<1x16xf32>,
        %get3A_1592 = vector.shape_cast %get3A_1591 : vector<1x16xf32> to vector<16xf32>
        %mul3A_1593 = arith.mulf %get3A_1592, %gather3A_1554 : vector<16xf32>
        %swap3A_1594 = arith.index_cast %add3A_1558 : i32 to index
        %swap3A_1595 = arith.constant 48 : index
        %swap3A_1596 = tpu.vector_load %arg13[%swap3A_1594, %swap3A_1595] {strides = array<i32>} : memref<32x128xf32, #tpu.memory_space<vmem>>, vector<1x16xf32>,
        %swap3A_1597 = vector.shape_cast %swap3A_1596 : vector<1x16xf32> to vector<16xf32>
        %swap3A_1598 = vector.shape_cast %mul3A_1593 : vector<16xf32> to vector<1x16xf32>
        tpu.vector_store %arg13[%swap3A_1594, %swap3A_1595], %swap3A_1598 {strides = array<i32>} : memref<32x128xf32, #tpu.memory_space<vmem>>, vector<1x16xf32>,
        %get3A_1599 = arith.index_cast %add3A_1558 : i32 to index
        %get3A_1600 = arith.constant 64 : index
        %get3A_1601 = tpu.vector_load %arg13[%get3A_1599, %get3A_1600] {strides = array<i32>} : memref<32x128xf32, #tpu.memory_space<vmem>>, vector<1x16xf32>,
        %get3A_1602 = vector.shape_cast %get3A_1601 : vector<1x16xf32> to vector<16xf32>
        %mul3A_1603 = arith.mulf %get3A_1602, %gather3A_1554 : vector<16xf32>
        %swap3A_1604 = arith.index_cast %add3A_1558 : i32 to index
        %swap3A_1605 = arith.constant 64 : index
        %swap3A_1606 = tpu.vector_load %arg13[%swap3A_1604, %swap3A_1605] {strides = array<i32>} : memref<32x128xf32, #tpu.memory_space<vmem>>, vector<1x16xf32>,
        %swap3A_1607 = vector.shape_cast %swap3A_1606 : vector<1x16xf32> to vector<16xf32>
        %swap3A_1608 = vector.shape_cast %mul3A_1603 : vector<16xf32> to vector<1x16xf32>
        tpu.vector_store %arg13[%swap3A_1604, %swap3A_1605], %swap3A_1608 {strides = array<i32>} : memref<32x128xf32, #tpu.memory_space<vmem>>, vector<1x16xf32>,
        %get3A_1609 = arith.index_cast %add3A_1558 : i32 to index
        %get3A_1610 = arith.constant 80 : index
        %get3A_1611 = tpu.vector_load %arg13[%get3A_1609, %get3A_1610] {strides = array<i32>} : memref<32x128xf32, #tpu.memory_space<vmem>>, vector<1x16xf32>,
        %get3A_1612 = vector.shape_cast %get3A_1611 : vector<1x16xf32> to vector<16xf32>
        %mul3A_1613 = arith.mulf %get3A_1612, %gather3A_1554 : vector<16xf32>
        %swap3A_1614 = arith.index_cast %add3A_1558 : i32 to index
        %swap3A_1615 = arith.constant 80 : index
        %swap3A_1616 = tpu.vector_load %arg13[%swap3A_1614, %swap3A_1615] {strides = array<i32>} : memref<32x128xf32, #tpu.memory_space<vmem>>, vector<1x16xf32>,
        %swap3A_1617 = vector.shape_cast %swap3A_1616 : vector<1x16xf32> to vector<16xf32>
        %swap3A_1618 = vector.shape_cast %mul3A_1613 : vector<16xf32> to vector<1x16xf32>
        tpu.vector_store %arg13[%swap3A_1614, %swap3A_1615], %swap3A_1618 {strides = array<i32>} : memref<32x128xf32, #tpu.memory_space<vmem>>, vector<1x16xf32>,
        %get3A_1619 = arith.index_cast %add3A_1558 : i32 to index
        %get3A_1620 = arith.constant 96 : index
        %get3A_1621 = tpu.vector_load %arg13[%get3A_1619, %get3A_1620] {strides = array<i32>} : memref<32x128xf32, #tpu.memory_space<vmem>>, vector<1x16xf32>,
        %get3A_1622 = vector.shape_cast %get3A_1621 : vector<1x16xf32> to vector<16xf32>
        %mul3A_1623 = arith.mulf %get3A_1622, %gather3A_1554 : vector<16xf32>
        %swap3A_1624 = arith.index_cast %add3A_1558 : i32 to index
        %swap3A_1625 = arith.constant 96 : index
        %swap3A_1626 = tpu.vector_load %arg13[%swap3A_1624, %swap3A_1625] {strides = array<i32>} : memref<32x128xf32, #tpu.memory_space<vmem>>, vector<1x16xf32>,
        %swap3A_1627 = vector.shape_cast %swap3A_1626 : vector<1x16xf32> to vector<16xf32>
        %swap3A_1628 = vector.shape_cast %mul3A_1623 : vector<16xf32> to vector<1x16xf32>
        tpu.vector_store %arg13[%swap3A_1624, %swap3A_1625], %swap3A_1628 {strides = array<i32>} : memref<32x128xf32, #tpu.memory_space<vmem>>, vector<1x16xf32>,
        %get3A_1629 = arith.index_cast %add3A_1558 : i32 to index
        %get3A_1630 = arith.constant 112 : index
        %get3A_1631 = tpu.vector_load %arg13[%get3A_1629, %get3A_1630] {strides = array<i32>} : memref<32x128xf32, #tpu.memory_space<vmem>>, vector<1x16xf32>,
        %get3A_1632 = vector.shape_cast %get3A_1631 : vector<1x16xf32> to vector<16xf32>
        %mul3A_1633 = arith.mulf %get3A_1632, %gather3A_1554 : vector<16xf32>
        %swap3A_1634 = arith.index_cast %add3A_1558 : i32 to index
        %swap3A_1635 = arith.constant 112 : index
        %swap3A_1636 = tpu.vector_load %arg13[%swap3A_1634, %swap3A_1635] {strides = array<i32>} : memref<32x128xf32, #tpu.memory_space<vmem>>, vector<1x16xf32>,
        %swap3A_1637 = vector.shape_cast %swap3A_1636 : vector<1x16xf32> to vector<16xf32>
        %swap3A_1638 = vector.shape_cast %mul3A_1633 : vector<16xf32> to vector<1x16xf32>
        tpu.vector_store %arg13[%swap3A_1634, %swap3A_1635], %swap3A_1638 {strides = array<i32>} : memref<32x128xf32, #tpu.memory_space<vmem>>, vector<1x16xf32>,
        %broadcast_in_dim3A_1639 = arith.constant 15 : i32
        %broadcast_in_dim3A_1640 = vector.broadcast %broadcast_in_dim3A_1639 : i32 to vector<16x1xi32>
        %gather3A_1641 = vector.shape_cast %broadcast_in_dim3A_1640 : vector<16x1xi32> to vector<16xi32>
        %gather3A_1642 = tpu.dynamic_gather %get3A_319[%gather3A_1641] in [0] : vector<16xf32>, vector<16xi32> -> vector<16xf32>
        %mul3A_1643 = arith.constant 16 : i32
        %mul3A_1644 = arith.muli %scan3A_314, %mul3A_1643 : i32
        %add3A_1645 = arith.constant 15 : i32
        %add3A_1646 = arith.addi %mul3A_1644, %add3A_1645 : i32
        %get3A_1647 = arith.index_cast %add3A_1646 : i32 to index
        %get3A_1648 = arith.constant 0 : index
        %get3A_1649 = tpu.vector_load %arg13[%get3A_1647, %get3A_1648] {strides = array<i32>} : memref<32x128xf32, #tpu.memory_space<vmem>>, vector<1x16xf32>,
        %get3A_1650 = vector.shape_cast %get3A_1649 : vector<1x16xf32> to vector<16xf32>
        %mul3A_1651 = arith.mulf %get3A_1650, %gather3A_1642 : vector<16xf32>
        %swap3A_1652 = arith.index_cast %add3A_1646 : i32 to index
        %swap3A_1653 = arith.constant 0 : index
        %swap3A_1654 = tpu.vector_load %arg13[%swap3A_1652, %swap3A_1653] {strides = array<i32>} : memref<32x128xf32, #tpu.memory_space<vmem>>, vector<1x16xf32>,
        %swap3A_1655 = vector.shape_cast %swap3A_1654 : vector<1x16xf32> to vector<16xf32>
        %swap3A_1656 = vector.shape_cast %mul3A_1651 : vector<16xf32> to vector<1x16xf32>
        tpu.vector_store %arg13[%swap3A_1652, %swap3A_1653], %swap3A_1656 {strides = array<i32>} : memref<32x128xf32, #tpu.memory_space<vmem>>, vector<1x16xf32>,
        %get3A_1657 = arith.index_cast %add3A_1646 : i32 to index
        %get3A_1658 = arith.constant 16 : index
        %get3A_1659 = tpu.vector_load %arg13[%get3A_1657, %get3A_1658] {strides = array<i32>} : memref<32x128xf32, #tpu.memory_space<vmem>>, vector<1x16xf32>,
        %get3A_1660 = vector.shape_cast %get3A_1659 : vector<1x16xf32> to vector<16xf32>
        %mul3A_1661 = arith.mulf %get3A_1660, %gather3A_1642 : vector<16xf32>
        %swap3A_1662 = arith.index_cast %add3A_1646 : i32 to index
        %swap3A_1663 = arith.constant 16 : index
        %swap3A_1664 = tpu.vector_load %arg13[%swap3A_1662, %swap3A_1663] {strides = array<i32>} : memref<32x128xf32, #tpu.memory_space<vmem>>, vector<1x16xf32>,
        %swap3A_1665 = vector.shape_cast %swap3A_1664 : vector<1x16xf32> to vector<16xf32>
        %swap3A_1666 = vector.shape_cast %mul3A_1661 : vector<16xf32> to vector<1x16xf32>
        tpu.vector_store %arg13[%swap3A_1662, %swap3A_1663], %swap3A_1666 {strides = array<i32>} : memref<32x128xf32, #tpu.memory_space<vmem>>, vector<1x16xf32>,
        %get3A_1667 = arith.index_cast %add3A_1646 : i32 to index
        %get3A_1668 = arith.constant 32 : index
        %get3A_1669 = tpu.vector_load %arg13[%get3A_1667, %get3A_1668] {strides = array<i32>} : memref<32x128xf32, #tpu.memory_space<vmem>>, vector<1x16xf32>,
        %get3A_1670 = vector.shape_cast %get3A_1669 : vector<1x16xf32> to vector<16xf32>
        %mul3A_1671 = arith.mulf %get3A_1670, %gather3A_1642 : vector<16xf32>
        %swap3A_1672 = arith.index_cast %add3A_1646 : i32 to index
        %swap3A_1673 = arith.constant 32 : index
        %swap3A_1674 = tpu.vector_load %arg13[%swap3A_1672, %swap3A_1673] {strides = array<i32>} : memref<32x128xf32, #tpu.memory_space<vmem>>, vector<1x16xf32>,
        %swap3A_1675 = vector.shape_cast %swap3A_1674 : vector<1x16xf32> to vector<16xf32>
        %swap3A_1676 = vector.shape_cast %mul3A_1671 : vector<16xf32> to vector<1x16xf32>
        tpu.vector_store %arg13[%swap3A_1672, %swap3A_1673], %swap3A_1676 {strides = array<i32>} : memref<32x128xf32, #tpu.memory_space<vmem>>, vector<1x16xf32>,
        %get3A_1677 = arith.index_cast %add3A_1646 : i32 to index
        %get3A_1678 = arith.constant 48 : index
        %get3A_1679 = tpu.vector_load %arg13[%get3A_1677, %get3A_1678] {strides = array<i32>} : memref<32x128xf32, #tpu.memory_space<vmem>>, vector<1x16xf32>,
        %get3A_1680 = vector.shape_cast %get3A_1679 : vector<1x16xf32> to vector<16xf32>
        %mul3A_1681 = arith.mulf %get3A_1680, %gather3A_1642 : vector<16xf32>
        %swap3A_1682 = arith.index_cast %add3A_1646 : i32 to index
        %swap3A_1683 = arith.constant 48 : index
        %swap3A_1684 = tpu.vector_load %arg13[%swap3A_1682, %swap3A_1683] {strides = array<i32>} : memref<32x128xf32, #tpu.memory_space<vmem>>, vector<1x16xf32>,
        %swap3A_1685 = vector.shape_cast %swap3A_1684 : vector<1x16xf32> to vector<16xf32>
        %swap3A_1686 = vector.shape_cast %mul3A_1681 : vector<16xf32> to vector<1x16xf32>
        tpu.vector_store %arg13[%swap3A_1682, %swap3A_1683], %swap3A_1686 {strides = array<i32>} : memref<32x128xf32, #tpu.memory_space<vmem>>, vector<1x16xf32>,
        %get3A_1687 = arith.index_cast %add3A_1646 : i32 to index
        %get3A_1688 = arith.constant 64 : index
        %get3A_1689 = tpu.vector_load %arg13[%get3A_1687, %get3A_1688] {strides = array<i32>} : memref<32x128xf32, #tpu.memory_space<vmem>>, vector<1x16xf32>,
        %get3A_1690 = vector.shape_cast %get3A_1689 : vector<1x16xf32> to vector<16xf32>
        %mul3A_1691 = arith.mulf %get3A_1690, %gather3A_1642 : vector<16xf32>
        %swap3A_1692 = arith.index_cast %add3A_1646 : i32 to index
        %swap3A_1693 = arith.constant 64 : index
        %swap3A_1694 = tpu.vector_load %arg13[%swap3A_1692, %swap3A_1693] {strides = array<i32>} : memref<32x128xf32, #tpu.memory_space<vmem>>, vector<1x16xf32>,
        %swap3A_1695 = vector.shape_cast %swap3A_1694 : vector<1x16xf32> to vector<16xf32>
        %swap3A_1696 = vector.shape_cast %mul3A_1691 : vector<16xf32> to vector<1x16xf32>
        tpu.vector_store %arg13[%swap3A_1692, %swap3A_1693], %swap3A_1696 {strides = array<i32>} : memref<32x128xf32, #tpu.memory_space<vmem>>, vector<1x16xf32>,
        %get3A_1697 = arith.index_cast %add3A_1646 : i32 to index
        %get3A_1698 = arith.constant 80 : index
        %get3A_1699 = tpu.vector_load %arg13[%get3A_1697, %get3A_1698] {strides = array<i32>} : memref<32x128xf32, #tpu.memory_space<vmem>>, vector<1x16xf32>,
        %get3A_1700 = vector.shape_cast %get3A_1699 : vector<1x16xf32> to vector<16xf32>
        %mul3A_1701 = arith.mulf %get3A_1700, %gather3A_1642 : vector<16xf32>
        %swap3A_1702 = arith.index_cast %add3A_1646 : i32 to index
        %swap3A_1703 = arith.constant 80 : index
        %swap3A_1704 = tpu.vector_load %arg13[%swap3A_1702, %swap3A_1703] {strides = array<i32>} : memref<32x128xf32, #tpu.memory_space<vmem>>, vector<1x16xf32>,
        %swap3A_1705 = vector.shape_cast %swap3A_1704 : vector<1x16xf32> to vector<16xf32>
        %swap3A_1706 = vector.shape_cast %mul3A_1701 : vector<16xf32> to vector<1x16xf32>
        tpu.vector_store %arg13[%swap3A_1702, %swap3A_1703], %swap3A_1706 {strides = array<i32>} : memref<32x128xf32, #tpu.memory_space<vmem>>, vector<1x16xf32>,
        %get3A_1707 = arith.index_cast %add3A_1646 : i32 to index
        %get3A_1708 = arith.constant 96 : index
        %get3A_1709 = tpu.vector_load %arg13[%get3A_1707, %get3A_1708] {strides = array<i32>} : memref<32x128xf32, #tpu.memory_space<vmem>>, vector<1x16xf32>,
        %get3A_1710 = vector.shape_cast %get3A_1709 : vector<1x16xf32> to vector<16xf32>
        %mul3A_1711 = arith.mulf %get3A_1710, %gather3A_1642 : vector<16xf32>
        %swap3A_1712 = arith.index_cast %add3A_1646 : i32 to index
        %swap3A_1713 = arith.constant 96 : index
        %swap3A_1714 = tpu.vector_load %arg13[%swap3A_1712, %swap3A_1713] {strides = array<i32>} : memref<32x128xf32, #tpu.memory_space<vmem>>, vector<1x16xf32>,
        %swap3A_1715 = vector.shape_cast %swap3A_1714 : vector<1x16xf32> to vector<16xf32>
        %swap3A_1716 = vector.shape_cast %mul3A_1711 : vector<16xf32> to vector<1x16xf32>
        tpu.vector_store %arg13[%swap3A_1712, %swap3A_1713], %swap3A_1716 {strides = array<i32>} : memref<32x128xf32, #tpu.memory_space<vmem>>, vector<1x16xf32>,
        %get3A_1717 = arith.index_cast %add3A_1646 : i32 to index
        %get3A_1718 = arith.constant 112 : index
        %get3A_1719 = tpu.vector_load %arg13[%get3A_1717, %get3A_1718] {strides = array<i32>} : memref<32x128xf32, #tpu.memory_space<vmem>>, vector<1x16xf32>,
        %get3A_1720 = vector.shape_cast %get3A_1719 : vector<1x16xf32> to vector<16xf32>
        %mul3A_1721 = arith.mulf %get3A_1720, %gather3A_1642 : vector<16xf32>
        %swap3A_1722 = arith.index_cast %add3A_1646 : i32 to index
        %swap3A_1723 = arith.constant 112 : index
        %swap3A_1724 = tpu.vector_load %arg13[%swap3A_1722, %swap3A_1723] {strides = array<i32>} : memref<32x128xf32, #tpu.memory_space<vmem>>, vector<1x16xf32>,
        %swap3A_1725 = vector.shape_cast %swap3A_1724 : vector<1x16xf32> to vector<16xf32>
        %swap3A_1726 = vector.shape_cast %mul3A_1721 : vector<16xf32> to vector<1x16xf32>
        tpu.vector_store %arg13[%swap3A_1722, %swap3A_1723], %swap3A_1726 {strides = array<i32>} : memref<32x128xf32, #tpu.memory_space<vmem>>, vector<1x16xf32>,
      }
      %scan3A_313 = arith.constant 2 : i32
      "tpu.region"() ({
        %run_scoped3A = tpu.sem_alloc : memref<!tpu.dma_semaphore, #tpu.memory_space<semaphore_mem>>
        %dma_start3A_314 = arith.constant 0 : i32
        %dma_start3A_315 = arith.constant 0 : i32
        %dma_start3A_316 = tpu.memref_slice %arg15[%dma_start3A_314, %dma_start3A_315] : memref<5064x128xf32, #tpu.memory_space<vmem_shared>> -> memref<5064x128xf32, #tpu.memory_space<vmem_shared>>
        tpu.enqueue_indirect_dma source(%arg13 : memref<32x128xf32, #tpu.memory_space<vmem>>) target(%dma_start3A_316 : memref<5064x128xf32, #tpu.memory_space<vmem_shared>>) offsets(%arg9 : memref<32xi32, #tpu.memory_space<vmem>>) semaphore(%run_scoped3A : memref<!tpu.dma_semaphore, #tpu.memory_space<semaphore_mem>>) {add = true}
        %dma_wait3A_317 = arith.constant 0 : i32
        %dma_wait3A_318 = arith.constant 0 : i32
        %dma_wait3A_319 = tpu.memref_slice %arg15[%dma_wait3A_317, %dma_wait3A_318] : memref<5064x128xf32, #tpu.memory_space<vmem_shared>> -> memref<5064x128xf32, #tpu.memory_space<vmem_shared>>
        tpu.wait_indirect_dma semaphore(%run_scoped3A : memref<!tpu.dma_semaphore, #tpu.memory_space<semaphore_mem>>) src(%arg13 : memref<32x128xf32, #tpu.memory_space<vmem>>) dst(%dma_wait3A_319 : memref<5064x128xf32, #tpu.memory_space<vmem_shared>>)
        tpu.yield
      }) : () -> ()
    }
    %scan3A_128 = arith.constant 320 : i32
    %barrier3A_129 = arith.constant 0 : index
    tpu.barrier barrier_id(%barrier3A_129)
    "tpu.region"() ({
      %run_scoped3A = tpu.sem_alloc : memref<!tpu.dma_semaphore, #tpu.memory_space<semaphore_mem>>
      %dma_start3A_135 = arith.constant 0 : i32
      %dma_start3A_136 = tpu.memref_slice %arg4[%arg0, %mul3A_8, %dma_start3A_135] : memref<2x5064x128xf32, #tpu.memory_space<hbm>> -> memref<1x312x128xf32, #tpu.memory_space<hbm>>
      %dma_start3A_137 = tpu.memref_squeeze %dma_start3A_136 : memref<1x312x128xf32, #tpu.memory_space<hbm>> -> memref<312x128xf32, #tpu.memory_space<hbm>>
      %dma_start3A_138 = arith.constant 0 : i32
      %dma_start3A_139 = tpu.memref_slice %arg15[%mul3A_8, %dma_start3A_138] : memref<5064x128xf32, #tpu.memory_space<vmem_shared>> -> memref<312x128xf32, #tpu.memory_space<vmem_shared>>
      tpu.enqueue_dma source(%dma_start3A_139 : memref<312x128xf32, #tpu.memory_space<vmem_shared>>) target(%dma_start3A_137 : memref<312x128xf32, #tpu.memory_space<hbm>>) target_semaphore(%run_scoped3A : memref<!tpu.dma_semaphore, #tpu.memory_space<semaphore_mem>>)
      %dma_wait3A = arith.constant 0 : i32
      %dma_wait3A_140 = tpu.memref_slice %arg4[%arg0, %mul3A_8, %dma_wait3A] : memref<2x5064x128xf32, #tpu.memory_space<hbm>> -> memref<1x312x128xf32, #tpu.memory_space<hbm>>
      %dma_wait3A_141 = tpu.memref_squeeze %dma_wait3A_140 : memref<1x312x128xf32, #tpu.memory_space<hbm>> -> memref<312x128xf32, #tpu.memory_space<hbm>>
      %dma_wait3A_142 = arith.constant 0 : i32
      %dma_wait3A_143 = tpu.memref_slice %arg15[%mul3A_8, %dma_wait3A_142] : memref<5064x128xf32, #tpu.memory_space<vmem_shared>> -> memref<312x128xf32, #tpu.memory_space<vmem_shared>>
      tpu.wait_dma2 semaphore(%run_scoped3A : memref<!tpu.dma_semaphore, #tpu.memory_space<semaphore_mem>>) src(%dma_wait3A_143 : memref<312x128xf32, #tpu.memory_space<vmem_shared>>) dst(%dma_wait3A_141 : memref<312x128xf32, #tpu.memory_space<hbm>>)
      tpu.yield
    }) : () -> ()
    %eq3A_130 = arith.constant 15 : i32
    %eq3A_131 = arith.cmpi eq, %arg1, %eq3A_130 : i32
    %convert_element_type3A_132 = arith.extui %eq3A_131 : i1 to i32
    %cond3A_133 = arith.constant 0 : i32
    %cond3A_134 = arith.cmpi ne, %convert_element_type3A_132, %cond3A_133 : i32
    scf.if %cond3A_134 {
      "tpu.region"() ({
        %run_scoped3A = tpu.sem_alloc : memref<!tpu.dma_semaphore, #tpu.memory_space<semaphore_mem>>
        %dma_start3A_135 = arith.constant 4992 : i32
        %dma_start3A_136 = arith.constant 0 : i32
        %dma_start3A_137 = tpu.memref_slice %arg4[%arg0, %dma_start3A_135, %dma_start3A_136] : memref<2x5064x128xf32, #tpu.memory_space<hbm>> -> memref<1x72x128xf32, #tpu.memory_space<hbm>>
        %dma_start3A_138 = tpu.memref_squeeze %dma_start3A_137 : memref<1x72x128xf32, #tpu.memory_space<hbm>> -> memref<72x128xf32, #tpu.memory_space<hbm>>
        %dma_start3A_139 = arith.constant 4992 : i32
        %dma_start3A_140 = arith.constant 0 : i32
        %dma_start3A_141 = tpu.memref_slice %arg15[%dma_start3A_139, %dma_start3A_140] : memref<5064x128xf32, #tpu.memory_space<vmem_shared>> -> memref<72x128xf32, #tpu.memory_space<vmem_shared>>
        tpu.enqueue_dma source(%dma_start3A_141 : memref<72x128xf32, #tpu.memory_space<vmem_shared>>) target(%dma_start3A_138 : memref<72x128xf32, #tpu.memory_space<hbm>>) target_semaphore(%run_scoped3A : memref<!tpu.dma_semaphore, #tpu.memory_space<semaphore_mem>>)
        %dma_wait3A = arith.constant 4992 : i32
        %dma_wait3A_142 = arith.constant 0 : i32
        %dma_wait3A_143 = tpu.memref_slice %arg4[%arg0, %dma_wait3A, %dma_wait3A_142] : memref<2x5064x128xf32, #tpu.memory_space<hbm>> -> memref<1x72x128xf32, #tpu.memory_space<hbm>>
        %dma_wait3A_144 = tpu.memref_squeeze %dma_wait3A_143 : memref<1x72x128xf32, #tpu.memory_space<hbm>> -> memref<72x128xf32, #tpu.memory_space<hbm>>
        %dma_wait3A_145 = arith.constant 4992 : i32
        %dma_wait3A_146 = arith.constant 0 : i32
        %dma_wait3A_147 = tpu.memref_slice %arg15[%dma_wait3A_145, %dma_wait3A_146] : memref<5064x128xf32, #tpu.memory_space<vmem_shared>> -> memref<72x128xf32, #tpu.memory_space<vmem_shared>>
        tpu.wait_dma2 semaphore(%run_scoped3A : memref<!tpu.dma_semaphore, #tpu.memory_space<semaphore_mem>>) src(%dma_wait3A_147 : memref<72x128xf32, #tpu.memory_space<vmem_shared>>) dst(%dma_wait3A_144 : memref<72x128xf32, #tpu.memory_space<hbm>>)
        tpu.yield
      }) : () -> ()
    } else {
    }
    return
  }
}

module attributes {stable_mosaic.version = 14 : i64} {
  func.func @_tc_body(%arg0: i32, %arg1: memref<1x1000x128xf32, #tpu.memory_space<vmem>>, %arg2: memref<1x1000x128xf32, #tpu.memory_space<vmem>>, %arg3: memref<128x128xf32, #tpu.memory_space<vmem>>, %arg4: memref<1x128xf32, #tpu.memory_space<vmem>>, %arg5: memref<1x128xf32, #tpu.memory_space<vmem>>, %arg6: memref<128x128xf32, #tpu.memory_space<vmem>>, %arg7: memref<128x128xf32, #tpu.memory_space<vmem>>, %arg8: memref<1x128xf32, #tpu.memory_space<vmem>>, %arg9: memref<1000x128xf32, #tpu.memory_space<vmem>>) attributes {dimension_semantics = [#tpu.dimension_semantics<arbitrary>], iteration_bounds = array<i64: 5>, scalar_prefetch = 0 : i64, scratch_operands = 0 : i64, tpu.core_type = #tpu.core_type<tc>, window_params = [{transform_indices = @transform_0, window_bounds = array<i64: 1, 1000, 128>}, {transform_indices = @transform_1, window_bounds = array<i64: 1, 1000, 128>}, {pipeline_mode = #tpu.pipeline_mode<synchronous>, transform_indices = @transform_2, window_bounds = array<i64: 128, 128>}, {pipeline_mode = #tpu.pipeline_mode<synchronous>, transform_indices = @transform_3, window_bounds = array<i64: 1, 128>}, {pipeline_mode = #tpu.pipeline_mode<synchronous>, transform_indices = @transform_4, window_bounds = array<i64: 1, 128>}, {pipeline_mode = #tpu.pipeline_mode<synchronous>, transform_indices = @transform_5, window_bounds = array<i64: 128, 128>}, {pipeline_mode = #tpu.pipeline_mode<synchronous>, transform_indices = @transform_6, window_bounds = array<i64: 128, 128>}, {pipeline_mode = #tpu.pipeline_mode<synchronous>, transform_indices = @transform_7, window_bounds = array<i64: 1, 128>}, {transform_indices = @transform_8, window_bounds = array<i64: 1000, 128>}]} {
    %get3A = arith.constant 0 : index
    %get3A_0 = arith.constant 0 : index
    %get3A_1 = arith.constant 0 : index
    %get3A_2 = vector.load %arg1[%get3A, %get3A_0, %get3A_1] : memref<1x1000x128xf32, #tpu.memory_space<vmem>>, vector<1x1000x128xf32>
    %get3A_3 = vector.shape_cast %get3A_2 : vector<1x1000x128xf32> to vector<1000x128xf32>
    %get3A_4 = arith.constant 0 : index
    %get3A_5 = arith.constant 0 : index
    %get3A_6 = arith.constant 0 : index
    %get3A_7 = vector.load %arg2[%get3A_4, %get3A_5, %get3A_6] : memref<1x1000x128xf32, #tpu.memory_space<vmem>>, vector<1x1000x128xf32>
    %get3A_8 = vector.shape_cast %get3A_7 : vector<1x1000x128xf32> to vector<1000x128xf32>
    %get3A_9 = arith.constant 0 : index
    %get3A_10 = arith.constant 0 : index
    %get3A_11 = vector.load %arg3[%get3A_9, %get3A_10] : memref<128x128xf32, #tpu.memory_space<vmem>>, vector<128x128xf32>
    %dot_general3A = arith.constant dense<0.000000e+00> : vector<1000x128xf32>
    %dot_general3A_12 = tpu.matmul %get3A_3, %get3A_11, %dot_general3A {dimension_numbers = #tpu.dot_dimension_numbers<[1], [0], [0], [1], [0, 0, 1, 1], [], []>, transpose_lhs_hint = false} : vector<1000x128xf32>, vector<128x128xf32>, vector<1000x128xf32> -> vector<1000x128xf32>
    %get3A_13 = arith.constant 0 : index
    %get3A_14 = arith.constant 0 : index
    %get3A_15 = vector.load %arg4[%get3A_13, %get3A_14] : memref<1x128xf32, #tpu.memory_space<vmem>>, vector<1x128xf32>
    %add3A = vector.broadcast %get3A_15 : vector<1x128xf32> to vector<1000x128xf32>
    %add3A_16 = arith.addf %dot_general3A_12, %add3A : vector<1000x128xf32>
    %get3A_17 = arith.constant 0 : index
    %get3A_18 = arith.constant 0 : index
    %get3A_19 = vector.load %arg3[%get3A_17, %get3A_18] : memref<128x128xf32, #tpu.memory_space<vmem>>, vector<128x128xf32>
    %dot_general3A_20 = arith.constant dense<0.000000e+00> : vector<1000x128xf32>
    %dot_general3A_21 = tpu.matmul %get3A_8, %get3A_19, %dot_general3A_20 {dimension_numbers = #tpu.dot_dimension_numbers<[1], [0], [0], [1], [0, 0, 1, 1], [], []>, transpose_lhs_hint = false} : vector<1000x128xf32>, vector<128x128xf32>, vector<1000x128xf32> -> vector<1000x128xf32>
    %get3A_22 = arith.constant 0 : index
    %get3A_23 = arith.constant 0 : index
    %get3A_24 = vector.load %arg4[%get3A_22, %get3A_23] : memref<1x128xf32, #tpu.memory_space<vmem>>, vector<1x128xf32>
    %add3A_25 = vector.broadcast %get3A_24 : vector<1x128xf32> to vector<1000x128xf32>
    %add3A_26 = arith.addf %dot_general3A_21, %add3A_25 : vector<1000x128xf32>
    %get3A_27 = arith.constant 0 : index
    %get3A_28 = arith.constant 0 : index
    %get3A_29 = vector.load %arg5[%get3A_27, %get3A_28] : memref<1x128xf32, #tpu.memory_space<vmem>>, vector<1x128xf32>
    %ge3A = arith.constant 0.000000e+00 : f32
    %ge3A_30 = vector.broadcast %ge3A : f32 to vector<1000x128xf32>
    %ge3A_31 = arith.cmpf oge, %add3A_16, %ge3A_30 : vector<1000x128xf32>
    %mul3A = vector.broadcast %get3A_29 : vector<1x128xf32> to vector<1000x128xf32>
    %mul3A_32 = arith.mulf %add3A_16, %mul3A : vector<1000x128xf32>
    %select_n3A = arith.select %ge3A_31, %add3A_16, %mul3A_32 : vector<1000x128xi1>, vector<1000x128xf32>
    %ge3A_33 = arith.constant 0.000000e+00 : f32
    %ge3A_34 = vector.broadcast %ge3A_33 : f32 to vector<1000x128xf32>
    %ge3A_35 = arith.cmpf oge, %add3A_26, %ge3A_34 : vector<1000x128xf32>
    %mul3A_36 = vector.broadcast %get3A_29 : vector<1x128xf32> to vector<1000x128xf32>
    %mul3A_37 = arith.mulf %add3A_26, %mul3A_36 : vector<1000x128xf32>
    %select_n3A_38 = arith.select %ge3A_35, %add3A_26, %mul3A_37 : vector<1000x128xi1>, vector<1000x128xf32>
    %get3A_39 = arith.constant 0 : index
    %get3A_40 = arith.constant 0 : index
    %get3A_41 = vector.load %arg6[%get3A_39, %get3A_40] : memref<128x128xf32, #tpu.memory_space<vmem>>, vector<128x128xf32>
    %dot_general3A_42 = arith.constant dense<0.000000e+00> : vector<1000x128xf32>
    %dot_general3A_43 = tpu.matmul %select_n3A, %get3A_41, %dot_general3A_42 {dimension_numbers = #tpu.dot_dimension_numbers<[1], [0], [0], [1], [0, 0, 1, 1], [], []>, transpose_lhs_hint = false} : vector<1000x128xf32>, vector<128x128xf32>, vector<1000x128xf32> -> vector<1000x128xf32>
    %get3A_44 = arith.constant 0 : index
    %get3A_45 = arith.constant 0 : index
    %get3A_46 = vector.load %arg7[%get3A_44, %get3A_45] : memref<128x128xf32, #tpu.memory_space<vmem>>, vector<128x128xf32>
    %dot_general3A_47 = arith.constant dense<0.000000e+00> : vector<1000x128xf32>
    %dot_general3A_48 = tpu.matmul %select_n3A_38, %get3A_46, %dot_general3A_47 {dimension_numbers = #tpu.dot_dimension_numbers<[1], [0], [0], [1], [0, 0, 1, 1], [], []>, transpose_lhs_hint = false} : vector<1000x128xf32>, vector<128x128xf32>, vector<1000x128xf32> -> vector<1000x128xf32>
    %add3A_49 = arith.addf %dot_general3A_43, %dot_general3A_48 : vector<1000x128xf32>
    %get3A_50 = arith.constant 0 : index
    %get3A_51 = arith.constant 0 : index
    %get3A_52 = vector.load %arg8[%get3A_50, %get3A_51] : memref<1x128xf32, #tpu.memory_space<vmem>>, vector<1x128xf32>
    %add3A_53 = vector.broadcast %get3A_52 : vector<1x128xf32> to vector<1000x128xf32>
    %add3A_54 = arith.addf %add3A_49, %add3A_53 : vector<1000x128xf32>
    %max3A = arith.constant 0.000000e+00 : f32
    %max3A_55 = vector.broadcast %max3A : f32 to vector<1000x128xf32>
    %max3A_56 = arith.maximumf %add3A_54, %max3A_55 : vector<1000x128xf32>
    %swap3A = arith.constant 0 : index
    %swap3A_57 = arith.constant 0 : index
    %swap3A_58 = vector.load %arg9[%swap3A, %swap3A_57] : memref<1000x128xf32, #tpu.memory_space<vmem>>, vector<1000x128xf32>
    tpu.vector_store %arg9[%swap3A, %swap3A_57], %max3A_56 {strides = array<i32>} : memref<1000x128xf32, #tpu.memory_space<vmem>>, vector<1000x128xf32>,
    return
  }
  func.func @transform_0(%arg0: i32) -> (i32, i32, i32) {
    %c0_i32 = arith.constant 0 : i32
    %c0_i32_0 = arith.constant 0 : i32
    %c0_i32_1 = arith.constant 0 : i32
    return %c0_i32, %arg0, %c0_i32_0 : i32, i32, i32
  }
  func.func @transform_1(%arg0: i32) -> (i32, i32, i32) {
    %c1_i32 = arith.constant 1 : i32
    %c0_i32 = arith.constant 0 : i32
    %c0_i32_0 = arith.constant 0 : i32
    return %c1_i32, %arg0, %c0_i32 : i32, i32, i32
  }
  func.func @transform_2(%arg0: i32) -> (i32, i32) {
    %c0_i32 = arith.constant 0 : i32
    %c0_i32_0 = arith.constant 0 : i32
    %c0_i32_1 = arith.constant 0 : i32
    return %c0_i32, %c0_i32_0 : i32, i32
  }
  func.func @transform_3(%arg0: i32) -> (i32, i32) {
    %c0_i32 = arith.constant 0 : i32
    %c0_i32_0 = arith.constant 0 : i32
    %c0_i32_1 = arith.constant 0 : i32
    return %c0_i32, %c0_i32_0 : i32, i32
  }
  func.func @transform_4(%arg0: i32) -> (i32, i32) {
    %c0_i32 = arith.constant 0 : i32
    %c0_i32_0 = arith.constant 0 : i32
    %c0_i32_1 = arith.constant 0 : i32
    return %c0_i32, %c0_i32_0 : i32, i32
  }
  func.func @transform_5(%arg0: i32) -> (i32, i32) {
    %c0_i32 = arith.constant 0 : i32
    %c0_i32_0 = arith.constant 0 : i32
    %c0_i32_1 = arith.constant 0 : i32
    return %c0_i32, %c0_i32_0 : i32, i32
  }
  func.func @transform_6(%arg0: i32) -> (i32, i32) {
    %c0_i32 = arith.constant 0 : i32
    %c0_i32_0 = arith.constant 0 : i32
    %c0_i32_1 = arith.constant 0 : i32
    return %c0_i32, %c0_i32_0 : i32, i32
  }
  func.func @transform_7(%arg0: i32) -> (i32, i32) {
    %c0_i32 = arith.constant 0 : i32
    %c0_i32_0 = arith.constant 0 : i32
    %c0_i32_1 = arith.constant 0 : i32
    return %c0_i32, %c0_i32_0 : i32, i32
  }
  func.func @transform_8(%arg0: i32) -> (i32, i32) {
    %c0_i32 = arith.constant 0 : i32
    %c0_i32_0 = arith.constant 0 : i32
    return %arg0, %c0_i32 : i32, i32
  }
}

</mosaic_0001>

<sc_bundles>
// kernel: kernel.4.cloned.1.call-start
scs
__scs_entry_jumppad:
0x0: {  	(pc) =	sbr.rel $0x88, $3  }
0x1: {  	(tag) =	ssettag $0x0;
	lr =	simm.s32 $0x1  }
0x2: {  	[smem:$0x3F99] =	sst lr;
	_ =	strace $0xD0000000  }
0x3: {  	_ = 	snop  }
0x4: {  	_ = 	snop  }
0x5: {  	_ = 	snop  }
0x6: {  	_ = 	snop  }
0x7: {  	_ = 	snop  }
__scs_overlays_trampoline_lowered:
0x8: {  	[smem:$0x3FA8] =	sst s0  }
0x9: {  	[smem:$0x3FA9] =	sst s1  }
0xa: {  	[smem:$0x3FAA] =	sst s2  }
0xb: {  	[smem:$0x3FAB] =	sst s3  }
0xc: {  	[smem:$0x3FAC] =	sst s4  }
0xd: {  	[smem:$0x3FAD] =	sst s5  }
0xe: {  	[smem:$0x3FAE] =	sst s6  }
0xf: {  	[smem:$0x3FAF] =	sst s7  }
0x10: {  	[smem:$0x3FB0] =	sst s8  }
0x11: {  	[smem:$0x3FB1] =	sst s9;
	s0 =	simm.s32 @!p0 $0x0  }
0x12: {  	s1 =	sld [smem:$0x3F97];
	s0 =	simm.s32 @p0 $0x1  }
0x13: {  	[smem:$0x3FB2] =	sst s0;
	s0 =	simm.s32 @!p1 $0x0  }
0x14: {  	s2 =	sld [smem:$0x3F96];
	s0 =	simm.s32 @p1 $0x1  }
0x15: {  	[smem:$0x3FB3] =	sst s0;
	s0 =	simm.s32 @!p2 $0x0  }
0x16: {  	s3 =	sld [smem:$0x3FDB];
	s0 =	simm.s32 @p2 $0x1  }
0x17: {  	s4 =	simm.s32 $0x1BF5;
	[smem:$0x3FB5] =	sst s0  }
0x18: {  	s0 =	sld [smem:$0x3F98];
	_ =	swait.ge [sflag:s4], $0x0  }
0x19: {  	s7 =	sld [smem:$0x3F99]  }
0x1a: {  	s8 =	sadd.s32 $0xFFFFE003, lr  }
0x1b: {  	s9 =	sadd.s32 $0xFFFFFEF7, lr;
	s5 =	simm.s32 $0xFFFFFFFF;
	p2 =	slt.u32 s8, $0xFFFFF086  }
0x1c: {  	p1 =	slt.u32 s9, $0xF7A;
	s5 =	simm.s32 @!p2 $0x0  }
0x1d: {  	s5 =	simm.s32 @p1 $0x1;
	p0 =	seq.s32 s7, s2  }
0x1e: {  	s7 =	smul.u32 @!p0 $0xF7A, s2;
	p2 =	seq.s32 @!p0 s5, $0x0  }
0x1f: {  	s9 =	smul.u32 $0xF7A, s1;
	s8 =	simm.s32 @!p0 $0x1BF5;
	p2 =	por !p2, p0  }
0x20: {  	[sflag:s8] =	ssyncset.s32 @!p0 $0xFFFFF086;
	s6 =	sadd.s32 @!p0 s3, s7;
	s7 =	simm.s32 @!p0 $0x108  }
0x21: {  	s3 =	sadd.s32 s3, s9;
	s6 =	sadd.s32 @!p0 $0x88, s6;
	s7 =	simm.s32 @p2 $0x1082  }
0x22: {  	[simem:s7], [sflag:s8] =	dma.local @!p0 [hbm:s6], $0xF7A  }
0x23: {  	s9 =	sor.u32 $0xD0000000, s2;
	s6 =	simm.s32 $0x108;
	_ =	swait.ge @!p0 [sflag:s8], $0x0  }
0x24: {  	s3 =	sadd.s32 $0x88, s3;
	s6 =	simm.s32 @!p1 $0x1082;
	[sflag:s4] =	ssyncset.s32 $0xFFFFF086  }
0x25: {  	[simem:s6], [sflag:s4] =	dma.local [hbm:s3], $0xF7A  }
0x26: {  	[smem:$0x3F99] =	sst s1;
	(tag) =	ssettag s2;
	_ =	strace s9  }
0x27: {  	s1 =	sld [smem:$0x3FA9]  }
0x28: {  	s2 =	sld [smem:$0x3FAA]  }
0x29: {  	s4 =	sld [smem:$0x3FAC]  }
0x2a: {  	p0 =	seq.s32 s5, $0x0;
	s5 =	sld [smem:$0x3FAD]  }
0x2b: {  	s6 =	sld [smem:$0x3FAE]  }
0x2c: {  	s7 =	sld [smem:$0x3FAF]  }
0x2d: {  	s3 =	simm.s32 $0x108;
	s8 =	sld [smem:$0x3FB0]  }
0x2e: {  	s3 =	simm.s32 @!p0 $0x1082;
	s9 =	sld [smem:$0x3FB1]  }
0x2f: {  	lr =	sadd.s32 s0, s3;
	s0 =	sld [smem:$0x3FA8]  }
0x30: {  	s3 =	sld [smem:$0x3FAB]  }
0x31: {  	[smem:$0x3FB4] =	sst s10  }
0x32: {  	s10 =	sld [smem:$0x3FB2];
	_ =	sdelay $0x3  }
0x33: {  	p0 =	seq.s32 s10, $0x1;
	s10 =	sld [smem:$0x3FB4];
	_ =	sdelay $0x3  }
0x34: {  	[smem:$0x3FB4] =	sst s10  }
0x35: {  	s10 =	sld [smem:$0x3FB3];
	_ =	sdelay $0x3  }
0x36: {  	p1 =	seq.s32 s10, $0x1;
	s10 =	sld [smem:$0x3FB4];
	_ =	sdelay $0x3  }
0x37: {  	[smem:$0x3FB4] =	sst s10  }
0x38: {  	s10 =	sld [smem:$0x3FB5]  }
0x39: {  	_ = 	snop;
	(pc) =	sbr.ind lr, $3  }
0x3a: {  	_ = 	snop  }
0x3b: {  	_ = 	snop  }
0x3c: {  	p2 =	seq.s32 s10, $0x1;
	s10 =	sld [smem:$0x3FB4]  }
0x3d: {  	_ =	shalt  }
0x3e: {  	_ =	shalt  }
0x3f: {  	_ =	shalt  }
0x40: {  	_ =	shalt  }
0x41: {  	_ =	shalt  }
0x42: {  	_ =	shalt  }
0x43: {  	_ =	shalt  }
0x44: {  	_ =	shalt  }
0x45: {  	_ =	shalt  }
0x46: {  	_ =	shalt  }
0x47: {  	_ =	shalt  }
0x48: {  	_ =	shalt  }
0x49: {  	_ =	shalt  }
0x4a: {  	_ =	shalt  }
0x4b: {  	_ =	shalt  }
0x4c: {  	_ =	shalt  }
0x4d: {  	_ =	shalt  }
0x4e: {  	_ =	shalt  }
0x4f: {  	_ =	shalt  }
0x50: {  	_ =	shalt  }
0x51: {  	_ =	shalt  }
0x52: {  	_ =	shalt  }
0x53: {  	_ =	shalt  }
0x54: {  	_ =	shalt  }
0x55: {  	_ =	shalt  }
0x56: {  	_ =	shalt  }
0x57: {  	_ =	shalt  }
0x58: {  	_ =	shalt  }
0x59: {  	_ =	shalt  }
0x5a: {  	_ =	shalt  }
0x5b: {  	_ =	shalt  }
0x5c: {  	_ =	shalt  }
0x5d: {  	_ =	shalt  }
0x5e: {  	_ =	shalt  }
0x5f: {  	_ =	shalt  }
0x60: {  	_ =	shalt  }
0x61: {  	_ =	shalt  }
0x62: {  	_ =	shalt  }
0x63: {  	_ =	shalt  }
0x64: {  	_ =	shalt  }
0x65: {  	_ =	shalt  }
0x66: {  	_ =	shalt  }
0x67: {  	_ =	shalt  }
0x68: {  	_ =	shalt  }
0x69: {  	_ =	shalt  }
0x6a: {  	_ =	shalt  }
0x6b: {  	_ =	shalt  }
0x6c: {  	_ =	shalt  }
0x6d: {  	_ =	shalt  }
0x6e: {  	_ =	shalt  }
0x6f: {  	_ =	shalt  }
0x70: {  	_ =	shalt  }
0x71: {  	_ =	shalt  }
0x72: {  	_ =	shalt  }
0x73: {  	_ =	shalt  }
0x74: {  	_ =	shalt  }
0x75: {  	_ =	shalt  }
0x76: {  	_ =	shalt  }
0x77: {  	_ =	shalt  }
0x78: {  	_ =	shalt  }
0x79: {  	_ =	shalt  }
0x7a: {  	_ =	shalt  }
0x7b: {  	_ =	shalt  }
0x7c: {  	_ =	shalt  }
0x7d: {  	_ =	shalt  }
0x7e: {  	_ =	shalt  }
0x7f: {  	_ =	shalt  }
0x80: {  	_ =	shalt  }
0x81: {  	_ =	shalt  }
0x82: {  	_ =	shalt  }
0x83: {  	_ =	shalt  }
0x84: {  	_ =	shalt  }
0x85: {  	_ =	shalt  }
0x86: {  	_ =	shalt  }
0x87: {  	_ =	shalt  }
.Lfunc_end0:
.L_simem_size_0:
called_computation_lowered:
.L_overlay_start_0:
0x88: {  	s2 =	sld [smem:$0x3FD9]  }
0x89: {  	s3 =	sld [smem:$0x3FFE];
	_ =	sdelay $0x1  }
0x8a: {  	s1 =	srdreg.scid  }
0x8b: {  	s0 =	sand.u32 $0x1, s1  }
0x8c: {  	s17 =	sshll.u32 s0, $0xA;
	s2 =	sadd.s32 s3, s2  }
0x8d: {  	s2 =	sadd.s32 s2, s17  }
0x8e: {  	[smem:$0x3FC0] =	sst s2  }
0x8f: {  	_ = 	snop  }
0x90: {  	s2 =	sld [smem:$0x3FC9];
	(tm) =	ssettm $0x1  }
0x91: {  	s18 =	sld [smem:$0x3FFB];
	_ =	sdelay $0x3  }
0x92: {  	_ =	strace s18  }
0x93: {  	s3 =	sld [smem:$0x3FFC];
	_ =	sdelay $0x3  }
0x94: {  	_ =	strace s3  }
0x95: {  	s3 =	sld [smem:$0x3FFD];
	_ =	sdelay $0x3  }
0x96: {  	_ =	strace s3  }
0x97: {  	_ =	strace $0x8FFFFFFF  }
0x98: {  	s19 =	sld [smem:$0x3FDB];
	_ =	sdelay $0x1  }
0x99: {  	s4 =	simm.s32 $_scs_section_size  }
0x9a: {  	s5 =	simm.s32 $_size__tile_overlayer_lowered;
	s6 =	simm.s32 $_tile_overlayer_lowered  }
0x9b: {  	s22 =	simm.s32 $0x1BFF;
	s21 =	sshll.u32 s6, $0x1;
	s3 =	sadd.s32 s4, s19  }
0x9c: {  	s7 =	simm.s32 $0x0;
	s20 =	sshll.u32 s5, $0x1;
	s5 =	sadd.s32 s21, s3  }
0x9d: {  	[timem:s7], [sflag:s22] =	dma.local [hbm:s5], s20  }
0x9e: {  	_ =	swait.ge [sflag:s22], s20  }
0x9f: {  	s4 =	ssub.s32 $0x0, s20;
	[sflag:s22] =	ssyncset.done $0x0  }
0xa0: {  	[sflag:s22] =	ssyncadd.s32 s4;
	_ =	sdelay $0x1  }
0xa1: {  	s23 =	simm.s32 $0x1B8B  }
0xa2: {  	_ =	swait.ge [sflag:s23], $0x1  }
0xa3: {  	[sflag:s23] =	ssyncset.done $0x0  }
0xa4: {  	s25 =	simm.s32 $0x1B8E;
	s24 =	sld [smem:$0x3FFE];
	[sflag:s23] =	ssyncadd.s32 $0xFFFFFFFF  }
0xa5: {  	s26 =	simm.s32 $execute0_lowered;
	[smem:$0x3FD2] =	sst s25  }
0xa6: {  	s5 =	sshll.u32 s26, $0x1;
	_ =	strace $0x80000046;
	[dreg:$0x1] =	wrdreg $0xFFFFFFFF  }
0xa7: {  	s28 =	simm.s32 $_size_execute0_lowered;
	s3 =	sadd.s32 s3, s5;
	[dreg:$0x0] =	wrdreg $0x0  }
0xa8: {  	s5 =	sshll.u32 s28, $0x1;
	[dreg:$0x2] =	wrdreg s3  }
0xa9: {  	[dreg:$0x3] =	wrdreg s5  }
0xaa: {  	[dreg:$0x4] =	wrdreg $0xC0  }
0xab: {  	_ =	task [dreg:s7], $0x5FFFF  }
0xac: {  	[dreg:$0x1] =	wrdreg $0xFFFFFFFF  }
0xad: {  	[dreg:$0x0] =	wrdreg $0x60  }
0xae: {  	[dreg:$0x2] =	wrdreg s2  }
0xaf: {  	[dreg:$0x3] =	wrdreg s24  }
0xb0: {  	[dreg:$0x4] =	wrdreg $0x27000  }
0xb1: {  	[dreg:$0x5] =	wrdreg $0x15F800  }
0xb2: {  	[dreg:$0x6] =	wrdreg $0x9  }
0xb3: {  	_ =	task.clear_ibuf [dreg:s7], $0x7FFFF;
	_ =	strace $0x90000046  }
0xb4: {  	s29 =	simm.s32 $0x9;
	_ =	strace $0x80000048  }
0xb5: {  	_ =	swait.ge [sflag:s29], $0x1  }
0xb6: {  	[sflag:s29] =	ssyncadd.s32 $0xFFFFFFFF  }
0xb7: {  	_ =	strace $0x90000048  }
0xb8: {  	_ =	sfence  }
0xb9: {  	s30 =	sld [smem:$0x0];
	_ =	sdelay $0x2  }
0xba: {  	s31 =	sshll.u32 s1, $0xD;
	s1 =	sshrl.u32 s1, $0x2  }
0xbb: {  	s3 =	sand.u32 $0x4000, s31;
	s1 =	sadd.s32 s1, s30  }
0xbc: {  	s0 =	sor.u32 s3, s0;
	s1 =	sshll.u32 s1, $0x11  }
0xbd: {  	s0 =	sor.u32 s1, s0  }
0xbe: {  	s0 =	sadd.s32 $0x8F2B, s0  }
0xbf: {  	[sflag:s0] =	ssyncadd.remote.s32 $0x1  }
0xc0: {  	_ =	sfence.sel $0xFFFF  }
0xc1: {  	[dreg:$0x0] =	wrdreg $0xFFFFFFFF;
	(pc) =	sbr.abs _section_cstart, $3  }
0xc2: {  	[dreg:$0x1] =	wrdreg $0xFFFFFFFF  }
0xc3: {  	_ =	task.clear_ibuf [dreg:s7], $0x2FFFF;
	_ =	strace $0x9FFFFFFF  }
0xc4: {  	(tm) =	ssettm $0x7FFFFFFF  }
0xc5: {  	_ =	shalt  }
tec
execute0_lowered:
.L_overlay_start_1:
0x0: {  	(tag) =	ssettag $0x1  }
0x1: {  	s0 =	rddreg [dreg:$0x0]  }
0x2: {  	s2 =	rddreg [dreg:$0x1]  }
0x3: {  	s1 =	rddreg [dreg:$0x2]  }
0x4: {  	s3 =	rddreg [dreg:$0x3];
	s4 =	simm.s32 $0x0;
	s5 =	srdreg.scid  }
0x5: {  	s11 =	stileid.u32;
	s28 =	simm.s32 $0x2;
	s29 =	simm.s32 $0x20  }
0x6: {  	s31 =	simm.s32 $0x480;
	s30 =	simm.s32 $0x1;
	[smem:$0x7FF] =	sst s4  }
0x7: {  	s7 =	sand.u32 $0x1, s5;
	s6 =	smul.u32 $0x27000, s11;
	s5 =	sadd.s32 $0x1000, s2  }
0x8: {  	s2 =	sadd.s32 $0x15000, s2;
	s20 =	smul.u32 $0x4E000, s11;
	s16 =	sadd.s32 $0x9C000, s3  }
0x9: {  	s25 =	sadd.s32 $0x138000, s1;
	p0 =	sne.s32 s11, $0xF;
	s6 =	sshrl.u32 s6, $0x2  }
0xa: {  	_ =	strace $0x80000047;
	s13 =	smul.u32 $0x1388, s7;
	s6 =	sadd.s32 s6, s3  }
0xb: {  	s8 =	ssub.s32 $0x2, s7;
	s7 =	smul.u32 $0x9E400, s7;
	s10 =	sadd.s32 $0x1000, s6  }
0xc: {  	s25 =	sshrl.u32 @!p0 s25, $0x3;
	s17 =	sadd.s32 $0x2000, s6;
	[dreg:$0x5] =	wrdreg s10  }
0xd: {  	s9 =	sshrl.u32 s8, $0x1;
	s18 =	sadd.s32 $0x3000, s6;
	[dreg:$0x6] =	wrdreg s17  }
0xe: {  	s8 =	ssub.s32 s8, s9;
	s19 =	sadd.s32 $0x4000, s6;
	[dreg:$0x7] =	wrdreg s18  }
0xf: {  	s12 =	sadd.s32 $0x5000, s6;
	s21 =	sadd.s32 $0x6000, s6;
	[dreg:$0x8] =	wrdreg s19  }
0x10: {  	s22 =	sadd.s32 $0x7000, s6;
	s14 =	sadd.s32 $0x8000, s6;
	[dreg:$0x9] =	wrdreg s12  }
0x11: {  	s15 =	sadd.s32 $0x9000, s6;
	[dreg:$0xa] =	wrdreg s21;
	s17 =	smul.u32 $0x2700, s11  }
0x12: {  	[dreg:$0xb] =	wrdreg s22;
	s10 =	sshrl.u32 s20, $0x2;
	s20 =	smul.u32 $0x9C00, s11  }
0x13: {  	v1 =	vimm.f32 $0.0e+00;
	v2 =	vimm.s32 $0x0;
	v3 =	vimm.s32 $0x1;
	s18 =	sadd.s32 $0x27000, s0;
	s19 =	smul.u32 $0xA000, s11;
	s10 =	sadd.s32 s10, s1  }
0x14: {  	v4 =	vimm.s32 $0x2;
	v5 =	vimm.s32 $0x3;
	v6 =	vimm.s32 $0x4;
	s17 =	sadd.s32 s0, s17;
	s23 =	sadd.s32 s20, s7;
	s7 =	sshrl.u32 s7, $0x3  }
0x15: {  	v7 =	vimm.s32 $0x5;
	v8 =	vimm.s32 $0x6;
	v9 =	vimm.s32 $0x7;
	s26 =	sshrl.u32 s19, $0x3;
	s0 =	sshrl.u32 s23, $0x3;
	s24 =	sadd.s32 s2, s7  }
0x16: {  	v10 =	vimm.s32 $0x8;
	v11 =	vimm.s32 $0x9;
	v12 =	vimm.s32 $0xA;
	s21 =	sadd.s32 s5, s26;
	s23 =	smax.u32 s8, $0x1;
	s26 =	simm.s32 $0x700  }
0x17: {  	v13 =	vimm.s32 $0xB;
	v14 =	vimm.s32 $0xC;
	v15 =	vimm.s32 $0xD;
	s7 =	simm.s32 $0x580;
	s20 =	sadd.s32 s2, s0;
	s22 =	sadd.s32 $0x13800, s24  }
0x18: {  	v16 =	vimm.s32 $0xE;
	v17 =	vimm.s32 $0xF;
	v0 =	vmov s13;
	s24 =	sshrl.u32 s10, $0x3;
	s0 =	simm.s32 $0x1700;
	s2 =	simm.s32 $0x500  }
.LBB2_1:
0x19: {  	s8 =	simm.s32 $0x0;
	s9 =	simm.s32 $0x200  }
.LBB2_2:
0x1a: {  	p1 =	sne.s32 s9, $0x3E00;
	[tilespmem:s8+$0x770] =	vst v1  }
0x1b: {  	[tilespmem:s8+$0x700] =	vst v1  }
0x1c: {  	[tilespmem:s8+$0x710] =	vst v1  }
.Ltmp0:
0x1d: {  	[tilespmem:s8+$0x720] =	vst v1;
	(pc) =	sbr.rel @p1 .LBB2_2-.Ltmp0, $4  }
0x1e: {  	[tilespmem:s8+$0x730] =	vst v1  }
0x1f: {  	[tilespmem:s8+$0x740] =	vst v1  }
0x20: {  	[tilespmem:s8+$0x750] =	vst v1  }
0x21: {  	[tilespmem:s8+$0x760] =	vst v1;
	s8 =	sshra.s32 s9, $0x2;
	s9 =	sadd.s32 $0x200, s9  }
0x22: {  	[tilespmem:s8+$0x770] =	vst v1  }
0x23: {  	[tilespmem:s8+$0x700] =	vst v1  }
0x24: {  	[tilespmem:s8+$0x710] =	vst v1  }
0x25: {  	[tilespmem:s8+$0x720] =	vst v1  }
0x26: {  	[tilespmem:s8+$0x730] =	vst v1  }
0x27: {  	[tilespmem:s8+$0x740] =	vst v1  }
0x28: {  	[tilespmem:s8+$0x750] =	vst v1  }
0x29: {  	[tilespmem:s8+$0x760] =	vst v1  }
0x2a: {  	[spmem:s6] =	stream.linear.scatter [tilespmem:s26], [sflag:$0x2], $0x1000, $0x38;
	[tilespmem:$0x1FDC0] =	vst v63  }
0x2b: {  	_ =	swait.ge [sflag:s28], $0x1000  }
0x2c: {  	[sflag:s28] =	ssyncset.done $0x0  }
0x2d: {  	s11 =	rddreg [dreg:$0x5];
	[sflag:s28] =	ssyncadd.s32 $0xFFFFF000  }
0x2e: {  	[spmem:s11] =	stream.linear.scatter [tilespmem:s26], [sflag:$0x2], $0x1000, $0x38;
	[tilespmem:$0x1FDC0] =	vst v63  }
0x2f: {  	_ =	swait.ge [sflag:s28], $0x1000  }
0x30: {  	[sflag:s28] =	ssyncset.done $0x0  }
0x31: {  	s12 =	rddreg [dreg:$0x6];
	[sflag:s28] =	ssyncadd.s32 $0xFFFFF000  }
0x32: {  	[spmem:s12] =	stream.linear.scatter [tilespmem:s26], [sflag:$0x2], $0x1000, $0x38;
	[tilespmem:$0x1FDC0] =	vst v63  }
0x33: {  	_ =	swait.ge [sflag:s28], $0x1000  }
0x34: {  	[sflag:s28] =	ssyncset.done $0x0  }
0x35: {  	s13 =	rddreg [dreg:$0x7];
	[sflag:s28] =	ssyncadd.s32 $0xFFFFF000  }
0x36: {  	[spmem:s13] =	stream.linear.scatter [tilespmem:s26], [sflag:$0x2], $0x1000, $0x38;
	[tilespmem:$0x1FDC0] =	vst v63  }
0x37: {  	_ =	swait.ge [sflag:s28], $0x1000  }
0x38: {  	[sflag:s28] =	ssyncset.done $0x0  }
0x39: {  	s9 =	rddreg [dreg:$0x8];
	[sflag:s28] =	ssyncadd.s32 $0xFFFFF000  }
0x3a: {  	[spmem:s9] =	stream.linear.scatter [tilespmem:s26], [sflag:$0x2], $0x1000, $0x38;
	[tilespmem:$0x1FDC0] =	vst v63  }
0x3b: {  	_ =	swait.ge [sflag:s28], $0x1000  }
0x3c: {  	[sflag:s28] =	ssyncset.done $0x0  }
0x3d: {  	s10 =	rddreg [dreg:$0x9];
	[sflag:s28] =	ssyncadd.s32 $0xFFFFF000  }
0x3e: {  	[spmem:s10] =	stream.linear.scatter [tilespmem:s26], [sflag:$0x2], $0x1000, $0x38;
	[tilespmem:$0x1FDC0] =	vst v63  }
0x3f: {  	_ =	swait.ge [sflag:s28], $0x1000  }
0x40: {  	[sflag:s28] =	ssyncset.done $0x0  }
0x41: {  	s11 =	rddreg [dreg:$0xa];
	[sflag:s28] =	ssyncadd.s32 $0xFFFFF000  }
0x42: {  	[spmem:s11] =	stream.linear.scatter [tilespmem:s26], [sflag:$0x2], $0x1000, $0x38;
	[tilespmem:$0x1FDC0] =	vst v63  }
0x43: {  	_ =	swait.ge [sflag:s28], $0x1000  }
0x44: {  	[sflag:s28] =	ssyncset.done $0x0  }
0x45: {  	s12 =	rddreg [dreg:$0xb];
	[sflag:s28] =	ssyncadd.s32 $0xFFFFF000  }
0x46: {  	[spmem:s12] =	stream.linear.scatter [tilespmem:s26], [sflag:$0x2], $0x1000, $0x38;
	[tilespmem:$0x1FDC0] =	vst v63  }
0x47: {  	_ =	swait.ge [sflag:s28], $0x1000  }
0x48: {  	[sflag:s28] =	ssyncset.done $0x0  }
0x49: {  	[sflag:s28] =	ssyncadd.s32 $0xFFFFF000  }
0x4a: {  	[spmem:s14] =	stream.linear.scatter [tilespmem:s26], [sflag:$0x2], $0x1000, $0x38;
	[tilespmem:$0x1FDC0] =	vst v63  }
0x4b: {  	_ =	swait.ge [sflag:s28], $0x1000  }
0x4c: {  	[sflag:s28] =	ssyncset.done $0x0  }
0x4d: {  	[sflag:s28] =	ssyncadd.s32 $0xFFFFF000  }
0x4e: {  	[spmem:s15] =	stream.linear.scatter [tilespmem:s26], [sflag:$0x2], $0xC00, $0x38;
	[tilespmem:$0x1FDC0] =	vst v63  }
0x4f: {  	_ =	swait.ge [sflag:s28], $0xC00  }
0x50: {  	[sflag:s28] =	ssyncset.done $0x0  }
0x51: {  	s8 =	simm.s32 @!p0 $0x700;
	s9 =	simm.s32 @!p0 $0x2;
	[sflag:s28] =	ssyncadd.s32 $0xFFFFF400  }
0x52: {  	[spmem:s16] =	stream.linear.scatter @!p0 [tilespmem:s8], [sflag:$0x2], $0x2400, $0x38;
	[tilespmem:$0x1FDC0] =	vst v63  }
0x53: {  	s13 =	stileid.u32;
	_ =	swait.ge @!p0 [sflag:s9], $0x2400  }
0x54: {  	s8 =	sshll.u32 s13, $0x6;
	[sflag:s9] =	ssyncset.done @!p0 $0x0  }
0x55: {  	s8 =	sor.u32 $0x1C02, s8;
	[sflag:s9] =	ssyncadd.s32 @!p0 $0xFFFFDC00  }
0x56: {  	[spmem:s24], [sflag:s8] =	dma.local [hbm:s17], $0x2700  }
0x57: {  	_ =	swait.ge [sflag:s28], $0x2700  }
0x58: {  	[sflag:s28] =	ssyncset.done $0x0  }
0x59: {  	[sflag:s28] =	ssyncadd.s32 $0xFFFFD900  }
0x5a: {  	[spmem:s25], [sflag:s8] =	dma.local @!p0 [hbm:s18], $0x100  }
0x5b: {  	_ =	swait.ge @!p0 [sflag:s9], $0x100  }
0x5c: {  	[sflag:s9] =	ssyncset.done @!p0 $0x0  }
0x5d: {  	[sflag:s9] =	ssyncadd.s32 @!p0 $0xFFFFFF00  }
0x5e: {  	s9 =	simm.s32 $0x0;
	[bflag:$0x0] =	sbarrier.arrive $0xFFFF  }
0x5f: {  	[tilespmem:s9], [sflag:$0x2] =	stream.linear.gather [hbm4b:s21+s9], $0x400, $0x38;
	[tilespmem:$0x1FDC0] =	vst v63  }
0x60: {  	_ =	swait.ge [sflag:s28], $0x400  }
0x61: {  	[sflag:s28] =	ssyncset.done $0x0  }
0x62: {  	[sflag:s28] =	ssyncadd.s32 $0xFFFFFC00  }
0x63: {  	v18 =	vld [tilespmem:$0x0];
	_ =	sdelay $0x1  }
0x64: {  	v21 =	vld [tilespmem:$0x200]  }
0x65: {  	v19 =	vld [tilespmem:$0x10];
	_ =	sdelay $0x1  }
0x66: {  	v63 =	vld [tilespmem:$0x210];
	v20 =	vshra.s32 v18, $0x10  }
0x67: {  	v22 =	vsub.s32 v20, v0;
	v20 =	vand.u32 $0x3F, v20  }
0x68: {  	v18 =	vand.u32 $0xFFFF, v18;
	[tilespmem:$0x600] =	vst v21;
	vm0 =	vlt.u32 v22, $0x1388;
	v20 =	vadd.s32 $0x1388, v20  }
0x69: {  	v62 =	vshra.s32 v19, $0x10;
	[tilespmem:$0x400] =	vst v18;
	v18 =	vsel vm0, v22, v20  }
0x6a: {  	v20 =	vand.u32 $0x3F, v62;
	[tilespmem:$0x500] =	vst v18;
	v18 =	vsub.s32 v62, v0  }
0x6b: {  	v19 =	vand.u32 $0xFFFF, v19;
	[tilespmem:$0x610] =	vst v63;
	v20 =	vadd.s32 $0x1388, v20;
	vm15 =	vlt.u32 v18, $0x1388  }
0x6c: {  	[tilespmem:$0x410] =	vst v19;
	v18 =	vsel vm15, v18, v20  }
0x6d: {  	s10 =	simm.s32 $0x400;
	[tilespmem:$0x510] =	vst v18  }
0x6e: {  	[tilespmem:s26], [sflag:$0x1] =	stream.indirect.gather [spmem:s1], $0x80, s10, s29, $0xb8;
	[tilespmem:$0x1FDC0] =	vst v63  }
.LBB2_4:
0x6f: {  	s10 =	sshll.u32 s9, $0x6  }
0x70: {  	s11 =	sand.u32 $0x40, s10  }
0x71: {  	s10 =	sand.u32 $0x180, s10;
	s12 =	sor.u32 $0x20, s11  }
0x72: {  	s13 =	sor.u32 s12, s10  }
0x73: {  	v18 =	vld [tilespmem:s13+$0x0];
	_ =	sdelay $0x4  }
0x74: {  	v19 =	vshra.s32 v18, $0x10  }
0x75: {  	v20 =	vsub.s32 v19, v0;
	v19 =	vand.u32 $0x3F, v19  }
0x76: {  	v18 =	vand.u32 $0xFFFF, v18;
	vm0 =	vlt.u32 v20, $0x1388;
	v19 =	vadd.s32 $0x1388, v19  }
0x77: {  	s13 =	sor.u32 $0x200, s10;
	[tilespmem:$0x480] =	vst v18;
	v18 =	vsel vm0, v20, v19  }
0x78: {  	s12 =	sor.u32 s12, s13;
	[tilespmem:$0x580] =	vst v18  }
0x79: {  	v18 =	vld [tilespmem:s12+$0x0];
	_ =	sdelay $0x3  }
0x7a: {  	s11 =	sor.u32 $0x30, s11  }
0x7b: {  	s10 =	sor.u32 s11, s10;
	[tilespmem:$0x680] =	vst v18  }
0x7c: {  	v18 =	vld [tilespmem:s10+$0x0];
	_ =	sdelay $0x4  }
0x7d: {  	v19 =	vshra.s32 v18, $0x10  }
0x7e: {  	v63 =	vsub.s32 v19, v0;
	v19 =	vand.u32 $0x3F, v19  }
0x7f: {  	v18 =	vand.u32 $0xFFFF, v18;
	vm15 =	vlt.u32 v63, $0x1388;
	v19 =	vadd.s32 $0x1388, v19  }
0x80: {  	[tilespmem:$0x490] =	vst v18;
	v18 =	vsel vm15, v63, v19  }
0x81: {  	s13 =	sor.u32 s11, s13;
	[tilespmem:$0x590] =	vst v18  }
0x82: {  	v18 =	vld [tilespmem:s13+$0x0];
	_ =	sdelay $0x4  }
0x83: {  	[tilespmem:$0x690] =	vst v18  }
0x84: {  	[tilespmem:s0], [sflag:$0x1] =	stream.indirect.gather [spmem:s1], $0x80, s31, s29, $0xb8;
	[tilespmem:$0x1FDC0] =	vst v63  }
0x85: {  	_ =	swait.ge [sflag:s30], $0x1000  }
0x86: {  	[sflag:s30] =	ssyncset.done $0x0  }
0x87: {  	p1 =	por $0x1, $0x1;
	s10 =	simm.s32 $0x0;
	[sflag:s30] =	ssyncadd.s32 $0xFFFFF000  }
.LBB2_5:
0x88: {  	s11 =	sshll.u32 s10, $0x4  }
0x89: {  	s11 =	sand.u32 $0x3FFFFFF0, s11  }
0x8a: {  	s13 =	sshll.u32 s10, $0xB;
	v18 =	vld [tilespmem:s11+$0x600]  }
0x8b: {  	s10 =	sand.u32 $0x3FFFF800, s13  }
0x8c: {  	v19 =	vld [tilespmem:s10+$0x700]  }
0x8d: {  	v20 =	vld [tilespmem:s10+$0x710]  }
0x8e: {  	v21 =	vld [tilespmem:s10+$0x720]  }
0x8f: {  	v23 =	vld [tilespmem:s10+$0x730];
	v22 =	vperm.xlane v18, v2  }
0x90: {  	v24 =	vld [tilespmem:s10+$0x740]  }
0x91: {  	v25 =	vld [tilespmem:s10+$0x750];
	v19 =	vmul.f32 v19, v22  }
0x92: {  	v26 =	vld [tilespmem:s10+$0x760];
	v20 =	vmul.f32 v20, v22  }
0x93: {  	v43 =	vld [tilespmem:s10+$0x770];
	[tilespmem:s10+$0x700] =	vst v19;
	v19 =	vmul.f32 v21, v22  }
0x94: {  	v45 =	vld [tilespmem:s10+$0x780];
	v44 =	vmul.f32 v23, v22;
	[tilespmem:s10+$0x710] =	vst v20  }
0x95: {  	v46 =	vld [tilespmem:s10+$0x790];
	[tilespmem:s10+$0x720] =	vst v19;
	v19 =	vmul.f32 v24, v22  }
0x96: {  	v48 =	vld [tilespmem:s10+$0x7A0];
	v47 =	vmul.f32 v25, v22;
	[tilespmem:s10+$0x730] =	vst v44  }
0x97: {  	v27 =	vld [tilespmem:s10+$0x7B0];
	v49 =	vperm.xlane v18, v3;
	[tilespmem:s10+$0x740] =	vst v19;
	v19 =	vmul.f32 v26, v22  }
0x98: {  	v51 =	vld [tilespmem:s10+$0x7C0];
	v50 =	vmul.f32 v43, v22;
	[tilespmem:s10+$0x750] =	vst v47  }
0x99: {  	v52 =	vld [tilespmem:s10+$0x7D0];
	[tilespmem:s10+$0x760] =	vst v19;
	v19 =	vmul.f32 v45, v49  }
0x9a: {  	v54 =	vld [tilespmem:s10+$0x7E0];
	v53 =	vmul.f32 v46, v49;
	[tilespmem:s10+$0x770] =	vst v50  }
0x9b: {  	v55 =	vld [tilespmem:s10+$0x7F0];
	[tilespmem:s10+$0x780] =	vst v19;
	v19 =	vmul.f32 v48, v49  }
0x9c: {  	v57 =	vld [tilespmem:s10+$0x800];
	v56 =	vmul.f32 v27, v49;
	[tilespmem:s10+$0x790] =	vst v53  }
0x9d: {  	v58 =	vld [tilespmem:s10+$0x810];
	[tilespmem:s10+$0x7A0] =	vst v19;
	v19 =	vmul.f32 v51, v49  }
0x9e: {  	v60 =	vld [tilespmem:s10+$0x820];
	v59 =	vmul.f32 v52, v49;
	[tilespmem:s10+$0x7B0] =	vst v56  }
0x9f: {  	v62 =	vld [tilespmem:s10+$0x830];
	v61 =	vperm.xlane v18, v4;
	[tilespmem:s10+$0x7C0] =	vst v19;
	v19 =	vmul.f32 v54, v49  }
0xa0: {  	v28 =	vld [tilespmem:s10+$0x840];
	v63 =	vmul.f32 v55, v49;
	[tilespmem:s10+$0x7D0] =	vst v59  }
0xa1: {  	v29 =	vld [tilespmem:s10+$0x850];
	[tilespmem:s10+$0x7E0] =	vst v19;
	v19 =	vmul.f32 v57, v61  }
0xa2: {  	v31 =	vld [tilespmem:s10+$0x860];
	v30 =	vmul.f32 v58, v61;
	[tilespmem:s10+$0x7F0] =	vst v63  }
0xa3: {  	v32 =	vld [tilespmem:s10+$0x870];
	[tilespmem:s10+$0x800] =	vst v19;
	v19 =	vmul.f32 v60, v61  }
0xa4: {  	v34 =	vld [tilespmem:s10+$0x880];
	v33 =	vmul.f32 v62, v61;
	[tilespmem:s10+$0x810] =	vst v30  }
0xa5: {  	v35 =	vld [tilespmem:s10+$0x890];
	[tilespmem:s10+$0x820] =	vst v19;
	v19 =	vmul.f32 v28, v61  }
0xa6: {  	v37 =	vld [tilespmem:s10+$0x8A0];
	v36 =	vmul.f32 v29, v61;
	[tilespmem:s10+$0x830] =	vst v33  }
0xa7: {  	v39 =	vld [tilespmem:s10+$0x8B0];
	v38 =	vperm.xlane v18, v5;
	[tilespmem:s10+$0x840] =	vst v19;
	v19 =	vmul.f32 v31, v61  }
0xa8: {  	v41 =	vld [tilespmem:s10+$0x8C0];
	v40 =	vmul.f32 v32, v61;
	[tilespmem:s10+$0x850] =	vst v36  }
0xa9: {  	v45 =	vld [tilespmem:s10+$0x8F0];
	[tilespmem:s10+$0x860] =	vst v19;
	v19 =	vmul.f32 v34, v38  }
0xaa: {  	v43 =	vmul.f32 v35, v38;
	[tilespmem:s10+$0x870] =	vst v40;
	v44 =	vld [tilespmem:s10+$0x8E0]  }
0xab: {  	v42 =	vld [tilespmem:s10+$0x8D0];
	[tilespmem:s10+$0x880] =	vst v19;
	v19 =	vmul.f32 v37, v38  }
0xac: {  	v46 =	vmul.f32 v39, v38;
	[tilespmem:s10+$0x890] =	vst v43;
	v47 =	vld [tilespmem:s10+$0x900]  }
0xad: {  	v52 =	vld [tilespmem:s10+$0x930];
	[tilespmem:s10+$0x8A0] =	vst v19;
	v19 =	vmul.f32 v41, v38  }
0xae: {  	[tilespmem:s10+$0x8B0] =	vst v46;
	v50 =	vld [tilespmem:s10+$0x920];
	v53 =	vmul.f32 v45, v38  }
0xaf: {  	v55 =	vld [tilespmem:s10+$0x950];
	v51 =	vperm.xlane v18, v6;
	[tilespmem:s10+$0x8C0] =	vst v19;
	v19 =	vmul.f32 v44, v38  }
0xb0: {  	v49 =	vmul.f32 v42, v38;
	v54 =	vld [tilespmem:s10+$0x940];
	[tilespmem:s10+$0x8F0] =	vst v53  }
0xb1: {  	v58 =	vld [tilespmem:s10+$0x970];
	[tilespmem:s10+$0x8E0] =	vst v19;
	v19 =	vmul.f32 v47, v51  }
0xb2: {  	v59 =	vmul.f32 v52, v51;
	[tilespmem:s10+$0x8D0] =	vst v49;
	v57 =	vld [tilespmem:s10+$0x960]  }
0xb3: {  	v48 =	vld [tilespmem:s10+$0x910];
	[tilespmem:s10+$0x900] =	vst v19;
	v19 =	vmul.f32 v50, v51  }
0xb4: {  	v62 =	vmul.f32 v55, v51;
	[tilespmem:s10+$0x930] =	vst v59;
	v60 =	vld [tilespmem:s10+$0x980]  }
0xb5: {  	v40 =	vld [tilespmem:s10+$0xA10];
	[tilespmem:s10+$0x920] =	vst v19;
	v19 =	vmul.f32 v54, v51  }
0xb6: {  	v63 =	vld [tilespmem:s10+$0x9A0];
	v32 =	vmul.f32 v58, v51;
	[tilespmem:s10+$0x950] =	vst v62  }
0xb7: {  	v30 =	vperm.xlane v18, v7;
	v61 =	vld [tilespmem:s10+$0x990];
	[tilespmem:s10+$0x940] =	vst v19;
	v19 =	vmul.f32 v57, v51  }
0xb8: {  	v33 =	vld [tilespmem:s10+$0x9C0];
	v43 =	vperm.xlane v18, v8;
	v56 =	vmul.f32 v48, v51;
	[tilespmem:s10+$0x970] =	vst v32  }
0xb9: {  	v53 =	vld [tilespmem:s10+$0xA90];
	[tilespmem:s10+$0x960] =	vst v19;
	v19 =	vmul.f32 v60, v30  }
0xba: {  	v36 =	vld [tilespmem:s10+$0x9E0];
	v48 =	vmul.f32 v40, v43;
	[tilespmem:s10+$0x910] =	vst v56  }
0xbb: {  	v31 =	vld [tilespmem:s10+$0x9B0];
	[tilespmem:s10+$0x980] =	vst v19;
	v19 =	vmul.f32 v63, v30  }
0xbc: {  	v39 =	vld [tilespmem:s10+$0xA00];
	[tilespmem:s10+$0xA10] =	vst v48;
	v56 =	vperm.xlane v18, v9;
	v35 =	vmul.f32 v61, v30  }
0xbd: {  	v34 =	vld [tilespmem:s10+$0x9D0];
	[tilespmem:s10+$0x9A0] =	vst v19;
	v19 =	vmul.f32 v33, v30  }
0xbe: {  	v42 =	vld [tilespmem:s10+$0xA20];
	v61 =	vmul.f32 v53, v56;
	[tilespmem:s10+$0x990] =	vst v35  }
0xbf: {  	v37 =	vld [tilespmem:s10+$0x9F0];
	[tilespmem:s10+$0x9C0] =	vst v19;
	v19 =	vmul.f32 v36, v30  }
0xc0: {  	v46 =	vld [tilespmem:s10+$0xA40];
	[tilespmem:s10+$0xA90] =	vst v61;
	v38 =	vmul.f32 v31, v30  }
0xc1: {  	v47 =	vld [tilespmem:s10+$0xA50];
	[tilespmem:s10+$0x9E0] =	vst v19;
	v19 =	vmul.f32 v39, v43  }
0xc2: {  	v49 =	vld [tilespmem:s10+$0xA60];
	v41 =	vmul.f32 v34, v30;
	[tilespmem:s10+$0x9B0] =	vst v38  }
0xc3: {  	v38 =	vld [tilespmem:s10+$0xB50];
	[tilespmem:s10+$0xA00] =	vst v19;
	v19 =	vmul.f32 v42, v43  }
0xc4: {  	v52 =	vld [tilespmem:s10+$0xA80];
	[tilespmem:s10+$0x9D0] =	vst v41;
	v45 =	vmul.f32 v37, v30  }
0xc5: {  	v44 =	vld [tilespmem:s10+$0xA30];
	[tilespmem:s10+$0xA20] =	vst v19;
	v19 =	vmul.f32 v46, v43  }
0xc6: {  	v55 =	vld [tilespmem:s10+$0xAA0];
	v34 =	vperm.xlane v18, v10;
	[tilespmem:s10+$0x9F0] =	vst v45;
	v54 =	vmul.f32 v47, v43  }
0xc7: {  	v50 =	vld [tilespmem:s10+$0xA70];
	[tilespmem:s10+$0xA40] =	vst v19;
	v19 =	vmul.f32 v49, v43  }
0xc8: {  	v59 =	vld [tilespmem:s10+$0xAC0];
	v45 =	vmul.f32 v38, v34;
	[tilespmem:s10+$0xA50] =	vst v54  }
0xc9: {  	v57 =	vld [tilespmem:s10+$0xAB0];
	[tilespmem:s10+$0xA60] =	vst v19;
	v19 =	vmul.f32 v52, v56  }
0xca: {  	v62 =	vld [tilespmem:s10+$0xAE0];
	v51 =	vmul.f32 v44, v43;
	[tilespmem:s10+$0xB50] =	vst v45  }
0xcb: {  	v60 =	vld [tilespmem:s10+$0xAD0];
	[tilespmem:s10+$0xA80] =	vst v19;
	v19 =	vmul.f32 v55, v56  }
0xcc: {  	v58 =	vmul.f32 v50, v43;
	[tilespmem:s10+$0xA30] =	vst v51;
	v30 =	vld [tilespmem:s10+$0xB00]  }
0xcd: {  	v51 =	vld [tilespmem:s10+$0xBD0];
	[tilespmem:s10+$0xAA0] =	vst v19;
	v19 =	vmul.f32 v59, v56  }
0xce: {  	[tilespmem:s10+$0xA70] =	vst v58;
	v29 =	vmul.f32 v57, v56;
	v33 =	vld [tilespmem:s10+$0xB20]  }
0xcf: {  	v63 =	vld [tilespmem:s10+$0xAF0];
	[tilespmem:s10+$0xAC0] =	vst v19;
	v19 =	vmul.f32 v62, v56  }
0xd0: {  	v37 =	vld [tilespmem:s10+$0xB40];
	v47 =	vperm.xlane v18, v11;
	[tilespmem:s10+$0xAB0] =	vst v29;
	v32 =	vmul.f32 v60, v56  }
0xd1: {  	v61 =	vld [tilespmem:s10+$0xC30];
	[tilespmem:s10+$0xAE0] =	vst v19;
	v19 =	vmul.f32 v30, v34  }
0xd2: {  	v40 =	vld [tilespmem:s10+$0xB60];
	v58 =	vmul.f32 v51, v47;
	[tilespmem:s10+$0xAD0] =	vst v32  }
0xd3: {  	v31 =	vld [tilespmem:s10+$0xB10];
	[tilespmem:s10+$0xB00] =	vst v19;
	v19 =	vmul.f32 v33, v34  }
0xd4: {  	v60 =	vperm.xlane v18, v12;
	v36 =	vmul.f32 v63, v56;
	[tilespmem:s10+$0xBD0] =	vst v58;
	v43 =	vld [tilespmem:s10+$0xB80]  }
0xd5: {  	v57 =	vld [tilespmem:s10+$0xC10];
	[tilespmem:s10+$0xB20] =	vst v19;
	v19 =	vmul.f32 v37, v34  }
0xd6: {  	v32 =	vmul.f32 v61, v60;
	[tilespmem:s10+$0xAF0] =	vst v36;
	v46 =	vld [tilespmem:s10+$0xBA0]  }
0xd7: {  	v35 =	vld [tilespmem:s10+$0xB30];
	[tilespmem:s10+$0xB40] =	vst v19;
	v19 =	vmul.f32 v40, v34  }
0xd8: {  	v50 =	vld [tilespmem:s10+$0xBC0];
	v39 =	vmul.f32 v31, v34;
	[tilespmem:s10+$0xC30] =	vst v32  }
0xd9: {  	v28 =	vld [tilespmem:s10+$0xC50];
	[tilespmem:s10+$0xB60] =	vst v19;
	v19 =	vmul.f32 v43, v47  }
0xda: {  	v53 =	vld [tilespmem:s10+$0xBE0];
	v29 =	vmul.f32 v57, v60;
	[tilespmem:s10+$0xB10] =	vst v39  }
0xdb: {  	v31 =	vld [tilespmem:s10+$0xC70];
	[tilespmem:s10+$0xB80] =	vst v19;
	v19 =	vmul.f32 v46, v47  }
0xdc: {  	v42 =	vmul.f32 v35, v34;
	[tilespmem:s10+$0xC10] =	vst v29;
	v56 =	vld [tilespmem:s10+$0xC00]  }
0xdd: {  	v41 =	vld [tilespmem:s10+$0xB70];
	[tilespmem:s10+$0xBA0] =	vst v19;
	v19 =	vmul.f32 v50, v47  }
0xde: {  	v35 =	vmul.f32 v28, v60;
	[tilespmem:s10+$0xB30] =	vst v42;
	v59 =	vld [tilespmem:s10+$0xC20]  }
0xdf: {  	v44 =	vld [tilespmem:s10+$0xB90];
	[tilespmem:s10+$0xBC0] =	vst v19;
	v19 =	vmul.f32 v53, v47  }
0xe0: {  	v63 =	vld [tilespmem:s10+$0xC40];
	[tilespmem:s10+$0xC50] =	vst v35;
	v39 =	vmul.f32 v31, v60  }
0xe1: {  	v48 =	vld [tilespmem:s10+$0xBB0];
	[tilespmem:s10+$0xBE0] =	vst v19;
	v19 =	vmul.f32 v56, v60  }
0xe2: {  	v49 =	vmul.f32 v41, v34;
	[tilespmem:s10+$0xC70] =	vst v39;
	v30 =	vld [tilespmem:s10+$0xC60]  }
0xe3: {  	v54 =	vld [tilespmem:s10+$0xBF0];
	[tilespmem:s10+$0xC00] =	vst v19;
	v19 =	vmul.f32 v59, v60  }
0xe4: {  	[tilespmem:s10+$0xB70] =	vst v49;
	v52 =	vmul.f32 v44, v47;
	v33 =	vld [tilespmem:s10+$0xC80]  }
0xe5: {  	v38 =	vld [tilespmem:s10+$0xCB0];
	[tilespmem:s10+$0xC20] =	vst v19;
	v19 =	vmul.f32 v63, v60  }
0xe6: {  	v36 =	vld [tilespmem:s10+$0xCA0];
	[tilespmem:s10+$0xB90] =	vst v52;
	v55 =	vmul.f32 v48, v47  }
0xe7: {  	v41 =	vld [tilespmem:s10+$0xCD0];
	v37 =	vperm.xlane v18, v13;
	[tilespmem:s10+$0xC40] =	vst v19;
	v19 =	vmul.f32 v30, v60  }
0xe8: {  	[tilespmem:s10+$0xBB0] =	vst v55;
	v62 =	vmul.f32 v54, v47;
	v40 =	vld [tilespmem:s10+$0xCC0]  }
0xe9: {  	v44 =	vld [tilespmem:s10+$0xCF0];
	[tilespmem:s10+$0xC60] =	vst v19;
	v19 =	vmul.f32 v33, v37  }
0xea: {  	[tilespmem:s10+$0xBF0] =	vst v62;
	v45 =	vmul.f32 v38, v37;
	v43 =	vld [tilespmem:s10+$0xCE0]  }
0xeb: {  	v34 =	vld [tilespmem:s10+$0xC90];
	[tilespmem:s10+$0xC80] =	vst v19;
	v19 =	vmul.f32 v36, v37  }
0xec: {  	v48 =	vmul.f32 v41, v37;
	[tilespmem:s10+$0xCB0] =	vst v45;
	v46 =	vld [tilespmem:s10+$0xD00]  }
0xed: {  	v51 =	vld [tilespmem:s10+$0xD30];
	[tilespmem:s10+$0xCA0] =	vst v19;
	v19 =	vmul.f32 v40, v37  }
0xee: {  	v49 =	vld [tilespmem:s10+$0xD20];
	v52 =	vmul.f32 v44, v37;
	[tilespmem:s10+$0xCD0] =	vst v48  }
0xef: {  	v54 =	vld [tilespmem:s10+$0xD50];
	v50 =	vperm.xlane v18, v14;
	[tilespmem:s10+$0xCC0] =	vst v19;
	v19 =	vmul.f32 v43, v37  }
0xf0: {  	[tilespmem:s10+$0xCF0] =	vst v52;
	v42 =	vmul.f32 v34, v37;
	v53 =	vld [tilespmem:s10+$0xD40]  }
0xf1: {  	v57 =	vld [tilespmem:s10+$0xD70];
	[tilespmem:s10+$0xCE0] =	vst v19;
	v19 =	vmul.f32 v46, v50  }
0xf2: {  	[tilespmem:s10+$0xC90] =	vst v42;
	v58 =	vmul.f32 v51, v50;
	v56 =	vld [tilespmem:s10+$0xD60]  }
0xf3: {  	v47 =	vld [tilespmem:s10+$0xD10];
	[tilespmem:s10+$0xD00] =	vst v19;
	v19 =	vmul.f32 v49, v50  }
0xf4: {  	v61 =	vmul.f32 v54, v50;
	[tilespmem:s10+$0xD30] =	vst v58;
	v59 =	vld [tilespmem:s10+$0xD80]  }
0xf5: {  	v39 =	vld [tilespmem:s10+$0xE10];
	[tilespmem:s10+$0xD20] =	vst v19;
	v19 =	vmul.f32 v53, v50  }
0xf6: {  	v62 =	vld [tilespmem:s10+$0xDA0];
	v31 =	vmul.f32 v57, v50;
	[tilespmem:s10+$0xD50] =	vst v61  }
0xf7: {  	v63 =	vperm.xlane v18, v15;
	v60 =	vld [tilespmem:s10+$0xD90];
	[tilespmem:s10+$0xD40] =	vst v19;
	v19 =	vmul.f32 v56, v50  }
0xf8: {  	v32 =	vld [tilespmem:s10+$0xDC0];
	v42 =	vperm.xlane v18, v16;
	[tilespmem:s10+$0xD70] =	vst v31;
	v55 =	vmul.f32 v47, v50  }
0xf9: {  	v33 =	vld [tilespmem:s10+$0xDD0];
	[tilespmem:s10+$0xD60] =	vst v19;
	v19 =	vmul.f32 v59, v63  }
0xfa: {  	v35 =	vld [tilespmem:s10+$0xDE0];
	v47 =	vmul.f32 v39, v42;
	[tilespmem:s10+$0xD10] =	vst v55  }
0xfb: {  	v30 =	vld [tilespmem:s10+$0xDB0];
	[tilespmem:s10+$0xD80] =	vst v19;
	v19 =	vmul.f32 v62, v63  }
0xfc: {  	v38 =	vld [tilespmem:s10+$0xE00];
	[tilespmem:s10+$0xE10] =	vst v47;
	v34 =	vmul.f32 v60, v63  }
0xfd: {  	v36 =	vld [tilespmem:s10+$0xDF0];
	[tilespmem:s10+$0xDA0] =	vst v19;
	v19 =	vmul.f32 v32, v63  }
0xfe: {  	v41 =	vld [tilespmem:s10+$0xE20];
	[tilespmem:s10+$0xD90] =	vst v34;
	v40 =	vmul.f32 v33, v63  }
0xff: {  	v46 =	vld [tilespmem:s10+$0xE50];
	[tilespmem:s10+$0xDC0] =	vst v19;
	v19 =	vmul.f32 v35, v63  }
0x100: {  	v45 =	vld [tilespmem:s10+$0xE40];
	v37 =	vmul.f32 v30, v63;
	[tilespmem:s10+$0xDD0] =	vst v40  }
0x101: {  	v43 =	vld [tilespmem:s10+$0xE30];
	[tilespmem:s10+$0xDE0] =	vst v19;
	v19 =	vmul.f32 v38, v42  }
0x102: {  	v48 =	vld [tilespmem:s10+$0xE60];
	v44 =	vmul.f32 v36, v63;
	[tilespmem:s10+$0xDB0] =	vst v37  }
0x103: {  	v49 =	vld [tilespmem:s10+$0xE70];
	[tilespmem:s10+$0xE00] =	vst v19;
	v19 =	vmul.f32 v41, v42  }
0x104: {  	v51 =	vld [tilespmem:s10+$0xE80];
	[tilespmem:s10+$0xDF0] =	vst v44;
	v53 =	vmul.f32 v46, v42  }
0x105: {  	v52 =	vld [tilespmem:s10+$0xE90];
	[tilespmem:s10+$0xE20] =	vst v19;
	v19 =	vmul.f32 v45, v42  }
0x106: {  	v54 =	vld [tilespmem:s10+$0xEA0];
	v50 =	vmul.f32 v43, v42;
	[tilespmem:s10+$0xE50] =	vst v53  }
0x107: {  	v18 =	vperm.xlane v18, v17;
	v55 =	vld [tilespmem:s10+$0xEB0];
	[tilespmem:s10+$0xE40] =	vst v19;
	v19 =	vmul.f32 v48, v42  }
0x108: {  	v57 =	vld [tilespmem:s10+$0xEC0];
	v56 =	vmul.f32 v49, v42;
	[tilespmem:s10+$0xE30] =	vst v50  }
0x109: {  	v58 =	vld [tilespmem:s10+$0xED0];
	[tilespmem:s10+$0xE60] =	vst v19;
	v19 =	vmul.f32 v51, v18  }
0x10a: {  	v60 =	vld [tilespmem:s10+$0xEE0];
	v59 =	vmul.f32 v52, v18;
	[tilespmem:s10+$0xE70] =	vst v56  }
0x10b: {  	v61 =	vld [tilespmem:s10+$0xEF0];
	[tilespmem:s10+$0xE80] =	vst v19;
	v19 =	vmul.f32 v54, v18  }
0x10c: {  	[tilespmem:s10+$0xE90] =	vst v59;
	v62 =	vmul.f32 v55, v18  }
0x10d: {  	p2 =	por p1, p1;
	[tilespmem:s10+$0xEA0] =	vst v19;
	v19 =	vmul.f32 v57, v18  }
.Ltmp1:
0x10e: {  	[tilespmem:s10+$0xEB0] =	vst v62;
	v63 =	vmul.f32 v58, v18;
	(pc) =	sbr.rel @p2 .LBB2_5-.Ltmp1, $4  }
0x10f: {  	[tilespmem:s10+$0xEC0] =	vst v19;
	v19 =	vmul.f32 v60, v18  }
0x110: {  	[tilespmem:s10+$0xED0] =	vst v63;
	v18 =	vmul.f32 v61, v18  }
0x111: {  	[tilespmem:s10+$0xEE0] =	vst v19  }
0x112: {  	p1 =	por $0x0, $0x0;
	[tilespmem:s10+$0xEF0] =	vst v18;
	s10 =	simm.s32 $0x1  }
0x113: {  	[spmem:s3] =	stream.indirect.scatter.add.f32 [tilespmem:s26], [sflag:$0x2], $0x80, s2, s29, $0xb8;
	[tilespmem:$0x1FDC0] =	vst v63  }
0x114: {  	p1 =	seq.s32 s9, $0x13F  }
0x115: {  	s10 =	sshll.u32 @!p1 s9, $0x1  }
0x116: {  	s10 =	sadd.s32 @!p1 $0x2, s10  }
0x117: {  	s11 =	sand.u32 @!p1 $0xE, s10  }
0x118: {  	p2 =	sne.s32 @!p1 s11, $0x0  }
0x119: {  	p2 =	por p2, p1  }
0x11a: {  	s11 =	sshll.u32 @!p2 s10, $0x6  }
0x11b: {  	_ =	swait.ge [sflag:s28], $0x1000;
	s11 =	sadd.s32 @!p2 s19, s11  }
0x11c: {  	[sflag:s28] =	ssyncset.done $0x0;
	s11 =	sshrl.u32 @!p2 s11, $0x3  }
0x11d: {  	[sflag:s28] =	ssyncadd.s32 $0xFFFFF000;
	s12 =	simm.s32 @!p2 $0x0;
	s11 =	sadd.s32 @!p2 s5, s11  }
0x11e: {  	[tilespmem:s12], [sflag:$0x2] =	stream.linear.gather @!p2 [hbm4b:s11+s12], $0x400, $0x38;
	[tilespmem:$0x1FDC0] =	vst v63  }
0x11f: {  	s11 =	simm.s32 @!p2 $0x2  }
0x120: {  	s10 =	sshll.u32 @!p1 s10, $0x5;
	_ =	swait.ge @!p2 [sflag:s11], $0x400  }
0x121: {  	s12 =	sand.u32 @!p1 $0x40, s10;
	s10 =	sand.u32 @!p1 $0x180, s10;
	[sflag:s11] =	ssyncset.done @!p2 $0x0  }
0x122: {  	[sflag:s11] =	ssyncadd.s32 @!p2 $0xFFFFFC00;
	s11 =	sor.u32 @!p1 s12, s10  }
0x123: {  	v18 =	vld @!p1 [tilespmem:s11+$0x0];
	_ =	sdelay $0x4  }
0x124: {  	v19 =	vshra.s32 @!p1 v18, $0x10  }
0x125: {  	v20 =	vsub.s32 @!p1 v19, v0;
	v19 =	vand.u32 @!p1 $0x3F, v19  }
0x126: {  	v18 =	vand.u32 @!p1 $0xFFFF, v18;
	vm0 =	vlt.u32 @!p1 v20, $0x1388;
	v19 =	vadd.s32 @!p1 $0x1388, v19  }
0x127: {  	s11 =	sor.u32 @!p1 $0x200, s10;
	[tilespmem:$0x400] =	vst @!p1 v18;
	v18 =	vsel @!p1 vm0, v20, v19  }
0x128: {  	s13 =	sor.u32 @!p1 s12, s11;
	[tilespmem:$0x500] =	vst @!p1 v18  }
0x129: {  	v18 =	vld @!p1 [tilespmem:s13+$0x0];
	_ =	sdelay $0x3  }
0x12a: {  	s12 =	sor.u32 @!p1 $0x10, s12  }
0x12b: {  	s10 =	sor.u32 @!p1 s12, s10;
	[tilespmem:$0x600] =	vst @!p1 v18  }
0x12c: {  	v18 =	vld @!p1 [tilespmem:s10+$0x0];
	_ =	sdelay $0x4  }
0x12d: {  	v19 =	vshra.s32 @!p1 v18, $0x10  }
0x12e: {  	v20 =	vsub.s32 @!p1 v19, v0;
	v19 =	vand.u32 @!p1 $0x3F, v19  }
0x12f: {  	v18 =	vand.u32 @!p1 $0xFFFF, v18;
	vm0 =	vlt.u32 @!p1 v20, $0x1388;
	v19 =	vadd.s32 @!p1 $0x1388, v19  }
0x130: {  	[tilespmem:$0x410] =	vst @!p1 v18;
	v18 =	vsel @!p1 vm0, v20, v19  }
0x131: {  	s10 =	sor.u32 @!p1 s12, s11;
	[tilespmem:$0x510] =	vst @!p1 v18  }
0x132: {  	v18 =	vld @!p1 [tilespmem:s10+$0x0];
	_ =	sdelay $0x4  }
0x133: {  	s11 =	simm.s32 @!p1 $0x400;
	s12 =	simm.s32 @!p1 $0x700;
	s10 =	simm.s32 @!p1 $0x20;
	[tilespmem:$0x610] =	vst @!p1 v18  }
0x134: {  	[tilespmem:s12], [sflag:$0x1] =	stream.indirect.gather @!p1 [spmem:s1], $0x80, s11, s10, $0xb8;
	[tilespmem:$0x1FDC0] =	vst v63  }
0x135: {  	_ =	swait.ge [sflag:s30], $0x1000  }
0x136: {  	[sflag:s30] =	ssyncset.done $0x0  }
0x137: {  	s10 =	simm.s32 $0x0;
	p1 =	por $0x1, $0x1;
	[sflag:s30] =	ssyncadd.s32 $0xFFFFF000  }
.LBB2_7:
0x138: {  	s11 =	sshll.u32 s10, $0x4  }
0x139: {  	s11 =	sand.u32 $0x3FFFFFF0, s11  }
0x13a: {  	s13 =	sshll.u32 s10, $0xB;
	v18 =	vld [tilespmem:s11+$0x680]  }
0x13b: {  	s10 =	sand.u32 $0x3FFFF800, s13  }
0x13c: {  	v19 =	vld [tilespmem:s10+$0x1700]  }
0x13d: {  	v20 =	vld [tilespmem:s10+$0x1710]  }
0x13e: {  	v21 =	vld [tilespmem:s10+$0x1720]  }
0x13f: {  	v23 =	vld [tilespmem:s10+$0x1730];
	v22 =	vperm.xlane v18, v2  }
0x140: {  	v24 =	vld [tilespmem:s10+$0x1740]  }
0x141: {  	v25 =	vld [tilespmem:s10+$0x1750];
	v19 =	vmul.f32 v19, v22  }
0x142: {  	v26 =	vld [tilespmem:s10+$0x1760];
	v20 =	vmul.f32 v20, v22  }
0x143: {  	v43 =	vld [tilespmem:s10+$0x1770];
	[tilespmem:s10+$0x1700] =	vst v19;
	v19 =	vmul.f32 v21, v22  }
0x144: {  	v45 =	vld [tilespmem:s10+$0x1780];
	v44 =	vmul.f32 v23, v22;
	[tilespmem:s10+$0x1710] =	vst v20  }
0x145: {  	v46 =	vld [tilespmem:s10+$0x1790];
	[tilespmem:s10+$0x1720] =	vst v19;
	v19 =	vmul.f32 v24, v22  }
0x146: {  	v48 =	vld [tilespmem:s10+$0x17A0];
	v47 =	vmul.f32 v25, v22;
	[tilespmem:s10+$0x1730] =	vst v44  }
0x147: {  	v27 =	vld [tilespmem:s10+$0x17B0];
	v49 =	vperm.xlane v18, v3;
	[tilespmem:s10+$0x1740] =	vst v19;
	v19 =	vmul.f32 v26, v22  }
0x148: {  	v51 =	vld [tilespmem:s10+$0x17C0];
	v50 =	vmul.f32 v43, v22;
	[tilespmem:s10+$0x1750] =	vst v47  }
0x149: {  	v52 =	vld [tilespmem:s10+$0x17D0];
	[tilespmem:s10+$0x1760] =	vst v19;
	v19 =	vmul.f32 v45, v49  }
0x14a: {  	v54 =	vld [tilespmem:s10+$0x17E0];
	v53 =	vmul.f32 v46, v49;
	[tilespmem:s10+$0x1770] =	vst v50  }
0x14b: {  	v55 =	vld [tilespmem:s10+$0x17F0];
	[tilespmem:s10+$0x1780] =	vst v19;
	v19 =	vmul.f32 v48, v49  }
0x14c: {  	v57 =	vld [tilespmem:s10+$0x1800];
	v56 =	vmul.f32 v27, v49;
	[tilespmem:s10+$0x1790] =	vst v53  }
0x14d: {  	v58 =	vld [tilespmem:s10+$0x1810];
	[tilespmem:s10+$0x17A0] =	vst v19;
	v19 =	vmul.f32 v51, v49  }
0x14e: {  	v60 =	vld [tilespmem:s10+$0x1820];
	v59 =	vmul.f32 v52, v49;
	[tilespmem:s10+$0x17B0] =	vst v56  }
0x14f: {  	v62 =	vld [tilespmem:s10+$0x1830];
	v61 =	vperm.xlane v18, v4;
	[tilespmem:s10+$0x17C0] =	vst v19;
	v19 =	vmul.f32 v54, v49  }
0x150: {  	v28 =	vld [tilespmem:s10+$0x1840];
	v63 =	vmul.f32 v55, v49;
	[tilespmem:s10+$0x17D0] =	vst v59  }
0x151: {  	v29 =	vld [tilespmem:s10+$0x1850];
	[tilespmem:s10+$0x17E0] =	vst v19;
	v19 =	vmul.f32 v57, v61  }
0x152: {  	v31 =	vld [tilespmem:s10+$0x1860];
	v30 =	vmul.f32 v58, v61;
	[tilespmem:s10+$0x17F0] =	vst v63  }
0x153: {  	v32 =	vld [tilespmem:s10+$0x1870];
	[tilespmem:s10+$0x1800] =	vst v19;
	v19 =	vmul.f32 v60, v61  }
0x154: {  	v34 =	vld [tilespmem:s10+$0x1880];
	v33 =	vmul.f32 v62, v61;
	[tilespmem:s10+$0x1810] =	vst v30  }
0x155: {  	v35 =	vld [tilespmem:s10+$0x1890];
	[tilespmem:s10+$0x1820] =	vst v19;
	v19 =	vmul.f32 v28, v61  }
0x156: {  	v37 =	vld [tilespmem:s10+$0x18A0];
	v36 =	vmul.f32 v29, v61;
	[tilespmem:s10+$0x1830] =	vst v33  }
0x157: {  	v39 =	vld [tilespmem:s10+$0x18B0];
	v38 =	vperm.xlane v18, v5;
	[tilespmem:s10+$0x1840] =	vst v19;
	v19 =	vmul.f32 v31, v61  }
0x158: {  	v41 =	vld [tilespmem:s10+$0x18C0];
	v40 =	vmul.f32 v32, v61;
	[tilespmem:s10+$0x1850] =	vst v36  }
0x159: {  	v45 =	vld [tilespmem:s10+$0x18F0];
	[tilespmem:s10+$0x1860] =	vst v19;
	v19 =	vmul.f32 v34, v38  }
0x15a: {  	v43 =	vmul.f32 v35, v38;
	[tilespmem:s10+$0x1870] =	vst v40;
	v44 =	vld [tilespmem:s10+$0x18E0]  }
0x15b: {  	v42 =	vld [tilespmem:s10+$0x18D0];
	[tilespmem:s10+$0x1880] =	vst v19;
	v19 =	vmul.f32 v37, v38  }
0x15c: {  	v46 =	vmul.f32 v39, v38;
	[tilespmem:s10+$0x1890] =	vst v43;
	v47 =	vld [tilespmem:s10+$0x1900]  }
0x15d: {  	v52 =	vld [tilespmem:s10+$0x1930];
	[tilespmem:s10+$0x18A0] =	vst v19;
	v19 =	vmul.f32 v41, v38  }
0x15e: {  	[tilespmem:s10+$0x18B0] =	vst v46;
	v50 =	vld [tilespmem:s10+$0x1920];
	v53 =	vmul.f32 v45, v38  }
0x15f: {  	v55 =	vld [tilespmem:s10+$0x1950];
	v51 =	vperm.xlane v18, v6;
	[tilespmem:s10+$0x18C0] =	vst v19;
	v19 =	vmul.f32 v44, v38  }
0x160: {  	v49 =	vmul.f32 v42, v38;
	v54 =	vld [tilespmem:s10+$0x1940];
	[tilespmem:s10+$0x18F0] =	vst v53  }
0x161: {  	v58 =	vld [tilespmem:s10+$0x1970];
	[tilespmem:s10+$0x18E0] =	vst v19;
	v19 =	vmul.f32 v47, v51  }
0x162: {  	v59 =	vmul.f32 v52, v51;
	[tilespmem:s10+$0x18D0] =	vst v49;
	v57 =	vld [tilespmem:s10+$0x1960]  }
0x163: {  	v48 =	vld [tilespmem:s10+$0x1910];
	[tilespmem:s10+$0x1900] =	vst v19;
	v19 =	vmul.f32 v50, v51  }
0x164: {  	v62 =	vmul.f32 v55, v51;
	[tilespmem:s10+$0x1930] =	vst v59;
	v60 =	vld [tilespmem:s10+$0x1980]  }
0x165: {  	v40 =	vld [tilespmem:s10+$0x1A10];
	[tilespmem:s10+$0x1920] =	vst v19;
	v19 =	vmul.f32 v54, v51  }
0x166: {  	v63 =	vld [tilespmem:s10+$0x19A0];
	v32 =	vmul.f32 v58, v51;
	[tilespmem:s10+$0x1950] =	vst v62  }
0x167: {  	v30 =	vperm.xlane v18, v7;
	v61 =	vld [tilespmem:s10+$0x1990];
	[tilespmem:s10+$0x1940] =	vst v19;
	v19 =	vmul.f32 v57, v51  }
0x168: {  	v33 =	vld [tilespmem:s10+$0x19C0];
	v43 =	vperm.xlane v18, v8;
	v56 =	vmul.f32 v48, v51;
	[tilespmem:s10+$0x1970] =	vst v32  }
0x169: {  	v53 =	vld [tilespmem:s10+$0x1A90];
	[tilespmem:s10+$0x1960] =	vst v19;
	v19 =	vmul.f32 v60, v30  }
0x16a: {  	v36 =	vld [tilespmem:s10+$0x19E0];
	v48 =	vmul.f32 v40, v43;
	[tilespmem:s10+$0x1910] =	vst v56  }
0x16b: {  	v31 =	vld [tilespmem:s10+$0x19B0];
	[tilespmem:s10+$0x1980] =	vst v19;
	v19 =	vmul.f32 v63, v30  }
0x16c: {  	v39 =	vld [tilespmem:s10+$0x1A00];
	[tilespmem:s10+$0x1A10] =	vst v48;
	v56 =	vperm.xlane v18, v9;
	v35 =	vmul.f32 v61, v30  }
0x16d: {  	v34 =	vld [tilespmem:s10+$0x19D0];
	[tilespmem:s10+$0x19A0] =	vst v19;
	v19 =	vmul.f32 v33, v30  }
0x16e: {  	v42 =	vld [tilespmem:s10+$0x1A20];
	v61 =	vmul.f32 v53, v56;
	[tilespmem:s10+$0x1990] =	vst v35  }
0x16f: {  	v37 =	vld [tilespmem:s10+$0x19F0];
	[tilespmem:s10+$0x19C0] =	vst v19;
	v19 =	vmul.f32 v36, v30  }
0x170: {  	v46 =	vld [tilespmem:s10+$0x1A40];
	[tilespmem:s10+$0x1A90] =	vst v61;
	v38 =	vmul.f32 v31, v30  }
0x171: {  	v47 =	vld [tilespmem:s10+$0x1A50];
	[tilespmem:s10+$0x19E0] =	vst v19;
	v19 =	vmul.f32 v39, v43  }
0x172: {  	v49 =	vld [tilespmem:s10+$0x1A60];
	v41 =	vmul.f32 v34, v30;
	[tilespmem:s10+$0x19B0] =	vst v38  }
0x173: {  	v38 =	vld [tilespmem:s10+$0x1B50];
	[tilespmem:s10+$0x1A00] =	vst v19;
	v19 =	vmul.f32 v42, v43  }
0x174: {  	v52 =	vld [tilespmem:s10+$0x1A80];
	[tilespmem:s10+$0x19D0] =	vst v41;
	v45 =	vmul.f32 v37, v30  }
0x175: {  	v44 =	vld [tilespmem:s10+$0x1A30];
	[tilespmem:s10+$0x1A20] =	vst v19;
	v19 =	vmul.f32 v46, v43  }
0x176: {  	v55 =	vld [tilespmem:s10+$0x1AA0];
	v34 =	vperm.xlane v18, v10;
	[tilespmem:s10+$0x19F0] =	vst v45;
	v54 =	vmul.f32 v47, v43  }
0x177: {  	v50 =	vld [tilespmem:s10+$0x1A70];
	[tilespmem:s10+$0x1A40] =	vst v19;
	v19 =	vmul.f32 v49, v43  }
0x178: {  	v59 =	vld [tilespmem:s10+$0x1AC0];
	v45 =	vmul.f32 v38, v34;
	[tilespmem:s10+$0x1A50] =	vst v54  }
0x179: {  	v57 =	vld [tilespmem:s10+$0x1AB0];
	[tilespmem:s10+$0x1A60] =	vst v19;
	v19 =	vmul.f32 v52, v56  }
0x17a: {  	v62 =	vld [tilespmem:s10+$0x1AE0];
	v51 =	vmul.f32 v44, v43;
	[tilespmem:s10+$0x1B50] =	vst v45  }
0x17b: {  	v60 =	vld [tilespmem:s10+$0x1AD0];
	[tilespmem:s10+$0x1A80] =	vst v19;
	v19 =	vmul.f32 v55, v56  }
0x17c: {  	v58 =	vmul.f32 v50, v43;
	[tilespmem:s10+$0x1A30] =	vst v51;
	v30 =	vld [tilespmem:s10+$0x1B00]  }
0x17d: {  	v51 =	vld [tilespmem:s10+$0x1BD0];
	[tilespmem:s10+$0x1AA0] =	vst v19;
	v19 =	vmul.f32 v59, v56  }
0x17e: {  	[tilespmem:s10+$0x1A70] =	vst v58;
	v29 =	vmul.f32 v57, v56;
	v33 =	vld [tilespmem:s10+$0x1B20]  }
0x17f: {  	v63 =	vld [tilespmem:s10+$0x1AF0];
	[tilespmem:s10+$0x1AC0] =	vst v19;
	v19 =	vmul.f32 v62, v56  }
0x180: {  	v37 =	vld [tilespmem:s10+$0x1B40];
	v47 =	vperm.xlane v18, v11;
	[tilespmem:s10+$0x1AB0] =	vst v29;
	v32 =	vmul.f32 v60, v56  }
0x181: {  	v61 =	vld [tilespmem:s10+$0x1C30];
	[tilespmem:s10+$0x1AE0] =	vst v19;
	v19 =	vmul.f32 v30, v34  }
0x182: {  	v40 =	vld [tilespmem:s10+$0x1B60];
	v58 =	vmul.f32 v51, v47;
	[tilespmem:s10+$0x1AD0] =	vst v32  }
0x183: {  	v31 =	vld [tilespmem:s10+$0x1B10];
	[tilespmem:s10+$0x1B00] =	vst v19;
	v19 =	vmul.f32 v33, v34  }
0x184: {  	v60 =	vperm.xlane v18, v12;
	v36 =	vmul.f32 v63, v56;
	[tilespmem:s10+$0x1BD0] =	vst v58;
	v43 =	vld [tilespmem:s10+$0x1B80]  }
0x185: {  	v57 =	vld [tilespmem:s10+$0x1C10];
	[tilespmem:s10+$0x1B20] =	vst v19;
	v19 =	vmul.f32 v37, v34  }
0x186: {  	v32 =	vmul.f32 v61, v60;
	[tilespmem:s10+$0x1AF0] =	vst v36;
	v46 =	vld [tilespmem:s10+$0x1BA0]  }
0x187: {  	v35 =	vld [tilespmem:s10+$0x1B30];
	[tilespmem:s10+$0x1B40] =	vst v19;
	v19 =	vmul.f32 v40, v34  }
0x188: {  	v50 =	vld [tilespmem:s10+$0x1BC0];
	v39 =	vmul.f32 v31, v34;
	[tilespmem:s10+$0x1C30] =	vst v32  }
0x189: {  	v28 =	vld [tilespmem:s10+$0x1C50];
	[tilespmem:s10+$0x1B60] =	vst v19;
	v19 =	vmul.f32 v43, v47  }
0x18a: {  	v53 =	vld [tilespmem:s10+$0x1BE0];
	v29 =	vmul.f32 v57, v60;
	[tilespmem:s10+$0x1B10] =	vst v39  }
0x18b: {  	v31 =	vld [tilespmem:s10+$0x1C70];
	[tilespmem:s10+$0x1B80] =	vst v19;
	v19 =	vmul.f32 v46, v47  }
0x18c: {  	v42 =	vmul.f32 v35, v34;
	[tilespmem:s10+$0x1C10] =	vst v29;
	v56 =	vld [tilespmem:s10+$0x1C00]  }
0x18d: {  	v41 =	vld [tilespmem:s10+$0x1B70];
	[tilespmem:s10+$0x1BA0] =	vst v19;
	v19 =	vmul.f32 v50, v47  }
0x18e: {  	v35 =	vmul.f32 v28, v60;
	[tilespmem:s10+$0x1B30] =	vst v42;
	v59 =	vld [tilespmem:s10+$0x1C20]  }
0x18f: {  	v44 =	vld [tilespmem:s10+$0x1B90];
	[tilespmem:s10+$0x1BC0] =	vst v19;
	v19 =	vmul.f32 v53, v47  }
0x190: {  	v63 =	vld [tilespmem:s10+$0x1C40];
	[tilespmem:s10+$0x1C50] =	vst v35;
	v39 =	vmul.f32 v31, v60  }
0x191: {  	v48 =	vld [tilespmem:s10+$0x1BB0];
	[tilespmem:s10+$0x1BE0] =	vst v19;
	v19 =	vmul.f32 v56, v60  }
0x192: {  	v49 =	vmul.f32 v41, v34;
	[tilespmem:s10+$0x1C70] =	vst v39;
	v30 =	vld [tilespmem:s10+$0x1C60]  }
0x193: {  	v54 =	vld [tilespmem:s10+$0x1BF0];
	[tilespmem:s10+$0x1C00] =	vst v19;
	v19 =	vmul.f32 v59, v60  }
0x194: {  	[tilespmem:s10+$0x1B70] =	vst v49;
	v52 =	vmul.f32 v44, v47;
	v33 =	vld [tilespmem:s10+$0x1C80]  }
0x195: {  	v38 =	vld [tilespmem:s10+$0x1CB0];
	[tilespmem:s10+$0x1C20] =	vst v19;
	v19 =	vmul.f32 v63, v60  }
0x196: {  	v36 =	vld [tilespmem:s10+$0x1CA0];
	[tilespmem:s10+$0x1B90] =	vst v52;
	v55 =	vmul.f32 v48, v47  }
0x197: {  	v41 =	vld [tilespmem:s10+$0x1CD0];
	v37 =	vperm.xlane v18, v13;
	[tilespmem:s10+$0x1C40] =	vst v19;
	v19 =	vmul.f32 v30, v60  }
0x198: {  	[tilespmem:s10+$0x1BB0] =	vst v55;
	v62 =	vmul.f32 v54, v47;
	v40 =	vld [tilespmem:s10+$0x1CC0]  }
0x199: {  	v44 =	vld [tilespmem:s10+$0x1CF0];
	[tilespmem:s10+$0x1C60] =	vst v19;
	v19 =	vmul.f32 v33, v37  }
0x19a: {  	[tilespmem:s10+$0x1BF0] =	vst v62;
	v45 =	vmul.f32 v38, v37;
	v43 =	vld [tilespmem:s10+$0x1CE0]  }
0x19b: {  	v34 =	vld [tilespmem:s10+$0x1C90];
	[tilespmem:s10+$0x1C80] =	vst v19;
	v19 =	vmul.f32 v36, v37  }
0x19c: {  	v48 =	vmul.f32 v41, v37;
	[tilespmem:s10+$0x1CB0] =	vst v45;
	v46 =	vld [tilespmem:s10+$0x1D00]  }
0x19d: {  	v51 =	vld [tilespmem:s10+$0x1D30];
	[tilespmem:s10+$0x1CA0] =	vst v19;
	v19 =	vmul.f32 v40, v37  }
0x19e: {  	v49 =	vld [tilespmem:s10+$0x1D20];
	v52 =	vmul.f32 v44, v37;
	[tilespmem:s10+$0x1CD0] =	vst v48  }
0x19f: {  	v54 =	vld [tilespmem:s10+$0x1D50];
	v50 =	vperm.xlane v18, v14;
	[tilespmem:s10+$0x1CC0] =	vst v19;
	v19 =	vmul.f32 v43, v37  }
0x1a0: {  	[tilespmem:s10+$0x1CF0] =	vst v52;
	v42 =	vmul.f32 v34, v37;
	v53 =	vld [tilespmem:s10+$0x1D40]  }
0x1a1: {  	v57 =	vld [tilespmem:s10+$0x1D70];
	[tilespmem:s10+$0x1CE0] =	vst v19;
	v19 =	vmul.f32 v46, v50  }
0x1a2: {  	[tilespmem:s10+$0x1C90] =	vst v42;
	v58 =	vmul.f32 v51, v50;
	v56 =	vld [tilespmem:s10+$0x1D60]  }
0x1a3: {  	v47 =	vld [tilespmem:s10+$0x1D10];
	[tilespmem:s10+$0x1D00] =	vst v19;
	v19 =	vmul.f32 v49, v50  }
0x1a4: {  	v61 =	vmul.f32 v54, v50;
	[tilespmem:s10+$0x1D30] =	vst v58;
	v59 =	vld [tilespmem:s10+$0x1D80]  }
0x1a5: {  	v39 =	vld [tilespmem:s10+$0x1E10];
	[tilespmem:s10+$0x1D20] =	vst v19;
	v19 =	vmul.f32 v53, v50  }
0x1a6: {  	v62 =	vld [tilespmem:s10+$0x1DA0];
	v31 =	vmul.f32 v57, v50;
	[tilespmem:s10+$0x1D50] =	vst v61  }
0x1a7: {  	v63 =	vperm.xlane v18, v15;
	v60 =	vld [tilespmem:s10+$0x1D90];
	[tilespmem:s10+$0x1D40] =	vst v19;
	v19 =	vmul.f32 v56, v50  }
0x1a8: {  	v32 =	vld [tilespmem:s10+$0x1DC0];
	v42 =	vperm.xlane v18, v16;
	[tilespmem:s10+$0x1D70] =	vst v31;
	v55 =	vmul.f32 v47, v50  }
0x1a9: {  	v33 =	vld [tilespmem:s10+$0x1DD0];
	[tilespmem:s10+$0x1D60] =	vst v19;
	v19 =	vmul.f32 v59, v63  }
0x1aa: {  	v35 =	vld [tilespmem:s10+$0x1DE0];
	v47 =	vmul.f32 v39, v42;
	[tilespmem:s10+$0x1D10] =	vst v55  }
0x1ab: {  	v30 =	vld [tilespmem:s10+$0x1DB0];
	[tilespmem:s10+$0x1D80] =	vst v19;
	v19 =	vmul.f32 v62, v63  }
0x1ac: {  	v38 =	vld [tilespmem:s10+$0x1E00];
	[tilespmem:s10+$0x1E10] =	vst v47;
	v34 =	vmul.f32 v60, v63  }
0x1ad: {  	v36 =	vld [tilespmem:s10+$0x1DF0];
	[tilespmem:s10+$0x1DA0] =	vst v19;
	v19 =	vmul.f32 v32, v63  }
0x1ae: {  	v41 =	vld [tilespmem:s10+$0x1E20];
	[tilespmem:s10+$0x1D90] =	vst v34;
	v40 =	vmul.f32 v33, v63  }
0x1af: {  	v46 =	vld [tilespmem:s10+$0x1E50];
	[tilespmem:s10+$0x1DC0] =	vst v19;
	v19 =	vmul.f32 v35, v63  }
0x1b0: {  	v45 =	vld [tilespmem:s10+$0x1E40];
	v37 =	vmul.f32 v30, v63;
	[tilespmem:s10+$0x1DD0] =	vst v40  }
0x1b1: {  	v43 =	vld [tilespmem:s10+$0x1E30];
	[tilespmem:s10+$0x1DE0] =	vst v19;
	v19 =	vmul.f32 v38, v42  }
0x1b2: {  	v48 =	vld [tilespmem:s10+$0x1E60];
	v44 =	vmul.f32 v36, v63;
	[tilespmem:s10+$0x1DB0] =	vst v37  }
0x1b3: {  	v49 =	vld [tilespmem:s10+$0x1E70];
	[tilespmem:s10+$0x1E00] =	vst v19;
	v19 =	vmul.f32 v41, v42  }
0x1b4: {  	v51 =	vld [tilespmem:s10+$0x1E80];
	[tilespmem:s10+$0x1DF0] =	vst v44;
	v53 =	vmul.f32 v46, v42  }
0x1b5: {  	v52 =	vld [tilespmem:s10+$0x1E90];
	[tilespmem:s10+$0x1E20] =	vst v19;
	v19 =	vmul.f32 v45, v42  }
0x1b6: {  	v54 =	vld [tilespmem:s10+$0x1EA0];
	v50 =	vmul.f32 v43, v42;
	[tilespmem:s10+$0x1E50] =	vst v53  }
0x1b7: {  	v18 =	vperm.xlane v18, v17;
	v55 =	vld [tilespmem:s10+$0x1EB0];
	[tilespmem:s10+$0x1E40] =	vst v19;
	v19 =	vmul.f32 v48, v42  }
0x1b8: {  	v57 =	vld [tilespmem:s10+$0x1EC0];
	v56 =	vmul.f32 v49, v42;
	[tilespmem:s10+$0x1E30] =	vst v50  }
0x1b9: {  	v58 =	vld [tilespmem:s10+$0x1ED0];
	[tilespmem:s10+$0x1E60] =	vst v19;
	v19 =	vmul.f32 v51, v18  }
0x1ba: {  	v60 =	vld [tilespmem:s10+$0x1EE0];
	v59 =	vmul.f32 v52, v18;
	[tilespmem:s10+$0x1E70] =	vst v56  }
0x1bb: {  	v61 =	vld [tilespmem:s10+$0x1EF0];
	[tilespmem:s10+$0x1E80] =	vst v19;
	v19 =	vmul.f32 v54, v18  }
0x1bc: {  	[tilespmem:s10+$0x1E90] =	vst v59;
	v62 =	vmul.f32 v55, v18  }
0x1bd: {  	p2 =	por p1, p1;
	[tilespmem:s10+$0x1EA0] =	vst v19;
	v19 =	vmul.f32 v57, v18  }
.Ltmp2:
0x1be: {  	[tilespmem:s10+$0x1EB0] =	vst v62;
	v63 =	vmul.f32 v58, v18;
	(pc) =	sbr.rel @p2 .LBB2_7-.Ltmp2, $4  }
0x1bf: {  	[tilespmem:s10+$0x1EC0] =	vst v19;
	v19 =	vmul.f32 v60, v18  }
0x1c0: {  	[tilespmem:s10+$0x1ED0] =	vst v63;
	v18 =	vmul.f32 v61, v18  }
0x1c1: {  	[tilespmem:s10+$0x1EE0] =	vst v19  }
0x1c2: {  	p1 =	por $0x0, $0x0;
	[tilespmem:s10+$0x1EF0] =	vst v18;
	s10 =	simm.s32 $0x1  }
0x1c3: {  	s9 =	sadd.s32 $0x1, s9  }
0x1c4: {  	p1 =	sne.s32 s9, $0x140  }
.Ltmp3:
0x1c5: {  	_ = 	snop;
	(pc) =	sbr.rel @p1 .LBB2_4-.Ltmp3, $4  }
0x1c6: {  	[spmem:s3] =	stream.indirect.scatter.add.f32 [tilespmem:s0], [sflag:$0x2], $0x80, s7, s29, $0xb8;
	[tilespmem:$0x1FDC0] =	vst v63  }
0x1c7: {  	_ =	swait.ge [sflag:s28], $0x1000  }
0x1c8: {  	[sflag:s28] =	ssyncset.done $0x0  }
0x1c9: {  	[sflag:s28] =	ssyncadd.s32 $0xFFFFF000  }
0x1ca: {  	[bflag:$0x0] =	sbarrier.arrive $0xFFFF;
	s9 =	sshrl.u32 s6, $0x3  }
0x1cb: {  	[hbm:s20], [sflag:s8] =	dma.local [spmem:s9], $0x1380  }
0x1cc: {  	_ =	swait.ge [sflag:s28], $0x1380  }
0x1cd: {  	s4 =	sadd.s32 $0x1, s4;
	[sflag:s28] =	ssyncset.done $0x0  }
0x1ce: {  	s9 =	sshrl.u32 @!p0 s16, $0x3;
	p1 =	sne.s32 s4, s23;
	[sflag:s28] =	ssyncadd.s32 $0xFFFFEC80  }
0x1cf: {  	[hbm:s22], [sflag:s8] =	dma.local @!p0 [spmem:s9], $0x480  }
.Ltmp4:
0x1d0: {  	_ = 	snop;
	(pc) =	sbr.rel @p1 .LBB2_1-.Ltmp4, $4  }
0x1d1: {  	s8 =	simm.s32 @!p0 $0x2  }
0x1d2: {  	_ =	swait.ge @!p0 [sflag:s8], $0x480  }
0x1d3: {  	[sflag:s8] =	ssyncset.done @!p0 $0x0  }
0x1d4: {  	[sflag:s8] =	ssyncadd.s32 @!p0 $0xFFFFFB80  }
0x1d5: {  	_ =	sfence.sel $0x180000  }
0x1d6: {  	[bflag:$0x0] =	sbarrier.arrive $0xFFFF  }
0x1d7: {  	_ =	strace $0x90000047  }
0x1d8: {  	s0 =	stileid.u32;
	[bflag:$0x2] =	sbarrier.arrive $0xFFFF  }
0x1d9: {  	p0 =	sne.s32 s0, $0x0;
	s0 =	rddreg [dreg:$0x4]  }
0x1da: {  	s0 =	sadd.s32 @!p0 $0x100000, s0  }
0x1db: {  	[sflag:s0] =	ssyncadd.tile.s32 @!p0 $0x1;
	_ =	shalt  }
.Lfunc_end2:
_tile_overlayer_lowered:
.L_overlay_start_2:
0x1dc: {  	(tag) =	ssettag $0x2  }
0x1dd: {  	s0 =	rddreg [dreg:$0x0];
	s2 =	stileid.u32  }
0x1de: {  	s1 =	rddreg [dreg:$0x1];
	p0 =	sne.s32 s2, $0x0  }
0x1df: {  	s3 =	rddreg [dreg:$0x2];
	[bflag:$0x3] =	sbarrier.arrive $0xFFFF;
	s2 =	simm.s32 @!p0 $0x1C02  }
0x1e0: {  	[timem:s3], [sflag:s2] =	dma.local @!p0 [hbm:s0], s1  }
0x1e1: {  	s0 =	simm.s32 @!p0 $0x2  }
0x1e2: {  	_ =	swait.ge @!p0 [sflag:s0], s1  }
0x1e3: {  	s1 =	ssub.s32 @!p0 $0x0, s1;
	[sflag:s0] =	ssyncset.done @!p0 $0x0  }
0x1e4: {  	[sflag:s0] =	ssyncadd.s32 @!p0 s1  }
0x1e5: {  	[bflag:$0x3] =	sbarrier.arrive $0xFFFF  }
0x1e6: {  	_ =	shalt  }

</sc_bundles>
